<compile_context>
chip_gen: v7x
topology: tpu7x:2x2x1
jax: 0.10.2.dev20260603
libtpu: 0.0.44.dev20260713+nightly
codegen_flags: <defaults>
</compile_context>

<pallas_src>
import functools

import jax
import jax.numpy as jnp
from jax import lax
from jax.experimental import pallas as pl
from jax.experimental.pallas import tpu as pltpu
from jax.experimental.pallas import tpu_sc as plsc

_NC = 2
_NS = 16
_LANES = 16
_CHUNK = 80


def _sc_body(n_chunks, rows_per_tile, nvec,
             x_hbm, src_hbm, dst_hbm, adj_hbm, partial_hbm,
             src_v, dst_v, adj_v, bufs, acc, gsems):
    c = lax.axis_index("c")
    s = lax.axis_index("s")
    wid = c * _NS + s

    zero = jnp.zeros((_LANES,), jnp.float32)
    for r in range(8):
        for k in range(nvec):
            bufs[0][r, pl.ds(k * _LANES, _LANES)] = zero

    def zcopy(b, carry):
        pltpu.sync_copy(bufs[0].at[pl.ds(0, 8)],
                        acc.at[pl.ds(s * rows_per_tile + b * 8, 8)])
        return carry

    lax.fori_loop(0, rows_per_tile // 8, zcopy, 0)
    plsc.subcore_barrier()

    base = wid * n_chunks * _CHUNK

    def load_idx(i, ci):
        off = base + ci * _CHUNK
        pltpu.sync_copy(src_hbm.at[pl.ds(off, _CHUNK)], src_v[i])
        pltpu.sync_copy(dst_hbm.at[pl.ds(off, _CHUNK)], dst_v[i])
        pltpu.sync_copy(adj_hbm.at[pl.ds(off, _CHUNK)], adj_v[i])

    def start_gather(i):
        pltpu.async_copy(x_hbm.at[src_v[i]], bufs[i], gsems[i])

    def wait_gather(i):
        pltpu.make_async_copy(x_hbm.at[pl.ds(0, _CHUNK)], bufs[i],
                              gsems[i]).wait()

    def compute_scale(i):
        buf = bufs[i]

        def group(g, ecarry):
            a16 = adj_v[i][pl.ds(g * _LANES, _LANES)]
            for j in range(_LANES):
                av = jnp.full((_LANES,), a16[j], jnp.float32)
                row = g * _LANES + j
                for k in range(nvec):
                    sl = pl.ds(k * _LANES, _LANES)
                    buf[row, sl] = buf[row, sl] * av
            return ecarry

        lax.fori_loop(0, _CHUNK // _LANES, group, 0)

    def process(i, ci):
        wait_gather(i)
        compute_scale(i)
        pltpu.sync_copy(bufs[i], acc.at[dst_v[i]], add=True)

        @pl.when(ci + 2 < n_chunks)
        def _():
            load_idx(i, ci + 2)
            start_gather(i)

    load_idx(0, 0)
    start_gather(0)
    load_idx(1, 1)
    start_gather(1)

    def chunk_body(ci, carry):
        @pl.when(ci % 2 == 0)
        def _():
            process(0, ci)

        @pl.when(ci % 2 == 1)
        def _():
            process(1, ci)

        return carry

    lax.fori_loop(0, n_chunks, chunk_body, 0)
    plsc.subcore_barrier()

    r0 = s * rows_per_tile
    pltpu.sync_copy(acc.at[pl.ds(r0, rows_per_tile)],
                    partial_hbm.at[c, pl.ds(r0, rows_per_tile)])


@jax.jit
def _sc_spmm(x, src, dst, adj):
    n, d = x.shape
    e = adj.shape[0]
    nw = _NC * _NS
    n_chunks = e // (nw * _CHUNK)
    align = _NS * 8
    n_pad = ((n + align - 1) // align) * align
    rows_per_tile = n_pad // _NS

    mesh = plsc.VectorSubcoreMesh(core_axis_name="c", subcore_axis_name="s")
    body = functools.partial(_sc_body, n_chunks, rows_per_tile, d // _LANES)

    def wrapped(x_hbm, src_hbm, dst_hbm, adj_hbm, partial_hbm,
                s0, s1, d0, d1, a0, a1, b0, b1, acc, g0, g1):
        body(x_hbm, src_hbm, dst_hbm, adj_hbm, partial_hbm,
             (s0, s1), (d0, d1), (a0, a1), (b0, b1), acc, (g0, g1))

    f = pl.kernel(
        wrapped,
        out_type=jax.ShapeDtypeStruct((_NC, n_pad, d), jnp.float32),
        mesh=mesh,
        scratch_types=[
            pltpu.VMEM((_CHUNK,), jnp.int32),
            pltpu.VMEM((_CHUNK,), jnp.int32),
            pltpu.VMEM((_CHUNK,), jnp.int32),
            pltpu.VMEM((_CHUNK,), jnp.int32),
            pltpu.VMEM((_CHUNK,), jnp.float32),
            pltpu.VMEM((_CHUNK,), jnp.float32),
            pltpu.VMEM((_CHUNK, d), jnp.float32),
            pltpu.VMEM((_CHUNK, d), jnp.float32),
            pltpu.VMEM_SHARED((n_pad, d), jnp.float32),
            pltpu.SemaphoreType.DMA,
            pltpu.SemaphoreType.DMA,
        ],
    )
    return f(x, src, dst, adj)


def _combine_body(p_ref, w_ref, o_ref):
    o_ref[...] = (p_ref[0] + p_ref[1]) * w_ref[...]


def _combine(partial, w2d, n):
    _, n_pad, d = partial.shape
    blk = 1000 if n % 1000 == 0 else n
    grid_r = n // blk
    return pl.pallas_call(
        _combine_body,
        grid=(grid_r,),
        in_specs=[
            pl.BlockSpec((_NC, blk, d), lambda i: (0, i, 0)),
            pl.BlockSpec((1, d), lambda i: (0, 0)),
        ],
        out_specs=pl.BlockSpec((blk, d), lambda i: (i, 0)),
        out_shape=jax.ShapeDtypeStruct((n, d), jnp.float32),
    )(partial, w2d)


def kernel(x, edge_index, adj_values, W):
    n, d = x.shape
    dst = edge_index[0]
    src = edge_index[1]
    partial = _sc_spmm(x, src, dst, adj_values)
    return _combine(partial, W.reshape(1, d), n)

# --- scband reference (transcript-rebuilt; emitter-appended) ---
"""Pipeline reference for scband-graph-convolution-diag-layer-73469710566062 (READ-ONLY COPY).

The authoritative reference and input builder live on the scoring server;
editing this copy changes nothing except your own understanding.
"""

import jax, jax.numpy as jnp
import numpy as np

N = 10000
E = 320000
D = 128

def setup_inputs(seed: int = 0) -> dict:
    key = jax.random.key(seed)
    k1, k2, k3 = jax.random.split(key, 3)
    x = jax.random.normal(k1, (N, D), dtype=jnp.float32)
    edge_index = jax.random.randint(k2, (2, E), 0, N, dtype=jnp.int32)
    adj_values = jax.random.uniform(k3, (E,), dtype=jnp.float32)
    # Learned diagonal parameter, initialized to ones as in the torch module
    W = jnp.ones((D,), dtype=jnp.float32)
    return {"x": x, "edge_index": edge_index, "adj_values": adj_values, "W": W}

def reference(x, edge_index, adj_values, W):
    # x @ torch.diag(W)  ==  elementwise scale of columns by W
    xw = x * W[None, :]
    # Sparse adj @ xw : adj given in COO form; edge_index[0]=dst(row), edge_index[1]=src(col)
    dst = edge_index[0]
    src = edge_index[1]
    gathered = jnp.take(xw, src, axis=0) * adj_values[:, None]
    out = jnp.zeros((x.shape[0], x.shape[1]), dtype=x.dtype).at[dst].add(gathered)
    return out

if __name__ == "__main__":
    import jax
    _d = setup_inputs()
    print(jax.jit(kernel)(*tuple(_d.values())))

</pallas_src>

<mosaic_0001>
#map = affine_map<(d0, d1) -> (0, 0)>
#map1 = affine_map<(d0, d1) -> (0)>
#map2 = affine_map<(d0, d1) -> (0, 0, 0)>
module attributes {stable_mosaic.version = 14 : i64} {
  func.func @wrapped(%arg0: i32, %arg1: i32, %arg2: memref<10000x128xf32, #tpu.memory_space<hbm>>, %arg3: memref<320000xi32, #tpu.memory_space<hbm>>, %arg4: memref<320000xi32, #tpu.memory_space<hbm>>, %arg5: memref<320000xf32, #tpu.memory_space<hbm>>, %arg6: memref<2x10112x128xf32, #tpu.memory_space<hbm>>, %arg7: memref<80xi32, #tpu.memory_space<vmem>>, %arg8: memref<80xi32, #tpu.memory_space<vmem>>, %arg9: memref<80xi32, #tpu.memory_space<vmem>>, %arg10: memref<80xi32, #tpu.memory_space<vmem>>, %arg11: memref<80xf32, #tpu.memory_space<vmem>>, %arg12: memref<80xf32, #tpu.memory_space<vmem>>, %arg13: memref<80x128xf32, #tpu.memory_space<vmem>>, %arg14: memref<80x128xf32, #tpu.memory_space<vmem>>, %arg15: memref<10112x128xf32, #tpu.memory_space<vmem_shared>>, %arg16: memref<!tpu.dma_semaphore, #tpu.memory_space<semaphore_mem>>, %arg17: memref<!tpu.dma_semaphore, #tpu.memory_space<semaphore_mem>>) attributes {dimension_semantics = [#tpu.dimension_semantics<core_parallel>, #tpu.dimension_semantics<subcore_parallel>], iteration_bounds = array<i64: 2, 16>, scalar_prefetch = 0 : i64, scratch_operands = 11 : i64, tpu.core_type = #tpu.core_type<sc_vector_subcore>, window_params = [{transform_indices = #map}, {transform_indices = #map1}, {transform_indices = #map1}, {transform_indices = #map1}, {transform_indices = #map2}]} {
    %mul3A = arith.constant 16 : i32
    %mul3A_0 = arith.muli %arg0, %mul3A : i32
    %add3A = arith.addi %mul3A_0, %arg1 : i32
    %broadcast_in_dim3A = arith.constant 0.000000e+00 : f32
    %broadcast_in_dim3A_1 = vector.broadcast %broadcast_in_dim3A : f32 to vector<16xf32>
    %swap3A = arith.constant 0 : i32
    %swap3A_2 = arith.index_cast %swap3A : i32 to index
    %swap3A_3 = arith.constant 0 : index
    %swap3A_4 = tpu.vector_load %arg13[%swap3A_2, %swap3A_3] {strides = array<i32>} : memref<80x128xf32, #tpu.memory_space<vmem>>, vector<1x16xf32>,
    %swap3A_5 = vector.shape_cast %swap3A_4 : vector<1x16xf32> to vector<16xf32>
    %swap3A_6 = vector.shape_cast %broadcast_in_dim3A_1 : vector<16xf32> to vector<1x16xf32>
    tpu.vector_store %arg13[%swap3A_2, %swap3A_3], %swap3A_6 {strides = array<i32>} : memref<80x128xf32, #tpu.memory_space<vmem>>, vector<1x16xf32>,
    %swap3A_7 = arith.constant 0 : i32
    %swap3A_8 = arith.index_cast %swap3A_7 : i32 to index
    %swap3A_9 = arith.constant 16 : index
    %swap3A_10 = tpu.vector_load %arg13[%swap3A_8, %swap3A_9] {strides = array<i32>} : memref<80x128xf32, #tpu.memory_space<vmem>>, vector<1x16xf32>,
    %swap3A_11 = vector.shape_cast %swap3A_10 : vector<1x16xf32> to vector<16xf32>
    %swap3A_12 = vector.shape_cast %broadcast_in_dim3A_1 : vector<16xf32> to vector<1x16xf32>
    tpu.vector_store %arg13[%swap3A_8, %swap3A_9], %swap3A_12 {strides = array<i32>} : memref<80x128xf32, #tpu.memory_space<vmem>>, vector<1x16xf32>,
    %swap3A_13 = arith.constant 0 : i32
    %swap3A_14 = arith.index_cast %swap3A_13 : i32 to index
    %swap3A_15 = arith.constant 32 : index
    %swap3A_16 = tpu.vector_load %arg13[%swap3A_14, %swap3A_15] {strides = array<i32>} : memref<80x128xf32, #tpu.memory_space<vmem>>, vector<1x16xf32>,
    %swap3A_17 = vector.shape_cast %swap3A_16 : vector<1x16xf32> to vector<16xf32>
    %swap3A_18 = vector.shape_cast %broadcast_in_dim3A_1 : vector<16xf32> to vector<1x16xf32>
    tpu.vector_store %arg13[%swap3A_14, %swap3A_15], %swap3A_18 {strides = array<i32>} : memref<80x128xf32, #tpu.memory_space<vmem>>, vector<1x16xf32>,
    %swap3A_19 = arith.constant 0 : i32
    %swap3A_20 = arith.index_cast %swap3A_19 : i32 to index
    %swap3A_21 = arith.constant 48 : index
    %swap3A_22 = tpu.vector_load %arg13[%swap3A_20, %swap3A_21] {strides = array<i32>} : memref<80x128xf32, #tpu.memory_space<vmem>>, vector<1x16xf32>,
    %swap3A_23 = vector.shape_cast %swap3A_22 : vector<1x16xf32> to vector<16xf32>
    %swap3A_24 = vector.shape_cast %broadcast_in_dim3A_1 : vector<16xf32> to vector<1x16xf32>
    tpu.vector_store %arg13[%swap3A_20, %swap3A_21], %swap3A_24 {strides = array<i32>} : memref<80x128xf32, #tpu.memory_space<vmem>>, vector<1x16xf32>,
    %swap3A_25 = arith.constant 0 : i32
    %swap3A_26 = arith.index_cast %swap3A_25 : i32 to index
    %swap3A_27 = arith.constant 64 : index
    %swap3A_28 = tpu.vector_load %arg13[%swap3A_26, %swap3A_27] {strides = array<i32>} : memref<80x128xf32, #tpu.memory_space<vmem>>, vector<1x16xf32>,
    %swap3A_29 = vector.shape_cast %swap3A_28 : vector<1x16xf32> to vector<16xf32>
    %swap3A_30 = vector.shape_cast %broadcast_in_dim3A_1 : vector<16xf32> to vector<1x16xf32>
    tpu.vector_store %arg13[%swap3A_26, %swap3A_27], %swap3A_30 {strides = array<i32>} : memref<80x128xf32, #tpu.memory_space<vmem>>, vector<1x16xf32>,
    %swap3A_31 = arith.constant 0 : i32
    %swap3A_32 = arith.index_cast %swap3A_31 : i32 to index
    %swap3A_33 = arith.constant 80 : index
    %swap3A_34 = tpu.vector_load %arg13[%swap3A_32, %swap3A_33] {strides = array<i32>} : memref<80x128xf32, #tpu.memory_space<vmem>>, vector<1x16xf32>,
    %swap3A_35 = vector.shape_cast %swap3A_34 : vector<1x16xf32> to vector<16xf32>
    %swap3A_36 = vector.shape_cast %broadcast_in_dim3A_1 : vector<16xf32> to vector<1x16xf32>
    tpu.vector_store %arg13[%swap3A_32, %swap3A_33], %swap3A_36 {strides = array<i32>} : memref<80x128xf32, #tpu.memory_space<vmem>>, vector<1x16xf32>,
    %swap3A_37 = arith.constant 0 : i32
    %swap3A_38 = arith.index_cast %swap3A_37 : i32 to index
    %swap3A_39 = arith.constant 96 : index
    %swap3A_40 = tpu.vector_load %arg13[%swap3A_38, %swap3A_39] {strides = array<i32>} : memref<80x128xf32, #tpu.memory_space<vmem>>, vector<1x16xf32>,
    %swap3A_41 = vector.shape_cast %swap3A_40 : vector<1x16xf32> to vector<16xf32>
    %swap3A_42 = vector.shape_cast %broadcast_in_dim3A_1 : vector<16xf32> to vector<1x16xf32>
    tpu.vector_store %arg13[%swap3A_38, %swap3A_39], %swap3A_42 {strides = array<i32>} : memref<80x128xf32, #tpu.memory_space<vmem>>, vector<1x16xf32>,
    %swap3A_43 = arith.constant 0 : i32
    %swap3A_44 = arith.index_cast %swap3A_43 : i32 to index
    %swap3A_45 = arith.constant 112 : index
    %swap3A_46 = tpu.vector_load %arg13[%swap3A_44, %swap3A_45] {strides = array<i32>} : memref<80x128xf32, #tpu.memory_space<vmem>>, vector<1x16xf32>,
    %swap3A_47 = vector.shape_cast %swap3A_46 : vector<1x16xf32> to vector<16xf32>
    %swap3A_48 = vector.shape_cast %broadcast_in_dim3A_1 : vector<16xf32> to vector<1x16xf32>
    tpu.vector_store %arg13[%swap3A_44, %swap3A_45], %swap3A_48 {strides = array<i32>} : memref<80x128xf32, #tpu.memory_space<vmem>>, vector<1x16xf32>,
    %swap3A_49 = arith.constant 1 : i32
    %swap3A_50 = arith.index_cast %swap3A_49 : i32 to index
    %swap3A_51 = arith.constant 0 : index
    %swap3A_52 = tpu.vector_load %arg13[%swap3A_50, %swap3A_51] {strides = array<i32>} : memref<80x128xf32, #tpu.memory_space<vmem>>, vector<1x16xf32>,
    %swap3A_53 = vector.shape_cast %swap3A_52 : vector<1x16xf32> to vector<16xf32>
    %swap3A_54 = vector.shape_cast %broadcast_in_dim3A_1 : vector<16xf32> to vector<1x16xf32>
    tpu.vector_store %arg13[%swap3A_50, %swap3A_51], %swap3A_54 {strides = array<i32>} : memref<80x128xf32, #tpu.memory_space<vmem>>, vector<1x16xf32>,
    %swap3A_55 = arith.constant 1 : i32
    %swap3A_56 = arith.index_cast %swap3A_55 : i32 to index
    %swap3A_57 = arith.constant 16 : index
    %swap3A_58 = tpu.vector_load %arg13[%swap3A_56, %swap3A_57] {strides = array<i32>} : memref<80x128xf32, #tpu.memory_space<vmem>>, vector<1x16xf32>,
    %swap3A_59 = vector.shape_cast %swap3A_58 : vector<1x16xf32> to vector<16xf32>
    %swap3A_60 = vector.shape_cast %broadcast_in_dim3A_1 : vector<16xf32> to vector<1x16xf32>
    tpu.vector_store %arg13[%swap3A_56, %swap3A_57], %swap3A_60 {strides = array<i32>} : memref<80x128xf32, #tpu.memory_space<vmem>>, vector<1x16xf32>,
    %swap3A_61 = arith.constant 1 : i32
    %swap3A_62 = arith.index_cast %swap3A_61 : i32 to index
    %swap3A_63 = arith.constant 32 : index
    %swap3A_64 = tpu.vector_load %arg13[%swap3A_62, %swap3A_63] {strides = array<i32>} : memref<80x128xf32, #tpu.memory_space<vmem>>, vector<1x16xf32>,
    %swap3A_65 = vector.shape_cast %swap3A_64 : vector<1x16xf32> to vector<16xf32>
    %swap3A_66 = vector.shape_cast %broadcast_in_dim3A_1 : vector<16xf32> to vector<1x16xf32>
    tpu.vector_store %arg13[%swap3A_62, %swap3A_63], %swap3A_66 {strides = array<i32>} : memref<80x128xf32, #tpu.memory_space<vmem>>, vector<1x16xf32>,
    %swap3A_67 = arith.constant 1 : i32
    %swap3A_68 = arith.index_cast %swap3A_67 : i32 to index
    %swap3A_69 = arith.constant 48 : index
    %swap3A_70 = tpu.vector_load %arg13[%swap3A_68, %swap3A_69] {strides = array<i32>} : memref<80x128xf32, #tpu.memory_space<vmem>>, vector<1x16xf32>,
    %swap3A_71 = vector.shape_cast %swap3A_70 : vector<1x16xf32> to vector<16xf32>
    %swap3A_72 = vector.shape_cast %broadcast_in_dim3A_1 : vector<16xf32> to vector<1x16xf32>
    tpu.vector_store %arg13[%swap3A_68, %swap3A_69], %swap3A_72 {strides = array<i32>} : memref<80x128xf32, #tpu.memory_space<vmem>>, vector<1x16xf32>,
    %swap3A_73 = arith.constant 1 : i32
    %swap3A_74 = arith.index_cast %swap3A_73 : i32 to index
    %swap3A_75 = arith.constant 64 : index
    %swap3A_76 = tpu.vector_load %arg13[%swap3A_74, %swap3A_75] {strides = array<i32>} : memref<80x128xf32, #tpu.memory_space<vmem>>, vector<1x16xf32>,
    %swap3A_77 = vector.shape_cast %swap3A_76 : vector<1x16xf32> to vector<16xf32>
    %swap3A_78 = vector.shape_cast %broadcast_in_dim3A_1 : vector<16xf32> to vector<1x16xf32>
    tpu.vector_store %arg13[%swap3A_74, %swap3A_75], %swap3A_78 {strides = array<i32>} : memref<80x128xf32, #tpu.memory_space<vmem>>, vector<1x16xf32>,
    %swap3A_79 = arith.constant 1 : i32
    %swap3A_80 = arith.index_cast %swap3A_79 : i32 to index
    %swap3A_81 = arith.constant 80 : index
    %swap3A_82 = tpu.vector_load %arg13[%swap3A_80, %swap3A_81] {strides = array<i32>} : memref<80x128xf32, #tpu.memory_space<vmem>>, vector<1x16xf32>,
    %swap3A_83 = vector.shape_cast %swap3A_82 : vector<1x16xf32> to vector<16xf32>
    %swap3A_84 = vector.shape_cast %broadcast_in_dim3A_1 : vector<16xf32> to vector<1x16xf32>
    tpu.vector_store %arg13[%swap3A_80, %swap3A_81], %swap3A_84 {strides = array<i32>} : memref<80x128xf32, #tpu.memory_space<vmem>>, vector<1x16xf32>,
    %swap3A_85 = arith.constant 1 : i32
    %swap3A_86 = arith.index_cast %swap3A_85 : i32 to index
    %swap3A_87 = arith.constant 96 : index
    %swap3A_88 = tpu.vector_load %arg13[%swap3A_86, %swap3A_87] {strides = array<i32>} : memref<80x128xf32, #tpu.memory_space<vmem>>, vector<1x16xf32>,
    %swap3A_89 = vector.shape_cast %swap3A_88 : vector<1x16xf32> to vector<16xf32>
    %swap3A_90 = vector.shape_cast %broadcast_in_dim3A_1 : vector<16xf32> to vector<1x16xf32>
    tpu.vector_store %arg13[%swap3A_86, %swap3A_87], %swap3A_90 {strides = array<i32>} : memref<80x128xf32, #tpu.memory_space<vmem>>, vector<1x16xf32>,
    %swap3A_91 = arith.constant 1 : i32
    %swap3A_92 = arith.index_cast %swap3A_91 : i32 to index
    %swap3A_93 = arith.constant 112 : index
    %swap3A_94 = tpu.vector_load %arg13[%swap3A_92, %swap3A_93] {strides = array<i32>} : memref<80x128xf32, #tpu.memory_space<vmem>>, vector<1x16xf32>,
    %swap3A_95 = vector.shape_cast %swap3A_94 : vector<1x16xf32> to vector<16xf32>
    %swap3A_96 = vector.shape_cast %broadcast_in_dim3A_1 : vector<16xf32> to vector<1x16xf32>
    tpu.vector_store %arg13[%swap3A_92, %swap3A_93], %swap3A_96 {strides = array<i32>} : memref<80x128xf32, #tpu.memory_space<vmem>>, vector<1x16xf32>,
    %swap3A_97 = arith.constant 2 : i32
    %swap3A_98 = arith.index_cast %swap3A_97 : i32 to index
    %swap3A_99 = arith.constant 0 : index
    %swap3A_100 = tpu.vector_load %arg13[%swap3A_98, %swap3A_99] {strides = array<i32>} : memref<80x128xf32, #tpu.memory_space<vmem>>, vector<1x16xf32>,
    %swap3A_101 = vector.shape_cast %swap3A_100 : vector<1x16xf32> to vector<16xf32>
    %swap3A_102 = vector.shape_cast %broadcast_in_dim3A_1 : vector<16xf32> to vector<1x16xf32>
    tpu.vector_store %arg13[%swap3A_98, %swap3A_99], %swap3A_102 {strides = array<i32>} : memref<80x128xf32, #tpu.memory_space<vmem>>, vector<1x16xf32>,
    %swap3A_103 = arith.constant 2 : i32
    %swap3A_104 = arith.index_cast %swap3A_103 : i32 to index
    %swap3A_105 = arith.constant 16 : index
    %swap3A_106 = tpu.vector_load %arg13[%swap3A_104, %swap3A_105] {strides = array<i32>} : memref<80x128xf32, #tpu.memory_space<vmem>>, vector<1x16xf32>,
    %swap3A_107 = vector.shape_cast %swap3A_106 : vector<1x16xf32> to vector<16xf32>
    %swap3A_108 = vector.shape_cast %broadcast_in_dim3A_1 : vector<16xf32> to vector<1x16xf32>
    tpu.vector_store %arg13[%swap3A_104, %swap3A_105], %swap3A_108 {strides = array<i32>} : memref<80x128xf32, #tpu.memory_space<vmem>>, vector<1x16xf32>,
    %swap3A_109 = arith.constant 2 : i32
    %swap3A_110 = arith.index_cast %swap3A_109 : i32 to index
    %swap3A_111 = arith.constant 32 : index
    %swap3A_112 = tpu.vector_load %arg13[%swap3A_110, %swap3A_111] {strides = array<i32>} : memref<80x128xf32, #tpu.memory_space<vmem>>, vector<1x16xf32>,
    %swap3A_113 = vector.shape_cast %swap3A_112 : vector<1x16xf32> to vector<16xf32>
    %swap3A_114 = vector.shape_cast %broadcast_in_dim3A_1 : vector<16xf32> to vector<1x16xf32>
    tpu.vector_store %arg13[%swap3A_110, %swap3A_111], %swap3A_114 {strides = array<i32>} : memref<80x128xf32, #tpu.memory_space<vmem>>, vector<1x16xf32>,
    %swap3A_115 = arith.constant 2 : i32
    %swap3A_116 = arith.index_cast %swap3A_115 : i32 to index
    %swap3A_117 = arith.constant 48 : index
    %swap3A_118 = tpu.vector_load %arg13[%swap3A_116, %swap3A_117] {strides = array<i32>} : memref<80x128xf32, #tpu.memory_space<vmem>>, vector<1x16xf32>,
    %swap3A_119 = vector.shape_cast %swap3A_118 : vector<1x16xf32> to vector<16xf32>
    %swap3A_120 = vector.shape_cast %broadcast_in_dim3A_1 : vector<16xf32> to vector<1x16xf32>
    tpu.vector_store %arg13[%swap3A_116, %swap3A_117], %swap3A_120 {strides = array<i32>} : memref<80x128xf32, #tpu.memory_space<vmem>>, vector<1x16xf32>,
    %swap3A_121 = arith.constant 2 : i32
    %swap3A_122 = arith.index_cast %swap3A_121 : i32 to index
    %swap3A_123 = arith.constant 64 : index
    %swap3A_124 = tpu.vector_load %arg13[%swap3A_122, %swap3A_123] {strides = array<i32>} : memref<80x128xf32, #tpu.memory_space<vmem>>, vector<1x16xf32>,
    %swap3A_125 = vector.shape_cast %swap3A_124 : vector<1x16xf32> to vector<16xf32>
    %swap3A_126 = vector.shape_cast %broadcast_in_dim3A_1 : vector<16xf32> to vector<1x16xf32>
    tpu.vector_store %arg13[%swap3A_122, %swap3A_123], %swap3A_126 {strides = array<i32>} : memref<80x128xf32, #tpu.memory_space<vmem>>, vector<1x16xf32>,
    %swap3A_127 = arith.constant 2 : i32
    %swap3A_128 = arith.index_cast %swap3A_127 : i32 to index
    %swap3A_129 = arith.constant 80 : index
    %swap3A_130 = tpu.vector_load %arg13[%swap3A_128, %swap3A_129] {strides = array<i32>} : memref<80x128xf32, #tpu.memory_space<vmem>>, vector<1x16xf32>,
    %swap3A_131 = vector.shape_cast %swap3A_130 : vector<1x16xf32> to vector<16xf32>
    %swap3A_132 = vector.shape_cast %broadcast_in_dim3A_1 : vector<16xf32> to vector<1x16xf32>
    tpu.vector_store %arg13[%swap3A_128, %swap3A_129], %swap3A_132 {strides = array<i32>} : memref<80x128xf32, #tpu.memory_space<vmem>>, vector<1x16xf32>,
    %swap3A_133 = arith.constant 2 : i32
    %swap3A_134 = arith.index_cast %swap3A_133 : i32 to index
    %swap3A_135 = arith.constant 96 : index
    %swap3A_136 = tpu.vector_load %arg13[%swap3A_134, %swap3A_135] {strides = array<i32>} : memref<80x128xf32, #tpu.memory_space<vmem>>, vector<1x16xf32>,
    %swap3A_137 = vector.shape_cast %swap3A_136 : vector<1x16xf32> to vector<16xf32>
    %swap3A_138 = vector.shape_cast %broadcast_in_dim3A_1 : vector<16xf32> to vector<1x16xf32>
    tpu.vector_store %arg13[%swap3A_134, %swap3A_135], %swap3A_138 {strides = array<i32>} : memref<80x128xf32, #tpu.memory_space<vmem>>, vector<1x16xf32>,
    %swap3A_139 = arith.constant 2 : i32
    %swap3A_140 = arith.index_cast %swap3A_139 : i32 to index
    %swap3A_141 = arith.constant 112 : index
    %swap3A_142 = tpu.vector_load %arg13[%swap3A_140, %swap3A_141] {strides = array<i32>} : memref<80x128xf32, #tpu.memory_space<vmem>>, vector<1x16xf32>,
    %swap3A_143 = vector.shape_cast %swap3A_142 : vector<1x16xf32> to vector<16xf32>
    %swap3A_144 = vector.shape_cast %broadcast_in_dim3A_1 : vector<16xf32> to vector<1x16xf32>
    tpu.vector_store %arg13[%swap3A_140, %swap3A_141], %swap3A_144 {strides = array<i32>} : memref<80x128xf32, #tpu.memory_space<vmem>>, vector<1x16xf32>,
    %swap3A_145 = arith.constant 3 : i32
    %swap3A_146 = arith.index_cast %swap3A_145 : i32 to index
    %swap3A_147 = arith.constant 0 : index
    %swap3A_148 = tpu.vector_load %arg13[%swap3A_146, %swap3A_147] {strides = array<i32>} : memref<80x128xf32, #tpu.memory_space<vmem>>, vector<1x16xf32>,
    %swap3A_149 = vector.shape_cast %swap3A_148 : vector<1x16xf32> to vector<16xf32>
    %swap3A_150 = vector.shape_cast %broadcast_in_dim3A_1 : vector<16xf32> to vector<1x16xf32>
    tpu.vector_store %arg13[%swap3A_146, %swap3A_147], %swap3A_150 {strides = array<i32>} : memref<80x128xf32, #tpu.memory_space<vmem>>, vector<1x16xf32>,
    %swap3A_151 = arith.constant 3 : i32
    %swap3A_152 = arith.index_cast %swap3A_151 : i32 to index
    %swap3A_153 = arith.constant 16 : index
    %swap3A_154 = tpu.vector_load %arg13[%swap3A_152, %swap3A_153] {strides = array<i32>} : memref<80x128xf32, #tpu.memory_space<vmem>>, vector<1x16xf32>,
    %swap3A_155 = vector.shape_cast %swap3A_154 : vector<1x16xf32> to vector<16xf32>
    %swap3A_156 = vector.shape_cast %broadcast_in_dim3A_1 : vector<16xf32> to vector<1x16xf32>
    tpu.vector_store %arg13[%swap3A_152, %swap3A_153], %swap3A_156 {strides = array<i32>} : memref<80x128xf32, #tpu.memory_space<vmem>>, vector<1x16xf32>,
    %swap3A_157 = arith.constant 3 : i32
    %swap3A_158 = arith.index_cast %swap3A_157 : i32 to index
    %swap3A_159 = arith.constant 32 : index
    %swap3A_160 = tpu.vector_load %arg13[%swap3A_158, %swap3A_159] {strides = array<i32>} : memref<80x128xf32, #tpu.memory_space<vmem>>, vector<1x16xf32>,
    %swap3A_161 = vector.shape_cast %swap3A_160 : vector<1x16xf32> to vector<16xf32>
    %swap3A_162 = vector.shape_cast %broadcast_in_dim3A_1 : vector<16xf32> to vector<1x16xf32>
    tpu.vector_store %arg13[%swap3A_158, %swap3A_159], %swap3A_162 {strides = array<i32>} : memref<80x128xf32, #tpu.memory_space<vmem>>, vector<1x16xf32>,
    %swap3A_163 = arith.constant 3 : i32
    %swap3A_164 = arith.index_cast %swap3A_163 : i32 to index
    %swap3A_165 = arith.constant 48 : index
    %swap3A_166 = tpu.vector_load %arg13[%swap3A_164, %swap3A_165] {strides = array<i32>} : memref<80x128xf32, #tpu.memory_space<vmem>>, vector<1x16xf32>,
    %swap3A_167 = vector.shape_cast %swap3A_166 : vector<1x16xf32> to vector<16xf32>
    %swap3A_168 = vector.shape_cast %broadcast_in_dim3A_1 : vector<16xf32> to vector<1x16xf32>
    tpu.vector_store %arg13[%swap3A_164, %swap3A_165], %swap3A_168 {strides = array<i32>} : memref<80x128xf32, #tpu.memory_space<vmem>>, vector<1x16xf32>,
    %swap3A_169 = arith.constant 3 : i32
    %swap3A_170 = arith.index_cast %swap3A_169 : i32 to index
    %swap3A_171 = arith.constant 64 : index
    %swap3A_172 = tpu.vector_load %arg13[%swap3A_170, %swap3A_171] {strides = array<i32>} : memref<80x128xf32, #tpu.memory_space<vmem>>, vector<1x16xf32>,
    %swap3A_173 = vector.shape_cast %swap3A_172 : vector<1x16xf32> to vector<16xf32>
    %swap3A_174 = vector.shape_cast %broadcast_in_dim3A_1 : vector<16xf32> to vector<1x16xf32>
    tpu.vector_store %arg13[%swap3A_170, %swap3A_171], %swap3A_174 {strides = array<i32>} : memref<80x128xf32, #tpu.memory_space<vmem>>, vector<1x16xf32>,
    %swap3A_175 = arith.constant 3 : i32
    %swap3A_176 = arith.index_cast %swap3A_175 : i32 to index
    %swap3A_177 = arith.constant 80 : index
    %swap3A_178 = tpu.vector_load %arg13[%swap3A_176, %swap3A_177] {strides = array<i32>} : memref<80x128xf32, #tpu.memory_space<vmem>>, vector<1x16xf32>,
    %swap3A_179 = vector.shape_cast %swap3A_178 : vector<1x16xf32> to vector<16xf32>
    %swap3A_180 = vector.shape_cast %broadcast_in_dim3A_1 : vector<16xf32> to vector<1x16xf32>
    tpu.vector_store %arg13[%swap3A_176, %swap3A_177], %swap3A_180 {strides = array<i32>} : memref<80x128xf32, #tpu.memory_space<vmem>>, vector<1x16xf32>,
    %swap3A_181 = arith.constant 3 : i32
    %swap3A_182 = arith.index_cast %swap3A_181 : i32 to index
    %swap3A_183 = arith.constant 96 : index
    %swap3A_184 = tpu.vector_load %arg13[%swap3A_182, %swap3A_183] {strides = array<i32>} : memref<80x128xf32, #tpu.memory_space<vmem>>, vector<1x16xf32>,
    %swap3A_185 = vector.shape_cast %swap3A_184 : vector<1x16xf32> to vector<16xf32>
    %swap3A_186 = vector.shape_cast %broadcast_in_dim3A_1 : vector<16xf32> to vector<1x16xf32>
    tpu.vector_store %arg13[%swap3A_182, %swap3A_183], %swap3A_186 {strides = array<i32>} : memref<80x128xf32, #tpu.memory_space<vmem>>, vector<1x16xf32>,
    %swap3A_187 = arith.constant 3 : i32
    %swap3A_188 = arith.index_cast %swap3A_187 : i32 to index
    %swap3A_189 = arith.constant 112 : index
    %swap3A_190 = tpu.vector_load %arg13[%swap3A_188, %swap3A_189] {strides = array<i32>} : memref<80x128xf32, #tpu.memory_space<vmem>>, vector<1x16xf32>,
    %swap3A_191 = vector.shape_cast %swap3A_190 : vector<1x16xf32> to vector<16xf32>
    %swap3A_192 = vector.shape_cast %broadcast_in_dim3A_1 : vector<16xf32> to vector<1x16xf32>
    tpu.vector_store %arg13[%swap3A_188, %swap3A_189], %swap3A_192 {strides = array<i32>} : memref<80x128xf32, #tpu.memory_space<vmem>>, vector<1x16xf32>,
    %swap3A_193 = arith.constant 4 : i32
    %swap3A_194 = arith.index_cast %swap3A_193 : i32 to index
    %swap3A_195 = arith.constant 0 : index
    %swap3A_196 = tpu.vector_load %arg13[%swap3A_194, %swap3A_195] {strides = array<i32>} : memref<80x128xf32, #tpu.memory_space<vmem>>, vector<1x16xf32>,
    %swap3A_197 = vector.shape_cast %swap3A_196 : vector<1x16xf32> to vector<16xf32>
    %swap3A_198 = vector.shape_cast %broadcast_in_dim3A_1 : vector<16xf32> to vector<1x16xf32>
    tpu.vector_store %arg13[%swap3A_194, %swap3A_195], %swap3A_198 {strides = array<i32>} : memref<80x128xf32, #tpu.memory_space<vmem>>, vector<1x16xf32>,
    %swap3A_199 = arith.constant 4 : i32
    %swap3A_200 = arith.index_cast %swap3A_199 : i32 to index
    %swap3A_201 = arith.constant 16 : index
    %swap3A_202 = tpu.vector_load %arg13[%swap3A_200, %swap3A_201] {strides = array<i32>} : memref<80x128xf32, #tpu.memory_space<vmem>>, vector<1x16xf32>,
    %swap3A_203 = vector.shape_cast %swap3A_202 : vector<1x16xf32> to vector<16xf32>
    %swap3A_204 = vector.shape_cast %broadcast_in_dim3A_1 : vector<16xf32> to vector<1x16xf32>
    tpu.vector_store %arg13[%swap3A_200, %swap3A_201], %swap3A_204 {strides = array<i32>} : memref<80x128xf32, #tpu.memory_space<vmem>>, vector<1x16xf32>,
    %swap3A_205 = arith.constant 4 : i32
    %swap3A_206 = arith.index_cast %swap3A_205 : i32 to index
    %swap3A_207 = arith.constant 32 : index
    %swap3A_208 = tpu.vector_load %arg13[%swap3A_206, %swap3A_207] {strides = array<i32>} : memref<80x128xf32, #tpu.memory_space<vmem>>, vector<1x16xf32>,
    %swap3A_209 = vector.shape_cast %swap3A_208 : vector<1x16xf32> to vector<16xf32>
    %swap3A_210 = vector.shape_cast %broadcast_in_dim3A_1 : vector<16xf32> to vector<1x16xf32>
    tpu.vector_store %arg13[%swap3A_206, %swap3A_207], %swap3A_210 {strides = array<i32>} : memref<80x128xf32, #tpu.memory_space<vmem>>, vector<1x16xf32>,
    %swap3A_211 = arith.constant 4 : i32
    %swap3A_212 = arith.index_cast %swap3A_211 : i32 to index
    %swap3A_213 = arith.constant 48 : index
    %swap3A_214 = tpu.vector_load %arg13[%swap3A_212, %swap3A_213] {strides = array<i32>} : memref<80x128xf32, #tpu.memory_space<vmem>>, vector<1x16xf32>,
    %swap3A_215 = vector.shape_cast %swap3A_214 : vector<1x16xf32> to vector<16xf32>
    %swap3A_216 = vector.shape_cast %broadcast_in_dim3A_1 : vector<16xf32> to vector<1x16xf32>
    tpu.vector_store %arg13[%swap3A_212, %swap3A_213], %swap3A_216 {strides = array<i32>} : memref<80x128xf32, #tpu.memory_space<vmem>>, vector<1x16xf32>,
    %swap3A_217 = arith.constant 4 : i32
    %swap3A_218 = arith.index_cast %swap3A_217 : i32 to index
    %swap3A_219 = arith.constant 64 : index
    %swap3A_220 = tpu.vector_load %arg13[%swap3A_218, %swap3A_219] {strides = array<i32>} : memref<80x128xf32, #tpu.memory_space<vmem>>, vector<1x16xf32>,
    %swap3A_221 = vector.shape_cast %swap3A_220 : vector<1x16xf32> to vector<16xf32>
    %swap3A_222 = vector.shape_cast %broadcast_in_dim3A_1 : vector<16xf32> to vector<1x16xf32>
    tpu.vector_store %arg13[%swap3A_218, %swap3A_219], %swap3A_222 {strides = array<i32>} : memref<80x128xf32, #tpu.memory_space<vmem>>, vector<1x16xf32>,
    %swap3A_223 = arith.constant 4 : i32
    %swap3A_224 = arith.index_cast %swap3A_223 : i32 to index
    %swap3A_225 = arith.constant 80 : index
    %swap3A_226 = tpu.vector_load %arg13[%swap3A_224, %swap3A_225] {strides = array<i32>} : memref<80x128xf32, #tpu.memory_space<vmem>>, vector<1x16xf32>,
    %swap3A_227 = vector.shape_cast %swap3A_226 : vector<1x16xf32> to vector<16xf32>
    %swap3A_228 = vector.shape_cast %broadcast_in_dim3A_1 : vector<16xf32> to vector<1x16xf32>
    tpu.vector_store %arg13[%swap3A_224, %swap3A_225], %swap3A_228 {strides = array<i32>} : memref<80x128xf32, #tpu.memory_space<vmem>>, vector<1x16xf32>,
    %swap3A_229 = arith.constant 4 : i32
    %swap3A_230 = arith.index_cast %swap3A_229 : i32 to index
    %swap3A_231 = arith.constant 96 : index
    %swap3A_232 = tpu.vector_load %arg13[%swap3A_230, %swap3A_231] {strides = array<i32>} : memref<80x128xf32, #tpu.memory_space<vmem>>, vector<1x16xf32>,
    %swap3A_233 = vector.shape_cast %swap3A_232 : vector<1x16xf32> to vector<16xf32>
    %swap3A_234 = vector.shape_cast %broadcast_in_dim3A_1 : vector<16xf32> to vector<1x16xf32>
    tpu.vector_store %arg13[%swap3A_230, %swap3A_231], %swap3A_234 {strides = array<i32>} : memref<80x128xf32, #tpu.memory_space<vmem>>, vector<1x16xf32>,
    %swap3A_235 = arith.constant 4 : i32
    %swap3A_236 = arith.index_cast %swap3A_235 : i32 to index
    %swap3A_237 = arith.constant 112 : index
    %swap3A_238 = tpu.vector_load %arg13[%swap3A_236, %swap3A_237] {strides = array<i32>} : memref<80x128xf32, #tpu.memory_space<vmem>>, vector<1x16xf32>,
    %swap3A_239 = vector.shape_cast %swap3A_238 : vector<1x16xf32> to vector<16xf32>
    %swap3A_240 = vector.shape_cast %broadcast_in_dim3A_1 : vector<16xf32> to vector<1x16xf32>
    tpu.vector_store %arg13[%swap3A_236, %swap3A_237], %swap3A_240 {strides = array<i32>} : memref<80x128xf32, #tpu.memory_space<vmem>>, vector<1x16xf32>,
    %swap3A_241 = arith.constant 5 : i32
    %swap3A_242 = arith.index_cast %swap3A_241 : i32 to index
    %swap3A_243 = arith.constant 0 : index
    %swap3A_244 = tpu.vector_load %arg13[%swap3A_242, %swap3A_243] {strides = array<i32>} : memref<80x128xf32, #tpu.memory_space<vmem>>, vector<1x16xf32>,
    %swap3A_245 = vector.shape_cast %swap3A_244 : vector<1x16xf32> to vector<16xf32>
    %swap3A_246 = vector.shape_cast %broadcast_in_dim3A_1 : vector<16xf32> to vector<1x16xf32>
    tpu.vector_store %arg13[%swap3A_242, %swap3A_243], %swap3A_246 {strides = array<i32>} : memref<80x128xf32, #tpu.memory_space<vmem>>, vector<1x16xf32>,
    %swap3A_247 = arith.constant 5 : i32
    %swap3A_248 = arith.index_cast %swap3A_247 : i32 to index
    %swap3A_249 = arith.constant 16 : index
    %swap3A_250 = tpu.vector_load %arg13[%swap3A_248, %swap3A_249] {strides = array<i32>} : memref<80x128xf32, #tpu.memory_space<vmem>>, vector<1x16xf32>,
    %swap3A_251 = vector.shape_cast %swap3A_250 : vector<1x16xf32> to vector<16xf32>
    %swap3A_252 = vector.shape_cast %broadcast_in_dim3A_1 : vector<16xf32> to vector<1x16xf32>
    tpu.vector_store %arg13[%swap3A_248, %swap3A_249], %swap3A_252 {strides = array<i32>} : memref<80x128xf32, #tpu.memory_space<vmem>>, vector<1x16xf32>,
    %swap3A_253 = arith.constant 5 : i32
    %swap3A_254 = arith.index_cast %swap3A_253 : i32 to index
    %swap3A_255 = arith.constant 32 : index
    %swap3A_256 = tpu.vector_load %arg13[%swap3A_254, %swap3A_255] {strides = array<i32>} : memref<80x128xf32, #tpu.memory_space<vmem>>, vector<1x16xf32>,
    %swap3A_257 = vector.shape_cast %swap3A_256 : vector<1x16xf32> to vector<16xf32>
    %swap3A_258 = vector.shape_cast %broadcast_in_dim3A_1 : vector<16xf32> to vector<1x16xf32>
    tpu.vector_store %arg13[%swap3A_254, %swap3A_255], %swap3A_258 {strides = array<i32>} : memref<80x128xf32, #tpu.memory_space<vmem>>, vector<1x16xf32>,
    %swap3A_259 = arith.constant 5 : i32
    %swap3A_260 = arith.index_cast %swap3A_259 : i32 to index
    %swap3A_261 = arith.constant 48 : index
    %swap3A_262 = tpu.vector_load %arg13[%swap3A_260, %swap3A_261] {strides = array<i32>} : memref<80x128xf32, #tpu.memory_space<vmem>>, vector<1x16xf32>,
    %swap3A_263 = vector.shape_cast %swap3A_262 : vector<1x16xf32> to vector<16xf32>
    %swap3A_264 = vector.shape_cast %broadcast_in_dim3A_1 : vector<16xf32> to vector<1x16xf32>
    tpu.vector_store %arg13[%swap3A_260, %swap3A_261], %swap3A_264 {strides = array<i32>} : memref<80x128xf32, #tpu.memory_space<vmem>>, vector<1x16xf32>,
    %swap3A_265 = arith.constant 5 : i32
    %swap3A_266 = arith.index_cast %swap3A_265 : i32 to index
    %swap3A_267 = arith.constant 64 : index
    %swap3A_268 = tpu.vector_load %arg13[%swap3A_266, %swap3A_267] {strides = array<i32>} : memref<80x128xf32, #tpu.memory_space<vmem>>, vector<1x16xf32>,
    %swap3A_269 = vector.shape_cast %swap3A_268 : vector<1x16xf32> to vector<16xf32>
    %swap3A_270 = vector.shape_cast %broadcast_in_dim3A_1 : vector<16xf32> to vector<1x16xf32>
    tpu.vector_store %arg13[%swap3A_266, %swap3A_267], %swap3A_270 {strides = array<i32>} : memref<80x128xf32, #tpu.memory_space<vmem>>, vector<1x16xf32>,
    %swap3A_271 = arith.constant 5 : i32
    %swap3A_272 = arith.index_cast %swap3A_271 : i32 to index
    %swap3A_273 = arith.constant 80 : index
    %swap3A_274 = tpu.vector_load %arg13[%swap3A_272, %swap3A_273] {strides = array<i32>} : memref<80x128xf32, #tpu.memory_space<vmem>>, vector<1x16xf32>,
    %swap3A_275 = vector.shape_cast %swap3A_274 : vector<1x16xf32> to vector<16xf32>
    %swap3A_276 = vector.shape_cast %broadcast_in_dim3A_1 : vector<16xf32> to vector<1x16xf32>
    tpu.vector_store %arg13[%swap3A_272, %swap3A_273], %swap3A_276 {strides = array<i32>} : memref<80x128xf32, #tpu.memory_space<vmem>>, vector<1x16xf32>,
    %swap3A_277 = arith.constant 5 : i32
    %swap3A_278 = arith.index_cast %swap3A_277 : i32 to index
    %swap3A_279 = arith.constant 96 : index
    %swap3A_280 = tpu.vector_load %arg13[%swap3A_278, %swap3A_279] {strides = array<i32>} : memref<80x128xf32, #tpu.memory_space<vmem>>, vector<1x16xf32>,
    %swap3A_281 = vector.shape_cast %swap3A_280 : vector<1x16xf32> to vector<16xf32>
    %swap3A_282 = vector.shape_cast %broadcast_in_dim3A_1 : vector<16xf32> to vector<1x16xf32>
    tpu.vector_store %arg13[%swap3A_278, %swap3A_279], %swap3A_282 {strides = array<i32>} : memref<80x128xf32, #tpu.memory_space<vmem>>, vector<1x16xf32>,
    %swap3A_283 = arith.constant 5 : i32
    %swap3A_284 = arith.index_cast %swap3A_283 : i32 to index
    %swap3A_285 = arith.constant 112 : index
    %swap3A_286 = tpu.vector_load %arg13[%swap3A_284, %swap3A_285] {strides = array<i32>} : memref<80x128xf32, #tpu.memory_space<vmem>>, vector<1x16xf32>,
    %swap3A_287 = vector.shape_cast %swap3A_286 : vector<1x16xf32> to vector<16xf32>
    %swap3A_288 = vector.shape_cast %broadcast_in_dim3A_1 : vector<16xf32> to vector<1x16xf32>
    tpu.vector_store %arg13[%swap3A_284, %swap3A_285], %swap3A_288 {strides = array<i32>} : memref<80x128xf32, #tpu.memory_space<vmem>>, vector<1x16xf32>,
    %swap3A_289 = arith.constant 6 : i32
    %swap3A_290 = arith.index_cast %swap3A_289 : i32 to index
    %swap3A_291 = arith.constant 0 : index
    %swap3A_292 = tpu.vector_load %arg13[%swap3A_290, %swap3A_291] {strides = array<i32>} : memref<80x128xf32, #tpu.memory_space<vmem>>, vector<1x16xf32>,
    %swap3A_293 = vector.shape_cast %swap3A_292 : vector<1x16xf32> to vector<16xf32>
    %swap3A_294 = vector.shape_cast %broadcast_in_dim3A_1 : vector<16xf32> to vector<1x16xf32>
    tpu.vector_store %arg13[%swap3A_290, %swap3A_291], %swap3A_294 {strides = array<i32>} : memref<80x128xf32, #tpu.memory_space<vmem>>, vector<1x16xf32>,
    %swap3A_295 = arith.constant 6 : i32
    %swap3A_296 = arith.index_cast %swap3A_295 : i32 to index
    %swap3A_297 = arith.constant 16 : index
    %swap3A_298 = tpu.vector_load %arg13[%swap3A_296, %swap3A_297] {strides = array<i32>} : memref<80x128xf32, #tpu.memory_space<vmem>>, vector<1x16xf32>,
    %swap3A_299 = vector.shape_cast %swap3A_298 : vector<1x16xf32> to vector<16xf32>
    %swap3A_300 = vector.shape_cast %broadcast_in_dim3A_1 : vector<16xf32> to vector<1x16xf32>
    tpu.vector_store %arg13[%swap3A_296, %swap3A_297], %swap3A_300 {strides = array<i32>} : memref<80x128xf32, #tpu.memory_space<vmem>>, vector<1x16xf32>,
    %swap3A_301 = arith.constant 6 : i32
    %swap3A_302 = arith.index_cast %swap3A_301 : i32 to index
    %swap3A_303 = arith.constant 32 : index
    %swap3A_304 = tpu.vector_load %arg13[%swap3A_302, %swap3A_303] {strides = array<i32>} : memref<80x128xf32, #tpu.memory_space<vmem>>, vector<1x16xf32>,
    %swap3A_305 = vector.shape_cast %swap3A_304 : vector<1x16xf32> to vector<16xf32>
    %swap3A_306 = vector.shape_cast %broadcast_in_dim3A_1 : vector<16xf32> to vector<1x16xf32>
    tpu.vector_store %arg13[%swap3A_302, %swap3A_303], %swap3A_306 {strides = array<i32>} : memref<80x128xf32, #tpu.memory_space<vmem>>, vector<1x16xf32>,
    %swap3A_307 = arith.constant 6 : i32
    %swap3A_308 = arith.index_cast %swap3A_307 : i32 to index
    %swap3A_309 = arith.constant 48 : index
    %swap3A_310 = tpu.vector_load %arg13[%swap3A_308, %swap3A_309] {strides = array<i32>} : memref<80x128xf32, #tpu.memory_space<vmem>>, vector<1x16xf32>,
    %swap3A_311 = vector.shape_cast %swap3A_310 : vector<1x16xf32> to vector<16xf32>
    %swap3A_312 = vector.shape_cast %broadcast_in_dim3A_1 : vector<16xf32> to vector<1x16xf32>
    tpu.vector_store %arg13[%swap3A_308, %swap3A_309], %swap3A_312 {strides = array<i32>} : memref<80x128xf32, #tpu.memory_space<vmem>>, vector<1x16xf32>,
    %swap3A_313 = arith.constant 6 : i32
    %swap3A_314 = arith.index_cast %swap3A_313 : i32 to index
    %swap3A_315 = arith.constant 64 : index
    %swap3A_316 = tpu.vector_load %arg13[%swap3A_314, %swap3A_315] {strides = array<i32>} : memref<80x128xf32, #tpu.memory_space<vmem>>, vector<1x16xf32>,
    %swap3A_317 = vector.shape_cast %swap3A_316 : vector<1x16xf32> to vector<16xf32>
    %swap3A_318 = vector.shape_cast %broadcast_in_dim3A_1 : vector<16xf32> to vector<1x16xf32>
    tpu.vector_store %arg13[%swap3A_314, %swap3A_315], %swap3A_318 {strides = array<i32>} : memref<80x128xf32, #tpu.memory_space<vmem>>, vector<1x16xf32>,
    %swap3A_319 = arith.constant 6 : i32
    %swap3A_320 = arith.index_cast %swap3A_319 : i32 to index
    %swap3A_321 = arith.constant 80 : index
    %swap3A_322 = tpu.vector_load %arg13[%swap3A_320, %swap3A_321] {strides = array<i32>} : memref<80x128xf32, #tpu.memory_space<vmem>>, vector<1x16xf32>,
    %swap3A_323 = vector.shape_cast %swap3A_322 : vector<1x16xf32> to vector<16xf32>
    %swap3A_324 = vector.shape_cast %broadcast_in_dim3A_1 : vector<16xf32> to vector<1x16xf32>
    tpu.vector_store %arg13[%swap3A_320, %swap3A_321], %swap3A_324 {strides = array<i32>} : memref<80x128xf32, #tpu.memory_space<vmem>>, vector<1x16xf32>,
    %swap3A_325 = arith.constant 6 : i32
    %swap3A_326 = arith.index_cast %swap3A_325 : i32 to index
    %swap3A_327 = arith.constant 96 : index
    %swap3A_328 = tpu.vector_load %arg13[%swap3A_326, %swap3A_327] {strides = array<i32>} : memref<80x128xf32, #tpu.memory_space<vmem>>, vector<1x16xf32>,
    %swap3A_329 = vector.shape_cast %swap3A_328 : vector<1x16xf32> to vector<16xf32>
    %swap3A_330 = vector.shape_cast %broadcast_in_dim3A_1 : vector<16xf32> to vector<1x16xf32>
    tpu.vector_store %arg13[%swap3A_326, %swap3A_327], %swap3A_330 {strides = array<i32>} : memref<80x128xf32, #tpu.memory_space<vmem>>, vector<1x16xf32>,
    %swap3A_331 = arith.constant 6 : i32
    %swap3A_332 = arith.index_cast %swap3A_331 : i32 to index
    %swap3A_333 = arith.constant 112 : index
    %swap3A_334 = tpu.vector_load %arg13[%swap3A_332, %swap3A_333] {strides = array<i32>} : memref<80x128xf32, #tpu.memory_space<vmem>>, vector<1x16xf32>,
    %swap3A_335 = vector.shape_cast %swap3A_334 : vector<1x16xf32> to vector<16xf32>
    %swap3A_336 = vector.shape_cast %broadcast_in_dim3A_1 : vector<16xf32> to vector<1x16xf32>
    tpu.vector_store %arg13[%swap3A_332, %swap3A_333], %swap3A_336 {strides = array<i32>} : memref<80x128xf32, #tpu.memory_space<vmem>>, vector<1x16xf32>,
    %swap3A_337 = arith.constant 7 : i32
    %swap3A_338 = arith.index_cast %swap3A_337 : i32 to index
    %swap3A_339 = arith.constant 0 : index
    %swap3A_340 = tpu.vector_load %arg13[%swap3A_338, %swap3A_339] {strides = array<i32>} : memref<80x128xf32, #tpu.memory_space<vmem>>, vector<1x16xf32>,
    %swap3A_341 = vector.shape_cast %swap3A_340 : vector<1x16xf32> to vector<16xf32>
    %swap3A_342 = vector.shape_cast %broadcast_in_dim3A_1 : vector<16xf32> to vector<1x16xf32>
    tpu.vector_store %arg13[%swap3A_338, %swap3A_339], %swap3A_342 {strides = array<i32>} : memref<80x128xf32, #tpu.memory_space<vmem>>, vector<1x16xf32>,
    %swap3A_343 = arith.constant 7 : i32
    %swap3A_344 = arith.index_cast %swap3A_343 : i32 to index
    %swap3A_345 = arith.constant 16 : index
    %swap3A_346 = tpu.vector_load %arg13[%swap3A_344, %swap3A_345] {strides = array<i32>} : memref<80x128xf32, #tpu.memory_space<vmem>>, vector<1x16xf32>,
    %swap3A_347 = vector.shape_cast %swap3A_346 : vector<1x16xf32> to vector<16xf32>
    %swap3A_348 = vector.shape_cast %broadcast_in_dim3A_1 : vector<16xf32> to vector<1x16xf32>
    tpu.vector_store %arg13[%swap3A_344, %swap3A_345], %swap3A_348 {strides = array<i32>} : memref<80x128xf32, #tpu.memory_space<vmem>>, vector<1x16xf32>,
    %swap3A_349 = arith.constant 7 : i32
    %swap3A_350 = arith.index_cast %swap3A_349 : i32 to index
    %swap3A_351 = arith.constant 32 : index
    %swap3A_352 = tpu.vector_load %arg13[%swap3A_350, %swap3A_351] {strides = array<i32>} : memref<80x128xf32, #tpu.memory_space<vmem>>, vector<1x16xf32>,
    %swap3A_353 = vector.shape_cast %swap3A_352 : vector<1x16xf32> to vector<16xf32>
    %swap3A_354 = vector.shape_cast %broadcast_in_dim3A_1 : vector<16xf32> to vector<1x16xf32>
    tpu.vector_store %arg13[%swap3A_350, %swap3A_351], %swap3A_354 {strides = array<i32>} : memref<80x128xf32, #tpu.memory_space<vmem>>, vector<1x16xf32>,
    %swap3A_355 = arith.constant 7 : i32
    %swap3A_356 = arith.index_cast %swap3A_355 : i32 to index
    %swap3A_357 = arith.constant 48 : index
    %swap3A_358 = tpu.vector_load %arg13[%swap3A_356, %swap3A_357] {strides = array<i32>} : memref<80x128xf32, #tpu.memory_space<vmem>>, vector<1x16xf32>,
    %swap3A_359 = vector.shape_cast %swap3A_358 : vector<1x16xf32> to vector<16xf32>
    %swap3A_360 = vector.shape_cast %broadcast_in_dim3A_1 : vector<16xf32> to vector<1x16xf32>
    tpu.vector_store %arg13[%swap3A_356, %swap3A_357], %swap3A_360 {strides = array<i32>} : memref<80x128xf32, #tpu.memory_space<vmem>>, vector<1x16xf32>,
    %swap3A_361 = arith.constant 7 : i32
    %swap3A_362 = arith.index_cast %swap3A_361 : i32 to index
    %swap3A_363 = arith.constant 64 : index
    %swap3A_364 = tpu.vector_load %arg13[%swap3A_362, %swap3A_363] {strides = array<i32>} : memref<80x128xf32, #tpu.memory_space<vmem>>, vector<1x16xf32>,
    %swap3A_365 = vector.shape_cast %swap3A_364 : vector<1x16xf32> to vector<16xf32>
    %swap3A_366 = vector.shape_cast %broadcast_in_dim3A_1 : vector<16xf32> to vector<1x16xf32>
    tpu.vector_store %arg13[%swap3A_362, %swap3A_363], %swap3A_366 {strides = array<i32>} : memref<80x128xf32, #tpu.memory_space<vmem>>, vector<1x16xf32>,
    %swap3A_367 = arith.constant 7 : i32
    %swap3A_368 = arith.index_cast %swap3A_367 : i32 to index
    %swap3A_369 = arith.constant 80 : index
    %swap3A_370 = tpu.vector_load %arg13[%swap3A_368, %swap3A_369] {strides = array<i32>} : memref<80x128xf32, #tpu.memory_space<vmem>>, vector<1x16xf32>,
    %swap3A_371 = vector.shape_cast %swap3A_370 : vector<1x16xf32> to vector<16xf32>
    %swap3A_372 = vector.shape_cast %broadcast_in_dim3A_1 : vector<16xf32> to vector<1x16xf32>
    tpu.vector_store %arg13[%swap3A_368, %swap3A_369], %swap3A_372 {strides = array<i32>} : memref<80x128xf32, #tpu.memory_space<vmem>>, vector<1x16xf32>,
    %swap3A_373 = arith.constant 7 : i32
    %swap3A_374 = arith.index_cast %swap3A_373 : i32 to index
    %swap3A_375 = arith.constant 96 : index
    %swap3A_376 = tpu.vector_load %arg13[%swap3A_374, %swap3A_375] {strides = array<i32>} : memref<80x128xf32, #tpu.memory_space<vmem>>, vector<1x16xf32>,
    %swap3A_377 = vector.shape_cast %swap3A_376 : vector<1x16xf32> to vector<16xf32>
    %swap3A_378 = vector.shape_cast %broadcast_in_dim3A_1 : vector<16xf32> to vector<1x16xf32>
    tpu.vector_store %arg13[%swap3A_374, %swap3A_375], %swap3A_378 {strides = array<i32>} : memref<80x128xf32, #tpu.memory_space<vmem>>, vector<1x16xf32>,
    %swap3A_379 = arith.constant 7 : i32
    %swap3A_380 = arith.index_cast %swap3A_379 : i32 to index
    %swap3A_381 = arith.constant 112 : index
    %swap3A_382 = tpu.vector_load %arg13[%swap3A_380, %swap3A_381] {strides = array<i32>} : memref<80x128xf32, #tpu.memory_space<vmem>>, vector<1x16xf32>,
    %swap3A_383 = vector.shape_cast %swap3A_382 : vector<1x16xf32> to vector<16xf32>
    %swap3A_384 = vector.shape_cast %broadcast_in_dim3A_1 : vector<16xf32> to vector<1x16xf32>
    tpu.vector_store %arg13[%swap3A_380, %swap3A_381], %swap3A_384 {strides = array<i32>} : memref<80x128xf32, #tpu.memory_space<vmem>>, vector<1x16xf32>,
    %scan3A = arith.constant 0 : i32
    %scan3A_385 = arith.constant 0 : i32
    %scan3A_386 = arith.constant 79 : i32
    %scan3A_387 = arith.addi %scan3A_385, %scan3A_386 : i32
    %scan3A_388 = arith.constant 1 : i32
    scf.for %scan3A_412 = %scan3A_385 to %scan3A_387 step %scan3A_388  : i32 {
      %mul3A_413 = arith.constant 632 : i32
      %mul3A_414 = arith.muli %arg1, %mul3A_413 : i32
      %mul3A_415 = arith.constant 8 : i32
      %mul3A_416 = arith.muli %scan3A_412, %mul3A_415 : i32
      %add3A_417 = arith.addi %mul3A_414, %mul3A_416 : i32
      "tpu.region"() ({
        %run_scoped3A = tpu.sem_alloc : memref<!tpu.dma_semaphore, #tpu.memory_space<semaphore_mem>>
        %dma_start3A_418 = arith.constant 0 : i32
        %dma_start3A_419 = arith.constant 0 : i32
        %dma_start3A_420 = tpu.memref_slice %arg13[%dma_start3A_418, %dma_start3A_419] : memref<80x128xf32, #tpu.memory_space<vmem>> -> memref<8x128xf32, #tpu.memory_space<vmem>>
        %dma_start3A_421 = arith.constant 0 : i32
        %dma_start3A_422 = tpu.memref_slice %arg15[%add3A_417, %dma_start3A_421] : memref<10112x128xf32, #tpu.memory_space<vmem_shared>> -> memref<8x128xf32, #tpu.memory_space<vmem_shared>>
        %dma_start3A_423 = arith.constant 0 : i32
        %dma_start3A_424 = tpu.memref_slice %arg15[%add3A_417, %dma_start3A_423] : memref<10112x128xf32, #tpu.memory_space<vmem_shared>> -> memref<8x128xf32, #tpu.memory_space<vmem_shared>>
        %dma_start3A_425 = arith.constant 0 : i32
        %dma_start3A_426 = arith.constant 0 : i32
        %dma_start3A_427 = tpu.memref_slice %arg13[%dma_start3A_425, %dma_start3A_426] : memref<80x128xf32, #tpu.memory_space<vmem>> -> memref<8x128xf32, #tpu.memory_space<vmem>>
        tpu.enqueue_dma source(%dma_start3A_427 : memref<8x128xf32, #tpu.memory_space<vmem>>) target(%dma_start3A_424 : memref<8x128xf32, #tpu.memory_space<vmem_shared>>) target_semaphore(%run_scoped3A : memref<!tpu.dma_semaphore, #tpu.memory_space<semaphore_mem>>)
        %dma_wait3A = arith.constant 0 : i32
        %dma_wait3A_428 = arith.constant 0 : i32
        %dma_wait3A_429 = tpu.memref_slice %arg13[%dma_wait3A, %dma_wait3A_428] : memref<80x128xf32, #tpu.memory_space<vmem>> -> memref<8x128xf32, #tpu.memory_space<vmem>>
        %dma_wait3A_430 = arith.constant 0 : i32
        %dma_wait3A_431 = tpu.memref_slice %arg15[%add3A_417, %dma_wait3A_430] : memref<10112x128xf32, #tpu.memory_space<vmem_shared>> -> memref<8x128xf32, #tpu.memory_space<vmem_shared>>
        %dma_wait3A_432 = arith.constant 0 : i32
        %dma_wait3A_433 = tpu.memref_slice %arg15[%add3A_417, %dma_wait3A_432] : memref<10112x128xf32, #tpu.memory_space<vmem_shared>> -> memref<8x128xf32, #tpu.memory_space<vmem_shared>>
        %dma_wait3A_434 = arith.constant 0 : i32
        %dma_wait3A_435 = arith.constant 0 : i32
        %dma_wait3A_436 = tpu.memref_slice %arg13[%dma_wait3A_434, %dma_wait3A_435] : memref<80x128xf32, #tpu.memory_space<vmem>> -> memref<8x128xf32, #tpu.memory_space<vmem>>
        tpu.wait_dma2 semaphore(%run_scoped3A : memref<!tpu.dma_semaphore, #tpu.memory_space<semaphore_mem>>) src(%dma_wait3A_436 : memref<8x128xf32, #tpu.memory_space<vmem>>) dst(%dma_wait3A_433 : memref<8x128xf32, #tpu.memory_space<vmem_shared>>)
        tpu.yield
      }) : () -> ()
    }
    %scan3A_389 = arith.constant 79 : i32
    %barrier3A = arith.constant 0 : index
    tpu.barrier barrier_id(%barrier3A)
    %mul3A_390 = arith.constant 125 : i32
    %mul3A_391 = arith.muli %add3A, %mul3A_390 : i32
    %mul3A_392 = arith.constant 80 : i32
    %mul3A_393 = arith.muli %mul3A_391, %mul3A_392 : i32
    %add3A_394 = arith.constant 0 : i32
    %add3A_395 = arith.addi %mul3A_393, %add3A_394 : i32
    "tpu.region"() ({
      %run_scoped3A = tpu.sem_alloc : memref<!tpu.dma_semaphore, #tpu.memory_space<semaphore_mem>>
      %dma_start3A_412 = tpu.memref_slice %arg3[%add3A_395] : memref<320000xi32, #tpu.memory_space<hbm>> -> memref<80xi32, #tpu.memory_space<hbm>>
      %dma_start3A_413 = tpu.memref_slice %arg3[%add3A_395] : memref<320000xi32, #tpu.memory_space<hbm>> -> memref<80xi32, #tpu.memory_space<hbm>>
      tpu.enqueue_dma source(%dma_start3A_413 : memref<80xi32, #tpu.memory_space<hbm>>) target(%arg7 : memref<80xi32, #tpu.memory_space<vmem>>) target_semaphore(%run_scoped3A : memref<!tpu.dma_semaphore, #tpu.memory_space<semaphore_mem>>)
      %dma_wait3A = tpu.memref_slice %arg3[%add3A_395] : memref<320000xi32, #tpu.memory_space<hbm>> -> memref<80xi32, #tpu.memory_space<hbm>>
      %dma_wait3A_414 = tpu.memref_slice %arg3[%add3A_395] : memref<320000xi32, #tpu.memory_space<hbm>> -> memref<80xi32, #tpu.memory_space<hbm>>
      tpu.wait_dma2 semaphore(%run_scoped3A : memref<!tpu.dma_semaphore, #tpu.memory_space<semaphore_mem>>) src(%dma_wait3A_414 : memref<80xi32, #tpu.memory_space<hbm>>) dst(%arg7 : memref<80xi32, #tpu.memory_space<vmem>>)
      tpu.yield
    }) : () -> ()
    "tpu.region"() ({
      %run_scoped3A = tpu.sem_alloc : memref<!tpu.dma_semaphore, #tpu.memory_space<semaphore_mem>>
      %dma_start3A_412 = tpu.memref_slice %arg4[%add3A_395] : memref<320000xi32, #tpu.memory_space<hbm>> -> memref<80xi32, #tpu.memory_space<hbm>>
      %dma_start3A_413 = tpu.memref_slice %arg4[%add3A_395] : memref<320000xi32, #tpu.memory_space<hbm>> -> memref<80xi32, #tpu.memory_space<hbm>>
      tpu.enqueue_dma source(%dma_start3A_413 : memref<80xi32, #tpu.memory_space<hbm>>) target(%arg9 : memref<80xi32, #tpu.memory_space<vmem>>) target_semaphore(%run_scoped3A : memref<!tpu.dma_semaphore, #tpu.memory_space<semaphore_mem>>)
      %dma_wait3A = tpu.memref_slice %arg4[%add3A_395] : memref<320000xi32, #tpu.memory_space<hbm>> -> memref<80xi32, #tpu.memory_space<hbm>>
      %dma_wait3A_414 = tpu.memref_slice %arg4[%add3A_395] : memref<320000xi32, #tpu.memory_space<hbm>> -> memref<80xi32, #tpu.memory_space<hbm>>
      tpu.wait_dma2 semaphore(%run_scoped3A : memref<!tpu.dma_semaphore, #tpu.memory_space<semaphore_mem>>) src(%dma_wait3A_414 : memref<80xi32, #tpu.memory_space<hbm>>) dst(%arg9 : memref<80xi32, #tpu.memory_space<vmem>>)
      tpu.yield
    }) : () -> ()
    "tpu.region"() ({
      %run_scoped3A = tpu.sem_alloc : memref<!tpu.dma_semaphore, #tpu.memory_space<semaphore_mem>>
      %dma_start3A_412 = tpu.memref_slice %arg5[%add3A_395] : memref<320000xf32, #tpu.memory_space<hbm>> -> memref<80xf32, #tpu.memory_space<hbm>>
      %dma_start3A_413 = tpu.memref_slice %arg5[%add3A_395] : memref<320000xf32, #tpu.memory_space<hbm>> -> memref<80xf32, #tpu.memory_space<hbm>>
      tpu.enqueue_dma source(%dma_start3A_413 : memref<80xf32, #tpu.memory_space<hbm>>) target(%arg11 : memref<80xf32, #tpu.memory_space<vmem>>) target_semaphore(%run_scoped3A : memref<!tpu.dma_semaphore, #tpu.memory_space<semaphore_mem>>)
      %dma_wait3A = tpu.memref_slice %arg5[%add3A_395] : memref<320000xf32, #tpu.memory_space<hbm>> -> memref<80xf32, #tpu.memory_space<hbm>>
      %dma_wait3A_414 = tpu.memref_slice %arg5[%add3A_395] : memref<320000xf32, #tpu.memory_space<hbm>> -> memref<80xf32, #tpu.memory_space<hbm>>
      tpu.wait_dma2 semaphore(%run_scoped3A : memref<!tpu.dma_semaphore, #tpu.memory_space<semaphore_mem>>) src(%dma_wait3A_414 : memref<80xf32, #tpu.memory_space<hbm>>) dst(%arg11 : memref<80xf32, #tpu.memory_space<vmem>>)
      tpu.yield
    }) : () -> ()
    %dma_start3A = arith.constant 0 : i32
    %dma_start3A_396 = arith.constant 0 : i32
    %dma_start3A_397 = tpu.memref_slice %arg2[%dma_start3A, %dma_start3A_396] : memref<10000x128xf32, #tpu.memory_space<hbm>> -> memref<10000x128xf32, #tpu.memory_space<hbm>>
    tpu.enqueue_indirect_dma source(%dma_start3A_397 : memref<10000x128xf32, #tpu.memory_space<hbm>>) target(%arg13 : memref<80x128xf32, #tpu.memory_space<vmem>>) offsets(%arg7 : memref<80xi32, #tpu.memory_space<vmem>>) semaphore(%arg16 : memref<!tpu.dma_semaphore, #tpu.memory_space<semaphore_mem>>)
    %add3A_398 = arith.constant 80 : i32
    %add3A_399 = arith.addi %mul3A_393, %add3A_398 : i32
    "tpu.region"() ({
      %run_scoped3A = tpu.sem_alloc : memref<!tpu.dma_semaphore, #tpu.memory_space<semaphore_mem>>
      %dma_start3A_412 = tpu.memref_slice %arg3[%add3A_399] : memref<320000xi32, #tpu.memory_space<hbm>> -> memref<80xi32, #tpu.memory_space<hbm>>
      %dma_start3A_413 = tpu.memref_slice %arg3[%add3A_399] : memref<320000xi32, #tpu.memory_space<hbm>> -> memref<80xi32, #tpu.memory_space<hbm>>
      tpu.enqueue_dma source(%dma_start3A_413 : memref<80xi32, #tpu.memory_space<hbm>>) target(%arg8 : memref<80xi32, #tpu.memory_space<vmem>>) target_semaphore(%run_scoped3A : memref<!tpu.dma_semaphore, #tpu.memory_space<semaphore_mem>>)
      %dma_wait3A = tpu.memref_slice %arg3[%add3A_399] : memref<320000xi32, #tpu.memory_space<hbm>> -> memref<80xi32, #tpu.memory_space<hbm>>
      %dma_wait3A_414 = tpu.memref_slice %arg3[%add3A_399] : memref<320000xi32, #tpu.memory_space<hbm>> -> memref<80xi32, #tpu.memory_space<hbm>>
      tpu.wait_dma2 semaphore(%run_scoped3A : memref<!tpu.dma_semaphore, #tpu.memory_space<semaphore_mem>>) src(%dma_wait3A_414 : memref<80xi32, #tpu.memory_space<hbm>>) dst(%arg8 : memref<80xi32, #tpu.memory_space<vmem>>)
      tpu.yield
    }) : () -> ()
    "tpu.region"() ({
      %run_scoped3A = tpu.sem_alloc : memref<!tpu.dma_semaphore, #tpu.memory_space<semaphore_mem>>
      %dma_start3A_412 = tpu.memref_slice %arg4[%add3A_399] : memref<320000xi32, #tpu.memory_space<hbm>> -> memref<80xi32, #tpu.memory_space<hbm>>
      %dma_start3A_413 = tpu.memref_slice %arg4[%add3A_399] : memref<320000xi32, #tpu.memory_space<hbm>> -> memref<80xi32, #tpu.memory_space<hbm>>
      tpu.enqueue_dma source(%dma_start3A_413 : memref<80xi32, #tpu.memory_space<hbm>>) target(%arg10 : memref<80xi32, #tpu.memory_space<vmem>>) target_semaphore(%run_scoped3A : memref<!tpu.dma_semaphore, #tpu.memory_space<semaphore_mem>>)
      %dma_wait3A = tpu.memref_slice %arg4[%add3A_399] : memref<320000xi32, #tpu.memory_space<hbm>> -> memref<80xi32, #tpu.memory_space<hbm>>
      %dma_wait3A_414 = tpu.memref_slice %arg4[%add3A_399] : memref<320000xi32, #tpu.memory_space<hbm>> -> memref<80xi32, #tpu.memory_space<hbm>>
      tpu.wait_dma2 semaphore(%run_scoped3A : memref<!tpu.dma_semaphore, #tpu.memory_space<semaphore_mem>>) src(%dma_wait3A_414 : memref<80xi32, #tpu.memory_space<hbm>>) dst(%arg10 : memref<80xi32, #tpu.memory_space<vmem>>)
      tpu.yield
    }) : () -> ()
    "tpu.region"() ({
      %run_scoped3A = tpu.sem_alloc : memref<!tpu.dma_semaphore, #tpu.memory_space<semaphore_mem>>
      %dma_start3A_412 = tpu.memref_slice %arg5[%add3A_399] : memref<320000xf32, #tpu.memory_space<hbm>> -> memref<80xf32, #tpu.memory_space<hbm>>
      %dma_start3A_413 = tpu.memref_slice %arg5[%add3A_399] : memref<320000xf32, #tpu.memory_space<hbm>> -> memref<80xf32, #tpu.memory_space<hbm>>
      tpu.enqueue_dma source(%dma_start3A_413 : memref<80xf32, #tpu.memory_space<hbm>>) target(%arg12 : memref<80xf32, #tpu.memory_space<vmem>>) target_semaphore(%run_scoped3A : memref<!tpu.dma_semaphore, #tpu.memory_space<semaphore_mem>>)
      %dma_wait3A = tpu.memref_slice %arg5[%add3A_399] : memref<320000xf32, #tpu.memory_space<hbm>> -> memref<80xf32, #tpu.memory_space<hbm>>
      %dma_wait3A_414 = tpu.memref_slice %arg5[%add3A_399] : memref<320000xf32, #tpu.memory_space<hbm>> -> memref<80xf32, #tpu.memory_space<hbm>>
      tpu.wait_dma2 semaphore(%run_scoped3A : memref<!tpu.dma_semaphore, #tpu.memory_space<semaphore_mem>>) src(%dma_wait3A_414 : memref<80xf32, #tpu.memory_space<hbm>>) dst(%arg12 : memref<80xf32, #tpu.memory_space<vmem>>)
      tpu.yield
    }) : () -> ()
    %dma_start3A_400 = arith.constant 0 : i32
    %dma_start3A_401 = arith.constant 0 : i32
    %dma_start3A_402 = tpu.memref_slice %arg2[%dma_start3A_400, %dma_start3A_401] : memref<10000x128xf32, #tpu.memory_space<hbm>> -> memref<10000x128xf32, #tpu.memory_space<hbm>>
    tpu.enqueue_indirect_dma source(%dma_start3A_402 : memref<10000x128xf32, #tpu.memory_space<hbm>>) target(%arg14 : memref<80x128xf32, #tpu.memory_space<vmem>>) offsets(%arg8 : memref<80xi32, #tpu.memory_space<vmem>>) semaphore(%arg17 : memref<!tpu.dma_semaphore, #tpu.memory_space<semaphore_mem>>)
    %scan3A_403 = arith.constant 0 : i32
    %scan3A_404 = arith.constant 0 : i32
    %scan3A_405 = arith.constant 125 : i32
    %scan3A_406 = arith.addi %scan3A_404, %scan3A_405 : i32
    %scan3A_407 = arith.constant 1 : i32
    scf.for %scan3A_412 = %scan3A_404 to %scan3A_406 step %scan3A_407  : i32 {
      %jit3A = arith.constant 2 : i32
      %eq3A = arith.constant 0 : i32
      %eq3A_413 = arith.cmpi eq, %jit3A, %eq3A : i32
      %jit3A_414 = arith.constant 1 : i32
      %select_n3A = arith.select %eq3A_413, %jit3A_414, %jit3A : i32
      %rem3A = arith.remsi %scan3A_412, %select_n3A : i32
      %ne3A = arith.constant 0 : i32
      %ne3A_415 = arith.cmpi ne, %rem3A, %ne3A : i32
      %lt3A = arith.constant 0 : i32
      %lt3A_416 = arith.cmpi slt, %rem3A, %lt3A : i32
      %lt3A_417 = arith.constant 0 : i32
      %lt3A_418 = arith.cmpi slt, %select_n3A, %lt3A_417 : i32
      %ne3A_419 = arith.xori %lt3A_416, %lt3A_418 : i1
      %and3A = arith.andi %ne3A_419, %ne3A_415 : i1
      %add3A_420 = arith.addi %rem3A, %select_n3A : i32
      %select_n3A_421 = arith.select %and3A, %add3A_420, %rem3A : i32
      %eq3A_422 = arith.constant 0 : i32
      %eq3A_423 = arith.cmpi eq, %select_n3A_421, %eq3A_422 : i32
      %convert_element_type3A = arith.extui %eq3A_423 : i1 to i32
      %cond3A = arith.constant 0 : i32
      %cond3A_424 = arith.cmpi ne, %convert_element_type3A, %cond3A : i32
      scf.if %cond3A_424 {
        %dma_wait3A = arith.constant 0 : i32
        %dma_wait3A_446 = arith.constant 0 : i32
        %dma_wait3A_447 = tpu.memref_slice %arg2[%dma_wait3A, %dma_wait3A_446] : memref<10000x128xf32, #tpu.memory_space<hbm>> -> memref<80x128xf32, #tpu.memory_space<hbm>>
        %dma_wait3A_448 = arith.constant 0 : i32
        %dma_wait3A_449 = arith.constant 0 : i32
        %dma_wait3A_450 = tpu.memref_slice %arg2[%dma_wait3A_448, %dma_wait3A_449] : memref<10000x128xf32, #tpu.memory_space<hbm>> -> memref<80x128xf32, #tpu.memory_space<hbm>>
        tpu.wait_dma2 semaphore(%arg16 : memref<!tpu.dma_semaphore, #tpu.memory_space<semaphore_mem>>) src(%dma_wait3A_450 : memref<80x128xf32, #tpu.memory_space<hbm>>) dst(%arg13 : memref<80x128xf32, #tpu.memory_space<vmem>>)
        %scan3A_451 = arith.constant 0 : i32
        %scan3A_452 = arith.constant 0 : i32
        %scan3A_453 = arith.constant 5 : i32
        %scan3A_454 = arith.addi %scan3A_452, %scan3A_453 : i32
        %scan3A_455 = arith.constant 1 : i32
        scf.for %scan3A_464 = %scan3A_452 to %scan3A_454 step %scan3A_455  : i32 {
          %mul3A_465 = arith.constant 16 : i32
          %mul3A_466 = arith.muli %scan3A_464, %mul3A_465 : i32
          %get3A = arith.index_cast %mul3A_466 : i32 to index
          %get3A_467 = tpu.vector_load %arg11[%get3A] {strides = array<i32>} : memref<80xf32, #tpu.memory_space<vmem>>, vector<16xf32>,
          %get3A_468 = vector.shape_cast %get3A_467 : vector<16xf32> to vector<16xf32>
          %slice3A = vector.extract_strided_slice %get3A_468 {offsets = [0], sizes = [1], strides = [1]} : vector<16xf32> to vector<1xf32>
          %squeeze3A = vector.extract %slice3A[0] : f32 from vector<1xf32>
          %broadcast_in_dim3A_469 = vector.broadcast %squeeze3A : f32 to vector<16xf32>
          %mul3A_470 = arith.constant 16 : i32
          %mul3A_471 = arith.muli %scan3A_464, %mul3A_470 : i32
          %add3A_472 = arith.constant 0 : i32
          %add3A_473 = arith.addi %mul3A_471, %add3A_472 : i32
          %get3A_474 = arith.index_cast %add3A_473 : i32 to index
          %get3A_475 = arith.constant 0 : index
          %get3A_476 = tpu.vector_load %arg13[%get3A_474, %get3A_475] {strides = array<i32>} : memref<80x128xf32, #tpu.memory_space<vmem>>, vector<1x16xf32>,
          %get3A_477 = vector.shape_cast %get3A_476 : vector<1x16xf32> to vector<16xf32>
          %mul3A_478 = arith.mulf %get3A_477, %broadcast_in_dim3A_469 : vector<16xf32>
          %swap3A_479 = arith.index_cast %add3A_473 : i32 to index
          %swap3A_480 = arith.constant 0 : index
          %swap3A_481 = tpu.vector_load %arg13[%swap3A_479, %swap3A_480] {strides = array<i32>} : memref<80x128xf32, #tpu.memory_space<vmem>>, vector<1x16xf32>,
          %swap3A_482 = vector.shape_cast %swap3A_481 : vector<1x16xf32> to vector<16xf32>
          %swap3A_483 = vector.shape_cast %mul3A_478 : vector<16xf32> to vector<1x16xf32>
          tpu.vector_store %arg13[%swap3A_479, %swap3A_480], %swap3A_483 {strides = array<i32>} : memref<80x128xf32, #tpu.memory_space<vmem>>, vector<1x16xf32>,
          %get3A_484 = arith.index_cast %add3A_473 : i32 to index
          %get3A_485 = arith.constant 16 : index
          %get3A_486 = tpu.vector_load %arg13[%get3A_484, %get3A_485] {strides = array<i32>} : memref<80x128xf32, #tpu.memory_space<vmem>>, vector<1x16xf32>,
          %get3A_487 = vector.shape_cast %get3A_486 : vector<1x16xf32> to vector<16xf32>
          %mul3A_488 = arith.mulf %get3A_487, %broadcast_in_dim3A_469 : vector<16xf32>
          %swap3A_489 = arith.index_cast %add3A_473 : i32 to index
          %swap3A_490 = arith.constant 16 : index
          %swap3A_491 = tpu.vector_load %arg13[%swap3A_489, %swap3A_490] {strides = array<i32>} : memref<80x128xf32, #tpu.memory_space<vmem>>, vector<1x16xf32>,
          %swap3A_492 = vector.shape_cast %swap3A_491 : vector<1x16xf32> to vector<16xf32>
          %swap3A_493 = vector.shape_cast %mul3A_488 : vector<16xf32> to vector<1x16xf32>
          tpu.vector_store %arg13[%swap3A_489, %swap3A_490], %swap3A_493 {strides = array<i32>} : memref<80x128xf32, #tpu.memory_space<vmem>>, vector<1x16xf32>,
          %get3A_494 = arith.index_cast %add3A_473 : i32 to index
          %get3A_495 = arith.constant 32 : index
          %get3A_496 = tpu.vector_load %arg13[%get3A_494, %get3A_495] {strides = array<i32>} : memref<80x128xf32, #tpu.memory_space<vmem>>, vector<1x16xf32>,
          %get3A_497 = vector.shape_cast %get3A_496 : vector<1x16xf32> to vector<16xf32>
          %mul3A_498 = arith.mulf %get3A_497, %broadcast_in_dim3A_469 : vector<16xf32>
          %swap3A_499 = arith.index_cast %add3A_473 : i32 to index
          %swap3A_500 = arith.constant 32 : index
          %swap3A_501 = tpu.vector_load %arg13[%swap3A_499, %swap3A_500] {strides = array<i32>} : memref<80x128xf32, #tpu.memory_space<vmem>>, vector<1x16xf32>,
          %swap3A_502 = vector.shape_cast %swap3A_501 : vector<1x16xf32> to vector<16xf32>
          %swap3A_503 = vector.shape_cast %mul3A_498 : vector<16xf32> to vector<1x16xf32>
          tpu.vector_store %arg13[%swap3A_499, %swap3A_500], %swap3A_503 {strides = array<i32>} : memref<80x128xf32, #tpu.memory_space<vmem>>, vector<1x16xf32>,
          %get3A_504 = arith.index_cast %add3A_473 : i32 to index
          %get3A_505 = arith.constant 48 : index
          %get3A_506 = tpu.vector_load %arg13[%get3A_504, %get3A_505] {strides = array<i32>} : memref<80x128xf32, #tpu.memory_space<vmem>>, vector<1x16xf32>,
          %get3A_507 = vector.shape_cast %get3A_506 : vector<1x16xf32> to vector<16xf32>
          %mul3A_508 = arith.mulf %get3A_507, %broadcast_in_dim3A_469 : vector<16xf32>
          %swap3A_509 = arith.index_cast %add3A_473 : i32 to index
          %swap3A_510 = arith.constant 48 : index
          %swap3A_511 = tpu.vector_load %arg13[%swap3A_509, %swap3A_510] {strides = array<i32>} : memref<80x128xf32, #tpu.memory_space<vmem>>, vector<1x16xf32>,
          %swap3A_512 = vector.shape_cast %swap3A_511 : vector<1x16xf32> to vector<16xf32>
          %swap3A_513 = vector.shape_cast %mul3A_508 : vector<16xf32> to vector<1x16xf32>
          tpu.vector_store %arg13[%swap3A_509, %swap3A_510], %swap3A_513 {strides = array<i32>} : memref<80x128xf32, #tpu.memory_space<vmem>>, vector<1x16xf32>,
          %get3A_514 = arith.index_cast %add3A_473 : i32 to index
          %get3A_515 = arith.constant 64 : index
          %get3A_516 = tpu.vector_load %arg13[%get3A_514, %get3A_515] {strides = array<i32>} : memref<80x128xf32, #tpu.memory_space<vmem>>, vector<1x16xf32>,
          %get3A_517 = vector.shape_cast %get3A_516 : vector<1x16xf32> to vector<16xf32>
          %mul3A_518 = arith.mulf %get3A_517, %broadcast_in_dim3A_469 : vector<16xf32>
          %swap3A_519 = arith.index_cast %add3A_473 : i32 to index
          %swap3A_520 = arith.constant 64 : index
          %swap3A_521 = tpu.vector_load %arg13[%swap3A_519, %swap3A_520] {strides = array<i32>} : memref<80x128xf32, #tpu.memory_space<vmem>>, vector<1x16xf32>,
          %swap3A_522 = vector.shape_cast %swap3A_521 : vector<1x16xf32> to vector<16xf32>
          %swap3A_523 = vector.shape_cast %mul3A_518 : vector<16xf32> to vector<1x16xf32>
          tpu.vector_store %arg13[%swap3A_519, %swap3A_520], %swap3A_523 {strides = array<i32>} : memref<80x128xf32, #tpu.memory_space<vmem>>, vector<1x16xf32>,
          %get3A_524 = arith.index_cast %add3A_473 : i32 to index
          %get3A_525 = arith.constant 80 : index
          %get3A_526 = tpu.vector_load %arg13[%get3A_524, %get3A_525] {strides = array<i32>} : memref<80x128xf32, #tpu.memory_space<vmem>>, vector<1x16xf32>,
          %get3A_527 = vector.shape_cast %get3A_526 : vector<1x16xf32> to vector<16xf32>
          %mul3A_528 = arith.mulf %get3A_527, %broadcast_in_dim3A_469 : vector<16xf32>
          %swap3A_529 = arith.index_cast %add3A_473 : i32 to index
          %swap3A_530 = arith.constant 80 : index
          %swap3A_531 = tpu.vector_load %arg13[%swap3A_529, %swap3A_530] {strides = array<i32>} : memref<80x128xf32, #tpu.memory_space<vmem>>, vector<1x16xf32>,
          %swap3A_532 = vector.shape_cast %swap3A_531 : vector<1x16xf32> to vector<16xf32>
          %swap3A_533 = vector.shape_cast %mul3A_528 : vector<16xf32> to vector<1x16xf32>
          tpu.vector_store %arg13[%swap3A_529, %swap3A_530], %swap3A_533 {strides = array<i32>} : memref<80x128xf32, #tpu.memory_space<vmem>>, vector<1x16xf32>,
          %get3A_534 = arith.index_cast %add3A_473 : i32 to index
          %get3A_535 = arith.constant 96 : index
          %get3A_536 = tpu.vector_load %arg13[%get3A_534, %get3A_535] {strides = array<i32>} : memref<80x128xf32, #tpu.memory_space<vmem>>, vector<1x16xf32>,
          %get3A_537 = vector.shape_cast %get3A_536 : vector<1x16xf32> to vector<16xf32>
          %mul3A_538 = arith.mulf %get3A_537, %broadcast_in_dim3A_469 : vector<16xf32>
          %swap3A_539 = arith.index_cast %add3A_473 : i32 to index
          %swap3A_540 = arith.constant 96 : index
          %swap3A_541 = tpu.vector_load %arg13[%swap3A_539, %swap3A_540] {strides = array<i32>} : memref<80x128xf32, #tpu.memory_space<vmem>>, vector<1x16xf32>,
          %swap3A_542 = vector.shape_cast %swap3A_541 : vector<1x16xf32> to vector<16xf32>
          %swap3A_543 = vector.shape_cast %mul3A_538 : vector<16xf32> to vector<1x16xf32>
          tpu.vector_store %arg13[%swap3A_539, %swap3A_540], %swap3A_543 {strides = array<i32>} : memref<80x128xf32, #tpu.memory_space<vmem>>, vector<1x16xf32>,
          %get3A_544 = arith.index_cast %add3A_473 : i32 to index
          %get3A_545 = arith.constant 112 : index
          %get3A_546 = tpu.vector_load %arg13[%get3A_544, %get3A_545] {strides = array<i32>} : memref<80x128xf32, #tpu.memory_space<vmem>>, vector<1x16xf32>,
          %get3A_547 = vector.shape_cast %get3A_546 : vector<1x16xf32> to vector<16xf32>
          %mul3A_548 = arith.mulf %get3A_547, %broadcast_in_dim3A_469 : vector<16xf32>
          %swap3A_549 = arith.index_cast %add3A_473 : i32 to index
          %swap3A_550 = arith.constant 112 : index
          %swap3A_551 = tpu.vector_load %arg13[%swap3A_549, %swap3A_550] {strides = array<i32>} : memref<80x128xf32, #tpu.memory_space<vmem>>, vector<1x16xf32>,
          %swap3A_552 = vector.shape_cast %swap3A_551 : vector<1x16xf32> to vector<16xf32>
          %swap3A_553 = vector.shape_cast %mul3A_548 : vector<16xf32> to vector<1x16xf32>
          tpu.vector_store %arg13[%swap3A_549, %swap3A_550], %swap3A_553 {strides = array<i32>} : memref<80x128xf32, #tpu.memory_space<vmem>>, vector<1x16xf32>,
          %slice3A_554 = vector.extract_strided_slice %get3A_468 {offsets = [1], sizes = [1], strides = [1]} : vector<16xf32> to vector<1xf32>
          %squeeze3A_555 = vector.extract %slice3A_554[0] : f32 from vector<1xf32>
          %broadcast_in_dim3A_556 = vector.broadcast %squeeze3A_555 : f32 to vector<16xf32>
          %mul3A_557 = arith.constant 16 : i32
          %mul3A_558 = arith.muli %scan3A_464, %mul3A_557 : i32
          %add3A_559 = arith.constant 1 : i32
          %add3A_560 = arith.addi %mul3A_558, %add3A_559 : i32
          %get3A_561 = arith.index_cast %add3A_560 : i32 to index
          %get3A_562 = arith.constant 0 : index
          %get3A_563 = tpu.vector_load %arg13[%get3A_561, %get3A_562] {strides = array<i32>} : memref<80x128xf32, #tpu.memory_space<vmem>>, vector<1x16xf32>,
          %get3A_564 = vector.shape_cast %get3A_563 : vector<1x16xf32> to vector<16xf32>
          %mul3A_565 = arith.mulf %get3A_564, %broadcast_in_dim3A_556 : vector<16xf32>
          %swap3A_566 = arith.index_cast %add3A_560 : i32 to index
          %swap3A_567 = arith.constant 0 : index
          %swap3A_568 = tpu.vector_load %arg13[%swap3A_566, %swap3A_567] {strides = array<i32>} : memref<80x128xf32, #tpu.memory_space<vmem>>, vector<1x16xf32>,
          %swap3A_569 = vector.shape_cast %swap3A_568 : vector<1x16xf32> to vector<16xf32>
          %swap3A_570 = vector.shape_cast %mul3A_565 : vector<16xf32> to vector<1x16xf32>
          tpu.vector_store %arg13[%swap3A_566, %swap3A_567], %swap3A_570 {strides = array<i32>} : memref<80x128xf32, #tpu.memory_space<vmem>>, vector<1x16xf32>,
          %get3A_571 = arith.index_cast %add3A_560 : i32 to index
          %get3A_572 = arith.constant 16 : index
          %get3A_573 = tpu.vector_load %arg13[%get3A_571, %get3A_572] {strides = array<i32>} : memref<80x128xf32, #tpu.memory_space<vmem>>, vector<1x16xf32>,
          %get3A_574 = vector.shape_cast %get3A_573 : vector<1x16xf32> to vector<16xf32>
          %mul3A_575 = arith.mulf %get3A_574, %broadcast_in_dim3A_556 : vector<16xf32>
          %swap3A_576 = arith.index_cast %add3A_560 : i32 to index
          %swap3A_577 = arith.constant 16 : index
          %swap3A_578 = tpu.vector_load %arg13[%swap3A_576, %swap3A_577] {strides = array<i32>} : memref<80x128xf32, #tpu.memory_space<vmem>>, vector<1x16xf32>,
          %swap3A_579 = vector.shape_cast %swap3A_578 : vector<1x16xf32> to vector<16xf32>
          %swap3A_580 = vector.shape_cast %mul3A_575 : vector<16xf32> to vector<1x16xf32>
          tpu.vector_store %arg13[%swap3A_576, %swap3A_577], %swap3A_580 {strides = array<i32>} : memref<80x128xf32, #tpu.memory_space<vmem>>, vector<1x16xf32>,
          %get3A_581 = arith.index_cast %add3A_560 : i32 to index
          %get3A_582 = arith.constant 32 : index
          %get3A_583 = tpu.vector_load %arg13[%get3A_581, %get3A_582] {strides = array<i32>} : memref<80x128xf32, #tpu.memory_space<vmem>>, vector<1x16xf32>,
          %get3A_584 = vector.shape_cast %get3A_583 : vector<1x16xf32> to vector<16xf32>
          %mul3A_585 = arith.mulf %get3A_584, %broadcast_in_dim3A_556 : vector<16xf32>
          %swap3A_586 = arith.index_cast %add3A_560 : i32 to index
          %swap3A_587 = arith.constant 32 : index
          %swap3A_588 = tpu.vector_load %arg13[%swap3A_586, %swap3A_587] {strides = array<i32>} : memref<80x128xf32, #tpu.memory_space<vmem>>, vector<1x16xf32>,
          %swap3A_589 = vector.shape_cast %swap3A_588 : vector<1x16xf32> to vector<16xf32>
          %swap3A_590 = vector.shape_cast %mul3A_585 : vector<16xf32> to vector<1x16xf32>
          tpu.vector_store %arg13[%swap3A_586, %swap3A_587], %swap3A_590 {strides = array<i32>} : memref<80x128xf32, #tpu.memory_space<vmem>>, vector<1x16xf32>,
          %get3A_591 = arith.index_cast %add3A_560 : i32 to index
          %get3A_592 = arith.constant 48 : index
          %get3A_593 = tpu.vector_load %arg13[%get3A_591, %get3A_592] {strides = array<i32>} : memref<80x128xf32, #tpu.memory_space<vmem>>, vector<1x16xf32>,
          %get3A_594 = vector.shape_cast %get3A_593 : vector<1x16xf32> to vector<16xf32>
          %mul3A_595 = arith.mulf %get3A_594, %broadcast_in_dim3A_556 : vector<16xf32>
          %swap3A_596 = arith.index_cast %add3A_560 : i32 to index
          %swap3A_597 = arith.constant 48 : index
          %swap3A_598 = tpu.vector_load %arg13[%swap3A_596, %swap3A_597] {strides = array<i32>} : memref<80x128xf32, #tpu.memory_space<vmem>>, vector<1x16xf32>,
          %swap3A_599 = vector.shape_cast %swap3A_598 : vector<1x16xf32> to vector<16xf32>
          %swap3A_600 = vector.shape_cast %mul3A_595 : vector<16xf32> to vector<1x16xf32>
          tpu.vector_store %arg13[%swap3A_596, %swap3A_597], %swap3A_600 {strides = array<i32>} : memref<80x128xf32, #tpu.memory_space<vmem>>, vector<1x16xf32>,
          %get3A_601 = arith.index_cast %add3A_560 : i32 to index
          %get3A_602 = arith.constant 64 : index
          %get3A_603 = tpu.vector_load %arg13[%get3A_601, %get3A_602] {strides = array<i32>} : memref<80x128xf32, #tpu.memory_space<vmem>>, vector<1x16xf32>,
          %get3A_604 = vector.shape_cast %get3A_603 : vector<1x16xf32> to vector<16xf32>
          %mul3A_605 = arith.mulf %get3A_604, %broadcast_in_dim3A_556 : vector<16xf32>
          %swap3A_606 = arith.index_cast %add3A_560 : i32 to index
          %swap3A_607 = arith.constant 64 : index
          %swap3A_608 = tpu.vector_load %arg13[%swap3A_606, %swap3A_607] {strides = array<i32>} : memref<80x128xf32, #tpu.memory_space<vmem>>, vector<1x16xf32>,
          %swap3A_609 = vector.shape_cast %swap3A_608 : vector<1x16xf32> to vector<16xf32>
          %swap3A_610 = vector.shape_cast %mul3A_605 : vector<16xf32> to vector<1x16xf32>
          tpu.vector_store %arg13[%swap3A_606, %swap3A_607], %swap3A_610 {strides = array<i32>} : memref<80x128xf32, #tpu.memory_space<vmem>>, vector<1x16xf32>,
          %get3A_611 = arith.index_cast %add3A_560 : i32 to index
          %get3A_612 = arith.constant 80 : index
          %get3A_613 = tpu.vector_load %arg13[%get3A_611, %get3A_612] {strides = array<i32>} : memref<80x128xf32, #tpu.memory_space<vmem>>, vector<1x16xf32>,
          %get3A_614 = vector.shape_cast %get3A_613 : vector<1x16xf32> to vector<16xf32>
          %mul3A_615 = arith.mulf %get3A_614, %broadcast_in_dim3A_556 : vector<16xf32>
          %swap3A_616 = arith.index_cast %add3A_560 : i32 to index
          %swap3A_617 = arith.constant 80 : index
          %swap3A_618 = tpu.vector_load %arg13[%swap3A_616, %swap3A_617] {strides = array<i32>} : memref<80x128xf32, #tpu.memory_space<vmem>>, vector<1x16xf32>,
          %swap3A_619 = vector.shape_cast %swap3A_618 : vector<1x16xf32> to vector<16xf32>
          %swap3A_620 = vector.shape_cast %mul3A_615 : vector<16xf32> to vector<1x16xf32>
          tpu.vector_store %arg13[%swap3A_616, %swap3A_617], %swap3A_620 {strides = array<i32>} : memref<80x128xf32, #tpu.memory_space<vmem>>, vector<1x16xf32>,
          %get3A_621 = arith.index_cast %add3A_560 : i32 to index
          %get3A_622 = arith.constant 96 : index
          %get3A_623 = tpu.vector_load %arg13[%get3A_621, %get3A_622] {strides = array<i32>} : memref<80x128xf32, #tpu.memory_space<vmem>>, vector<1x16xf32>,
          %get3A_624 = vector.shape_cast %get3A_623 : vector<1x16xf32> to vector<16xf32>
          %mul3A_625 = arith.mulf %get3A_624, %broadcast_in_dim3A_556 : vector<16xf32>
          %swap3A_626 = arith.index_cast %add3A_560 : i32 to index
          %swap3A_627 = arith.constant 96 : index
          %swap3A_628 = tpu.vector_load %arg13[%swap3A_626, %swap3A_627] {strides = array<i32>} : memref<80x128xf32, #tpu.memory_space<vmem>>, vector<1x16xf32>,
          %swap3A_629 = vector.shape_cast %swap3A_628 : vector<1x16xf32> to vector<16xf32>
          %swap3A_630 = vector.shape_cast %mul3A_625 : vector<16xf32> to vector<1x16xf32>
          tpu.vector_store %arg13[%swap3A_626, %swap3A_627], %swap3A_630 {strides = array<i32>} : memref<80x128xf32, #tpu.memory_space<vmem>>, vector<1x16xf32>,
          %get3A_631 = arith.index_cast %add3A_560 : i32 to index
          %get3A_632 = arith.constant 112 : index
          %get3A_633 = tpu.vector_load %arg13[%get3A_631, %get3A_632] {strides = array<i32>} : memref<80x128xf32, #tpu.memory_space<vmem>>, vector<1x16xf32>,
          %get3A_634 = vector.shape_cast %get3A_633 : vector<1x16xf32> to vector<16xf32>
          %mul3A_635 = arith.mulf %get3A_634, %broadcast_in_dim3A_556 : vector<16xf32>
          %swap3A_636 = arith.index_cast %add3A_560 : i32 to index
          %swap3A_637 = arith.constant 112 : index
          %swap3A_638 = tpu.vector_load %arg13[%swap3A_636, %swap3A_637] {strides = array<i32>} : memref<80x128xf32, #tpu.memory_space<vmem>>, vector<1x16xf32>,
          %swap3A_639 = vector.shape_cast %swap3A_638 : vector<1x16xf32> to vector<16xf32>
          %swap3A_640 = vector.shape_cast %mul3A_635 : vector<16xf32> to vector<1x16xf32>
          tpu.vector_store %arg13[%swap3A_636, %swap3A_637], %swap3A_640 {strides = array<i32>} : memref<80x128xf32, #tpu.memory_space<vmem>>, vector<1x16xf32>,
          %slice3A_641 = vector.extract_strided_slice %get3A_468 {offsets = [2], sizes = [1], strides = [1]} : vector<16xf32> to vector<1xf32>
          %squeeze3A_642 = vector.extract %slice3A_641[0] : f32 from vector<1xf32>
          %broadcast_in_dim3A_643 = vector.broadcast %squeeze3A_642 : f32 to vector<16xf32>
          %mul3A_644 = arith.constant 16 : i32
          %mul3A_645 = arith.muli %scan3A_464, %mul3A_644 : i32
          %add3A_646 = arith.constant 2 : i32
          %add3A_647 = arith.addi %mul3A_645, %add3A_646 : i32
          %get3A_648 = arith.index_cast %add3A_647 : i32 to index
          %get3A_649 = arith.constant 0 : index
          %get3A_650 = tpu.vector_load %arg13[%get3A_648, %get3A_649] {strides = array<i32>} : memref<80x128xf32, #tpu.memory_space<vmem>>, vector<1x16xf32>,
          %get3A_651 = vector.shape_cast %get3A_650 : vector<1x16xf32> to vector<16xf32>
          %mul3A_652 = arith.mulf %get3A_651, %broadcast_in_dim3A_643 : vector<16xf32>
          %swap3A_653 = arith.index_cast %add3A_647 : i32 to index
          %swap3A_654 = arith.constant 0 : index
          %swap3A_655 = tpu.vector_load %arg13[%swap3A_653, %swap3A_654] {strides = array<i32>} : memref<80x128xf32, #tpu.memory_space<vmem>>, vector<1x16xf32>,
          %swap3A_656 = vector.shape_cast %swap3A_655 : vector<1x16xf32> to vector<16xf32>
          %swap3A_657 = vector.shape_cast %mul3A_652 : vector<16xf32> to vector<1x16xf32>
          tpu.vector_store %arg13[%swap3A_653, %swap3A_654], %swap3A_657 {strides = array<i32>} : memref<80x128xf32, #tpu.memory_space<vmem>>, vector<1x16xf32>,
          %get3A_658 = arith.index_cast %add3A_647 : i32 to index
          %get3A_659 = arith.constant 16 : index
          %get3A_660 = tpu.vector_load %arg13[%get3A_658, %get3A_659] {strides = array<i32>} : memref<80x128xf32, #tpu.memory_space<vmem>>, vector<1x16xf32>,
          %get3A_661 = vector.shape_cast %get3A_660 : vector<1x16xf32> to vector<16xf32>
          %mul3A_662 = arith.mulf %get3A_661, %broadcast_in_dim3A_643 : vector<16xf32>
          %swap3A_663 = arith.index_cast %add3A_647 : i32 to index
          %swap3A_664 = arith.constant 16 : index
          %swap3A_665 = tpu.vector_load %arg13[%swap3A_663, %swap3A_664] {strides = array<i32>} : memref<80x128xf32, #tpu.memory_space<vmem>>, vector<1x16xf32>,
          %swap3A_666 = vector.shape_cast %swap3A_665 : vector<1x16xf32> to vector<16xf32>
          %swap3A_667 = vector.shape_cast %mul3A_662 : vector<16xf32> to vector<1x16xf32>
          tpu.vector_store %arg13[%swap3A_663, %swap3A_664], %swap3A_667 {strides = array<i32>} : memref<80x128xf32, #tpu.memory_space<vmem>>, vector<1x16xf32>,
          %get3A_668 = arith.index_cast %add3A_647 : i32 to index
          %get3A_669 = arith.constant 32 : index
          %get3A_670 = tpu.vector_load %arg13[%get3A_668, %get3A_669] {strides = array<i32>} : memref<80x128xf32, #tpu.memory_space<vmem>>, vector<1x16xf32>,
          %get3A_671 = vector.shape_cast %get3A_670 : vector<1x16xf32> to vector<16xf32>
          %mul3A_672 = arith.mulf %get3A_671, %broadcast_in_dim3A_643 : vector<16xf32>
          %swap3A_673 = arith.index_cast %add3A_647 : i32 to index
          %swap3A_674 = arith.constant 32 : index
          %swap3A_675 = tpu.vector_load %arg13[%swap3A_673, %swap3A_674] {strides = array<i32>} : memref<80x128xf32, #tpu.memory_space<vmem>>, vector<1x16xf32>,
          %swap3A_676 = vector.shape_cast %swap3A_675 : vector<1x16xf32> to vector<16xf32>
          %swap3A_677 = vector.shape_cast %mul3A_672 : vector<16xf32> to vector<1x16xf32>
          tpu.vector_store %arg13[%swap3A_673, %swap3A_674], %swap3A_677 {strides = array<i32>} : memref<80x128xf32, #tpu.memory_space<vmem>>, vector<1x16xf32>,
          %get3A_678 = arith.index_cast %add3A_647 : i32 to index
          %get3A_679 = arith.constant 48 : index
          %get3A_680 = tpu.vector_load %arg13[%get3A_678, %get3A_679] {strides = array<i32>} : memref<80x128xf32, #tpu.memory_space<vmem>>, vector<1x16xf32>,
          %get3A_681 = vector.shape_cast %get3A_680 : vector<1x16xf32> to vector<16xf32>
          %mul3A_682 = arith.mulf %get3A_681, %broadcast_in_dim3A_643 : vector<16xf32>
          %swap3A_683 = arith.index_cast %add3A_647 : i32 to index
          %swap3A_684 = arith.constant 48 : index
          %swap3A_685 = tpu.vector_load %arg13[%swap3A_683, %swap3A_684] {strides = array<i32>} : memref<80x128xf32, #tpu.memory_space<vmem>>, vector<1x16xf32>,
          %swap3A_686 = vector.shape_cast %swap3A_685 : vector<1x16xf32> to vector<16xf32>
          %swap3A_687 = vector.shape_cast %mul3A_682 : vector<16xf32> to vector<1x16xf32>
          tpu.vector_store %arg13[%swap3A_683, %swap3A_684], %swap3A_687 {strides = array<i32>} : memref<80x128xf32, #tpu.memory_space<vmem>>, vector<1x16xf32>,
          %get3A_688 = arith.index_cast %add3A_647 : i32 to index
          %get3A_689 = arith.constant 64 : index
          %get3A_690 = tpu.vector_load %arg13[%get3A_688, %get3A_689] {strides = array<i32>} : memref<80x128xf32, #tpu.memory_space<vmem>>, vector<1x16xf32>,
          %get3A_691 = vector.shape_cast %get3A_690 : vector<1x16xf32> to vector<16xf32>
          %mul3A_692 = arith.mulf %get3A_691, %broadcast_in_dim3A_643 : vector<16xf32>
          %swap3A_693 = arith.index_cast %add3A_647 : i32 to index
          %swap3A_694 = arith.constant 64 : index
          %swap3A_695 = tpu.vector_load %arg13[%swap3A_693, %swap3A_694] {strides = array<i32>} : memref<80x128xf32, #tpu.memory_space<vmem>>, vector<1x16xf32>,
          %swap3A_696 = vector.shape_cast %swap3A_695 : vector<1x16xf32> to vector<16xf32>
          %swap3A_697 = vector.shape_cast %mul3A_692 : vector<16xf32> to vector<1x16xf32>
          tpu.vector_store %arg13[%swap3A_693, %swap3A_694], %swap3A_697 {strides = array<i32>} : memref<80x128xf32, #tpu.memory_space<vmem>>, vector<1x16xf32>,
          %get3A_698 = arith.index_cast %add3A_647 : i32 to index
          %get3A_699 = arith.constant 80 : index
          %get3A_700 = tpu.vector_load %arg13[%get3A_698, %get3A_699] {strides = array<i32>} : memref<80x128xf32, #tpu.memory_space<vmem>>, vector<1x16xf32>,
          %get3A_701 = vector.shape_cast %get3A_700 : vector<1x16xf32> to vector<16xf32>
          %mul3A_702 = arith.mulf %get3A_701, %broadcast_in_dim3A_643 : vector<16xf32>
          %swap3A_703 = arith.index_cast %add3A_647 : i32 to index
          %swap3A_704 = arith.constant 80 : index
          %swap3A_705 = tpu.vector_load %arg13[%swap3A_703, %swap3A_704] {strides = array<i32>} : memref<80x128xf32, #tpu.memory_space<vmem>>, vector<1x16xf32>,
          %swap3A_706 = vector.shape_cast %swap3A_705 : vector<1x16xf32> to vector<16xf32>
          %swap3A_707 = vector.shape_cast %mul3A_702 : vector<16xf32> to vector<1x16xf32>
          tpu.vector_store %arg13[%swap3A_703, %swap3A_704], %swap3A_707 {strides = array<i32>} : memref<80x128xf32, #tpu.memory_space<vmem>>, vector<1x16xf32>,
          %get3A_708 = arith.index_cast %add3A_647 : i32 to index
          %get3A_709 = arith.constant 96 : index
          %get3A_710 = tpu.vector_load %arg13[%get3A_708, %get3A_709] {strides = array<i32>} : memref<80x128xf32, #tpu.memory_space<vmem>>, vector<1x16xf32>,
          %get3A_711 = vector.shape_cast %get3A_710 : vector<1x16xf32> to vector<16xf32>
          %mul3A_712 = arith.mulf %get3A_711, %broadcast_in_dim3A_643 : vector<16xf32>
          %swap3A_713 = arith.index_cast %add3A_647 : i32 to index
          %swap3A_714 = arith.constant 96 : index
          %swap3A_715 = tpu.vector_load %arg13[%swap3A_713, %swap3A_714] {strides = array<i32>} : memref<80x128xf32, #tpu.memory_space<vmem>>, vector<1x16xf32>,
          %swap3A_716 = vector.shape_cast %swap3A_715 : vector<1x16xf32> to vector<16xf32>
          %swap3A_717 = vector.shape_cast %mul3A_712 : vector<16xf32> to vector<1x16xf32>
          tpu.vector_store %arg13[%swap3A_713, %swap3A_714], %swap3A_717 {strides = array<i32>} : memref<80x128xf32, #tpu.memory_space<vmem>>, vector<1x16xf32>,
          %get3A_718 = arith.index_cast %add3A_647 : i32 to index
          %get3A_719 = arith.constant 112 : index
          %get3A_720 = tpu.vector_load %arg13[%get3A_718, %get3A_719] {strides = array<i32>} : memref<80x128xf32, #tpu.memory_space<vmem>>, vector<1x16xf32>,
          %get3A_721 = vector.shape_cast %get3A_720 : vector<1x16xf32> to vector<16xf32>
          %mul3A_722 = arith.mulf %get3A_721, %broadcast_in_dim3A_643 : vector<16xf32>
          %swap3A_723 = arith.index_cast %add3A_647 : i32 to index
          %swap3A_724 = arith.constant 112 : index
          %swap3A_725 = tpu.vector_load %arg13[%swap3A_723, %swap3A_724] {strides = array<i32>} : memref<80x128xf32, #tpu.memory_space<vmem>>, vector<1x16xf32>,
          %swap3A_726 = vector.shape_cast %swap3A_725 : vector<1x16xf32> to vector<16xf32>
          %swap3A_727 = vector.shape_cast %mul3A_722 : vector<16xf32> to vector<1x16xf32>
          tpu.vector_store %arg13[%swap3A_723, %swap3A_724], %swap3A_727 {strides = array<i32>} : memref<80x128xf32, #tpu.memory_space<vmem>>, vector<1x16xf32>,
          %slice3A_728 = vector.extract_strided_slice %get3A_468 {offsets = [3], sizes = [1], strides = [1]} : vector<16xf32> to vector<1xf32>
          %squeeze3A_729 = vector.extract %slice3A_728[0] : f32 from vector<1xf32>
          %broadcast_in_dim3A_730 = vector.broadcast %squeeze3A_729 : f32 to vector<16xf32>
          %mul3A_731 = arith.constant 16 : i32
          %mul3A_732 = arith.muli %scan3A_464, %mul3A_731 : i32
          %add3A_733 = arith.constant 3 : i32
          %add3A_734 = arith.addi %mul3A_732, %add3A_733 : i32
          %get3A_735 = arith.index_cast %add3A_734 : i32 to index
          %get3A_736 = arith.constant 0 : index
          %get3A_737 = tpu.vector_load %arg13[%get3A_735, %get3A_736] {strides = array<i32>} : memref<80x128xf32, #tpu.memory_space<vmem>>, vector<1x16xf32>,
          %get3A_738 = vector.shape_cast %get3A_737 : vector<1x16xf32> to vector<16xf32>
          %mul3A_739 = arith.mulf %get3A_738, %broadcast_in_dim3A_730 : vector<16xf32>
          %swap3A_740 = arith.index_cast %add3A_734 : i32 to index
          %swap3A_741 = arith.constant 0 : index
          %swap3A_742 = tpu.vector_load %arg13[%swap3A_740, %swap3A_741] {strides = array<i32>} : memref<80x128xf32, #tpu.memory_space<vmem>>, vector<1x16xf32>,
          %swap3A_743 = vector.shape_cast %swap3A_742 : vector<1x16xf32> to vector<16xf32>
          %swap3A_744 = vector.shape_cast %mul3A_739 : vector<16xf32> to vector<1x16xf32>
          tpu.vector_store %arg13[%swap3A_740, %swap3A_741], %swap3A_744 {strides = array<i32>} : memref<80x128xf32, #tpu.memory_space<vmem>>, vector<1x16xf32>,
          %get3A_745 = arith.index_cast %add3A_734 : i32 to index
          %get3A_746 = arith.constant 16 : index
          %get3A_747 = tpu.vector_load %arg13[%get3A_745, %get3A_746] {strides = array<i32>} : memref<80x128xf32, #tpu.memory_space<vmem>>, vector<1x16xf32>,
          %get3A_748 = vector.shape_cast %get3A_747 : vector<1x16xf32> to vector<16xf32>
          %mul3A_749 = arith.mulf %get3A_748, %broadcast_in_dim3A_730 : vector<16xf32>
          %swap3A_750 = arith.index_cast %add3A_734 : i32 to index
          %swap3A_751 = arith.constant 16 : index
          %swap3A_752 = tpu.vector_load %arg13[%swap3A_750, %swap3A_751] {strides = array<i32>} : memref<80x128xf32, #tpu.memory_space<vmem>>, vector<1x16xf32>,
          %swap3A_753 = vector.shape_cast %swap3A_752 : vector<1x16xf32> to vector<16xf32>
          %swap3A_754 = vector.shape_cast %mul3A_749 : vector<16xf32> to vector<1x16xf32>
          tpu.vector_store %arg13[%swap3A_750, %swap3A_751], %swap3A_754 {strides = array<i32>} : memref<80x128xf32, #tpu.memory_space<vmem>>, vector<1x16xf32>,
          %get3A_755 = arith.index_cast %add3A_734 : i32 to index
          %get3A_756 = arith.constant 32 : index
          %get3A_757 = tpu.vector_load %arg13[%get3A_755, %get3A_756] {strides = array<i32>} : memref<80x128xf32, #tpu.memory_space<vmem>>, vector<1x16xf32>,
          %get3A_758 = vector.shape_cast %get3A_757 : vector<1x16xf32> to vector<16xf32>
          %mul3A_759 = arith.mulf %get3A_758, %broadcast_in_dim3A_730 : vector<16xf32>
          %swap3A_760 = arith.index_cast %add3A_734 : i32 to index
          %swap3A_761 = arith.constant 32 : index
          %swap3A_762 = tpu.vector_load %arg13[%swap3A_760, %swap3A_761] {strides = array<i32>} : memref<80x128xf32, #tpu.memory_space<vmem>>, vector<1x16xf32>,
          %swap3A_763 = vector.shape_cast %swap3A_762 : vector<1x16xf32> to vector<16xf32>
          %swap3A_764 = vector.shape_cast %mul3A_759 : vector<16xf32> to vector<1x16xf32>
          tpu.vector_store %arg13[%swap3A_760, %swap3A_761], %swap3A_764 {strides = array<i32>} : memref<80x128xf32, #tpu.memory_space<vmem>>, vector<1x16xf32>,
          %get3A_765 = arith.index_cast %add3A_734 : i32 to index
          %get3A_766 = arith.constant 48 : index
          %get3A_767 = tpu.vector_load %arg13[%get3A_765, %get3A_766] {strides = array<i32>} : memref<80x128xf32, #tpu.memory_space<vmem>>, vector<1x16xf32>,
          %get3A_768 = vector.shape_cast %get3A_767 : vector<1x16xf32> to vector<16xf32>
          %mul3A_769 = arith.mulf %get3A_768, %broadcast_in_dim3A_730 : vector<16xf32>
          %swap3A_770 = arith.index_cast %add3A_734 : i32 to index
          %swap3A_771 = arith.constant 48 : index
          %swap3A_772 = tpu.vector_load %arg13[%swap3A_770, %swap3A_771] {strides = array<i32>} : memref<80x128xf32, #tpu.memory_space<vmem>>, vector<1x16xf32>,
          %swap3A_773 = vector.shape_cast %swap3A_772 : vector<1x16xf32> to vector<16xf32>
          %swap3A_774 = vector.shape_cast %mul3A_769 : vector<16xf32> to vector<1x16xf32>
          tpu.vector_store %arg13[%swap3A_770, %swap3A_771], %swap3A_774 {strides = array<i32>} : memref<80x128xf32, #tpu.memory_space<vmem>>, vector<1x16xf32>,
          %get3A_775 = arith.index_cast %add3A_734 : i32 to index
          %get3A_776 = arith.constant 64 : index
          %get3A_777 = tpu.vector_load %arg13[%get3A_775, %get3A_776] {strides = array<i32>} : memref<80x128xf32, #tpu.memory_space<vmem>>, vector<1x16xf32>,
          %get3A_778 = vector.shape_cast %get3A_777 : vector<1x16xf32> to vector<16xf32>
          %mul3A_779 = arith.mulf %get3A_778, %broadcast_in_dim3A_730 : vector<16xf32>
          %swap3A_780 = arith.index_cast %add3A_734 : i32 to index
          %swap3A_781 = arith.constant 64 : index
          %swap3A_782 = tpu.vector_load %arg13[%swap3A_780, %swap3A_781] {strides = array<i32>} : memref<80x128xf32, #tpu.memory_space<vmem>>, vector<1x16xf32>,
          %swap3A_783 = vector.shape_cast %swap3A_782 : vector<1x16xf32> to vector<16xf32>
          %swap3A_784 = vector.shape_cast %mul3A_779 : vector<16xf32> to vector<1x16xf32>
          tpu.vector_store %arg13[%swap3A_780, %swap3A_781], %swap3A_784 {strides = array<i32>} : memref<80x128xf32, #tpu.memory_space<vmem>>, vector<1x16xf32>,
          %get3A_785 = arith.index_cast %add3A_734 : i32 to index
          %get3A_786 = arith.constant 80 : index
          %get3A_787 = tpu.vector_load %arg13[%get3A_785, %get3A_786] {strides = array<i32>} : memref<80x128xf32, #tpu.memory_space<vmem>>, vector<1x16xf32>,
          %get3A_788 = vector.shape_cast %get3A_787 : vector<1x16xf32> to vector<16xf32>
          %mul3A_789 = arith.mulf %get3A_788, %broadcast_in_dim3A_730 : vector<16xf32>
          %swap3A_790 = arith.index_cast %add3A_734 : i32 to index
          %swap3A_791 = arith.constant 80 : index
          %swap3A_792 = tpu.vector_load %arg13[%swap3A_790, %swap3A_791] {strides = array<i32>} : memref<80x128xf32, #tpu.memory_space<vmem>>, vector<1x16xf32>,
          %swap3A_793 = vector.shape_cast %swap3A_792 : vector<1x16xf32> to vector<16xf32>
          %swap3A_794 = vector.shape_cast %mul3A_789 : vector<16xf32> to vector<1x16xf32>
          tpu.vector_store %arg13[%swap3A_790, %swap3A_791], %swap3A_794 {strides = array<i32>} : memref<80x128xf32, #tpu.memory_space<vmem>>, vector<1x16xf32>,
          %get3A_795 = arith.index_cast %add3A_734 : i32 to index
          %get3A_796 = arith.constant 96 : index
          %get3A_797 = tpu.vector_load %arg13[%get3A_795, %get3A_796] {strides = array<i32>} : memref<80x128xf32, #tpu.memory_space<vmem>>, vector<1x16xf32>,
          %get3A_798 = vector.shape_cast %get3A_797 : vector<1x16xf32> to vector<16xf32>
          %mul3A_799 = arith.mulf %get3A_798, %broadcast_in_dim3A_730 : vector<16xf32>
          %swap3A_800 = arith.index_cast %add3A_734 : i32 to index
          %swap3A_801 = arith.constant 96 : index
          %swap3A_802 = tpu.vector_load %arg13[%swap3A_800, %swap3A_801] {strides = array<i32>} : memref<80x128xf32, #tpu.memory_space<vmem>>, vector<1x16xf32>,
          %swap3A_803 = vector.shape_cast %swap3A_802 : vector<1x16xf32> to vector<16xf32>
          %swap3A_804 = vector.shape_cast %mul3A_799 : vector<16xf32> to vector<1x16xf32>
          tpu.vector_store %arg13[%swap3A_800, %swap3A_801], %swap3A_804 {strides = array<i32>} : memref<80x128xf32, #tpu.memory_space<vmem>>, vector<1x16xf32>,
          %get3A_805 = arith.index_cast %add3A_734 : i32 to index
          %get3A_806 = arith.constant 112 : index
          %get3A_807 = tpu.vector_load %arg13[%get3A_805, %get3A_806] {strides = array<i32>} : memref<80x128xf32, #tpu.memory_space<vmem>>, vector<1x16xf32>,
          %get3A_808 = vector.shape_cast %get3A_807 : vector<1x16xf32> to vector<16xf32>
          %mul3A_809 = arith.mulf %get3A_808, %broadcast_in_dim3A_730 : vector<16xf32>
          %swap3A_810 = arith.index_cast %add3A_734 : i32 to index
          %swap3A_811 = arith.constant 112 : index
          %swap3A_812 = tpu.vector_load %arg13[%swap3A_810, %swap3A_811] {strides = array<i32>} : memref<80x128xf32, #tpu.memory_space<vmem>>, vector<1x16xf32>,
          %swap3A_813 = vector.shape_cast %swap3A_812 : vector<1x16xf32> to vector<16xf32>
          %swap3A_814 = vector.shape_cast %mul3A_809 : vector<16xf32> to vector<1x16xf32>
          tpu.vector_store %arg13[%swap3A_810, %swap3A_811], %swap3A_814 {strides = array<i32>} : memref<80x128xf32, #tpu.memory_space<vmem>>, vector<1x16xf32>,
          %slice3A_815 = vector.extract_strided_slice %get3A_468 {offsets = [4], sizes = [1], strides = [1]} : vector<16xf32> to vector<1xf32>
          %squeeze3A_816 = vector.extract %slice3A_815[0] : f32 from vector<1xf32>
          %broadcast_in_dim3A_817 = vector.broadcast %squeeze3A_816 : f32 to vector<16xf32>
          %mul3A_818 = arith.constant 16 : i32
          %mul3A_819 = arith.muli %scan3A_464, %mul3A_818 : i32
          %add3A_820 = arith.constant 4 : i32
          %add3A_821 = arith.addi %mul3A_819, %add3A_820 : i32
          %get3A_822 = arith.index_cast %add3A_821 : i32 to index
          %get3A_823 = arith.constant 0 : index
          %get3A_824 = tpu.vector_load %arg13[%get3A_822, %get3A_823] {strides = array<i32>} : memref<80x128xf32, #tpu.memory_space<vmem>>, vector<1x16xf32>,
          %get3A_825 = vector.shape_cast %get3A_824 : vector<1x16xf32> to vector<16xf32>
          %mul3A_826 = arith.mulf %get3A_825, %broadcast_in_dim3A_817 : vector<16xf32>
          %swap3A_827 = arith.index_cast %add3A_821 : i32 to index
          %swap3A_828 = arith.constant 0 : index
          %swap3A_829 = tpu.vector_load %arg13[%swap3A_827, %swap3A_828] {strides = array<i32>} : memref<80x128xf32, #tpu.memory_space<vmem>>, vector<1x16xf32>,
          %swap3A_830 = vector.shape_cast %swap3A_829 : vector<1x16xf32> to vector<16xf32>
          %swap3A_831 = vector.shape_cast %mul3A_826 : vector<16xf32> to vector<1x16xf32>
          tpu.vector_store %arg13[%swap3A_827, %swap3A_828], %swap3A_831 {strides = array<i32>} : memref<80x128xf32, #tpu.memory_space<vmem>>, vector<1x16xf32>,
          %get3A_832 = arith.index_cast %add3A_821 : i32 to index
          %get3A_833 = arith.constant 16 : index
          %get3A_834 = tpu.vector_load %arg13[%get3A_832, %get3A_833] {strides = array<i32>} : memref<80x128xf32, #tpu.memory_space<vmem>>, vector<1x16xf32>,
          %get3A_835 = vector.shape_cast %get3A_834 : vector<1x16xf32> to vector<16xf32>
          %mul3A_836 = arith.mulf %get3A_835, %broadcast_in_dim3A_817 : vector<16xf32>
          %swap3A_837 = arith.index_cast %add3A_821 : i32 to index
          %swap3A_838 = arith.constant 16 : index
          %swap3A_839 = tpu.vector_load %arg13[%swap3A_837, %swap3A_838] {strides = array<i32>} : memref<80x128xf32, #tpu.memory_space<vmem>>, vector<1x16xf32>,
          %swap3A_840 = vector.shape_cast %swap3A_839 : vector<1x16xf32> to vector<16xf32>
          %swap3A_841 = vector.shape_cast %mul3A_836 : vector<16xf32> to vector<1x16xf32>
          tpu.vector_store %arg13[%swap3A_837, %swap3A_838], %swap3A_841 {strides = array<i32>} : memref<80x128xf32, #tpu.memory_space<vmem>>, vector<1x16xf32>,
          %get3A_842 = arith.index_cast %add3A_821 : i32 to index
          %get3A_843 = arith.constant 32 : index
          %get3A_844 = tpu.vector_load %arg13[%get3A_842, %get3A_843] {strides = array<i32>} : memref<80x128xf32, #tpu.memory_space<vmem>>, vector<1x16xf32>,
          %get3A_845 = vector.shape_cast %get3A_844 : vector<1x16xf32> to vector<16xf32>
          %mul3A_846 = arith.mulf %get3A_845, %broadcast_in_dim3A_817 : vector<16xf32>
          %swap3A_847 = arith.index_cast %add3A_821 : i32 to index
          %swap3A_848 = arith.constant 32 : index
          %swap3A_849 = tpu.vector_load %arg13[%swap3A_847, %swap3A_848] {strides = array<i32>} : memref<80x128xf32, #tpu.memory_space<vmem>>, vector<1x16xf32>,
          %swap3A_850 = vector.shape_cast %swap3A_849 : vector<1x16xf32> to vector<16xf32>
          %swap3A_851 = vector.shape_cast %mul3A_846 : vector<16xf32> to vector<1x16xf32>
          tpu.vector_store %arg13[%swap3A_847, %swap3A_848], %swap3A_851 {strides = array<i32>} : memref<80x128xf32, #tpu.memory_space<vmem>>, vector<1x16xf32>,
          %get3A_852 = arith.index_cast %add3A_821 : i32 to index
          %get3A_853 = arith.constant 48 : index
          %get3A_854 = tpu.vector_load %arg13[%get3A_852, %get3A_853] {strides = array<i32>} : memref<80x128xf32, #tpu.memory_space<vmem>>, vector<1x16xf32>,
          %get3A_855 = vector.shape_cast %get3A_854 : vector<1x16xf32> to vector<16xf32>
          %mul3A_856 = arith.mulf %get3A_855, %broadcast_in_dim3A_817 : vector<16xf32>
          %swap3A_857 = arith.index_cast %add3A_821 : i32 to index
          %swap3A_858 = arith.constant 48 : index
          %swap3A_859 = tpu.vector_load %arg13[%swap3A_857, %swap3A_858] {strides = array<i32>} : memref<80x128xf32, #tpu.memory_space<vmem>>, vector<1x16xf32>,
          %swap3A_860 = vector.shape_cast %swap3A_859 : vector<1x16xf32> to vector<16xf32>
          %swap3A_861 = vector.shape_cast %mul3A_856 : vector<16xf32> to vector<1x16xf32>
          tpu.vector_store %arg13[%swap3A_857, %swap3A_858], %swap3A_861 {strides = array<i32>} : memref<80x128xf32, #tpu.memory_space<vmem>>, vector<1x16xf32>,
          %get3A_862 = arith.index_cast %add3A_821 : i32 to index
          %get3A_863 = arith.constant 64 : index
          %get3A_864 = tpu.vector_load %arg13[%get3A_862, %get3A_863] {strides = array<i32>} : memref<80x128xf32, #tpu.memory_space<vmem>>, vector<1x16xf32>,
          %get3A_865 = vector.shape_cast %get3A_864 : vector<1x16xf32> to vector<16xf32>
          %mul3A_866 = arith.mulf %get3A_865, %broadcast_in_dim3A_817 : vector<16xf32>
          %swap3A_867 = arith.index_cast %add3A_821 : i32 to index
          %swap3A_868 = arith.constant 64 : index
          %swap3A_869 = tpu.vector_load %arg13[%swap3A_867, %swap3A_868] {strides = array<i32>} : memref<80x128xf32, #tpu.memory_space<vmem>>, vector<1x16xf32>,
          %swap3A_870 = vector.shape_cast %swap3A_869 : vector<1x16xf32> to vector<16xf32>
          %swap3A_871 = vector.shape_cast %mul3A_866 : vector<16xf32> to vector<1x16xf32>
          tpu.vector_store %arg13[%swap3A_867, %swap3A_868], %swap3A_871 {strides = array<i32>} : memref<80x128xf32, #tpu.memory_space<vmem>>, vector<1x16xf32>,
          %get3A_872 = arith.index_cast %add3A_821 : i32 to index
          %get3A_873 = arith.constant 80 : index
          %get3A_874 = tpu.vector_load %arg13[%get3A_872, %get3A_873] {strides = array<i32>} : memref<80x128xf32, #tpu.memory_space<vmem>>, vector<1x16xf32>,
          %get3A_875 = vector.shape_cast %get3A_874 : vector<1x16xf32> to vector<16xf32>
          %mul3A_876 = arith.mulf %get3A_875, %broadcast_in_dim3A_817 : vector<16xf32>
          %swap3A_877 = arith.index_cast %add3A_821 : i32 to index
          %swap3A_878 = arith.constant 80 : index
          %swap3A_879 = tpu.vector_load %arg13[%swap3A_877, %swap3A_878] {strides = array<i32>} : memref<80x128xf32, #tpu.memory_space<vmem>>, vector<1x16xf32>,
          %swap3A_880 = vector.shape_cast %swap3A_879 : vector<1x16xf32> to vector<16xf32>
          %swap3A_881 = vector.shape_cast %mul3A_876 : vector<16xf32> to vector<1x16xf32>
          tpu.vector_store %arg13[%swap3A_877, %swap3A_878], %swap3A_881 {strides = array<i32>} : memref<80x128xf32, #tpu.memory_space<vmem>>, vector<1x16xf32>,
          %get3A_882 = arith.index_cast %add3A_821 : i32 to index
          %get3A_883 = arith.constant 96 : index
          %get3A_884 = tpu.vector_load %arg13[%get3A_882, %get3A_883] {strides = array<i32>} : memref<80x128xf32, #tpu.memory_space<vmem>>, vector<1x16xf32>,
          %get3A_885 = vector.shape_cast %get3A_884 : vector<1x16xf32> to vector<16xf32>
          %mul3A_886 = arith.mulf %get3A_885, %broadcast_in_dim3A_817 : vector<16xf32>
          %swap3A_887 = arith.index_cast %add3A_821 : i32 to index
          %swap3A_888 = arith.constant 96 : index
          %swap3A_889 = tpu.vector_load %arg13[%swap3A_887, %swap3A_888] {strides = array<i32>} : memref<80x128xf32, #tpu.memory_space<vmem>>, vector<1x16xf32>,
          %swap3A_890 = vector.shape_cast %swap3A_889 : vector<1x16xf32> to vector<16xf32>
          %swap3A_891 = vector.shape_cast %mul3A_886 : vector<16xf32> to vector<1x16xf32>
          tpu.vector_store %arg13[%swap3A_887, %swap3A_888], %swap3A_891 {strides = array<i32>} : memref<80x128xf32, #tpu.memory_space<vmem>>, vector<1x16xf32>,
          %get3A_892 = arith.index_cast %add3A_821 : i32 to index
          %get3A_893 = arith.constant 112 : index
          %get3A_894 = tpu.vector_load %arg13[%get3A_892, %get3A_893] {strides = array<i32>} : memref<80x128xf32, #tpu.memory_space<vmem>>, vector<1x16xf32>,
          %get3A_895 = vector.shape_cast %get3A_894 : vector<1x16xf32> to vector<16xf32>
          %mul3A_896 = arith.mulf %get3A_895, %broadcast_in_dim3A_817 : vector<16xf32>
          %swap3A_897 = arith.index_cast %add3A_821 : i32 to index
          %swap3A_898 = arith.constant 112 : index
          %swap3A_899 = tpu.vector_load %arg13[%swap3A_897, %swap3A_898] {strides = array<i32>} : memref<80x128xf32, #tpu.memory_space<vmem>>, vector<1x16xf32>,
          %swap3A_900 = vector.shape_cast %swap3A_899 : vector<1x16xf32> to vector<16xf32>
          %swap3A_901 = vector.shape_cast %mul3A_896 : vector<16xf32> to vector<1x16xf32>
          tpu.vector_store %arg13[%swap3A_897, %swap3A_898], %swap3A_901 {strides = array<i32>} : memref<80x128xf32, #tpu.memory_space<vmem>>, vector<1x16xf32>,
          %slice3A_902 = vector.extract_strided_slice %get3A_468 {offsets = [5], sizes = [1], strides = [1]} : vector<16xf32> to vector<1xf32>
          %squeeze3A_903 = vector.extract %slice3A_902[0] : f32 from vector<1xf32>
          %broadcast_in_dim3A_904 = vector.broadcast %squeeze3A_903 : f32 to vector<16xf32>
          %mul3A_905 = arith.constant 16 : i32
          %mul3A_906 = arith.muli %scan3A_464, %mul3A_905 : i32
          %add3A_907 = arith.constant 5 : i32
          %add3A_908 = arith.addi %mul3A_906, %add3A_907 : i32
          %get3A_909 = arith.index_cast %add3A_908 : i32 to index
          %get3A_910 = arith.constant 0 : index
          %get3A_911 = tpu.vector_load %arg13[%get3A_909, %get3A_910] {strides = array<i32>} : memref<80x128xf32, #tpu.memory_space<vmem>>, vector<1x16xf32>,
          %get3A_912 = vector.shape_cast %get3A_911 : vector<1x16xf32> to vector<16xf32>
          %mul3A_913 = arith.mulf %get3A_912, %broadcast_in_dim3A_904 : vector<16xf32>
          %swap3A_914 = arith.index_cast %add3A_908 : i32 to index
          %swap3A_915 = arith.constant 0 : index
          %swap3A_916 = tpu.vector_load %arg13[%swap3A_914, %swap3A_915] {strides = array<i32>} : memref<80x128xf32, #tpu.memory_space<vmem>>, vector<1x16xf32>,
          %swap3A_917 = vector.shape_cast %swap3A_916 : vector<1x16xf32> to vector<16xf32>
          %swap3A_918 = vector.shape_cast %mul3A_913 : vector<16xf32> to vector<1x16xf32>
          tpu.vector_store %arg13[%swap3A_914, %swap3A_915], %swap3A_918 {strides = array<i32>} : memref<80x128xf32, #tpu.memory_space<vmem>>, vector<1x16xf32>,
          %get3A_919 = arith.index_cast %add3A_908 : i32 to index
          %get3A_920 = arith.constant 16 : index
          %get3A_921 = tpu.vector_load %arg13[%get3A_919, %get3A_920] {strides = array<i32>} : memref<80x128xf32, #tpu.memory_space<vmem>>, vector<1x16xf32>,
          %get3A_922 = vector.shape_cast %get3A_921 : vector<1x16xf32> to vector<16xf32>
          %mul3A_923 = arith.mulf %get3A_922, %broadcast_in_dim3A_904 : vector<16xf32>
          %swap3A_924 = arith.index_cast %add3A_908 : i32 to index
          %swap3A_925 = arith.constant 16 : index
          %swap3A_926 = tpu.vector_load %arg13[%swap3A_924, %swap3A_925] {strides = array<i32>} : memref<80x128xf32, #tpu.memory_space<vmem>>, vector<1x16xf32>,
          %swap3A_927 = vector.shape_cast %swap3A_926 : vector<1x16xf32> to vector<16xf32>
          %swap3A_928 = vector.shape_cast %mul3A_923 : vector<16xf32> to vector<1x16xf32>
          tpu.vector_store %arg13[%swap3A_924, %swap3A_925], %swap3A_928 {strides = array<i32>} : memref<80x128xf32, #tpu.memory_space<vmem>>, vector<1x16xf32>,
          %get3A_929 = arith.index_cast %add3A_908 : i32 to index
          %get3A_930 = arith.constant 32 : index
          %get3A_931 = tpu.vector_load %arg13[%get3A_929, %get3A_930] {strides = array<i32>} : memref<80x128xf32, #tpu.memory_space<vmem>>, vector<1x16xf32>,
          %get3A_932 = vector.shape_cast %get3A_931 : vector<1x16xf32> to vector<16xf32>
          %mul3A_933 = arith.mulf %get3A_932, %broadcast_in_dim3A_904 : vector<16xf32>
          %swap3A_934 = arith.index_cast %add3A_908 : i32 to index
          %swap3A_935 = arith.constant 32 : index
          %swap3A_936 = tpu.vector_load %arg13[%swap3A_934, %swap3A_935] {strides = array<i32>} : memref<80x128xf32, #tpu.memory_space<vmem>>, vector<1x16xf32>,
          %swap3A_937 = vector.shape_cast %swap3A_936 : vector<1x16xf32> to vector<16xf32>
          %swap3A_938 = vector.shape_cast %mul3A_933 : vector<16xf32> to vector<1x16xf32>
          tpu.vector_store %arg13[%swap3A_934, %swap3A_935], %swap3A_938 {strides = array<i32>} : memref<80x128xf32, #tpu.memory_space<vmem>>, vector<1x16xf32>,
          %get3A_939 = arith.index_cast %add3A_908 : i32 to index
          %get3A_940 = arith.constant 48 : index
          %get3A_941 = tpu.vector_load %arg13[%get3A_939, %get3A_940] {strides = array<i32>} : memref<80x128xf32, #tpu.memory_space<vmem>>, vector<1x16xf32>,
          %get3A_942 = vector.shape_cast %get3A_941 : vector<1x16xf32> to vector<16xf32>
          %mul3A_943 = arith.mulf %get3A_942, %broadcast_in_dim3A_904 : vector<16xf32>
          %swap3A_944 = arith.index_cast %add3A_908 : i32 to index
          %swap3A_945 = arith.constant 48 : index
          %swap3A_946 = tpu.vector_load %arg13[%swap3A_944, %swap3A_945] {strides = array<i32>} : memref<80x128xf32, #tpu.memory_space<vmem>>, vector<1x16xf32>,
          %swap3A_947 = vector.shape_cast %swap3A_946 : vector<1x16xf32> to vector<16xf32>
          %swap3A_948 = vector.shape_cast %mul3A_943 : vector<16xf32> to vector<1x16xf32>
          tpu.vector_store %arg13[%swap3A_944, %swap3A_945], %swap3A_948 {strides = array<i32>} : memref<80x128xf32, #tpu.memory_space<vmem>>, vector<1x16xf32>,
          %get3A_949 = arith.index_cast %add3A_908 : i32 to index
          %get3A_950 = arith.constant 64 : index
          %get3A_951 = tpu.vector_load %arg13[%get3A_949, %get3A_950] {strides = array<i32>} : memref<80x128xf32, #tpu.memory_space<vmem>>, vector<1x16xf32>,
          %get3A_952 = vector.shape_cast %get3A_951 : vector<1x16xf32> to vector<16xf32>
          %mul3A_953 = arith.mulf %get3A_952, %broadcast_in_dim3A_904 : vector<16xf32>
          %swap3A_954 = arith.index_cast %add3A_908 : i32 to index
          %swap3A_955 = arith.constant 64 : index
          %swap3A_956 = tpu.vector_load %arg13[%swap3A_954, %swap3A_955] {strides = array<i32>} : memref<80x128xf32, #tpu.memory_space<vmem>>, vector<1x16xf32>,
          %swap3A_957 = vector.shape_cast %swap3A_956 : vector<1x16xf32> to vector<16xf32>
          %swap3A_958 = vector.shape_cast %mul3A_953 : vector<16xf32> to vector<1x16xf32>
          tpu.vector_store %arg13[%swap3A_954, %swap3A_955], %swap3A_958 {strides = array<i32>} : memref<80x128xf32, #tpu.memory_space<vmem>>, vector<1x16xf32>,
          %get3A_959 = arith.index_cast %add3A_908 : i32 to index
          %get3A_960 = arith.constant 80 : index
          %get3A_961 = tpu.vector_load %arg13[%get3A_959, %get3A_960] {strides = array<i32>} : memref<80x128xf32, #tpu.memory_space<vmem>>, vector<1x16xf32>,
          %get3A_962 = vector.shape_cast %get3A_961 : vector<1x16xf32> to vector<16xf32>
          %mul3A_963 = arith.mulf %get3A_962, %broadcast_in_dim3A_904 : vector<16xf32>
          %swap3A_964 = arith.index_cast %add3A_908 : i32 to index
          %swap3A_965 = arith.constant 80 : index
          %swap3A_966 = tpu.vector_load %arg13[%swap3A_964, %swap3A_965] {strides = array<i32>} : memref<80x128xf32, #tpu.memory_space<vmem>>, vector<1x16xf32>,
          %swap3A_967 = vector.shape_cast %swap3A_966 : vector<1x16xf32> to vector<16xf32>
          %swap3A_968 = vector.shape_cast %mul3A_963 : vector<16xf32> to vector<1x16xf32>
          tpu.vector_store %arg13[%swap3A_964, %swap3A_965], %swap3A_968 {strides = array<i32>} : memref<80x128xf32, #tpu.memory_space<vmem>>, vector<1x16xf32>,
          %get3A_969 = arith.index_cast %add3A_908 : i32 to index
          %get3A_970 = arith.constant 96 : index
          %get3A_971 = tpu.vector_load %arg13[%get3A_969, %get3A_970] {strides = array<i32>} : memref<80x128xf32, #tpu.memory_space<vmem>>, vector<1x16xf32>,
          %get3A_972 = vector.shape_cast %get3A_971 : vector<1x16xf32> to vector<16xf32>
          %mul3A_973 = arith.mulf %get3A_972, %broadcast_in_dim3A_904 : vector<16xf32>
          %swap3A_974 = arith.index_cast %add3A_908 : i32 to index
          %swap3A_975 = arith.constant 96 : index
          %swap3A_976 = tpu.vector_load %arg13[%swap3A_974, %swap3A_975] {strides = array<i32>} : memref<80x128xf32, #tpu.memory_space<vmem>>, vector<1x16xf32>,
          %swap3A_977 = vector.shape_cast %swap3A_976 : vector<1x16xf32> to vector<16xf32>
          %swap3A_978 = vector.shape_cast %mul3A_973 : vector<16xf32> to vector<1x16xf32>
          tpu.vector_store %arg13[%swap3A_974, %swap3A_975], %swap3A_978 {strides = array<i32>} : memref<80x128xf32, #tpu.memory_space<vmem>>, vector<1x16xf32>,
          %get3A_979 = arith.index_cast %add3A_908 : i32 to index
          %get3A_980 = arith.constant 112 : index
          %get3A_981 = tpu.vector_load %arg13[%get3A_979, %get3A_980] {strides = array<i32>} : memref<80x128xf32, #tpu.memory_space<vmem>>, vector<1x16xf32>,
          %get3A_982 = vector.shape_cast %get3A_981 : vector<1x16xf32> to vector<16xf32>
          %mul3A_983 = arith.mulf %get3A_982, %broadcast_in_dim3A_904 : vector<16xf32>
          %swap3A_984 = arith.index_cast %add3A_908 : i32 to index
          %swap3A_985 = arith.constant 112 : index
          %swap3A_986 = tpu.vector_load %arg13[%swap3A_984, %swap3A_985] {strides = array<i32>} : memref<80x128xf32, #tpu.memory_space<vmem>>, vector<1x16xf32>,
          %swap3A_987 = vector.shape_cast %swap3A_986 : vector<1x16xf32> to vector<16xf32>
          %swap3A_988 = vector.shape_cast %mul3A_983 : vector<16xf32> to vector<1x16xf32>
          tpu.vector_store %arg13[%swap3A_984, %swap3A_985], %swap3A_988 {strides = array<i32>} : memref<80x128xf32, #tpu.memory_space<vmem>>, vector<1x16xf32>,
          %slice3A_989 = vector.extract_strided_slice %get3A_468 {offsets = [6], sizes = [1], strides = [1]} : vector<16xf32> to vector<1xf32>
          %squeeze3A_990 = vector.extract %slice3A_989[0] : f32 from vector<1xf32>
          %broadcast_in_dim3A_991 = vector.broadcast %squeeze3A_990 : f32 to vector<16xf32>
          %mul3A_992 = arith.constant 16 : i32
          %mul3A_993 = arith.muli %scan3A_464, %mul3A_992 : i32
          %add3A_994 = arith.constant 6 : i32
          %add3A_995 = arith.addi %mul3A_993, %add3A_994 : i32
          %get3A_996 = arith.index_cast %add3A_995 : i32 to index
          %get3A_997 = arith.constant 0 : index
          %get3A_998 = tpu.vector_load %arg13[%get3A_996, %get3A_997] {strides = array<i32>} : memref<80x128xf32, #tpu.memory_space<vmem>>, vector<1x16xf32>,
          %get3A_999 = vector.shape_cast %get3A_998 : vector<1x16xf32> to vector<16xf32>
          %mul3A_1000 = arith.mulf %get3A_999, %broadcast_in_dim3A_991 : vector<16xf32>
          %swap3A_1001 = arith.index_cast %add3A_995 : i32 to index
          %swap3A_1002 = arith.constant 0 : index
          %swap3A_1003 = tpu.vector_load %arg13[%swap3A_1001, %swap3A_1002] {strides = array<i32>} : memref<80x128xf32, #tpu.memory_space<vmem>>, vector<1x16xf32>,
          %swap3A_1004 = vector.shape_cast %swap3A_1003 : vector<1x16xf32> to vector<16xf32>
          %swap3A_1005 = vector.shape_cast %mul3A_1000 : vector<16xf32> to vector<1x16xf32>
          tpu.vector_store %arg13[%swap3A_1001, %swap3A_1002], %swap3A_1005 {strides = array<i32>} : memref<80x128xf32, #tpu.memory_space<vmem>>, vector<1x16xf32>,
          %get3A_1006 = arith.index_cast %add3A_995 : i32 to index
          %get3A_1007 = arith.constant 16 : index
          %get3A_1008 = tpu.vector_load %arg13[%get3A_1006, %get3A_1007] {strides = array<i32>} : memref<80x128xf32, #tpu.memory_space<vmem>>, vector<1x16xf32>,
          %get3A_1009 = vector.shape_cast %get3A_1008 : vector<1x16xf32> to vector<16xf32>
          %mul3A_1010 = arith.mulf %get3A_1009, %broadcast_in_dim3A_991 : vector<16xf32>
          %swap3A_1011 = arith.index_cast %add3A_995 : i32 to index
          %swap3A_1012 = arith.constant 16 : index
          %swap3A_1013 = tpu.vector_load %arg13[%swap3A_1011, %swap3A_1012] {strides = array<i32>} : memref<80x128xf32, #tpu.memory_space<vmem>>, vector<1x16xf32>,
          %swap3A_1014 = vector.shape_cast %swap3A_1013 : vector<1x16xf32> to vector<16xf32>
          %swap3A_1015 = vector.shape_cast %mul3A_1010 : vector<16xf32> to vector<1x16xf32>
          tpu.vector_store %arg13[%swap3A_1011, %swap3A_1012], %swap3A_1015 {strides = array<i32>} : memref<80x128xf32, #tpu.memory_space<vmem>>, vector<1x16xf32>,
          %get3A_1016 = arith.index_cast %add3A_995 : i32 to index
          %get3A_1017 = arith.constant 32 : index
          %get3A_1018 = tpu.vector_load %arg13[%get3A_1016, %get3A_1017] {strides = array<i32>} : memref<80x128xf32, #tpu.memory_space<vmem>>, vector<1x16xf32>,
          %get3A_1019 = vector.shape_cast %get3A_1018 : vector<1x16xf32> to vector<16xf32>
          %mul3A_1020 = arith.mulf %get3A_1019, %broadcast_in_dim3A_991 : vector<16xf32>
          %swap3A_1021 = arith.index_cast %add3A_995 : i32 to index
          %swap3A_1022 = arith.constant 32 : index
          %swap3A_1023 = tpu.vector_load %arg13[%swap3A_1021, %swap3A_1022] {strides = array<i32>} : memref<80x128xf32, #tpu.memory_space<vmem>>, vector<1x16xf32>,
          %swap3A_1024 = vector.shape_cast %swap3A_1023 : vector<1x16xf32> to vector<16xf32>
          %swap3A_1025 = vector.shape_cast %mul3A_1020 : vector<16xf32> to vector<1x16xf32>
          tpu.vector_store %arg13[%swap3A_1021, %swap3A_1022], %swap3A_1025 {strides = array<i32>} : memref<80x128xf32, #tpu.memory_space<vmem>>, vector<1x16xf32>,
          %get3A_1026 = arith.index_cast %add3A_995 : i32 to index
          %get3A_1027 = arith.constant 48 : index
          %get3A_1028 = tpu.vector_load %arg13[%get3A_1026, %get3A_1027] {strides = array<i32>} : memref<80x128xf32, #tpu.memory_space<vmem>>, vector<1x16xf32>,
          %get3A_1029 = vector.shape_cast %get3A_1028 : vector<1x16xf32> to vector<16xf32>
          %mul3A_1030 = arith.mulf %get3A_1029, %broadcast_in_dim3A_991 : vector<16xf32>
          %swap3A_1031 = arith.index_cast %add3A_995 : i32 to index
          %swap3A_1032 = arith.constant 48 : index
          %swap3A_1033 = tpu.vector_load %arg13[%swap3A_1031, %swap3A_1032] {strides = array<i32>} : memref<80x128xf32, #tpu.memory_space<vmem>>, vector<1x16xf32>,
          %swap3A_1034 = vector.shape_cast %swap3A_1033 : vector<1x16xf32> to vector<16xf32>
          %swap3A_1035 = vector.shape_cast %mul3A_1030 : vector<16xf32> to vector<1x16xf32>
          tpu.vector_store %arg13[%swap3A_1031, %swap3A_1032], %swap3A_1035 {strides = array<i32>} : memref<80x128xf32, #tpu.memory_space<vmem>>, vector<1x16xf32>,
          %get3A_1036 = arith.index_cast %add3A_995 : i32 to index
          %get3A_1037 = arith.constant 64 : index
          %get3A_1038 = tpu.vector_load %arg13[%get3A_1036, %get3A_1037] {strides = array<i32>} : memref<80x128xf32, #tpu.memory_space<vmem>>, vector<1x16xf32>,
          %get3A_1039 = vector.shape_cast %get3A_1038 : vector<1x16xf32> to vector<16xf32>
          %mul3A_1040 = arith.mulf %get3A_1039, %broadcast_in_dim3A_991 : vector<16xf32>
          %swap3A_1041 = arith.index_cast %add3A_995 : i32 to index
          %swap3A_1042 = arith.constant 64 : index
          %swap3A_1043 = tpu.vector_load %arg13[%swap3A_1041, %swap3A_1042] {strides = array<i32>} : memref<80x128xf32, #tpu.memory_space<vmem>>, vector<1x16xf32>,
          %swap3A_1044 = vector.shape_cast %swap3A_1043 : vector<1x16xf32> to vector<16xf32>
          %swap3A_1045 = vector.shape_cast %mul3A_1040 : vector<16xf32> to vector<1x16xf32>
          tpu.vector_store %arg13[%swap3A_1041, %swap3A_1042], %swap3A_1045 {strides = array<i32>} : memref<80x128xf32, #tpu.memory_space<vmem>>, vector<1x16xf32>,
          %get3A_1046 = arith.index_cast %add3A_995 : i32 to index
          %get3A_1047 = arith.constant 80 : index
          %get3A_1048 = tpu.vector_load %arg13[%get3A_1046, %get3A_1047] {strides = array<i32>} : memref<80x128xf32, #tpu.memory_space<vmem>>, vector<1x16xf32>,
          %get3A_1049 = vector.shape_cast %get3A_1048 : vector<1x16xf32> to vector<16xf32>
          %mul3A_1050 = arith.mulf %get3A_1049, %broadcast_in_dim3A_991 : vector<16xf32>
          %swap3A_1051 = arith.index_cast %add3A_995 : i32 to index
          %swap3A_1052 = arith.constant 80 : index
          %swap3A_1053 = tpu.vector_load %arg13[%swap3A_1051, %swap3A_1052] {strides = array<i32>} : memref<80x128xf32, #tpu.memory_space<vmem>>, vector<1x16xf32>,
          %swap3A_1054 = vector.shape_cast %swap3A_1053 : vector<1x16xf32> to vector<16xf32>
          %swap3A_1055 = vector.shape_cast %mul3A_1050 : vector<16xf32> to vector<1x16xf32>
          tpu.vector_store %arg13[%swap3A_1051, %swap3A_1052], %swap3A_1055 {strides = array<i32>} : memref<80x128xf32, #tpu.memory_space<vmem>>, vector<1x16xf32>,
          %get3A_1056 = arith.index_cast %add3A_995 : i32 to index
          %get3A_1057 = arith.constant 96 : index
          %get3A_1058 = tpu.vector_load %arg13[%get3A_1056, %get3A_1057] {strides = array<i32>} : memref<80x128xf32, #tpu.memory_space<vmem>>, vector<1x16xf32>,
          %get3A_1059 = vector.shape_cast %get3A_1058 : vector<1x16xf32> to vector<16xf32>
          %mul3A_1060 = arith.mulf %get3A_1059, %broadcast_in_dim3A_991 : vector<16xf32>
          %swap3A_1061 = arith.index_cast %add3A_995 : i32 to index
          %swap3A_1062 = arith.constant 96 : index
          %swap3A_1063 = tpu.vector_load %arg13[%swap3A_1061, %swap3A_1062] {strides = array<i32>} : memref<80x128xf32, #tpu.memory_space<vmem>>, vector<1x16xf32>,
          %swap3A_1064 = vector.shape_cast %swap3A_1063 : vector<1x16xf32> to vector<16xf32>
          %swap3A_1065 = vector.shape_cast %mul3A_1060 : vector<16xf32> to vector<1x16xf32>
          tpu.vector_store %arg13[%swap3A_1061, %swap3A_1062], %swap3A_1065 {strides = array<i32>} : memref<80x128xf32, #tpu.memory_space<vmem>>, vector<1x16xf32>,
          %get3A_1066 = arith.index_cast %add3A_995 : i32 to index
          %get3A_1067 = arith.constant 112 : index
          %get3A_1068 = tpu.vector_load %arg13[%get3A_1066, %get3A_1067] {strides = array<i32>} : memref<80x128xf32, #tpu.memory_space<vmem>>, vector<1x16xf32>,
          %get3A_1069 = vector.shape_cast %get3A_1068 : vector<1x16xf32> to vector<16xf32>
          %mul3A_1070 = arith.mulf %get3A_1069, %broadcast_in_dim3A_991 : vector<16xf32>
          %swap3A_1071 = arith.index_cast %add3A_995 : i32 to index
          %swap3A_1072 = arith.constant 112 : index
          %swap3A_1073 = tpu.vector_load %arg13[%swap3A_1071, %swap3A_1072] {strides = array<i32>} : memref<80x128xf32, #tpu.memory_space<vmem>>, vector<1x16xf32>,
          %swap3A_1074 = vector.shape_cast %swap3A_1073 : vector<1x16xf32> to vector<16xf32>
          %swap3A_1075 = vector.shape_cast %mul3A_1070 : vector<16xf32> to vector<1x16xf32>
          tpu.vector_store %arg13[%swap3A_1071, %swap3A_1072], %swap3A_1075 {strides = array<i32>} : memref<80x128xf32, #tpu.memory_space<vmem>>, vector<1x16xf32>,
          %slice3A_1076 = vector.extract_strided_slice %get3A_468 {offsets = [7], sizes = [1], strides = [1]} : vector<16xf32> to vector<1xf32>
          %squeeze3A_1077 = vector.extract %slice3A_1076[0] : f32 from vector<1xf32>
          %broadcast_in_dim3A_1078 = vector.broadcast %squeeze3A_1077 : f32 to vector<16xf32>
          %mul3A_1079 = arith.constant 16 : i32
          %mul3A_1080 = arith.muli %scan3A_464, %mul3A_1079 : i32
          %add3A_1081 = arith.constant 7 : i32
          %add3A_1082 = arith.addi %mul3A_1080, %add3A_1081 : i32
          %get3A_1083 = arith.index_cast %add3A_1082 : i32 to index
          %get3A_1084 = arith.constant 0 : index
          %get3A_1085 = tpu.vector_load %arg13[%get3A_1083, %get3A_1084] {strides = array<i32>} : memref<80x128xf32, #tpu.memory_space<vmem>>, vector<1x16xf32>,
          %get3A_1086 = vector.shape_cast %get3A_1085 : vector<1x16xf32> to vector<16xf32>
          %mul3A_1087 = arith.mulf %get3A_1086, %broadcast_in_dim3A_1078 : vector<16xf32>
          %swap3A_1088 = arith.index_cast %add3A_1082 : i32 to index
          %swap3A_1089 = arith.constant 0 : index
          %swap3A_1090 = tpu.vector_load %arg13[%swap3A_1088, %swap3A_1089] {strides = array<i32>} : memref<80x128xf32, #tpu.memory_space<vmem>>, vector<1x16xf32>,
          %swap3A_1091 = vector.shape_cast %swap3A_1090 : vector<1x16xf32> to vector<16xf32>
          %swap3A_1092 = vector.shape_cast %mul3A_1087 : vector<16xf32> to vector<1x16xf32>
          tpu.vector_store %arg13[%swap3A_1088, %swap3A_1089], %swap3A_1092 {strides = array<i32>} : memref<80x128xf32, #tpu.memory_space<vmem>>, vector<1x16xf32>,
          %get3A_1093 = arith.index_cast %add3A_1082 : i32 to index
          %get3A_1094 = arith.constant 16 : index
          %get3A_1095 = tpu.vector_load %arg13[%get3A_1093, %get3A_1094] {strides = array<i32>} : memref<80x128xf32, #tpu.memory_space<vmem>>, vector<1x16xf32>,
          %get3A_1096 = vector.shape_cast %get3A_1095 : vector<1x16xf32> to vector<16xf32>
          %mul3A_1097 = arith.mulf %get3A_1096, %broadcast_in_dim3A_1078 : vector<16xf32>
          %swap3A_1098 = arith.index_cast %add3A_1082 : i32 to index
          %swap3A_1099 = arith.constant 16 : index
          %swap3A_1100 = tpu.vector_load %arg13[%swap3A_1098, %swap3A_1099] {strides = array<i32>} : memref<80x128xf32, #tpu.memory_space<vmem>>, vector<1x16xf32>,
          %swap3A_1101 = vector.shape_cast %swap3A_1100 : vector<1x16xf32> to vector<16xf32>
          %swap3A_1102 = vector.shape_cast %mul3A_1097 : vector<16xf32> to vector<1x16xf32>
          tpu.vector_store %arg13[%swap3A_1098, %swap3A_1099], %swap3A_1102 {strides = array<i32>} : memref<80x128xf32, #tpu.memory_space<vmem>>, vector<1x16xf32>,
          %get3A_1103 = arith.index_cast %add3A_1082 : i32 to index
          %get3A_1104 = arith.constant 32 : index
          %get3A_1105 = tpu.vector_load %arg13[%get3A_1103, %get3A_1104] {strides = array<i32>} : memref<80x128xf32, #tpu.memory_space<vmem>>, vector<1x16xf32>,
          %get3A_1106 = vector.shape_cast %get3A_1105 : vector<1x16xf32> to vector<16xf32>
          %mul3A_1107 = arith.mulf %get3A_1106, %broadcast_in_dim3A_1078 : vector<16xf32>
          %swap3A_1108 = arith.index_cast %add3A_1082 : i32 to index
          %swap3A_1109 = arith.constant 32 : index
          %swap3A_1110 = tpu.vector_load %arg13[%swap3A_1108, %swap3A_1109] {strides = array<i32>} : memref<80x128xf32, #tpu.memory_space<vmem>>, vector<1x16xf32>,
          %swap3A_1111 = vector.shape_cast %swap3A_1110 : vector<1x16xf32> to vector<16xf32>
          %swap3A_1112 = vector.shape_cast %mul3A_1107 : vector<16xf32> to vector<1x16xf32>
          tpu.vector_store %arg13[%swap3A_1108, %swap3A_1109], %swap3A_1112 {strides = array<i32>} : memref<80x128xf32, #tpu.memory_space<vmem>>, vector<1x16xf32>,
          %get3A_1113 = arith.index_cast %add3A_1082 : i32 to index
          %get3A_1114 = arith.constant 48 : index
          %get3A_1115 = tpu.vector_load %arg13[%get3A_1113, %get3A_1114] {strides = array<i32>} : memref<80x128xf32, #tpu.memory_space<vmem>>, vector<1x16xf32>,
          %get3A_1116 = vector.shape_cast %get3A_1115 : vector<1x16xf32> to vector<16xf32>
          %mul3A_1117 = arith.mulf %get3A_1116, %broadcast_in_dim3A_1078 : vector<16xf32>
          %swap3A_1118 = arith.index_cast %add3A_1082 : i32 to index
          %swap3A_1119 = arith.constant 48 : index
          %swap3A_1120 = tpu.vector_load %arg13[%swap3A_1118, %swap3A_1119] {strides = array<i32>} : memref<80x128xf32, #tpu.memory_space<vmem>>, vector<1x16xf32>,
          %swap3A_1121 = vector.shape_cast %swap3A_1120 : vector<1x16xf32> to vector<16xf32>
          %swap3A_1122 = vector.shape_cast %mul3A_1117 : vector<16xf32> to vector<1x16xf32>
          tpu.vector_store %arg13[%swap3A_1118, %swap3A_1119], %swap3A_1122 {strides = array<i32>} : memref<80x128xf32, #tpu.memory_space<vmem>>, vector<1x16xf32>,
          %get3A_1123 = arith.index_cast %add3A_1082 : i32 to index
          %get3A_1124 = arith.constant 64 : index
          %get3A_1125 = tpu.vector_load %arg13[%get3A_1123, %get3A_1124] {strides = array<i32>} : memref<80x128xf32, #tpu.memory_space<vmem>>, vector<1x16xf32>,
          %get3A_1126 = vector.shape_cast %get3A_1125 : vector<1x16xf32> to vector<16xf32>
          %mul3A_1127 = arith.mulf %get3A_1126, %broadcast_in_dim3A_1078 : vector<16xf32>
          %swap3A_1128 = arith.index_cast %add3A_1082 : i32 to index
          %swap3A_1129 = arith.constant 64 : index
          %swap3A_1130 = tpu.vector_load %arg13[%swap3A_1128, %swap3A_1129] {strides = array<i32>} : memref<80x128xf32, #tpu.memory_space<vmem>>, vector<1x16xf32>,
          %swap3A_1131 = vector.shape_cast %swap3A_1130 : vector<1x16xf32> to vector<16xf32>
          %swap3A_1132 = vector.shape_cast %mul3A_1127 : vector<16xf32> to vector<1x16xf32>
          tpu.vector_store %arg13[%swap3A_1128, %swap3A_1129], %swap3A_1132 {strides = array<i32>} : memref<80x128xf32, #tpu.memory_space<vmem>>, vector<1x16xf32>,
          %get3A_1133 = arith.index_cast %add3A_1082 : i32 to index
          %get3A_1134 = arith.constant 80 : index
          %get3A_1135 = tpu.vector_load %arg13[%get3A_1133, %get3A_1134] {strides = array<i32>} : memref<80x128xf32, #tpu.memory_space<vmem>>, vector<1x16xf32>,
          %get3A_1136 = vector.shape_cast %get3A_1135 : vector<1x16xf32> to vector<16xf32>
          %mul3A_1137 = arith.mulf %get3A_1136, %broadcast_in_dim3A_1078 : vector<16xf32>
          %swap3A_1138 = arith.index_cast %add3A_1082 : i32 to index
          %swap3A_1139 = arith.constant 80 : index
          %swap3A_1140 = tpu.vector_load %arg13[%swap3A_1138, %swap3A_1139] {strides = array<i32>} : memref<80x128xf32, #tpu.memory_space<vmem>>, vector<1x16xf32>,
          %swap3A_1141 = vector.shape_cast %swap3A_1140 : vector<1x16xf32> to vector<16xf32>
          %swap3A_1142 = vector.shape_cast %mul3A_1137 : vector<16xf32> to vector<1x16xf32>
          tpu.vector_store %arg13[%swap3A_1138, %swap3A_1139], %swap3A_1142 {strides = array<i32>} : memref<80x128xf32, #tpu.memory_space<vmem>>, vector<1x16xf32>,
          %get3A_1143 = arith.index_cast %add3A_1082 : i32 to index
          %get3A_1144 = arith.constant 96 : index
          %get3A_1145 = tpu.vector_load %arg13[%get3A_1143, %get3A_1144] {strides = array<i32>} : memref<80x128xf32, #tpu.memory_space<vmem>>, vector<1x16xf32>,
          %get3A_1146 = vector.shape_cast %get3A_1145 : vector<1x16xf32> to vector<16xf32>
          %mul3A_1147 = arith.mulf %get3A_1146, %broadcast_in_dim3A_1078 : vector<16xf32>
          %swap3A_1148 = arith.index_cast %add3A_1082 : i32 to index
          %swap3A_1149 = arith.constant 96 : index
          %swap3A_1150 = tpu.vector_load %arg13[%swap3A_1148, %swap3A_1149] {strides = array<i32>} : memref<80x128xf32, #tpu.memory_space<vmem>>, vector<1x16xf32>,
          %swap3A_1151 = vector.shape_cast %swap3A_1150 : vector<1x16xf32> to vector<16xf32>
          %swap3A_1152 = vector.shape_cast %mul3A_1147 : vector<16xf32> to vector<1x16xf32>
          tpu.vector_store %arg13[%swap3A_1148, %swap3A_1149], %swap3A_1152 {strides = array<i32>} : memref<80x128xf32, #tpu.memory_space<vmem>>, vector<1x16xf32>,
          %get3A_1153 = arith.index_cast %add3A_1082 : i32 to index
          %get3A_1154 = arith.constant 112 : index
          %get3A_1155 = tpu.vector_load %arg13[%get3A_1153, %get3A_1154] {strides = array<i32>} : memref<80x128xf32, #tpu.memory_space<vmem>>, vector<1x16xf32>,
          %get3A_1156 = vector.shape_cast %get3A_1155 : vector<1x16xf32> to vector<16xf32>
          %mul3A_1157 = arith.mulf %get3A_1156, %broadcast_in_dim3A_1078 : vector<16xf32>
          %swap3A_1158 = arith.index_cast %add3A_1082 : i32 to index
          %swap3A_1159 = arith.constant 112 : index
          %swap3A_1160 = tpu.vector_load %arg13[%swap3A_1158, %swap3A_1159] {strides = array<i32>} : memref<80x128xf32, #tpu.memory_space<vmem>>, vector<1x16xf32>,
          %swap3A_1161 = vector.shape_cast %swap3A_1160 : vector<1x16xf32> to vector<16xf32>
          %swap3A_1162 = vector.shape_cast %mul3A_1157 : vector<16xf32> to vector<1x16xf32>
          tpu.vector_store %arg13[%swap3A_1158, %swap3A_1159], %swap3A_1162 {strides = array<i32>} : memref<80x128xf32, #tpu.memory_space<vmem>>, vector<1x16xf32>,
          %slice3A_1163 = vector.extract_strided_slice %get3A_468 {offsets = [8], sizes = [1], strides = [1]} : vector<16xf32> to vector<1xf32>
          %squeeze3A_1164 = vector.extract %slice3A_1163[0] : f32 from vector<1xf32>
          %broadcast_in_dim3A_1165 = vector.broadcast %squeeze3A_1164 : f32 to vector<16xf32>
          %mul3A_1166 = arith.constant 16 : i32
          %mul3A_1167 = arith.muli %scan3A_464, %mul3A_1166 : i32
          %add3A_1168 = arith.constant 8 : i32
          %add3A_1169 = arith.addi %mul3A_1167, %add3A_1168 : i32
          %get3A_1170 = arith.index_cast %add3A_1169 : i32 to index
          %get3A_1171 = arith.constant 0 : index
          %get3A_1172 = tpu.vector_load %arg13[%get3A_1170, %get3A_1171] {strides = array<i32>} : memref<80x128xf32, #tpu.memory_space<vmem>>, vector<1x16xf32>,
          %get3A_1173 = vector.shape_cast %get3A_1172 : vector<1x16xf32> to vector<16xf32>
          %mul3A_1174 = arith.mulf %get3A_1173, %broadcast_in_dim3A_1165 : vector<16xf32>
          %swap3A_1175 = arith.index_cast %add3A_1169 : i32 to index
          %swap3A_1176 = arith.constant 0 : index
          %swap3A_1177 = tpu.vector_load %arg13[%swap3A_1175, %swap3A_1176] {strides = array<i32>} : memref<80x128xf32, #tpu.memory_space<vmem>>, vector<1x16xf32>,
          %swap3A_1178 = vector.shape_cast %swap3A_1177 : vector<1x16xf32> to vector<16xf32>
          %swap3A_1179 = vector.shape_cast %mul3A_1174 : vector<16xf32> to vector<1x16xf32>
          tpu.vector_store %arg13[%swap3A_1175, %swap3A_1176], %swap3A_1179 {strides = array<i32>} : memref<80x128xf32, #tpu.memory_space<vmem>>, vector<1x16xf32>,
          %get3A_1180 = arith.index_cast %add3A_1169 : i32 to index
          %get3A_1181 = arith.constant 16 : index
          %get3A_1182 = tpu.vector_load %arg13[%get3A_1180, %get3A_1181] {strides = array<i32>} : memref<80x128xf32, #tpu.memory_space<vmem>>, vector<1x16xf32>,
          %get3A_1183 = vector.shape_cast %get3A_1182 : vector<1x16xf32> to vector<16xf32>
          %mul3A_1184 = arith.mulf %get3A_1183, %broadcast_in_dim3A_1165 : vector<16xf32>
          %swap3A_1185 = arith.index_cast %add3A_1169 : i32 to index
          %swap3A_1186 = arith.constant 16 : index
          %swap3A_1187 = tpu.vector_load %arg13[%swap3A_1185, %swap3A_1186] {strides = array<i32>} : memref<80x128xf32, #tpu.memory_space<vmem>>, vector<1x16xf32>,
          %swap3A_1188 = vector.shape_cast %swap3A_1187 : vector<1x16xf32> to vector<16xf32>
          %swap3A_1189 = vector.shape_cast %mul3A_1184 : vector<16xf32> to vector<1x16xf32>
          tpu.vector_store %arg13[%swap3A_1185, %swap3A_1186], %swap3A_1189 {strides = array<i32>} : memref<80x128xf32, #tpu.memory_space<vmem>>, vector<1x16xf32>,
          %get3A_1190 = arith.index_cast %add3A_1169 : i32 to index
          %get3A_1191 = arith.constant 32 : index
          %get3A_1192 = tpu.vector_load %arg13[%get3A_1190, %get3A_1191] {strides = array<i32>} : memref<80x128xf32, #tpu.memory_space<vmem>>, vector<1x16xf32>,
          %get3A_1193 = vector.shape_cast %get3A_1192 : vector<1x16xf32> to vector<16xf32>
          %mul3A_1194 = arith.mulf %get3A_1193, %broadcast_in_dim3A_1165 : vector<16xf32>
          %swap3A_1195 = arith.index_cast %add3A_1169 : i32 to index
          %swap3A_1196 = arith.constant 32 : index
          %swap3A_1197 = tpu.vector_load %arg13[%swap3A_1195, %swap3A_1196] {strides = array<i32>} : memref<80x128xf32, #tpu.memory_space<vmem>>, vector<1x16xf32>,
          %swap3A_1198 = vector.shape_cast %swap3A_1197 : vector<1x16xf32> to vector<16xf32>
          %swap3A_1199 = vector.shape_cast %mul3A_1194 : vector<16xf32> to vector<1x16xf32>
          tpu.vector_store %arg13[%swap3A_1195, %swap3A_1196], %swap3A_1199 {strides = array<i32>} : memref<80x128xf32, #tpu.memory_space<vmem>>, vector<1x16xf32>,
          %get3A_1200 = arith.index_cast %add3A_1169 : i32 to index
          %get3A_1201 = arith.constant 48 : index
          %get3A_1202 = tpu.vector_load %arg13[%get3A_1200, %get3A_1201] {strides = array<i32>} : memref<80x128xf32, #tpu.memory_space<vmem>>, vector<1x16xf32>,
          %get3A_1203 = vector.shape_cast %get3A_1202 : vector<1x16xf32> to vector<16xf32>
          %mul3A_1204 = arith.mulf %get3A_1203, %broadcast_in_dim3A_1165 : vector<16xf32>
          %swap3A_1205 = arith.index_cast %add3A_1169 : i32 to index
          %swap3A_1206 = arith.constant 48 : index
          %swap3A_1207 = tpu.vector_load %arg13[%swap3A_1205, %swap3A_1206] {strides = array<i32>} : memref<80x128xf32, #tpu.memory_space<vmem>>, vector<1x16xf32>,
          %swap3A_1208 = vector.shape_cast %swap3A_1207 : vector<1x16xf32> to vector<16xf32>
          %swap3A_1209 = vector.shape_cast %mul3A_1204 : vector<16xf32> to vector<1x16xf32>
          tpu.vector_store %arg13[%swap3A_1205, %swap3A_1206], %swap3A_1209 {strides = array<i32>} : memref<80x128xf32, #tpu.memory_space<vmem>>, vector<1x16xf32>,
          %get3A_1210 = arith.index_cast %add3A_1169 : i32 to index
          %get3A_1211 = arith.constant 64 : index
          %get3A_1212 = tpu.vector_load %arg13[%get3A_1210, %get3A_1211] {strides = array<i32>} : memref<80x128xf32, #tpu.memory_space<vmem>>, vector<1x16xf32>,
          %get3A_1213 = vector.shape_cast %get3A_1212 : vector<1x16xf32> to vector<16xf32>
          %mul3A_1214 = arith.mulf %get3A_1213, %broadcast_in_dim3A_1165 : vector<16xf32>
          %swap3A_1215 = arith.index_cast %add3A_1169 : i32 to index
          %swap3A_1216 = arith.constant 64 : index
          %swap3A_1217 = tpu.vector_load %arg13[%swap3A_1215, %swap3A_1216] {strides = array<i32>} : memref<80x128xf32, #tpu.memory_space<vmem>>, vector<1x16xf32>,
          %swap3A_1218 = vector.shape_cast %swap3A_1217 : vector<1x16xf32> to vector<16xf32>
          %swap3A_1219 = vector.shape_cast %mul3A_1214 : vector<16xf32> to vector<1x16xf32>
          tpu.vector_store %arg13[%swap3A_1215, %swap3A_1216], %swap3A_1219 {strides = array<i32>} : memref<80x128xf32, #tpu.memory_space<vmem>>, vector<1x16xf32>,
          %get3A_1220 = arith.index_cast %add3A_1169 : i32 to index
          %get3A_1221 = arith.constant 80 : index
          %get3A_1222 = tpu.vector_load %arg13[%get3A_1220, %get3A_1221] {strides = array<i32>} : memref<80x128xf32, #tpu.memory_space<vmem>>, vector<1x16xf32>,
          %get3A_1223 = vector.shape_cast %get3A_1222 : vector<1x16xf32> to vector<16xf32>
          %mul3A_1224 = arith.mulf %get3A_1223, %broadcast_in_dim3A_1165 : vector<16xf32>
          %swap3A_1225 = arith.index_cast %add3A_1169 : i32 to index
          %swap3A_1226 = arith.constant 80 : index
          %swap3A_1227 = tpu.vector_load %arg13[%swap3A_1225, %swap3A_1226] {strides = array<i32>} : memref<80x128xf32, #tpu.memory_space<vmem>>, vector<1x16xf32>,
          %swap3A_1228 = vector.shape_cast %swap3A_1227 : vector<1x16xf32> to vector<16xf32>
          %swap3A_1229 = vector.shape_cast %mul3A_1224 : vector<16xf32> to vector<1x16xf32>
          tpu.vector_store %arg13[%swap3A_1225, %swap3A_1226], %swap3A_1229 {strides = array<i32>} : memref<80x128xf32, #tpu.memory_space<vmem>>, vector<1x16xf32>,
          %get3A_1230 = arith.index_cast %add3A_1169 : i32 to index
          %get3A_1231 = arith.constant 96 : index
          %get3A_1232 = tpu.vector_load %arg13[%get3A_1230, %get3A_1231] {strides = array<i32>} : memref<80x128xf32, #tpu.memory_space<vmem>>, vector<1x16xf32>,
          %get3A_1233 = vector.shape_cast %get3A_1232 : vector<1x16xf32> to vector<16xf32>
          %mul3A_1234 = arith.mulf %get3A_1233, %broadcast_in_dim3A_1165 : vector<16xf32>
          %swap3A_1235 = arith.index_cast %add3A_1169 : i32 to index
          %swap3A_1236 = arith.constant 96 : index
          %swap3A_1237 = tpu.vector_load %arg13[%swap3A_1235, %swap3A_1236] {strides = array<i32>} : memref<80x128xf32, #tpu.memory_space<vmem>>, vector<1x16xf32>,
          %swap3A_1238 = vector.shape_cast %swap3A_1237 : vector<1x16xf32> to vector<16xf32>
          %swap3A_1239 = vector.shape_cast %mul3A_1234 : vector<16xf32> to vector<1x16xf32>
          tpu.vector_store %arg13[%swap3A_1235, %swap3A_1236], %swap3A_1239 {strides = array<i32>} : memref<80x128xf32, #tpu.memory_space<vmem>>, vector<1x16xf32>,
          %get3A_1240 = arith.index_cast %add3A_1169 : i32 to index
          %get3A_1241 = arith.constant 112 : index
          %get3A_1242 = tpu.vector_load %arg13[%get3A_1240, %get3A_1241] {strides = array<i32>} : memref<80x128xf32, #tpu.memory_space<vmem>>, vector<1x16xf32>,
          %get3A_1243 = vector.shape_cast %get3A_1242 : vector<1x16xf32> to vector<16xf32>
          %mul3A_1244 = arith.mulf %get3A_1243, %broadcast_in_dim3A_1165 : vector<16xf32>
          %swap3A_1245 = arith.index_cast %add3A_1169 : i32 to index
          %swap3A_1246 = arith.constant 112 : index
          %swap3A_1247 = tpu.vector_load %arg13[%swap3A_1245, %swap3A_1246] {strides = array<i32>} : memref<80x128xf32, #tpu.memory_space<vmem>>, vector<1x16xf32>,
          %swap3A_1248 = vector.shape_cast %swap3A_1247 : vector<1x16xf32> to vector<16xf32>
          %swap3A_1249 = vector.shape_cast %mul3A_1244 : vector<16xf32> to vector<1x16xf32>
          tpu.vector_store %arg13[%swap3A_1245, %swap3A_1246], %swap3A_1249 {strides = array<i32>} : memref<80x128xf32, #tpu.memory_space<vmem>>, vector<1x16xf32>,
          %slice3A_1250 = vector.extract_strided_slice %get3A_468 {offsets = [9], sizes = [1], strides = [1]} : vector<16xf32> to vector<1xf32>
          %squeeze3A_1251 = vector.extract %slice3A_1250[0] : f32 from vector<1xf32>
          %broadcast_in_dim3A_1252 = vector.broadcast %squeeze3A_1251 : f32 to vector<16xf32>
          %mul3A_1253 = arith.constant 16 : i32
          %mul3A_1254 = arith.muli %scan3A_464, %mul3A_1253 : i32
          %add3A_1255 = arith.constant 9 : i32
          %add3A_1256 = arith.addi %mul3A_1254, %add3A_1255 : i32
          %get3A_1257 = arith.index_cast %add3A_1256 : i32 to index
          %get3A_1258 = arith.constant 0 : index
          %get3A_1259 = tpu.vector_load %arg13[%get3A_1257, %get3A_1258] {strides = array<i32>} : memref<80x128xf32, #tpu.memory_space<vmem>>, vector<1x16xf32>,
          %get3A_1260 = vector.shape_cast %get3A_1259 : vector<1x16xf32> to vector<16xf32>
          %mul3A_1261 = arith.mulf %get3A_1260, %broadcast_in_dim3A_1252 : vector<16xf32>
          %swap3A_1262 = arith.index_cast %add3A_1256 : i32 to index
          %swap3A_1263 = arith.constant 0 : index
          %swap3A_1264 = tpu.vector_load %arg13[%swap3A_1262, %swap3A_1263] {strides = array<i32>} : memref<80x128xf32, #tpu.memory_space<vmem>>, vector<1x16xf32>,
          %swap3A_1265 = vector.shape_cast %swap3A_1264 : vector<1x16xf32> to vector<16xf32>
          %swap3A_1266 = vector.shape_cast %mul3A_1261 : vector<16xf32> to vector<1x16xf32>
          tpu.vector_store %arg13[%swap3A_1262, %swap3A_1263], %swap3A_1266 {strides = array<i32>} : memref<80x128xf32, #tpu.memory_space<vmem>>, vector<1x16xf32>,
          %get3A_1267 = arith.index_cast %add3A_1256 : i32 to index
          %get3A_1268 = arith.constant 16 : index
          %get3A_1269 = tpu.vector_load %arg13[%get3A_1267, %get3A_1268] {strides = array<i32>} : memref<80x128xf32, #tpu.memory_space<vmem>>, vector<1x16xf32>,
          %get3A_1270 = vector.shape_cast %get3A_1269 : vector<1x16xf32> to vector<16xf32>
          %mul3A_1271 = arith.mulf %get3A_1270, %broadcast_in_dim3A_1252 : vector<16xf32>
          %swap3A_1272 = arith.index_cast %add3A_1256 : i32 to index
          %swap3A_1273 = arith.constant 16 : index
          %swap3A_1274 = tpu.vector_load %arg13[%swap3A_1272, %swap3A_1273] {strides = array<i32>} : memref<80x128xf32, #tpu.memory_space<vmem>>, vector<1x16xf32>,
          %swap3A_1275 = vector.shape_cast %swap3A_1274 : vector<1x16xf32> to vector<16xf32>
          %swap3A_1276 = vector.shape_cast %mul3A_1271 : vector<16xf32> to vector<1x16xf32>
          tpu.vector_store %arg13[%swap3A_1272, %swap3A_1273], %swap3A_1276 {strides = array<i32>} : memref<80x128xf32, #tpu.memory_space<vmem>>, vector<1x16xf32>,
          %get3A_1277 = arith.index_cast %add3A_1256 : i32 to index
          %get3A_1278 = arith.constant 32 : index
          %get3A_1279 = tpu.vector_load %arg13[%get3A_1277, %get3A_1278] {strides = array<i32>} : memref<80x128xf32, #tpu.memory_space<vmem>>, vector<1x16xf32>,
          %get3A_1280 = vector.shape_cast %get3A_1279 : vector<1x16xf32> to vector<16xf32>
          %mul3A_1281 = arith.mulf %get3A_1280, %broadcast_in_dim3A_1252 : vector<16xf32>
          %swap3A_1282 = arith.index_cast %add3A_1256 : i32 to index
          %swap3A_1283 = arith.constant 32 : index
          %swap3A_1284 = tpu.vector_load %arg13[%swap3A_1282, %swap3A_1283] {strides = array<i32>} : memref<80x128xf32, #tpu.memory_space<vmem>>, vector<1x16xf32>,
          %swap3A_1285 = vector.shape_cast %swap3A_1284 : vector<1x16xf32> to vector<16xf32>
          %swap3A_1286 = vector.shape_cast %mul3A_1281 : vector<16xf32> to vector<1x16xf32>
          tpu.vector_store %arg13[%swap3A_1282, %swap3A_1283], %swap3A_1286 {strides = array<i32>} : memref<80x128xf32, #tpu.memory_space<vmem>>, vector<1x16xf32>,
          %get3A_1287 = arith.index_cast %add3A_1256 : i32 to index
          %get3A_1288 = arith.constant 48 : index
          %get3A_1289 = tpu.vector_load %arg13[%get3A_1287, %get3A_1288] {strides = array<i32>} : memref<80x128xf32, #tpu.memory_space<vmem>>, vector<1x16xf32>,
          %get3A_1290 = vector.shape_cast %get3A_1289 : vector<1x16xf32> to vector<16xf32>
          %mul3A_1291 = arith.mulf %get3A_1290, %broadcast_in_dim3A_1252 : vector<16xf32>
          %swap3A_1292 = arith.index_cast %add3A_1256 : i32 to index
          %swap3A_1293 = arith.constant 48 : index
          %swap3A_1294 = tpu.vector_load %arg13[%swap3A_1292, %swap3A_1293] {strides = array<i32>} : memref<80x128xf32, #tpu.memory_space<vmem>>, vector<1x16xf32>,
          %swap3A_1295 = vector.shape_cast %swap3A_1294 : vector<1x16xf32> to vector<16xf32>
          %swap3A_1296 = vector.shape_cast %mul3A_1291 : vector<16xf32> to vector<1x16xf32>
          tpu.vector_store %arg13[%swap3A_1292, %swap3A_1293], %swap3A_1296 {strides = array<i32>} : memref<80x128xf32, #tpu.memory_space<vmem>>, vector<1x16xf32>,
          %get3A_1297 = arith.index_cast %add3A_1256 : i32 to index
          %get3A_1298 = arith.constant 64 : index
          %get3A_1299 = tpu.vector_load %arg13[%get3A_1297, %get3A_1298] {strides = array<i32>} : memref<80x128xf32, #tpu.memory_space<vmem>>, vector<1x16xf32>,
          %get3A_1300 = vector.shape_cast %get3A_1299 : vector<1x16xf32> to vector<16xf32>
          %mul3A_1301 = arith.mulf %get3A_1300, %broadcast_in_dim3A_1252 : vector<16xf32>
          %swap3A_1302 = arith.index_cast %add3A_1256 : i32 to index
          %swap3A_1303 = arith.constant 64 : index
          %swap3A_1304 = tpu.vector_load %arg13[%swap3A_1302, %swap3A_1303] {strides = array<i32>} : memref<80x128xf32, #tpu.memory_space<vmem>>, vector<1x16xf32>,
          %swap3A_1305 = vector.shape_cast %swap3A_1304 : vector<1x16xf32> to vector<16xf32>
          %swap3A_1306 = vector.shape_cast %mul3A_1301 : vector<16xf32> to vector<1x16xf32>
          tpu.vector_store %arg13[%swap3A_1302, %swap3A_1303], %swap3A_1306 {strides = array<i32>} : memref<80x128xf32, #tpu.memory_space<vmem>>, vector<1x16xf32>,
          %get3A_1307 = arith.index_cast %add3A_1256 : i32 to index
          %get3A_1308 = arith.constant 80 : index
          %get3A_1309 = tpu.vector_load %arg13[%get3A_1307, %get3A_1308] {strides = array<i32>} : memref<80x128xf32, #tpu.memory_space<vmem>>, vector<1x16xf32>,
          %get3A_1310 = vector.shape_cast %get3A_1309 : vector<1x16xf32> to vector<16xf32>
          %mul3A_1311 = arith.mulf %get3A_1310, %broadcast_in_dim3A_1252 : vector<16xf32>
          %swap3A_1312 = arith.index_cast %add3A_1256 : i32 to index
          %swap3A_1313 = arith.constant 80 : index
          %swap3A_1314 = tpu.vector_load %arg13[%swap3A_1312, %swap3A_1313] {strides = array<i32>} : memref<80x128xf32, #tpu.memory_space<vmem>>, vector<1x16xf32>,
          %swap3A_1315 = vector.shape_cast %swap3A_1314 : vector<1x16xf32> to vector<16xf32>
          %swap3A_1316 = vector.shape_cast %mul3A_1311 : vector<16xf32> to vector<1x16xf32>
          tpu.vector_store %arg13[%swap3A_1312, %swap3A_1313], %swap3A_1316 {strides = array<i32>} : memref<80x128xf32, #tpu.memory_space<vmem>>, vector<1x16xf32>,
          %get3A_1317 = arith.index_cast %add3A_1256 : i32 to index
          %get3A_1318 = arith.constant 96 : index
          %get3A_1319 = tpu.vector_load %arg13[%get3A_1317, %get3A_1318] {strides = array<i32>} : memref<80x128xf32, #tpu.memory_space<vmem>>, vector<1x16xf32>,
          %get3A_1320 = vector.shape_cast %get3A_1319 : vector<1x16xf32> to vector<16xf32>
          %mul3A_1321 = arith.mulf %get3A_1320, %broadcast_in_dim3A_1252 : vector<16xf32>
          %swap3A_1322 = arith.index_cast %add3A_1256 : i32 to index
          %swap3A_1323 = arith.constant 96 : index
          %swap3A_1324 = tpu.vector_load %arg13[%swap3A_1322, %swap3A_1323] {strides = array<i32>} : memref<80x128xf32, #tpu.memory_space<vmem>>, vector<1x16xf32>,
          %swap3A_1325 = vector.shape_cast %swap3A_1324 : vector<1x16xf32> to vector<16xf32>
          %swap3A_1326 = vector.shape_cast %mul3A_1321 : vector<16xf32> to vector<1x16xf32>
          tpu.vector_store %arg13[%swap3A_1322, %swap3A_1323], %swap3A_1326 {strides = array<i32>} : memref<80x128xf32, #tpu.memory_space<vmem>>, vector<1x16xf32>,
          %get3A_1327 = arith.index_cast %add3A_1256 : i32 to index
          %get3A_1328 = arith.constant 112 : index
          %get3A_1329 = tpu.vector_load %arg13[%get3A_1327, %get3A_1328] {strides = array<i32>} : memref<80x128xf32, #tpu.memory_space<vmem>>, vector<1x16xf32>,
          %get3A_1330 = vector.shape_cast %get3A_1329 : vector<1x16xf32> to vector<16xf32>
          %mul3A_1331 = arith.mulf %get3A_1330, %broadcast_in_dim3A_1252 : vector<16xf32>
          %swap3A_1332 = arith.index_cast %add3A_1256 : i32 to index
          %swap3A_1333 = arith.constant 112 : index
          %swap3A_1334 = tpu.vector_load %arg13[%swap3A_1332, %swap3A_1333] {strides = array<i32>} : memref<80x128xf32, #tpu.memory_space<vmem>>, vector<1x16xf32>,
          %swap3A_1335 = vector.shape_cast %swap3A_1334 : vector<1x16xf32> to vector<16xf32>
          %swap3A_1336 = vector.shape_cast %mul3A_1331 : vector<16xf32> to vector<1x16xf32>
          tpu.vector_store %arg13[%swap3A_1332, %swap3A_1333], %swap3A_1336 {strides = array<i32>} : memref<80x128xf32, #tpu.memory_space<vmem>>, vector<1x16xf32>,
          %slice3A_1337 = vector.extract_strided_slice %get3A_468 {offsets = [10], sizes = [1], strides = [1]} : vector<16xf32> to vector<1xf32>
          %squeeze3A_1338 = vector.extract %slice3A_1337[0] : f32 from vector<1xf32>
          %broadcast_in_dim3A_1339 = vector.broadcast %squeeze3A_1338 : f32 to vector<16xf32>
          %mul3A_1340 = arith.constant 16 : i32
          %mul3A_1341 = arith.muli %scan3A_464, %mul3A_1340 : i32
          %add3A_1342 = arith.constant 10 : i32
          %add3A_1343 = arith.addi %mul3A_1341, %add3A_1342 : i32
          %get3A_1344 = arith.index_cast %add3A_1343 : i32 to index
          %get3A_1345 = arith.constant 0 : index
          %get3A_1346 = tpu.vector_load %arg13[%get3A_1344, %get3A_1345] {strides = array<i32>} : memref<80x128xf32, #tpu.memory_space<vmem>>, vector<1x16xf32>,
          %get3A_1347 = vector.shape_cast %get3A_1346 : vector<1x16xf32> to vector<16xf32>
          %mul3A_1348 = arith.mulf %get3A_1347, %broadcast_in_dim3A_1339 : vector<16xf32>
          %swap3A_1349 = arith.index_cast %add3A_1343 : i32 to index
          %swap3A_1350 = arith.constant 0 : index
          %swap3A_1351 = tpu.vector_load %arg13[%swap3A_1349, %swap3A_1350] {strides = array<i32>} : memref<80x128xf32, #tpu.memory_space<vmem>>, vector<1x16xf32>,
          %swap3A_1352 = vector.shape_cast %swap3A_1351 : vector<1x16xf32> to vector<16xf32>
          %swap3A_1353 = vector.shape_cast %mul3A_1348 : vector<16xf32> to vector<1x16xf32>
          tpu.vector_store %arg13[%swap3A_1349, %swap3A_1350], %swap3A_1353 {strides = array<i32>} : memref<80x128xf32, #tpu.memory_space<vmem>>, vector<1x16xf32>,
          %get3A_1354 = arith.index_cast %add3A_1343 : i32 to index
          %get3A_1355 = arith.constant 16 : index
          %get3A_1356 = tpu.vector_load %arg13[%get3A_1354, %get3A_1355] {strides = array<i32>} : memref<80x128xf32, #tpu.memory_space<vmem>>, vector<1x16xf32>,
          %get3A_1357 = vector.shape_cast %get3A_1356 : vector<1x16xf32> to vector<16xf32>
          %mul3A_1358 = arith.mulf %get3A_1357, %broadcast_in_dim3A_1339 : vector<16xf32>
          %swap3A_1359 = arith.index_cast %add3A_1343 : i32 to index
          %swap3A_1360 = arith.constant 16 : index
          %swap3A_1361 = tpu.vector_load %arg13[%swap3A_1359, %swap3A_1360] {strides = array<i32>} : memref<80x128xf32, #tpu.memory_space<vmem>>, vector<1x16xf32>,
          %swap3A_1362 = vector.shape_cast %swap3A_1361 : vector<1x16xf32> to vector<16xf32>
          %swap3A_1363 = vector.shape_cast %mul3A_1358 : vector<16xf32> to vector<1x16xf32>
          tpu.vector_store %arg13[%swap3A_1359, %swap3A_1360], %swap3A_1363 {strides = array<i32>} : memref<80x128xf32, #tpu.memory_space<vmem>>, vector<1x16xf32>,
          %get3A_1364 = arith.index_cast %add3A_1343 : i32 to index
          %get3A_1365 = arith.constant 32 : index
          %get3A_1366 = tpu.vector_load %arg13[%get3A_1364, %get3A_1365] {strides = array<i32>} : memref<80x128xf32, #tpu.memory_space<vmem>>, vector<1x16xf32>,
          %get3A_1367 = vector.shape_cast %get3A_1366 : vector<1x16xf32> to vector<16xf32>
          %mul3A_1368 = arith.mulf %get3A_1367, %broadcast_in_dim3A_1339 : vector<16xf32>
          %swap3A_1369 = arith.index_cast %add3A_1343 : i32 to index
          %swap3A_1370 = arith.constant 32 : index
          %swap3A_1371 = tpu.vector_load %arg13[%swap3A_1369, %swap3A_1370] {strides = array<i32>} : memref<80x128xf32, #tpu.memory_space<vmem>>, vector<1x16xf32>,
          %swap3A_1372 = vector.shape_cast %swap3A_1371 : vector<1x16xf32> to vector<16xf32>
          %swap3A_1373 = vector.shape_cast %mul3A_1368 : vector<16xf32> to vector<1x16xf32>
          tpu.vector_store %arg13[%swap3A_1369, %swap3A_1370], %swap3A_1373 {strides = array<i32>} : memref<80x128xf32, #tpu.memory_space<vmem>>, vector<1x16xf32>,
          %get3A_1374 = arith.index_cast %add3A_1343 : i32 to index
          %get3A_1375 = arith.constant 48 : index
          %get3A_1376 = tpu.vector_load %arg13[%get3A_1374, %get3A_1375] {strides = array<i32>} : memref<80x128xf32, #tpu.memory_space<vmem>>, vector<1x16xf32>,
          %get3A_1377 = vector.shape_cast %get3A_1376 : vector<1x16xf32> to vector<16xf32>
          %mul3A_1378 = arith.mulf %get3A_1377, %broadcast_in_dim3A_1339 : vector<16xf32>
          %swap3A_1379 = arith.index_cast %add3A_1343 : i32 to index
          %swap3A_1380 = arith.constant 48 : index
          %swap3A_1381 = tpu.vector_load %arg13[%swap3A_1379, %swap3A_1380] {strides = array<i32>} : memref<80x128xf32, #tpu.memory_space<vmem>>, vector<1x16xf32>,
          %swap3A_1382 = vector.shape_cast %swap3A_1381 : vector<1x16xf32> to vector<16xf32>
          %swap3A_1383 = vector.shape_cast %mul3A_1378 : vector<16xf32> to vector<1x16xf32>
          tpu.vector_store %arg13[%swap3A_1379, %swap3A_1380], %swap3A_1383 {strides = array<i32>} : memref<80x128xf32, #tpu.memory_space<vmem>>, vector<1x16xf32>,
          %get3A_1384 = arith.index_cast %add3A_1343 : i32 to index
          %get3A_1385 = arith.constant 64 : index
          %get3A_1386 = tpu.vector_load %arg13[%get3A_1384, %get3A_1385] {strides = array<i32>} : memref<80x128xf32, #tpu.memory_space<vmem>>, vector<1x16xf32>,
          %get3A_1387 = vector.shape_cast %get3A_1386 : vector<1x16xf32> to vector<16xf32>
          %mul3A_1388 = arith.mulf %get3A_1387, %broadcast_in_dim3A_1339 : vector<16xf32>
          %swap3A_1389 = arith.index_cast %add3A_1343 : i32 to index
          %swap3A_1390 = arith.constant 64 : index
          %swap3A_1391 = tpu.vector_load %arg13[%swap3A_1389, %swap3A_1390] {strides = array<i32>} : memref<80x128xf32, #tpu.memory_space<vmem>>, vector<1x16xf32>,
          %swap3A_1392 = vector.shape_cast %swap3A_1391 : vector<1x16xf32> to vector<16xf32>
          %swap3A_1393 = vector.shape_cast %mul3A_1388 : vector<16xf32> to vector<1x16xf32>
          tpu.vector_store %arg13[%swap3A_1389, %swap3A_1390], %swap3A_1393 {strides = array<i32>} : memref<80x128xf32, #tpu.memory_space<vmem>>, vector<1x16xf32>,
          %get3A_1394 = arith.index_cast %add3A_1343 : i32 to index
          %get3A_1395 = arith.constant 80 : index
          %get3A_1396 = tpu.vector_load %arg13[%get3A_1394, %get3A_1395] {strides = array<i32>} : memref<80x128xf32, #tpu.memory_space<vmem>>, vector<1x16xf32>,
          %get3A_1397 = vector.shape_cast %get3A_1396 : vector<1x16xf32> to vector<16xf32>
          %mul3A_1398 = arith.mulf %get3A_1397, %broadcast_in_dim3A_1339 : vector<16xf32>
          %swap3A_1399 = arith.index_cast %add3A_1343 : i32 to index
          %swap3A_1400 = arith.constant 80 : index
          %swap3A_1401 = tpu.vector_load %arg13[%swap3A_1399, %swap3A_1400] {strides = array<i32>} : memref<80x128xf32, #tpu.memory_space<vmem>>, vector<1x16xf32>,
          %swap3A_1402 = vector.shape_cast %swap3A_1401 : vector<1x16xf32> to vector<16xf32>
          %swap3A_1403 = vector.shape_cast %mul3A_1398 : vector<16xf32> to vector<1x16xf32>
          tpu.vector_store %arg13[%swap3A_1399, %swap3A_1400], %swap3A_1403 {strides = array<i32>} : memref<80x128xf32, #tpu.memory_space<vmem>>, vector<1x16xf32>,
          %get3A_1404 = arith.index_cast %add3A_1343 : i32 to index
          %get3A_1405 = arith.constant 96 : index
          %get3A_1406 = tpu.vector_load %arg13[%get3A_1404, %get3A_1405] {strides = array<i32>} : memref<80x128xf32, #tpu.memory_space<vmem>>, vector<1x16xf32>,
          %get3A_1407 = vector.shape_cast %get3A_1406 : vector<1x16xf32> to vector<16xf32>
          %mul3A_1408 = arith.mulf %get3A_1407, %broadcast_in_dim3A_1339 : vector<16xf32>
          %swap3A_1409 = arith.index_cast %add3A_1343 : i32 to index
          %swap3A_1410 = arith.constant 96 : index
          %swap3A_1411 = tpu.vector_load %arg13[%swap3A_1409, %swap3A_1410] {strides = array<i32>} : memref<80x128xf32, #tpu.memory_space<vmem>>, vector<1x16xf32>,
          %swap3A_1412 = vector.shape_cast %swap3A_1411 : vector<1x16xf32> to vector<16xf32>
          %swap3A_1413 = vector.shape_cast %mul3A_1408 : vector<16xf32> to vector<1x16xf32>
          tpu.vector_store %arg13[%swap3A_1409, %swap3A_1410], %swap3A_1413 {strides = array<i32>} : memref<80x128xf32, #tpu.memory_space<vmem>>, vector<1x16xf32>,
          %get3A_1414 = arith.index_cast %add3A_1343 : i32 to index
          %get3A_1415 = arith.constant 112 : index
          %get3A_1416 = tpu.vector_load %arg13[%get3A_1414, %get3A_1415] {strides = array<i32>} : memref<80x128xf32, #tpu.memory_space<vmem>>, vector<1x16xf32>,
          %get3A_1417 = vector.shape_cast %get3A_1416 : vector<1x16xf32> to vector<16xf32>
          %mul3A_1418 = arith.mulf %get3A_1417, %broadcast_in_dim3A_1339 : vector<16xf32>
          %swap3A_1419 = arith.index_cast %add3A_1343 : i32 to index
          %swap3A_1420 = arith.constant 112 : index
          %swap3A_1421 = tpu.vector_load %arg13[%swap3A_1419, %swap3A_1420] {strides = array<i32>} : memref<80x128xf32, #tpu.memory_space<vmem>>, vector<1x16xf32>,
          %swap3A_1422 = vector.shape_cast %swap3A_1421 : vector<1x16xf32> to vector<16xf32>
          %swap3A_1423 = vector.shape_cast %mul3A_1418 : vector<16xf32> to vector<1x16xf32>
          tpu.vector_store %arg13[%swap3A_1419, %swap3A_1420], %swap3A_1423 {strides = array<i32>} : memref<80x128xf32, #tpu.memory_space<vmem>>, vector<1x16xf32>,
          %slice3A_1424 = vector.extract_strided_slice %get3A_468 {offsets = [11], sizes = [1], strides = [1]} : vector<16xf32> to vector<1xf32>
          %squeeze3A_1425 = vector.extract %slice3A_1424[0] : f32 from vector<1xf32>
          %broadcast_in_dim3A_1426 = vector.broadcast %squeeze3A_1425 : f32 to vector<16xf32>
          %mul3A_1427 = arith.constant 16 : i32
          %mul3A_1428 = arith.muli %scan3A_464, %mul3A_1427 : i32
          %add3A_1429 = arith.constant 11 : i32
          %add3A_1430 = arith.addi %mul3A_1428, %add3A_1429 : i32
          %get3A_1431 = arith.index_cast %add3A_1430 : i32 to index
          %get3A_1432 = arith.constant 0 : index
          %get3A_1433 = tpu.vector_load %arg13[%get3A_1431, %get3A_1432] {strides = array<i32>} : memref<80x128xf32, #tpu.memory_space<vmem>>, vector<1x16xf32>,
          %get3A_1434 = vector.shape_cast %get3A_1433 : vector<1x16xf32> to vector<16xf32>
          %mul3A_1435 = arith.mulf %get3A_1434, %broadcast_in_dim3A_1426 : vector<16xf32>
          %swap3A_1436 = arith.index_cast %add3A_1430 : i32 to index
          %swap3A_1437 = arith.constant 0 : index
          %swap3A_1438 = tpu.vector_load %arg13[%swap3A_1436, %swap3A_1437] {strides = array<i32>} : memref<80x128xf32, #tpu.memory_space<vmem>>, vector<1x16xf32>,
          %swap3A_1439 = vector.shape_cast %swap3A_1438 : vector<1x16xf32> to vector<16xf32>
          %swap3A_1440 = vector.shape_cast %mul3A_1435 : vector<16xf32> to vector<1x16xf32>
          tpu.vector_store %arg13[%swap3A_1436, %swap3A_1437], %swap3A_1440 {strides = array<i32>} : memref<80x128xf32, #tpu.memory_space<vmem>>, vector<1x16xf32>,
          %get3A_1441 = arith.index_cast %add3A_1430 : i32 to index
          %get3A_1442 = arith.constant 16 : index
          %get3A_1443 = tpu.vector_load %arg13[%get3A_1441, %get3A_1442] {strides = array<i32>} : memref<80x128xf32, #tpu.memory_space<vmem>>, vector<1x16xf32>,
          %get3A_1444 = vector.shape_cast %get3A_1443 : vector<1x16xf32> to vector<16xf32>
          %mul3A_1445 = arith.mulf %get3A_1444, %broadcast_in_dim3A_1426 : vector<16xf32>
          %swap3A_1446 = arith.index_cast %add3A_1430 : i32 to index
          %swap3A_1447 = arith.constant 16 : index
          %swap3A_1448 = tpu.vector_load %arg13[%swap3A_1446, %swap3A_1447] {strides = array<i32>} : memref<80x128xf32, #tpu.memory_space<vmem>>, vector<1x16xf32>,
          %swap3A_1449 = vector.shape_cast %swap3A_1448 : vector<1x16xf32> to vector<16xf32>
          %swap3A_1450 = vector.shape_cast %mul3A_1445 : vector<16xf32> to vector<1x16xf32>
          tpu.vector_store %arg13[%swap3A_1446, %swap3A_1447], %swap3A_1450 {strides = array<i32>} : memref<80x128xf32, #tpu.memory_space<vmem>>, vector<1x16xf32>,
          %get3A_1451 = arith.index_cast %add3A_1430 : i32 to index
          %get3A_1452 = arith.constant 32 : index
          %get3A_1453 = tpu.vector_load %arg13[%get3A_1451, %get3A_1452] {strides = array<i32>} : memref<80x128xf32, #tpu.memory_space<vmem>>, vector<1x16xf32>,
          %get3A_1454 = vector.shape_cast %get3A_1453 : vector<1x16xf32> to vector<16xf32>
          %mul3A_1455 = arith.mulf %get3A_1454, %broadcast_in_dim3A_1426 : vector<16xf32>
          %swap3A_1456 = arith.index_cast %add3A_1430 : i32 to index
          %swap3A_1457 = arith.constant 32 : index
          %swap3A_1458 = tpu.vector_load %arg13[%swap3A_1456, %swap3A_1457] {strides = array<i32>} : memref<80x128xf32, #tpu.memory_space<vmem>>, vector<1x16xf32>,
          %swap3A_1459 = vector.shape_cast %swap3A_1458 : vector<1x16xf32> to vector<16xf32>
          %swap3A_1460 = vector.shape_cast %mul3A_1455 : vector<16xf32> to vector<1x16xf32>
          tpu.vector_store %arg13[%swap3A_1456, %swap3A_1457], %swap3A_1460 {strides = array<i32>} : memref<80x128xf32, #tpu.memory_space<vmem>>, vector<1x16xf32>,
          %get3A_1461 = arith.index_cast %add3A_1430 : i32 to index
          %get3A_1462 = arith.constant 48 : index
          %get3A_1463 = tpu.vector_load %arg13[%get3A_1461, %get3A_1462] {strides = array<i32>} : memref<80x128xf32, #tpu.memory_space<vmem>>, vector<1x16xf32>,
          %get3A_1464 = vector.shape_cast %get3A_1463 : vector<1x16xf32> to vector<16xf32>
          %mul3A_1465 = arith.mulf %get3A_1464, %broadcast_in_dim3A_1426 : vector<16xf32>
          %swap3A_1466 = arith.index_cast %add3A_1430 : i32 to index
          %swap3A_1467 = arith.constant 48 : index
          %swap3A_1468 = tpu.vector_load %arg13[%swap3A_1466, %swap3A_1467] {strides = array<i32>} : memref<80x128xf32, #tpu.memory_space<vmem>>, vector<1x16xf32>,
          %swap3A_1469 = vector.shape_cast %swap3A_1468 : vector<1x16xf32> to vector<16xf32>
          %swap3A_1470 = vector.shape_cast %mul3A_1465 : vector<16xf32> to vector<1x16xf32>
          tpu.vector_store %arg13[%swap3A_1466, %swap3A_1467], %swap3A_1470 {strides = array<i32>} : memref<80x128xf32, #tpu.memory_space<vmem>>, vector<1x16xf32>,
          %get3A_1471 = arith.index_cast %add3A_1430 : i32 to index
          %get3A_1472 = arith.constant 64 : index
          %get3A_1473 = tpu.vector_load %arg13[%get3A_1471, %get3A_1472] {strides = array<i32>} : memref<80x128xf32, #tpu.memory_space<vmem>>, vector<1x16xf32>,
          %get3A_1474 = vector.shape_cast %get3A_1473 : vector<1x16xf32> to vector<16xf32>
          %mul3A_1475 = arith.mulf %get3A_1474, %broadcast_in_dim3A_1426 : vector<16xf32>
          %swap3A_1476 = arith.index_cast %add3A_1430 : i32 to index
          %swap3A_1477 = arith.constant 64 : index
          %swap3A_1478 = tpu.vector_load %arg13[%swap3A_1476, %swap3A_1477] {strides = array<i32>} : memref<80x128xf32, #tpu.memory_space<vmem>>, vector<1x16xf32>,
          %swap3A_1479 = vector.shape_cast %swap3A_1478 : vector<1x16xf32> to vector<16xf32>
          %swap3A_1480 = vector.shape_cast %mul3A_1475 : vector<16xf32> to vector<1x16xf32>
          tpu.vector_store %arg13[%swap3A_1476, %swap3A_1477], %swap3A_1480 {strides = array<i32>} : memref<80x128xf32, #tpu.memory_space<vmem>>, vector<1x16xf32>,
          %get3A_1481 = arith.index_cast %add3A_1430 : i32 to index
          %get3A_1482 = arith.constant 80 : index
          %get3A_1483 = tpu.vector_load %arg13[%get3A_1481, %get3A_1482] {strides = array<i32>} : memref<80x128xf32, #tpu.memory_space<vmem>>, vector<1x16xf32>,
          %get3A_1484 = vector.shape_cast %get3A_1483 : vector<1x16xf32> to vector<16xf32>
          %mul3A_1485 = arith.mulf %get3A_1484, %broadcast_in_dim3A_1426 : vector<16xf32>
          %swap3A_1486 = arith.index_cast %add3A_1430 : i32 to index
          %swap3A_1487 = arith.constant 80 : index
          %swap3A_1488 = tpu.vector_load %arg13[%swap3A_1486, %swap3A_1487] {strides = array<i32>} : memref<80x128xf32, #tpu.memory_space<vmem>>, vector<1x16xf32>,
          %swap3A_1489 = vector.shape_cast %swap3A_1488 : vector<1x16xf32> to vector<16xf32>
          %swap3A_1490 = vector.shape_cast %mul3A_1485 : vector<16xf32> to vector<1x16xf32>
          tpu.vector_store %arg13[%swap3A_1486, %swap3A_1487], %swap3A_1490 {strides = array<i32>} : memref<80x128xf32, #tpu.memory_space<vmem>>, vector<1x16xf32>,
          %get3A_1491 = arith.index_cast %add3A_1430 : i32 to index
          %get3A_1492 = arith.constant 96 : index
          %get3A_1493 = tpu.vector_load %arg13[%get3A_1491, %get3A_1492] {strides = array<i32>} : memref<80x128xf32, #tpu.memory_space<vmem>>, vector<1x16xf32>,
          %get3A_1494 = vector.shape_cast %get3A_1493 : vector<1x16xf32> to vector<16xf32>
          %mul3A_1495 = arith.mulf %get3A_1494, %broadcast_in_dim3A_1426 : vector<16xf32>
          %swap3A_1496 = arith.index_cast %add3A_1430 : i32 to index
          %swap3A_1497 = arith.constant 96 : index
          %swap3A_1498 = tpu.vector_load %arg13[%swap3A_1496, %swap3A_1497] {strides = array<i32>} : memref<80x128xf32, #tpu.memory_space<vmem>>, vector<1x16xf32>,
          %swap3A_1499 = vector.shape_cast %swap3A_1498 : vector<1x16xf32> to vector<16xf32>
          %swap3A_1500 = vector.shape_cast %mul3A_1495 : vector<16xf32> to vector<1x16xf32>
          tpu.vector_store %arg13[%swap3A_1496, %swap3A_1497], %swap3A_1500 {strides = array<i32>} : memref<80x128xf32, #tpu.memory_space<vmem>>, vector<1x16xf32>,
          %get3A_1501 = arith.index_cast %add3A_1430 : i32 to index
          %get3A_1502 = arith.constant 112 : index
          %get3A_1503 = tpu.vector_load %arg13[%get3A_1501, %get3A_1502] {strides = array<i32>} : memref<80x128xf32, #tpu.memory_space<vmem>>, vector<1x16xf32>,
          %get3A_1504 = vector.shape_cast %get3A_1503 : vector<1x16xf32> to vector<16xf32>
          %mul3A_1505 = arith.mulf %get3A_1504, %broadcast_in_dim3A_1426 : vector<16xf32>
          %swap3A_1506 = arith.index_cast %add3A_1430 : i32 to index
          %swap3A_1507 = arith.constant 112 : index
          %swap3A_1508 = tpu.vector_load %arg13[%swap3A_1506, %swap3A_1507] {strides = array<i32>} : memref<80x128xf32, #tpu.memory_space<vmem>>, vector<1x16xf32>,
          %swap3A_1509 = vector.shape_cast %swap3A_1508 : vector<1x16xf32> to vector<16xf32>
          %swap3A_1510 = vector.shape_cast %mul3A_1505 : vector<16xf32> to vector<1x16xf32>
          tpu.vector_store %arg13[%swap3A_1506, %swap3A_1507], %swap3A_1510 {strides = array<i32>} : memref<80x128xf32, #tpu.memory_space<vmem>>, vector<1x16xf32>,
          %slice3A_1511 = vector.extract_strided_slice %get3A_468 {offsets = [12], sizes = [1], strides = [1]} : vector<16xf32> to vector<1xf32>
          %squeeze3A_1512 = vector.extract %slice3A_1511[0] : f32 from vector<1xf32>
          %broadcast_in_dim3A_1513 = vector.broadcast %squeeze3A_1512 : f32 to vector<16xf32>
          %mul3A_1514 = arith.constant 16 : i32
          %mul3A_1515 = arith.muli %scan3A_464, %mul3A_1514 : i32
          %add3A_1516 = arith.constant 12 : i32
          %add3A_1517 = arith.addi %mul3A_1515, %add3A_1516 : i32
          %get3A_1518 = arith.index_cast %add3A_1517 : i32 to index
          %get3A_1519 = arith.constant 0 : index
          %get3A_1520 = tpu.vector_load %arg13[%get3A_1518, %get3A_1519] {strides = array<i32>} : memref<80x128xf32, #tpu.memory_space<vmem>>, vector<1x16xf32>,
          %get3A_1521 = vector.shape_cast %get3A_1520 : vector<1x16xf32> to vector<16xf32>
          %mul3A_1522 = arith.mulf %get3A_1521, %broadcast_in_dim3A_1513 : vector<16xf32>
          %swap3A_1523 = arith.index_cast %add3A_1517 : i32 to index
          %swap3A_1524 = arith.constant 0 : index
          %swap3A_1525 = tpu.vector_load %arg13[%swap3A_1523, %swap3A_1524] {strides = array<i32>} : memref<80x128xf32, #tpu.memory_space<vmem>>, vector<1x16xf32>,
          %swap3A_1526 = vector.shape_cast %swap3A_1525 : vector<1x16xf32> to vector<16xf32>
          %swap3A_1527 = vector.shape_cast %mul3A_1522 : vector<16xf32> to vector<1x16xf32>
          tpu.vector_store %arg13[%swap3A_1523, %swap3A_1524], %swap3A_1527 {strides = array<i32>} : memref<80x128xf32, #tpu.memory_space<vmem>>, vector<1x16xf32>,
          %get3A_1528 = arith.index_cast %add3A_1517 : i32 to index
          %get3A_1529 = arith.constant 16 : index
          %get3A_1530 = tpu.vector_load %arg13[%get3A_1528, %get3A_1529] {strides = array<i32>} : memref<80x128xf32, #tpu.memory_space<vmem>>, vector<1x16xf32>,
          %get3A_1531 = vector.shape_cast %get3A_1530 : vector<1x16xf32> to vector<16xf32>
          %mul3A_1532 = arith.mulf %get3A_1531, %broadcast_in_dim3A_1513 : vector<16xf32>
          %swap3A_1533 = arith.index_cast %add3A_1517 : i32 to index
          %swap3A_1534 = arith.constant 16 : index
          %swap3A_1535 = tpu.vector_load %arg13[%swap3A_1533, %swap3A_1534] {strides = array<i32>} : memref<80x128xf32, #tpu.memory_space<vmem>>, vector<1x16xf32>,
          %swap3A_1536 = vector.shape_cast %swap3A_1535 : vector<1x16xf32> to vector<16xf32>
          %swap3A_1537 = vector.shape_cast %mul3A_1532 : vector<16xf32> to vector<1x16xf32>
          tpu.vector_store %arg13[%swap3A_1533, %swap3A_1534], %swap3A_1537 {strides = array<i32>} : memref<80x128xf32, #tpu.memory_space<vmem>>, vector<1x16xf32>,
          %get3A_1538 = arith.index_cast %add3A_1517 : i32 to index
          %get3A_1539 = arith.constant 32 : index
          %get3A_1540 = tpu.vector_load %arg13[%get3A_1538, %get3A_1539] {strides = array<i32>} : memref<80x128xf32, #tpu.memory_space<vmem>>, vector<1x16xf32>,
          %get3A_1541 = vector.shape_cast %get3A_1540 : vector<1x16xf32> to vector<16xf32>
          %mul3A_1542 = arith.mulf %get3A_1541, %broadcast_in_dim3A_1513 : vector<16xf32>
          %swap3A_1543 = arith.index_cast %add3A_1517 : i32 to index
          %swap3A_1544 = arith.constant 32 : index
          %swap3A_1545 = tpu.vector_load %arg13[%swap3A_1543, %swap3A_1544] {strides = array<i32>} : memref<80x128xf32, #tpu.memory_space<vmem>>, vector<1x16xf32>,
          %swap3A_1546 = vector.shape_cast %swap3A_1545 : vector<1x16xf32> to vector<16xf32>
          %swap3A_1547 = vector.shape_cast %mul3A_1542 : vector<16xf32> to vector<1x16xf32>
          tpu.vector_store %arg13[%swap3A_1543, %swap3A_1544], %swap3A_1547 {strides = array<i32>} : memref<80x128xf32, #tpu.memory_space<vmem>>, vector<1x16xf32>,
          %get3A_1548 = arith.index_cast %add3A_1517 : i32 to index
          %get3A_1549 = arith.constant 48 : index
          %get3A_1550 = tpu.vector_load %arg13[%get3A_1548, %get3A_1549] {strides = array<i32>} : memref<80x128xf32, #tpu.memory_space<vmem>>, vector<1x16xf32>,
          %get3A_1551 = vector.shape_cast %get3A_1550 : vector<1x16xf32> to vector<16xf32>
          %mul3A_1552 = arith.mulf %get3A_1551, %broadcast_in_dim3A_1513 : vector<16xf32>
          %swap3A_1553 = arith.index_cast %add3A_1517 : i32 to index
          %swap3A_1554 = arith.constant 48 : index
          %swap3A_1555 = tpu.vector_load %arg13[%swap3A_1553, %swap3A_1554] {strides = array<i32>} : memref<80x128xf32, #tpu.memory_space<vmem>>, vector<1x16xf32>,
          %swap3A_1556 = vector.shape_cast %swap3A_1555 : vector<1x16xf32> to vector<16xf32>
          %swap3A_1557 = vector.shape_cast %mul3A_1552 : vector<16xf32> to vector<1x16xf32>
          tpu.vector_store %arg13[%swap3A_1553, %swap3A_1554], %swap3A_1557 {strides = array<i32>} : memref<80x128xf32, #tpu.memory_space<vmem>>, vector<1x16xf32>,
          %get3A_1558 = arith.index_cast %add3A_1517 : i32 to index
          %get3A_1559 = arith.constant 64 : index
          %get3A_1560 = tpu.vector_load %arg13[%get3A_1558, %get3A_1559] {strides = array<i32>} : memref<80x128xf32, #tpu.memory_space<vmem>>, vector<1x16xf32>,
          %get3A_1561 = vector.shape_cast %get3A_1560 : vector<1x16xf32> to vector<16xf32>
          %mul3A_1562 = arith.mulf %get3A_1561, %broadcast_in_dim3A_1513 : vector<16xf32>
          %swap3A_1563 = arith.index_cast %add3A_1517 : i32 to index
          %swap3A_1564 = arith.constant 64 : index
          %swap3A_1565 = tpu.vector_load %arg13[%swap3A_1563, %swap3A_1564] {strides = array<i32>} : memref<80x128xf32, #tpu.memory_space<vmem>>, vector<1x16xf32>,
          %swap3A_1566 = vector.shape_cast %swap3A_1565 : vector<1x16xf32> to vector<16xf32>
          %swap3A_1567 = vector.shape_cast %mul3A_1562 : vector<16xf32> to vector<1x16xf32>
          tpu.vector_store %arg13[%swap3A_1563, %swap3A_1564], %swap3A_1567 {strides = array<i32>} : memref<80x128xf32, #tpu.memory_space<vmem>>, vector<1x16xf32>,
          %get3A_1568 = arith.index_cast %add3A_1517 : i32 to index
          %get3A_1569 = arith.constant 80 : index
          %get3A_1570 = tpu.vector_load %arg13[%get3A_1568, %get3A_1569] {strides = array<i32>} : memref<80x128xf32, #tpu.memory_space<vmem>>, vector<1x16xf32>,
          %get3A_1571 = vector.shape_cast %get3A_1570 : vector<1x16xf32> to vector<16xf32>
          %mul3A_1572 = arith.mulf %get3A_1571, %broadcast_in_dim3A_1513 : vector<16xf32>
          %swap3A_1573 = arith.index_cast %add3A_1517 : i32 to index
          %swap3A_1574 = arith.constant 80 : index
          %swap3A_1575 = tpu.vector_load %arg13[%swap3A_1573, %swap3A_1574] {strides = array<i32>} : memref<80x128xf32, #tpu.memory_space<vmem>>, vector<1x16xf32>,
          %swap3A_1576 = vector.shape_cast %swap3A_1575 : vector<1x16xf32> to vector<16xf32>
          %swap3A_1577 = vector.shape_cast %mul3A_1572 : vector<16xf32> to vector<1x16xf32>
          tpu.vector_store %arg13[%swap3A_1573, %swap3A_1574], %swap3A_1577 {strides = array<i32>} : memref<80x128xf32, #tpu.memory_space<vmem>>, vector<1x16xf32>,
          %get3A_1578 = arith.index_cast %add3A_1517 : i32 to index
          %get3A_1579 = arith.constant 96 : index
          %get3A_1580 = tpu.vector_load %arg13[%get3A_1578, %get3A_1579] {strides = array<i32>} : memref<80x128xf32, #tpu.memory_space<vmem>>, vector<1x16xf32>,
          %get3A_1581 = vector.shape_cast %get3A_1580 : vector<1x16xf32> to vector<16xf32>
          %mul3A_1582 = arith.mulf %get3A_1581, %broadcast_in_dim3A_1513 : vector<16xf32>
          %swap3A_1583 = arith.index_cast %add3A_1517 : i32 to index
          %swap3A_1584 = arith.constant 96 : index
          %swap3A_1585 = tpu.vector_load %arg13[%swap3A_1583, %swap3A_1584] {strides = array<i32>} : memref<80x128xf32, #tpu.memory_space<vmem>>, vector<1x16xf32>,
          %swap3A_1586 = vector.shape_cast %swap3A_1585 : vector<1x16xf32> to vector<16xf32>
          %swap3A_1587 = vector.shape_cast %mul3A_1582 : vector<16xf32> to vector<1x16xf32>
          tpu.vector_store %arg13[%swap3A_1583, %swap3A_1584], %swap3A_1587 {strides = array<i32>} : memref<80x128xf32, #tpu.memory_space<vmem>>, vector<1x16xf32>,
          %get3A_1588 = arith.index_cast %add3A_1517 : i32 to index
          %get3A_1589 = arith.constant 112 : index
          %get3A_1590 = tpu.vector_load %arg13[%get3A_1588, %get3A_1589] {strides = array<i32>} : memref<80x128xf32, #tpu.memory_space<vmem>>, vector<1x16xf32>,
          %get3A_1591 = vector.shape_cast %get3A_1590 : vector<1x16xf32> to vector<16xf32>
          %mul3A_1592 = arith.mulf %get3A_1591, %broadcast_in_dim3A_1513 : vector<16xf32>
          %swap3A_1593 = arith.index_cast %add3A_1517 : i32 to index
          %swap3A_1594 = arith.constant 112 : index
          %swap3A_1595 = tpu.vector_load %arg13[%swap3A_1593, %swap3A_1594] {strides = array<i32>} : memref<80x128xf32, #tpu.memory_space<vmem>>, vector<1x16xf32>,
          %swap3A_1596 = vector.shape_cast %swap3A_1595 : vector<1x16xf32> to vector<16xf32>
          %swap3A_1597 = vector.shape_cast %mul3A_1592 : vector<16xf32> to vector<1x16xf32>
          tpu.vector_store %arg13[%swap3A_1593, %swap3A_1594], %swap3A_1597 {strides = array<i32>} : memref<80x128xf32, #tpu.memory_space<vmem>>, vector<1x16xf32>,
          %slice3A_1598 = vector.extract_strided_slice %get3A_468 {offsets = [13], sizes = [1], strides = [1]} : vector<16xf32> to vector<1xf32>
          %squeeze3A_1599 = vector.extract %slice3A_1598[0] : f32 from vector<1xf32>
          %broadcast_in_dim3A_1600 = vector.broadcast %squeeze3A_1599 : f32 to vector<16xf32>
          %mul3A_1601 = arith.constant 16 : i32
          %mul3A_1602 = arith.muli %scan3A_464, %mul3A_1601 : i32
          %add3A_1603 = arith.constant 13 : i32
          %add3A_1604 = arith.addi %mul3A_1602, %add3A_1603 : i32
          %get3A_1605 = arith.index_cast %add3A_1604 : i32 to index
          %get3A_1606 = arith.constant 0 : index
          %get3A_1607 = tpu.vector_load %arg13[%get3A_1605, %get3A_1606] {strides = array<i32>} : memref<80x128xf32, #tpu.memory_space<vmem>>, vector<1x16xf32>,
          %get3A_1608 = vector.shape_cast %get3A_1607 : vector<1x16xf32> to vector<16xf32>
          %mul3A_1609 = arith.mulf %get3A_1608, %broadcast_in_dim3A_1600 : vector<16xf32>
          %swap3A_1610 = arith.index_cast %add3A_1604 : i32 to index
          %swap3A_1611 = arith.constant 0 : index
          %swap3A_1612 = tpu.vector_load %arg13[%swap3A_1610, %swap3A_1611] {strides = array<i32>} : memref<80x128xf32, #tpu.memory_space<vmem>>, vector<1x16xf32>,
          %swap3A_1613 = vector.shape_cast %swap3A_1612 : vector<1x16xf32> to vector<16xf32>
          %swap3A_1614 = vector.shape_cast %mul3A_1609 : vector<16xf32> to vector<1x16xf32>
          tpu.vector_store %arg13[%swap3A_1610, %swap3A_1611], %swap3A_1614 {strides = array<i32>} : memref<80x128xf32, #tpu.memory_space<vmem>>, vector<1x16xf32>,
          %get3A_1615 = arith.index_cast %add3A_1604 : i32 to index
          %get3A_1616 = arith.constant 16 : index
          %get3A_1617 = tpu.vector_load %arg13[%get3A_1615, %get3A_1616] {strides = array<i32>} : memref<80x128xf32, #tpu.memory_space<vmem>>, vector<1x16xf32>,
          %get3A_1618 = vector.shape_cast %get3A_1617 : vector<1x16xf32> to vector<16xf32>
          %mul3A_1619 = arith.mulf %get3A_1618, %broadcast_in_dim3A_1600 : vector<16xf32>
          %swap3A_1620 = arith.index_cast %add3A_1604 : i32 to index
          %swap3A_1621 = arith.constant 16 : index
          %swap3A_1622 = tpu.vector_load %arg13[%swap3A_1620, %swap3A_1621] {strides = array<i32>} : memref<80x128xf32, #tpu.memory_space<vmem>>, vector<1x16xf32>,
          %swap3A_1623 = vector.shape_cast %swap3A_1622 : vector<1x16xf32> to vector<16xf32>
          %swap3A_1624 = vector.shape_cast %mul3A_1619 : vector<16xf32> to vector<1x16xf32>
          tpu.vector_store %arg13[%swap3A_1620, %swap3A_1621], %swap3A_1624 {strides = array<i32>} : memref<80x128xf32, #tpu.memory_space<vmem>>, vector<1x16xf32>,
          %get3A_1625 = arith.index_cast %add3A_1604 : i32 to index
          %get3A_1626 = arith.constant 32 : index
          %get3A_1627 = tpu.vector_load %arg13[%get3A_1625, %get3A_1626] {strides = array<i32>} : memref<80x128xf32, #tpu.memory_space<vmem>>, vector<1x16xf32>,
          %get3A_1628 = vector.shape_cast %get3A_1627 : vector<1x16xf32> to vector<16xf32>
          %mul3A_1629 = arith.mulf %get3A_1628, %broadcast_in_dim3A_1600 : vector<16xf32>
          %swap3A_1630 = arith.index_cast %add3A_1604 : i32 to index
          %swap3A_1631 = arith.constant 32 : index
          %swap3A_1632 = tpu.vector_load %arg13[%swap3A_1630, %swap3A_1631] {strides = array<i32>} : memref<80x128xf32, #tpu.memory_space<vmem>>, vector<1x16xf32>,
          %swap3A_1633 = vector.shape_cast %swap3A_1632 : vector<1x16xf32> to vector<16xf32>
          %swap3A_1634 = vector.shape_cast %mul3A_1629 : vector<16xf32> to vector<1x16xf32>
          tpu.vector_store %arg13[%swap3A_1630, %swap3A_1631], %swap3A_1634 {strides = array<i32>} : memref<80x128xf32, #tpu.memory_space<vmem>>, vector<1x16xf32>,
          %get3A_1635 = arith.index_cast %add3A_1604 : i32 to index
          %get3A_1636 = arith.constant 48 : index
          %get3A_1637 = tpu.vector_load %arg13[%get3A_1635, %get3A_1636] {strides = array<i32>} : memref<80x128xf32, #tpu.memory_space<vmem>>, vector<1x16xf32>,
          %get3A_1638 = vector.shape_cast %get3A_1637 : vector<1x16xf32> to vector<16xf32>
          %mul3A_1639 = arith.mulf %get3A_1638, %broadcast_in_dim3A_1600 : vector<16xf32>
          %swap3A_1640 = arith.index_cast %add3A_1604 : i32 to index
          %swap3A_1641 = arith.constant 48 : index
          %swap3A_1642 = tpu.vector_load %arg13[%swap3A_1640, %swap3A_1641] {strides = array<i32>} : memref<80x128xf32, #tpu.memory_space<vmem>>, vector<1x16xf32>,
          %swap3A_1643 = vector.shape_cast %swap3A_1642 : vector<1x16xf32> to vector<16xf32>
          %swap3A_1644 = vector.shape_cast %mul3A_1639 : vector<16xf32> to vector<1x16xf32>
          tpu.vector_store %arg13[%swap3A_1640, %swap3A_1641], %swap3A_1644 {strides = array<i32>} : memref<80x128xf32, #tpu.memory_space<vmem>>, vector<1x16xf32>,
          %get3A_1645 = arith.index_cast %add3A_1604 : i32 to index
          %get3A_1646 = arith.constant 64 : index
          %get3A_1647 = tpu.vector_load %arg13[%get3A_1645, %get3A_1646] {strides = array<i32>} : memref<80x128xf32, #tpu.memory_space<vmem>>, vector<1x16xf32>,
          %get3A_1648 = vector.shape_cast %get3A_1647 : vector<1x16xf32> to vector<16xf32>
          %mul3A_1649 = arith.mulf %get3A_1648, %broadcast_in_dim3A_1600 : vector<16xf32>
          %swap3A_1650 = arith.index_cast %add3A_1604 : i32 to index
          %swap3A_1651 = arith.constant 64 : index
          %swap3A_1652 = tpu.vector_load %arg13[%swap3A_1650, %swap3A_1651] {strides = array<i32>} : memref<80x128xf32, #tpu.memory_space<vmem>>, vector<1x16xf32>,
          %swap3A_1653 = vector.shape_cast %swap3A_1652 : vector<1x16xf32> to vector<16xf32>
          %swap3A_1654 = vector.shape_cast %mul3A_1649 : vector<16xf32> to vector<1x16xf32>
          tpu.vector_store %arg13[%swap3A_1650, %swap3A_1651], %swap3A_1654 {strides = array<i32>} : memref<80x128xf32, #tpu.memory_space<vmem>>, vector<1x16xf32>,
          %get3A_1655 = arith.index_cast %add3A_1604 : i32 to index
          %get3A_1656 = arith.constant 80 : index
          %get3A_1657 = tpu.vector_load %arg13[%get3A_1655, %get3A_1656] {strides = array<i32>} : memref<80x128xf32, #tpu.memory_space<vmem>>, vector<1x16xf32>,
          %get3A_1658 = vector.shape_cast %get3A_1657 : vector<1x16xf32> to vector<16xf32>
          %mul3A_1659 = arith.mulf %get3A_1658, %broadcast_in_dim3A_1600 : vector<16xf32>
          %swap3A_1660 = arith.index_cast %add3A_1604 : i32 to index
          %swap3A_1661 = arith.constant 80 : index
          %swap3A_1662 = tpu.vector_load %arg13[%swap3A_1660, %swap3A_1661] {strides = array<i32>} : memref<80x128xf32, #tpu.memory_space<vmem>>, vector<1x16xf32>,
          %swap3A_1663 = vector.shape_cast %swap3A_1662 : vector<1x16xf32> to vector<16xf32>
          %swap3A_1664 = vector.shape_cast %mul3A_1659 : vector<16xf32> to vector<1x16xf32>
          tpu.vector_store %arg13[%swap3A_1660, %swap3A_1661], %swap3A_1664 {strides = array<i32>} : memref<80x128xf32, #tpu.memory_space<vmem>>, vector<1x16xf32>,
          %get3A_1665 = arith.index_cast %add3A_1604 : i32 to index
          %get3A_1666 = arith.constant 96 : index
          %get3A_1667 = tpu.vector_load %arg13[%get3A_1665, %get3A_1666] {strides = array<i32>} : memref<80x128xf32, #tpu.memory_space<vmem>>, vector<1x16xf32>,
          %get3A_1668 = vector.shape_cast %get3A_1667 : vector<1x16xf32> to vector<16xf32>
          %mul3A_1669 = arith.mulf %get3A_1668, %broadcast_in_dim3A_1600 : vector<16xf32>
          %swap3A_1670 = arith.index_cast %add3A_1604 : i32 to index
          %swap3A_1671 = arith.constant 96 : index
          %swap3A_1672 = tpu.vector_load %arg13[%swap3A_1670, %swap3A_1671] {strides = array<i32>} : memref<80x128xf32, #tpu.memory_space<vmem>>, vector<1x16xf32>,
          %swap3A_1673 = vector.shape_cast %swap3A_1672 : vector<1x16xf32> to vector<16xf32>
          %swap3A_1674 = vector.shape_cast %mul3A_1669 : vector<16xf32> to vector<1x16xf32>
          tpu.vector_store %arg13[%swap3A_1670, %swap3A_1671], %swap3A_1674 {strides = array<i32>} : memref<80x128xf32, #tpu.memory_space<vmem>>, vector<1x16xf32>,
          %get3A_1675 = arith.index_cast %add3A_1604 : i32 to index
          %get3A_1676 = arith.constant 112 : index
          %get3A_1677 = tpu.vector_load %arg13[%get3A_1675, %get3A_1676] {strides = array<i32>} : memref<80x128xf32, #tpu.memory_space<vmem>>, vector<1x16xf32>,
          %get3A_1678 = vector.shape_cast %get3A_1677 : vector<1x16xf32> to vector<16xf32>
          %mul3A_1679 = arith.mulf %get3A_1678, %broadcast_in_dim3A_1600 : vector<16xf32>
          %swap3A_1680 = arith.index_cast %add3A_1604 : i32 to index
          %swap3A_1681 = arith.constant 112 : index
          %swap3A_1682 = tpu.vector_load %arg13[%swap3A_1680, %swap3A_1681] {strides = array<i32>} : memref<80x128xf32, #tpu.memory_space<vmem>>, vector<1x16xf32>,
          %swap3A_1683 = vector.shape_cast %swap3A_1682 : vector<1x16xf32> to vector<16xf32>
          %swap3A_1684 = vector.shape_cast %mul3A_1679 : vector<16xf32> to vector<1x16xf32>
          tpu.vector_store %arg13[%swap3A_1680, %swap3A_1681], %swap3A_1684 {strides = array<i32>} : memref<80x128xf32, #tpu.memory_space<vmem>>, vector<1x16xf32>,
          %slice3A_1685 = vector.extract_strided_slice %get3A_468 {offsets = [14], sizes = [1], strides = [1]} : vector<16xf32> to vector<1xf32>
          %squeeze3A_1686 = vector.extract %slice3A_1685[0] : f32 from vector<1xf32>
          %broadcast_in_dim3A_1687 = vector.broadcast %squeeze3A_1686 : f32 to vector<16xf32>
          %mul3A_1688 = arith.constant 16 : i32
          %mul3A_1689 = arith.muli %scan3A_464, %mul3A_1688 : i32
          %add3A_1690 = arith.constant 14 : i32
          %add3A_1691 = arith.addi %mul3A_1689, %add3A_1690 : i32
          %get3A_1692 = arith.index_cast %add3A_1691 : i32 to index
          %get3A_1693 = arith.constant 0 : index
          %get3A_1694 = tpu.vector_load %arg13[%get3A_1692, %get3A_1693] {strides = array<i32>} : memref<80x128xf32, #tpu.memory_space<vmem>>, vector<1x16xf32>,
          %get3A_1695 = vector.shape_cast %get3A_1694 : vector<1x16xf32> to vector<16xf32>
          %mul3A_1696 = arith.mulf %get3A_1695, %broadcast_in_dim3A_1687 : vector<16xf32>
          %swap3A_1697 = arith.index_cast %add3A_1691 : i32 to index
          %swap3A_1698 = arith.constant 0 : index
          %swap3A_1699 = tpu.vector_load %arg13[%swap3A_1697, %swap3A_1698] {strides = array<i32>} : memref<80x128xf32, #tpu.memory_space<vmem>>, vector<1x16xf32>,
          %swap3A_1700 = vector.shape_cast %swap3A_1699 : vector<1x16xf32> to vector<16xf32>
          %swap3A_1701 = vector.shape_cast %mul3A_1696 : vector<16xf32> to vector<1x16xf32>
          tpu.vector_store %arg13[%swap3A_1697, %swap3A_1698], %swap3A_1701 {strides = array<i32>} : memref<80x128xf32, #tpu.memory_space<vmem>>, vector<1x16xf32>,
          %get3A_1702 = arith.index_cast %add3A_1691 : i32 to index
          %get3A_1703 = arith.constant 16 : index
          %get3A_1704 = tpu.vector_load %arg13[%get3A_1702, %get3A_1703] {strides = array<i32>} : memref<80x128xf32, #tpu.memory_space<vmem>>, vector<1x16xf32>,
          %get3A_1705 = vector.shape_cast %get3A_1704 : vector<1x16xf32> to vector<16xf32>
          %mul3A_1706 = arith.mulf %get3A_1705, %broadcast_in_dim3A_1687 : vector<16xf32>
          %swap3A_1707 = arith.index_cast %add3A_1691 : i32 to index
          %swap3A_1708 = arith.constant 16 : index
          %swap3A_1709 = tpu.vector_load %arg13[%swap3A_1707, %swap3A_1708] {strides = array<i32>} : memref<80x128xf32, #tpu.memory_space<vmem>>, vector<1x16xf32>,
          %swap3A_1710 = vector.shape_cast %swap3A_1709 : vector<1x16xf32> to vector<16xf32>
          %swap3A_1711 = vector.shape_cast %mul3A_1706 : vector<16xf32> to vector<1x16xf32>
          tpu.vector_store %arg13[%swap3A_1707, %swap3A_1708], %swap3A_1711 {strides = array<i32>} : memref<80x128xf32, #tpu.memory_space<vmem>>, vector<1x16xf32>,
          %get3A_1712 = arith.index_cast %add3A_1691 : i32 to index
          %get3A_1713 = arith.constant 32 : index
          %get3A_1714 = tpu.vector_load %arg13[%get3A_1712, %get3A_1713] {strides = array<i32>} : memref<80x128xf32, #tpu.memory_space<vmem>>, vector<1x16xf32>,
          %get3A_1715 = vector.shape_cast %get3A_1714 : vector<1x16xf32> to vector<16xf32>
          %mul3A_1716 = arith.mulf %get3A_1715, %broadcast_in_dim3A_1687 : vector<16xf32>
          %swap3A_1717 = arith.index_cast %add3A_1691 : i32 to index
          %swap3A_1718 = arith.constant 32 : index
          %swap3A_1719 = tpu.vector_load %arg13[%swap3A_1717, %swap3A_1718] {strides = array<i32>} : memref<80x128xf32, #tpu.memory_space<vmem>>, vector<1x16xf32>,
          %swap3A_1720 = vector.shape_cast %swap3A_1719 : vector<1x16xf32> to vector<16xf32>
          %swap3A_1721 = vector.shape_cast %mul3A_1716 : vector<16xf32> to vector<1x16xf32>
          tpu.vector_store %arg13[%swap3A_1717, %swap3A_1718], %swap3A_1721 {strides = array<i32>} : memref<80x128xf32, #tpu.memory_space<vmem>>, vector<1x16xf32>,
          %get3A_1722 = arith.index_cast %add3A_1691 : i32 to index
          %get3A_1723 = arith.constant 48 : index
          %get3A_1724 = tpu.vector_load %arg13[%get3A_1722, %get3A_1723] {strides = array<i32>} : memref<80x128xf32, #tpu.memory_space<vmem>>, vector<1x16xf32>,
          %get3A_1725 = vector.shape_cast %get3A_1724 : vector<1x16xf32> to vector<16xf32>
          %mul3A_1726 = arith.mulf %get3A_1725, %broadcast_in_dim3A_1687 : vector<16xf32>
          %swap3A_1727 = arith.index_cast %add3A_1691 : i32 to index
          %swap3A_1728 = arith.constant 48 : index
          %swap3A_1729 = tpu.vector_load %arg13[%swap3A_1727, %swap3A_1728] {strides = array<i32>} : memref<80x128xf32, #tpu.memory_space<vmem>>, vector<1x16xf32>,
          %swap3A_1730 = vector.shape_cast %swap3A_1729 : vector<1x16xf32> to vector<16xf32>
          %swap3A_1731 = vector.shape_cast %mul3A_1726 : vector<16xf32> to vector<1x16xf32>
          tpu.vector_store %arg13[%swap3A_1727, %swap3A_1728], %swap3A_1731 {strides = array<i32>} : memref<80x128xf32, #tpu.memory_space<vmem>>, vector<1x16xf32>,
          %get3A_1732 = arith.index_cast %add3A_1691 : i32 to index
          %get3A_1733 = arith.constant 64 : index
          %get3A_1734 = tpu.vector_load %arg13[%get3A_1732, %get3A_1733] {strides = array<i32>} : memref<80x128xf32, #tpu.memory_space<vmem>>, vector<1x16xf32>,
          %get3A_1735 = vector.shape_cast %get3A_1734 : vector<1x16xf32> to vector<16xf32>
          %mul3A_1736 = arith.mulf %get3A_1735, %broadcast_in_dim3A_1687 : vector<16xf32>
          %swap3A_1737 = arith.index_cast %add3A_1691 : i32 to index
          %swap3A_1738 = arith.constant 64 : index
          %swap3A_1739 = tpu.vector_load %arg13[%swap3A_1737, %swap3A_1738] {strides = array<i32>} : memref<80x128xf32, #tpu.memory_space<vmem>>, vector<1x16xf32>,
          %swap3A_1740 = vector.shape_cast %swap3A_1739 : vector<1x16xf32> to vector<16xf32>
          %swap3A_1741 = vector.shape_cast %mul3A_1736 : vector<16xf32> to vector<1x16xf32>
          tpu.vector_store %arg13[%swap3A_1737, %swap3A_1738], %swap3A_1741 {strides = array<i32>} : memref<80x128xf32, #tpu.memory_space<vmem>>, vector<1x16xf32>,
          %get3A_1742 = arith.index_cast %add3A_1691 : i32 to index
          %get3A_1743 = arith.constant 80 : index
          %get3A_1744 = tpu.vector_load %arg13[%get3A_1742, %get3A_1743] {strides = array<i32>} : memref<80x128xf32, #tpu.memory_space<vmem>>, vector<1x16xf32>,
          %get3A_1745 = vector.shape_cast %get3A_1744 : vector<1x16xf32> to vector<16xf32>
          %mul3A_1746 = arith.mulf %get3A_1745, %broadcast_in_dim3A_1687 : vector<16xf32>
          %swap3A_1747 = arith.index_cast %add3A_1691 : i32 to index
          %swap3A_1748 = arith.constant 80 : index
          %swap3A_1749 = tpu.vector_load %arg13[%swap3A_1747, %swap3A_1748] {strides = array<i32>} : memref<80x128xf32, #tpu.memory_space<vmem>>, vector<1x16xf32>,
          %swap3A_1750 = vector.shape_cast %swap3A_1749 : vector<1x16xf32> to vector<16xf32>
          %swap3A_1751 = vector.shape_cast %mul3A_1746 : vector<16xf32> to vector<1x16xf32>
          tpu.vector_store %arg13[%swap3A_1747, %swap3A_1748], %swap3A_1751 {strides = array<i32>} : memref<80x128xf32, #tpu.memory_space<vmem>>, vector<1x16xf32>,
          %get3A_1752 = arith.index_cast %add3A_1691 : i32 to index
          %get3A_1753 = arith.constant 96 : index
          %get3A_1754 = tpu.vector_load %arg13[%get3A_1752, %get3A_1753] {strides = array<i32>} : memref<80x128xf32, #tpu.memory_space<vmem>>, vector<1x16xf32>,
          %get3A_1755 = vector.shape_cast %get3A_1754 : vector<1x16xf32> to vector<16xf32>
          %mul3A_1756 = arith.mulf %get3A_1755, %broadcast_in_dim3A_1687 : vector<16xf32>
          %swap3A_1757 = arith.index_cast %add3A_1691 : i32 to index
          %swap3A_1758 = arith.constant 96 : index
          %swap3A_1759 = tpu.vector_load %arg13[%swap3A_1757, %swap3A_1758] {strides = array<i32>} : memref<80x128xf32, #tpu.memory_space<vmem>>, vector<1x16xf32>,
          %swap3A_1760 = vector.shape_cast %swap3A_1759 : vector<1x16xf32> to vector<16xf32>
          %swap3A_1761 = vector.shape_cast %mul3A_1756 : vector<16xf32> to vector<1x16xf32>
          tpu.vector_store %arg13[%swap3A_1757, %swap3A_1758], %swap3A_1761 {strides = array<i32>} : memref<80x128xf32, #tpu.memory_space<vmem>>, vector<1x16xf32>,
          %get3A_1762 = arith.index_cast %add3A_1691 : i32 to index
          %get3A_1763 = arith.constant 112 : index
          %get3A_1764 = tpu.vector_load %arg13[%get3A_1762, %get3A_1763] {strides = array<i32>} : memref<80x128xf32, #tpu.memory_space<vmem>>, vector<1x16xf32>,
          %get3A_1765 = vector.shape_cast %get3A_1764 : vector<1x16xf32> to vector<16xf32>
          %mul3A_1766 = arith.mulf %get3A_1765, %broadcast_in_dim3A_1687 : vector<16xf32>
          %swap3A_1767 = arith.index_cast %add3A_1691 : i32 to index
          %swap3A_1768 = arith.constant 112 : index
          %swap3A_1769 = tpu.vector_load %arg13[%swap3A_1767, %swap3A_1768] {strides = array<i32>} : memref<80x128xf32, #tpu.memory_space<vmem>>, vector<1x16xf32>,
          %swap3A_1770 = vector.shape_cast %swap3A_1769 : vector<1x16xf32> to vector<16xf32>
          %swap3A_1771 = vector.shape_cast %mul3A_1766 : vector<16xf32> to vector<1x16xf32>
          tpu.vector_store %arg13[%swap3A_1767, %swap3A_1768], %swap3A_1771 {strides = array<i32>} : memref<80x128xf32, #tpu.memory_space<vmem>>, vector<1x16xf32>,
          %slice3A_1772 = vector.extract_strided_slice %get3A_468 {offsets = [15], sizes = [1], strides = [1]} : vector<16xf32> to vector<1xf32>
          %squeeze3A_1773 = vector.extract %slice3A_1772[0] : f32 from vector<1xf32>
          %broadcast_in_dim3A_1774 = vector.broadcast %squeeze3A_1773 : f32 to vector<16xf32>
          %mul3A_1775 = arith.constant 16 : i32
          %mul3A_1776 = arith.muli %scan3A_464, %mul3A_1775 : i32
          %add3A_1777 = arith.constant 15 : i32
          %add3A_1778 = arith.addi %mul3A_1776, %add3A_1777 : i32
          %get3A_1779 = arith.index_cast %add3A_1778 : i32 to index
          %get3A_1780 = arith.constant 0 : index
          %get3A_1781 = tpu.vector_load %arg13[%get3A_1779, %get3A_1780] {strides = array<i32>} : memref<80x128xf32, #tpu.memory_space<vmem>>, vector<1x16xf32>,
          %get3A_1782 = vector.shape_cast %get3A_1781 : vector<1x16xf32> to vector<16xf32>
          %mul3A_1783 = arith.mulf %get3A_1782, %broadcast_in_dim3A_1774 : vector<16xf32>
          %swap3A_1784 = arith.index_cast %add3A_1778 : i32 to index
          %swap3A_1785 = arith.constant 0 : index
          %swap3A_1786 = tpu.vector_load %arg13[%swap3A_1784, %swap3A_1785] {strides = array<i32>} : memref<80x128xf32, #tpu.memory_space<vmem>>, vector<1x16xf32>,
          %swap3A_1787 = vector.shape_cast %swap3A_1786 : vector<1x16xf32> to vector<16xf32>
          %swap3A_1788 = vector.shape_cast %mul3A_1783 : vector<16xf32> to vector<1x16xf32>
          tpu.vector_store %arg13[%swap3A_1784, %swap3A_1785], %swap3A_1788 {strides = array<i32>} : memref<80x128xf32, #tpu.memory_space<vmem>>, vector<1x16xf32>,
          %get3A_1789 = arith.index_cast %add3A_1778 : i32 to index
          %get3A_1790 = arith.constant 16 : index
          %get3A_1791 = tpu.vector_load %arg13[%get3A_1789, %get3A_1790] {strides = array<i32>} : memref<80x128xf32, #tpu.memory_space<vmem>>, vector<1x16xf32>,
          %get3A_1792 = vector.shape_cast %get3A_1791 : vector<1x16xf32> to vector<16xf32>
          %mul3A_1793 = arith.mulf %get3A_1792, %broadcast_in_dim3A_1774 : vector<16xf32>
          %swap3A_1794 = arith.index_cast %add3A_1778 : i32 to index
          %swap3A_1795 = arith.constant 16 : index
          %swap3A_1796 = tpu.vector_load %arg13[%swap3A_1794, %swap3A_1795] {strides = array<i32>} : memref<80x128xf32, #tpu.memory_space<vmem>>, vector<1x16xf32>,
          %swap3A_1797 = vector.shape_cast %swap3A_1796 : vector<1x16xf32> to vector<16xf32>
          %swap3A_1798 = vector.shape_cast %mul3A_1793 : vector<16xf32> to vector<1x16xf32>
          tpu.vector_store %arg13[%swap3A_1794, %swap3A_1795], %swap3A_1798 {strides = array<i32>} : memref<80x128xf32, #tpu.memory_space<vmem>>, vector<1x16xf32>,
          %get3A_1799 = arith.index_cast %add3A_1778 : i32 to index
          %get3A_1800 = arith.constant 32 : index
          %get3A_1801 = tpu.vector_load %arg13[%get3A_1799, %get3A_1800] {strides = array<i32>} : memref<80x128xf32, #tpu.memory_space<vmem>>, vector<1x16xf32>,
          %get3A_1802 = vector.shape_cast %get3A_1801 : vector<1x16xf32> to vector<16xf32>
          %mul3A_1803 = arith.mulf %get3A_1802, %broadcast_in_dim3A_1774 : vector<16xf32>
          %swap3A_1804 = arith.index_cast %add3A_1778 : i32 to index
          %swap3A_1805 = arith.constant 32 : index
          %swap3A_1806 = tpu.vector_load %arg13[%swap3A_1804, %swap3A_1805] {strides = array<i32>} : memref<80x128xf32, #tpu.memory_space<vmem>>, vector<1x16xf32>,
          %swap3A_1807 = vector.shape_cast %swap3A_1806 : vector<1x16xf32> to vector<16xf32>
          %swap3A_1808 = vector.shape_cast %mul3A_1803 : vector<16xf32> to vector<1x16xf32>
          tpu.vector_store %arg13[%swap3A_1804, %swap3A_1805], %swap3A_1808 {strides = array<i32>} : memref<80x128xf32, #tpu.memory_space<vmem>>, vector<1x16xf32>,
          %get3A_1809 = arith.index_cast %add3A_1778 : i32 to index
          %get3A_1810 = arith.constant 48 : index
          %get3A_1811 = tpu.vector_load %arg13[%get3A_1809, %get3A_1810] {strides = array<i32>} : memref<80x128xf32, #tpu.memory_space<vmem>>, vector<1x16xf32>,
          %get3A_1812 = vector.shape_cast %get3A_1811 : vector<1x16xf32> to vector<16xf32>
          %mul3A_1813 = arith.mulf %get3A_1812, %broadcast_in_dim3A_1774 : vector<16xf32>
          %swap3A_1814 = arith.index_cast %add3A_1778 : i32 to index
          %swap3A_1815 = arith.constant 48 : index
          %swap3A_1816 = tpu.vector_load %arg13[%swap3A_1814, %swap3A_1815] {strides = array<i32>} : memref<80x128xf32, #tpu.memory_space<vmem>>, vector<1x16xf32>,
          %swap3A_1817 = vector.shape_cast %swap3A_1816 : vector<1x16xf32> to vector<16xf32>
          %swap3A_1818 = vector.shape_cast %mul3A_1813 : vector<16xf32> to vector<1x16xf32>
          tpu.vector_store %arg13[%swap3A_1814, %swap3A_1815], %swap3A_1818 {strides = array<i32>} : memref<80x128xf32, #tpu.memory_space<vmem>>, vector<1x16xf32>,
          %get3A_1819 = arith.index_cast %add3A_1778 : i32 to index
          %get3A_1820 = arith.constant 64 : index
          %get3A_1821 = tpu.vector_load %arg13[%get3A_1819, %get3A_1820] {strides = array<i32>} : memref<80x128xf32, #tpu.memory_space<vmem>>, vector<1x16xf32>,
          %get3A_1822 = vector.shape_cast %get3A_1821 : vector<1x16xf32> to vector<16xf32>
          %mul3A_1823 = arith.mulf %get3A_1822, %broadcast_in_dim3A_1774 : vector<16xf32>
          %swap3A_1824 = arith.index_cast %add3A_1778 : i32 to index
          %swap3A_1825 = arith.constant 64 : index
          %swap3A_1826 = tpu.vector_load %arg13[%swap3A_1824, %swap3A_1825] {strides = array<i32>} : memref<80x128xf32, #tpu.memory_space<vmem>>, vector<1x16xf32>,
          %swap3A_1827 = vector.shape_cast %swap3A_1826 : vector<1x16xf32> to vector<16xf32>
          %swap3A_1828 = vector.shape_cast %mul3A_1823 : vector<16xf32> to vector<1x16xf32>
          tpu.vector_store %arg13[%swap3A_1824, %swap3A_1825], %swap3A_1828 {strides = array<i32>} : memref<80x128xf32, #tpu.memory_space<vmem>>, vector<1x16xf32>,
          %get3A_1829 = arith.index_cast %add3A_1778 : i32 to index
          %get3A_1830 = arith.constant 80 : index
          %get3A_1831 = tpu.vector_load %arg13[%get3A_1829, %get3A_1830] {strides = array<i32>} : memref<80x128xf32, #tpu.memory_space<vmem>>, vector<1x16xf32>,
          %get3A_1832 = vector.shape_cast %get3A_1831 : vector<1x16xf32> to vector<16xf32>
          %mul3A_1833 = arith.mulf %get3A_1832, %broadcast_in_dim3A_1774 : vector<16xf32>
          %swap3A_1834 = arith.index_cast %add3A_1778 : i32 to index
          %swap3A_1835 = arith.constant 80 : index
          %swap3A_1836 = tpu.vector_load %arg13[%swap3A_1834, %swap3A_1835] {strides = array<i32>} : memref<80x128xf32, #tpu.memory_space<vmem>>, vector<1x16xf32>,
          %swap3A_1837 = vector.shape_cast %swap3A_1836 : vector<1x16xf32> to vector<16xf32>
          %swap3A_1838 = vector.shape_cast %mul3A_1833 : vector<16xf32> to vector<1x16xf32>
          tpu.vector_store %arg13[%swap3A_1834, %swap3A_1835], %swap3A_1838 {strides = array<i32>} : memref<80x128xf32, #tpu.memory_space<vmem>>, vector<1x16xf32>,
          %get3A_1839 = arith.index_cast %add3A_1778 : i32 to index
          %get3A_1840 = arith.constant 96 : index
          %get3A_1841 = tpu.vector_load %arg13[%get3A_1839, %get3A_1840] {strides = array<i32>} : memref<80x128xf32, #tpu.memory_space<vmem>>, vector<1x16xf32>,
          %get3A_1842 = vector.shape_cast %get3A_1841 : vector<1x16xf32> to vector<16xf32>
          %mul3A_1843 = arith.mulf %get3A_1842, %broadcast_in_dim3A_1774 : vector<16xf32>
          %swap3A_1844 = arith.index_cast %add3A_1778 : i32 to index
          %swap3A_1845 = arith.constant 96 : index
          %swap3A_1846 = tpu.vector_load %arg13[%swap3A_1844, %swap3A_1845] {strides = array<i32>} : memref<80x128xf32, #tpu.memory_space<vmem>>, vector<1x16xf32>,
          %swap3A_1847 = vector.shape_cast %swap3A_1846 : vector<1x16xf32> to vector<16xf32>
          %swap3A_1848 = vector.shape_cast %mul3A_1843 : vector<16xf32> to vector<1x16xf32>
          tpu.vector_store %arg13[%swap3A_1844, %swap3A_1845], %swap3A_1848 {strides = array<i32>} : memref<80x128xf32, #tpu.memory_space<vmem>>, vector<1x16xf32>,
          %get3A_1849 = arith.index_cast %add3A_1778 : i32 to index
          %get3A_1850 = arith.constant 112 : index
          %get3A_1851 = tpu.vector_load %arg13[%get3A_1849, %get3A_1850] {strides = array<i32>} : memref<80x128xf32, #tpu.memory_space<vmem>>, vector<1x16xf32>,
          %get3A_1852 = vector.shape_cast %get3A_1851 : vector<1x16xf32> to vector<16xf32>
          %mul3A_1853 = arith.mulf %get3A_1852, %broadcast_in_dim3A_1774 : vector<16xf32>
          %swap3A_1854 = arith.index_cast %add3A_1778 : i32 to index
          %swap3A_1855 = arith.constant 112 : index
          %swap3A_1856 = tpu.vector_load %arg13[%swap3A_1854, %swap3A_1855] {strides = array<i32>} : memref<80x128xf32, #tpu.memory_space<vmem>>, vector<1x16xf32>,
          %swap3A_1857 = vector.shape_cast %swap3A_1856 : vector<1x16xf32> to vector<16xf32>
          %swap3A_1858 = vector.shape_cast %mul3A_1853 : vector<16xf32> to vector<1x16xf32>
          tpu.vector_store %arg13[%swap3A_1854, %swap3A_1855], %swap3A_1858 {strides = array<i32>} : memref<80x128xf32, #tpu.memory_space<vmem>>, vector<1x16xf32>,
        }
        %scan3A_456 = arith.constant 5 : i32
        "tpu.region"() ({
          %run_scoped3A = tpu.sem_alloc : memref<!tpu.dma_semaphore, #tpu.memory_space<semaphore_mem>>
          %dma_start3A_464 = arith.constant 0 : i32
          %dma_start3A_465 = arith.constant 0 : i32
          %dma_start3A_466 = tpu.memref_slice %arg15[%dma_start3A_464, %dma_start3A_465] : memref<10112x128xf32, #tpu.memory_space<vmem_shared>> -> memref<10112x128xf32, #tpu.memory_space<vmem_shared>>
          tpu.enqueue_indirect_dma source(%arg13 : memref<80x128xf32, #tpu.memory_space<vmem>>) target(%dma_start3A_466 : memref<10112x128xf32, #tpu.memory_space<vmem_shared>>) offsets(%arg9 : memref<80xi32, #tpu.memory_space<vmem>>) semaphore(%run_scoped3A : memref<!tpu.dma_semaphore, #tpu.memory_space<semaphore_mem>>) {add = true}
          %dma_wait3A_467 = arith.constant 0 : i32
          %dma_wait3A_468 = arith.constant 0 : i32
          %dma_wait3A_469 = tpu.memref_slice %arg15[%dma_wait3A_467, %dma_wait3A_468] : memref<10112x128xf32, #tpu.memory_space<vmem_shared>> -> memref<10112x128xf32, #tpu.memory_space<vmem_shared>>
          tpu.wait_indirect_dma semaphore(%run_scoped3A : memref<!tpu.dma_semaphore, #tpu.memory_space<semaphore_mem>>) src(%arg13 : memref<80x128xf32, #tpu.memory_space<vmem>>) dst(%dma_wait3A_469 : memref<10112x128xf32, #tpu.memory_space<vmem_shared>>)
          tpu.yield
        }) : () -> ()
        %add3A_457 = arith.constant 2 : i32
        %add3A_458 = arith.addi %scan3A_412, %add3A_457 : i32
        %lt3A_459 = arith.constant 125 : i32
        %lt3A_460 = arith.cmpi slt, %add3A_458, %lt3A_459 : i32
        %convert_element_type3A_461 = arith.extui %lt3A_460 : i1 to i32
        %cond3A_462 = arith.constant 0 : i32
        %cond3A_463 = arith.cmpi ne, %convert_element_type3A_461, %cond3A_462 : i32
        scf.if %cond3A_463 {
          %add3A_464 = arith.constant 2 : i32
          %add3A_465 = arith.addi %scan3A_412, %add3A_464 : i32
          %mul3A_466 = arith.constant 80 : i32
          %mul3A_467 = arith.muli %add3A_465, %mul3A_466 : i32
          %add3A_468 = arith.addi %mul3A_393, %mul3A_467 : i32
          "tpu.region"() ({
            %run_scoped3A = tpu.sem_alloc : memref<!tpu.dma_semaphore, #tpu.memory_space<semaphore_mem>>
            %dma_start3A_472 = tpu.memref_slice %arg3[%add3A_468] : memref<320000xi32, #tpu.memory_space<hbm>> -> memref<80xi32, #tpu.memory_space<hbm>>
            %dma_start3A_473 = tpu.memref_slice %arg3[%add3A_468] : memref<320000xi32, #tpu.memory_space<hbm>> -> memref<80xi32, #tpu.memory_space<hbm>>
            tpu.enqueue_dma source(%dma_start3A_473 : memref<80xi32, #tpu.memory_space<hbm>>) target(%arg7 : memref<80xi32, #tpu.memory_space<vmem>>) target_semaphore(%run_scoped3A : memref<!tpu.dma_semaphore, #tpu.memory_space<semaphore_mem>>)
            %dma_wait3A_474 = tpu.memref_slice %arg3[%add3A_468] : memref<320000xi32, #tpu.memory_space<hbm>> -> memref<80xi32, #tpu.memory_space<hbm>>
            %dma_wait3A_475 = tpu.memref_slice %arg3[%add3A_468] : memref<320000xi32, #tpu.memory_space<hbm>> -> memref<80xi32, #tpu.memory_space<hbm>>
            tpu.wait_dma2 semaphore(%run_scoped3A : memref<!tpu.dma_semaphore, #tpu.memory_space<semaphore_mem>>) src(%dma_wait3A_475 : memref<80xi32, #tpu.memory_space<hbm>>) dst(%arg7 : memref<80xi32, #tpu.memory_space<vmem>>)
            tpu.yield
          }) : () -> ()
          "tpu.region"() ({
            %run_scoped3A = tpu.sem_alloc : memref<!tpu.dma_semaphore, #tpu.memory_space<semaphore_mem>>
            %dma_start3A_472 = tpu.memref_slice %arg4[%add3A_468] : memref<320000xi32, #tpu.memory_space<hbm>> -> memref<80xi32, #tpu.memory_space<hbm>>
            %dma_start3A_473 = tpu.memref_slice %arg4[%add3A_468] : memref<320000xi32, #tpu.memory_space<hbm>> -> memref<80xi32, #tpu.memory_space<hbm>>
            tpu.enqueue_dma source(%dma_start3A_473 : memref<80xi32, #tpu.memory_space<hbm>>) target(%arg9 : memref<80xi32, #tpu.memory_space<vmem>>) target_semaphore(%run_scoped3A : memref<!tpu.dma_semaphore, #tpu.memory_space<semaphore_mem>>)
            %dma_wait3A_474 = tpu.memref_slice %arg4[%add3A_468] : memref<320000xi32, #tpu.memory_space<hbm>> -> memref<80xi32, #tpu.memory_space<hbm>>
            %dma_wait3A_475 = tpu.memref_slice %arg4[%add3A_468] : memref<320000xi32, #tpu.memory_space<hbm>> -> memref<80xi32, #tpu.memory_space<hbm>>
            tpu.wait_dma2 semaphore(%run_scoped3A : memref<!tpu.dma_semaphore, #tpu.memory_space<semaphore_mem>>) src(%dma_wait3A_475 : memref<80xi32, #tpu.memory_space<hbm>>) dst(%arg9 : memref<80xi32, #tpu.memory_space<vmem>>)
            tpu.yield
          }) : () -> ()
          "tpu.region"() ({
            %run_scoped3A = tpu.sem_alloc : memref<!tpu.dma_semaphore, #tpu.memory_space<semaphore_mem>>
            %dma_start3A_472 = tpu.memref_slice %arg5[%add3A_468] : memref<320000xf32, #tpu.memory_space<hbm>> -> memref<80xf32, #tpu.memory_space<hbm>>
            %dma_start3A_473 = tpu.memref_slice %arg5[%add3A_468] : memref<320000xf32, #tpu.memory_space<hbm>> -> memref<80xf32, #tpu.memory_space<hbm>>
            tpu.enqueue_dma source(%dma_start3A_473 : memref<80xf32, #tpu.memory_space<hbm>>) target(%arg11 : memref<80xf32, #tpu.memory_space<vmem>>) target_semaphore(%run_scoped3A : memref<!tpu.dma_semaphore, #tpu.memory_space<semaphore_mem>>)
            %dma_wait3A_474 = tpu.memref_slice %arg5[%add3A_468] : memref<320000xf32, #tpu.memory_space<hbm>> -> memref<80xf32, #tpu.memory_space<hbm>>
            %dma_wait3A_475 = tpu.memref_slice %arg5[%add3A_468] : memref<320000xf32, #tpu.memory_space<hbm>> -> memref<80xf32, #tpu.memory_space<hbm>>
            tpu.wait_dma2 semaphore(%run_scoped3A : memref<!tpu.dma_semaphore, #tpu.memory_space<semaphore_mem>>) src(%dma_wait3A_475 : memref<80xf32, #tpu.memory_space<hbm>>) dst(%arg11 : memref<80xf32, #tpu.memory_space<vmem>>)
            tpu.yield
          }) : () -> ()
          %dma_start3A_469 = arith.constant 0 : i32
          %dma_start3A_470 = arith.constant 0 : i32
          %dma_start3A_471 = tpu.memref_slice %arg2[%dma_start3A_469, %dma_start3A_470] : memref<10000x128xf32, #tpu.memory_space<hbm>> -> memref<10000x128xf32, #tpu.memory_space<hbm>>
          tpu.enqueue_indirect_dma source(%dma_start3A_471 : memref<10000x128xf32, #tpu.memory_space<hbm>>) target(%arg13 : memref<80x128xf32, #tpu.memory_space<vmem>>) offsets(%arg7 : memref<80xi32, #tpu.memory_space<vmem>>) semaphore(%arg16 : memref<!tpu.dma_semaphore, #tpu.memory_space<semaphore_mem>>)
        } else {
        }
      } else {
      }
      %jit3A_425 = arith.constant 2 : i32
      %eq3A_426 = arith.constant 0 : i32
      %eq3A_427 = arith.cmpi eq, %jit3A_425, %eq3A_426 : i32
      %jit3A_428 = arith.constant 1 : i32
      %select_n3A_429 = arith.select %eq3A_427, %jit3A_428, %jit3A_425 : i32
      %rem3A_430 = arith.remsi %scan3A_412, %select_n3A_429 : i32
      %ne3A_431 = arith.constant 0 : i32
      %ne3A_432 = arith.cmpi ne, %rem3A_430, %ne3A_431 : i32
      %lt3A_433 = arith.constant 0 : i32
      %lt3A_434 = arith.cmpi slt, %rem3A_430, %lt3A_433 : i32
      %lt3A_435 = arith.constant 0 : i32
      %lt3A_436 = arith.cmpi slt, %select_n3A_429, %lt3A_435 : i32
      %ne3A_437 = arith.xori %lt3A_434, %lt3A_436 : i1
      %and3A_438 = arith.andi %ne3A_437, %ne3A_432 : i1
      %add3A_439 = arith.addi %rem3A_430, %select_n3A_429 : i32
      %select_n3A_440 = arith.select %and3A_438, %add3A_439, %rem3A_430 : i32
      %eq3A_441 = arith.constant 1 : i32
      %eq3A_442 = arith.cmpi eq, %select_n3A_440, %eq3A_441 : i32
      %convert_element_type3A_443 = arith.extui %eq3A_442 : i1 to i32
      %cond3A_444 = arith.constant 0 : i32
      %cond3A_445 = arith.cmpi ne, %convert_element_type3A_443, %cond3A_444 : i32
      scf.if %cond3A_445 {
        %dma_wait3A = arith.constant 0 : i32
        %dma_wait3A_446 = arith.constant 0 : i32
        %dma_wait3A_447 = tpu.memref_slice %arg2[%dma_wait3A, %dma_wait3A_446] : memref<10000x128xf32, #tpu.memory_space<hbm>> -> memref<80x128xf32, #tpu.memory_space<hbm>>
        %dma_wait3A_448 = arith.constant 0 : i32
        %dma_wait3A_449 = arith.constant 0 : i32
        %dma_wait3A_450 = tpu.memref_slice %arg2[%dma_wait3A_448, %dma_wait3A_449] : memref<10000x128xf32, #tpu.memory_space<hbm>> -> memref<80x128xf32, #tpu.memory_space<hbm>>
        tpu.wait_dma2 semaphore(%arg17 : memref<!tpu.dma_semaphore, #tpu.memory_space<semaphore_mem>>) src(%dma_wait3A_450 : memref<80x128xf32, #tpu.memory_space<hbm>>) dst(%arg14 : memref<80x128xf32, #tpu.memory_space<vmem>>)
        %scan3A_451 = arith.constant 0 : i32
        %scan3A_452 = arith.constant 0 : i32
        %scan3A_453 = arith.constant 5 : i32
        %scan3A_454 = arith.addi %scan3A_452, %scan3A_453 : i32
        %scan3A_455 = arith.constant 1 : i32
        scf.for %scan3A_464 = %scan3A_452 to %scan3A_454 step %scan3A_455  : i32 {
          %mul3A_465 = arith.constant 16 : i32
          %mul3A_466 = arith.muli %scan3A_464, %mul3A_465 : i32
          %get3A = arith.index_cast %mul3A_466 : i32 to index
          %get3A_467 = tpu.vector_load %arg12[%get3A] {strides = array<i32>} : memref<80xf32, #tpu.memory_space<vmem>>, vector<16xf32>,
          %get3A_468 = vector.shape_cast %get3A_467 : vector<16xf32> to vector<16xf32>
          %slice3A = vector.extract_strided_slice %get3A_468 {offsets = [0], sizes = [1], strides = [1]} : vector<16xf32> to vector<1xf32>
          %squeeze3A = vector.extract %slice3A[0] : f32 from vector<1xf32>
          %broadcast_in_dim3A_469 = vector.broadcast %squeeze3A : f32 to vector<16xf32>
          %mul3A_470 = arith.constant 16 : i32
          %mul3A_471 = arith.muli %scan3A_464, %mul3A_470 : i32
          %add3A_472 = arith.constant 0 : i32
          %add3A_473 = arith.addi %mul3A_471, %add3A_472 : i32
          %get3A_474 = arith.index_cast %add3A_473 : i32 to index
          %get3A_475 = arith.constant 0 : index
          %get3A_476 = tpu.vector_load %arg14[%get3A_474, %get3A_475] {strides = array<i32>} : memref<80x128xf32, #tpu.memory_space<vmem>>, vector<1x16xf32>,
          %get3A_477 = vector.shape_cast %get3A_476 : vector<1x16xf32> to vector<16xf32>
          %mul3A_478 = arith.mulf %get3A_477, %broadcast_in_dim3A_469 : vector<16xf32>
          %swap3A_479 = arith.index_cast %add3A_473 : i32 to index
          %swap3A_480 = arith.constant 0 : index
          %swap3A_481 = tpu.vector_load %arg14[%swap3A_479, %swap3A_480] {strides = array<i32>} : memref<80x128xf32, #tpu.memory_space<vmem>>, vector<1x16xf32>,
          %swap3A_482 = vector.shape_cast %swap3A_481 : vector<1x16xf32> to vector<16xf32>
          %swap3A_483 = vector.shape_cast %mul3A_478 : vector<16xf32> to vector<1x16xf32>
          tpu.vector_store %arg14[%swap3A_479, %swap3A_480], %swap3A_483 {strides = array<i32>} : memref<80x128xf32, #tpu.memory_space<vmem>>, vector<1x16xf32>,
          %get3A_484 = arith.index_cast %add3A_473 : i32 to index
          %get3A_485 = arith.constant 16 : index
          %get3A_486 = tpu.vector_load %arg14[%get3A_484, %get3A_485] {strides = array<i32>} : memref<80x128xf32, #tpu.memory_space<vmem>>, vector<1x16xf32>,
          %get3A_487 = vector.shape_cast %get3A_486 : vector<1x16xf32> to vector<16xf32>
          %mul3A_488 = arith.mulf %get3A_487, %broadcast_in_dim3A_469 : vector<16xf32>
          %swap3A_489 = arith.index_cast %add3A_473 : i32 to index
          %swap3A_490 = arith.constant 16 : index
          %swap3A_491 = tpu.vector_load %arg14[%swap3A_489, %swap3A_490] {strides = array<i32>} : memref<80x128xf32, #tpu.memory_space<vmem>>, vector<1x16xf32>,
          %swap3A_492 = vector.shape_cast %swap3A_491 : vector<1x16xf32> to vector<16xf32>
          %swap3A_493 = vector.shape_cast %mul3A_488 : vector<16xf32> to vector<1x16xf32>
          tpu.vector_store %arg14[%swap3A_489, %swap3A_490], %swap3A_493 {strides = array<i32>} : memref<80x128xf32, #tpu.memory_space<vmem>>, vector<1x16xf32>,
          %get3A_494 = arith.index_cast %add3A_473 : i32 to index
          %get3A_495 = arith.constant 32 : index
          %get3A_496 = tpu.vector_load %arg14[%get3A_494, %get3A_495] {strides = array<i32>} : memref<80x128xf32, #tpu.memory_space<vmem>>, vector<1x16xf32>,
          %get3A_497 = vector.shape_cast %get3A_496 : vector<1x16xf32> to vector<16xf32>
          %mul3A_498 = arith.mulf %get3A_497, %broadcast_in_dim3A_469 : vector<16xf32>
          %swap3A_499 = arith.index_cast %add3A_473 : i32 to index
          %swap3A_500 = arith.constant 32 : index
          %swap3A_501 = tpu.vector_load %arg14[%swap3A_499, %swap3A_500] {strides = array<i32>} : memref<80x128xf32, #tpu.memory_space<vmem>>, vector<1x16xf32>,
          %swap3A_502 = vector.shape_cast %swap3A_501 : vector<1x16xf32> to vector<16xf32>
          %swap3A_503 = vector.shape_cast %mul3A_498 : vector<16xf32> to vector<1x16xf32>
          tpu.vector_store %arg14[%swap3A_499, %swap3A_500], %swap3A_503 {strides = array<i32>} : memref<80x128xf32, #tpu.memory_space<vmem>>, vector<1x16xf32>,
          %get3A_504 = arith.index_cast %add3A_473 : i32 to index
          %get3A_505 = arith.constant 48 : index
          %get3A_506 = tpu.vector_load %arg14[%get3A_504, %get3A_505] {strides = array<i32>} : memref<80x128xf32, #tpu.memory_space<vmem>>, vector<1x16xf32>,
          %get3A_507 = vector.shape_cast %get3A_506 : vector<1x16xf32> to vector<16xf32>
          %mul3A_508 = arith.mulf %get3A_507, %broadcast_in_dim3A_469 : vector<16xf32>
          %swap3A_509 = arith.index_cast %add3A_473 : i32 to index
          %swap3A_510 = arith.constant 48 : index
          %swap3A_511 = tpu.vector_load %arg14[%swap3A_509, %swap3A_510] {strides = array<i32>} : memref<80x128xf32, #tpu.memory_space<vmem>>, vector<1x16xf32>,
          %swap3A_512 = vector.shape_cast %swap3A_511 : vector<1x16xf32> to vector<16xf32>
          %swap3A_513 = vector.shape_cast %mul3A_508 : vector<16xf32> to vector<1x16xf32>
          tpu.vector_store %arg14[%swap3A_509, %swap3A_510], %swap3A_513 {strides = array<i32>} : memref<80x128xf32, #tpu.memory_space<vmem>>, vector<1x16xf32>,
          %get3A_514 = arith.index_cast %add3A_473 : i32 to index
          %get3A_515 = arith.constant 64 : index
          %get3A_516 = tpu.vector_load %arg14[%get3A_514, %get3A_515] {strides = array<i32>} : memref<80x128xf32, #tpu.memory_space<vmem>>, vector<1x16xf32>,
          %get3A_517 = vector.shape_cast %get3A_516 : vector<1x16xf32> to vector<16xf32>
          %mul3A_518 = arith.mulf %get3A_517, %broadcast_in_dim3A_469 : vector<16xf32>
          %swap3A_519 = arith.index_cast %add3A_473 : i32 to index
          %swap3A_520 = arith.constant 64 : index
          %swap3A_521 = tpu.vector_load %arg14[%swap3A_519, %swap3A_520] {strides = array<i32>} : memref<80x128xf32, #tpu.memory_space<vmem>>, vector<1x16xf32>,
          %swap3A_522 = vector.shape_cast %swap3A_521 : vector<1x16xf32> to vector<16xf32>
          %swap3A_523 = vector.shape_cast %mul3A_518 : vector<16xf32> to vector<1x16xf32>
          tpu.vector_store %arg14[%swap3A_519, %swap3A_520], %swap3A_523 {strides = array<i32>} : memref<80x128xf32, #tpu.memory_space<vmem>>, vector<1x16xf32>,
          %get3A_524 = arith.index_cast %add3A_473 : i32 to index
          %get3A_525 = arith.constant 80 : index
          %get3A_526 = tpu.vector_load %arg14[%get3A_524, %get3A_525] {strides = array<i32>} : memref<80x128xf32, #tpu.memory_space<vmem>>, vector<1x16xf32>,
          %get3A_527 = vector.shape_cast %get3A_526 : vector<1x16xf32> to vector<16xf32>
          %mul3A_528 = arith.mulf %get3A_527, %broadcast_in_dim3A_469 : vector<16xf32>
          %swap3A_529 = arith.index_cast %add3A_473 : i32 to index
          %swap3A_530 = arith.constant 80 : index
          %swap3A_531 = tpu.vector_load %arg14[%swap3A_529, %swap3A_530] {strides = array<i32>} : memref<80x128xf32, #tpu.memory_space<vmem>>, vector<1x16xf32>,
          %swap3A_532 = vector.shape_cast %swap3A_531 : vector<1x16xf32> to vector<16xf32>
          %swap3A_533 = vector.shape_cast %mul3A_528 : vector<16xf32> to vector<1x16xf32>
          tpu.vector_store %arg14[%swap3A_529, %swap3A_530], %swap3A_533 {strides = array<i32>} : memref<80x128xf32, #tpu.memory_space<vmem>>, vector<1x16xf32>,
          %get3A_534 = arith.index_cast %add3A_473 : i32 to index
          %get3A_535 = arith.constant 96 : index
          %get3A_536 = tpu.vector_load %arg14[%get3A_534, %get3A_535] {strides = array<i32>} : memref<80x128xf32, #tpu.memory_space<vmem>>, vector<1x16xf32>,
          %get3A_537 = vector.shape_cast %get3A_536 : vector<1x16xf32> to vector<16xf32>
          %mul3A_538 = arith.mulf %get3A_537, %broadcast_in_dim3A_469 : vector<16xf32>
          %swap3A_539 = arith.index_cast %add3A_473 : i32 to index
          %swap3A_540 = arith.constant 96 : index
          %swap3A_541 = tpu.vector_load %arg14[%swap3A_539, %swap3A_540] {strides = array<i32>} : memref<80x128xf32, #tpu.memory_space<vmem>>, vector<1x16xf32>,
          %swap3A_542 = vector.shape_cast %swap3A_541 : vector<1x16xf32> to vector<16xf32>
          %swap3A_543 = vector.shape_cast %mul3A_538 : vector<16xf32> to vector<1x16xf32>
          tpu.vector_store %arg14[%swap3A_539, %swap3A_540], %swap3A_543 {strides = array<i32>} : memref<80x128xf32, #tpu.memory_space<vmem>>, vector<1x16xf32>,
          %get3A_544 = arith.index_cast %add3A_473 : i32 to index
          %get3A_545 = arith.constant 112 : index
          %get3A_546 = tpu.vector_load %arg14[%get3A_544, %get3A_545] {strides = array<i32>} : memref<80x128xf32, #tpu.memory_space<vmem>>, vector<1x16xf32>,
          %get3A_547 = vector.shape_cast %get3A_546 : vector<1x16xf32> to vector<16xf32>
          %mul3A_548 = arith.mulf %get3A_547, %broadcast_in_dim3A_469 : vector<16xf32>
          %swap3A_549 = arith.index_cast %add3A_473 : i32 to index
          %swap3A_550 = arith.constant 112 : index
          %swap3A_551 = tpu.vector_load %arg14[%swap3A_549, %swap3A_550] {strides = array<i32>} : memref<80x128xf32, #tpu.memory_space<vmem>>, vector<1x16xf32>,
          %swap3A_552 = vector.shape_cast %swap3A_551 : vector<1x16xf32> to vector<16xf32>
          %swap3A_553 = vector.shape_cast %mul3A_548 : vector<16xf32> to vector<1x16xf32>
          tpu.vector_store %arg14[%swap3A_549, %swap3A_550], %swap3A_553 {strides = array<i32>} : memref<80x128xf32, #tpu.memory_space<vmem>>, vector<1x16xf32>,
          %slice3A_554 = vector.extract_strided_slice %get3A_468 {offsets = [1], sizes = [1], strides = [1]} : vector<16xf32> to vector<1xf32>
          %squeeze3A_555 = vector.extract %slice3A_554[0] : f32 from vector<1xf32>
          %broadcast_in_dim3A_556 = vector.broadcast %squeeze3A_555 : f32 to vector<16xf32>
          %mul3A_557 = arith.constant 16 : i32
          %mul3A_558 = arith.muli %scan3A_464, %mul3A_557 : i32
          %add3A_559 = arith.constant 1 : i32
          %add3A_560 = arith.addi %mul3A_558, %add3A_559 : i32
          %get3A_561 = arith.index_cast %add3A_560 : i32 to index
          %get3A_562 = arith.constant 0 : index
          %get3A_563 = tpu.vector_load %arg14[%get3A_561, %get3A_562] {strides = array<i32>} : memref<80x128xf32, #tpu.memory_space<vmem>>, vector<1x16xf32>,
          %get3A_564 = vector.shape_cast %get3A_563 : vector<1x16xf32> to vector<16xf32>
          %mul3A_565 = arith.mulf %get3A_564, %broadcast_in_dim3A_556 : vector<16xf32>
          %swap3A_566 = arith.index_cast %add3A_560 : i32 to index
          %swap3A_567 = arith.constant 0 : index
          %swap3A_568 = tpu.vector_load %arg14[%swap3A_566, %swap3A_567] {strides = array<i32>} : memref<80x128xf32, #tpu.memory_space<vmem>>, vector<1x16xf32>,
          %swap3A_569 = vector.shape_cast %swap3A_568 : vector<1x16xf32> to vector<16xf32>
          %swap3A_570 = vector.shape_cast %mul3A_565 : vector<16xf32> to vector<1x16xf32>
          tpu.vector_store %arg14[%swap3A_566, %swap3A_567], %swap3A_570 {strides = array<i32>} : memref<80x128xf32, #tpu.memory_space<vmem>>, vector<1x16xf32>,
          %get3A_571 = arith.index_cast %add3A_560 : i32 to index
          %get3A_572 = arith.constant 16 : index
          %get3A_573 = tpu.vector_load %arg14[%get3A_571, %get3A_572] {strides = array<i32>} : memref<80x128xf32, #tpu.memory_space<vmem>>, vector<1x16xf32>,
          %get3A_574 = vector.shape_cast %get3A_573 : vector<1x16xf32> to vector<16xf32>
          %mul3A_575 = arith.mulf %get3A_574, %broadcast_in_dim3A_556 : vector<16xf32>
          %swap3A_576 = arith.index_cast %add3A_560 : i32 to index
          %swap3A_577 = arith.constant 16 : index
          %swap3A_578 = tpu.vector_load %arg14[%swap3A_576, %swap3A_577] {strides = array<i32>} : memref<80x128xf32, #tpu.memory_space<vmem>>, vector<1x16xf32>,
          %swap3A_579 = vector.shape_cast %swap3A_578 : vector<1x16xf32> to vector<16xf32>
          %swap3A_580 = vector.shape_cast %mul3A_575 : vector<16xf32> to vector<1x16xf32>
          tpu.vector_store %arg14[%swap3A_576, %swap3A_577], %swap3A_580 {strides = array<i32>} : memref<80x128xf32, #tpu.memory_space<vmem>>, vector<1x16xf32>,
          %get3A_581 = arith.index_cast %add3A_560 : i32 to index
          %get3A_582 = arith.constant 32 : index
          %get3A_583 = tpu.vector_load %arg14[%get3A_581, %get3A_582] {strides = array<i32>} : memref<80x128xf32, #tpu.memory_space<vmem>>, vector<1x16xf32>,
          %get3A_584 = vector.shape_cast %get3A_583 : vector<1x16xf32> to vector<16xf32>
          %mul3A_585 = arith.mulf %get3A_584, %broadcast_in_dim3A_556 : vector<16xf32>
          %swap3A_586 = arith.index_cast %add3A_560 : i32 to index
          %swap3A_587 = arith.constant 32 : index
          %swap3A_588 = tpu.vector_load %arg14[%swap3A_586, %swap3A_587] {strides = array<i32>} : memref<80x128xf32, #tpu.memory_space<vmem>>, vector<1x16xf32>,
          %swap3A_589 = vector.shape_cast %swap3A_588 : vector<1x16xf32> to vector<16xf32>
          %swap3A_590 = vector.shape_cast %mul3A_585 : vector<16xf32> to vector<1x16xf32>
          tpu.vector_store %arg14[%swap3A_586, %swap3A_587], %swap3A_590 {strides = array<i32>} : memref<80x128xf32, #tpu.memory_space<vmem>>, vector<1x16xf32>,
          %get3A_591 = arith.index_cast %add3A_560 : i32 to index
          %get3A_592 = arith.constant 48 : index
          %get3A_593 = tpu.vector_load %arg14[%get3A_591, %get3A_592] {strides = array<i32>} : memref<80x128xf32, #tpu.memory_space<vmem>>, vector<1x16xf32>,
          %get3A_594 = vector.shape_cast %get3A_593 : vector<1x16xf32> to vector<16xf32>
          %mul3A_595 = arith.mulf %get3A_594, %broadcast_in_dim3A_556 : vector<16xf32>
          %swap3A_596 = arith.index_cast %add3A_560 : i32 to index
          %swap3A_597 = arith.constant 48 : index
          %swap3A_598 = tpu.vector_load %arg14[%swap3A_596, %swap3A_597] {strides = array<i32>} : memref<80x128xf32, #tpu.memory_space<vmem>>, vector<1x16xf32>,
          %swap3A_599 = vector.shape_cast %swap3A_598 : vector<1x16xf32> to vector<16xf32>
          %swap3A_600 = vector.shape_cast %mul3A_595 : vector<16xf32> to vector<1x16xf32>
          tpu.vector_store %arg14[%swap3A_596, %swap3A_597], %swap3A_600 {strides = array<i32>} : memref<80x128xf32, #tpu.memory_space<vmem>>, vector<1x16xf32>,
          %get3A_601 = arith.index_cast %add3A_560 : i32 to index
          %get3A_602 = arith.constant 64 : index
          %get3A_603 = tpu.vector_load %arg14[%get3A_601, %get3A_602] {strides = array<i32>} : memref<80x128xf32, #tpu.memory_space<vmem>>, vector<1x16xf32>,
          %get3A_604 = vector.shape_cast %get3A_603 : vector<1x16xf32> to vector<16xf32>
          %mul3A_605 = arith.mulf %get3A_604, %broadcast_in_dim3A_556 : vector<16xf32>
          %swap3A_606 = arith.index_cast %add3A_560 : i32 to index
          %swap3A_607 = arith.constant 64 : index
          %swap3A_608 = tpu.vector_load %arg14[%swap3A_606, %swap3A_607] {strides = array<i32>} : memref<80x128xf32, #tpu.memory_space<vmem>>, vector<1x16xf32>,
          %swap3A_609 = vector.shape_cast %swap3A_608 : vector<1x16xf32> to vector<16xf32>
          %swap3A_610 = vector.shape_cast %mul3A_605 : vector<16xf32> to vector<1x16xf32>
          tpu.vector_store %arg14[%swap3A_606, %swap3A_607], %swap3A_610 {strides = array<i32>} : memref<80x128xf32, #tpu.memory_space<vmem>>, vector<1x16xf32>,
          %get3A_611 = arith.index_cast %add3A_560 : i32 to index
          %get3A_612 = arith.constant 80 : index
          %get3A_613 = tpu.vector_load %arg14[%get3A_611, %get3A_612] {strides = array<i32>} : memref<80x128xf32, #tpu.memory_space<vmem>>, vector<1x16xf32>,
          %get3A_614 = vector.shape_cast %get3A_613 : vector<1x16xf32> to vector<16xf32>
          %mul3A_615 = arith.mulf %get3A_614, %broadcast_in_dim3A_556 : vector<16xf32>
          %swap3A_616 = arith.index_cast %add3A_560 : i32 to index
          %swap3A_617 = arith.constant 80 : index
          %swap3A_618 = tpu.vector_load %arg14[%swap3A_616, %swap3A_617] {strides = array<i32>} : memref<80x128xf32, #tpu.memory_space<vmem>>, vector<1x16xf32>,
          %swap3A_619 = vector.shape_cast %swap3A_618 : vector<1x16xf32> to vector<16xf32>
          %swap3A_620 = vector.shape_cast %mul3A_615 : vector<16xf32> to vector<1x16xf32>
          tpu.vector_store %arg14[%swap3A_616, %swap3A_617], %swap3A_620 {strides = array<i32>} : memref<80x128xf32, #tpu.memory_space<vmem>>, vector<1x16xf32>,
          %get3A_621 = arith.index_cast %add3A_560 : i32 to index
          %get3A_622 = arith.constant 96 : index
          %get3A_623 = tpu.vector_load %arg14[%get3A_621, %get3A_622] {strides = array<i32>} : memref<80x128xf32, #tpu.memory_space<vmem>>, vector<1x16xf32>,
          %get3A_624 = vector.shape_cast %get3A_623 : vector<1x16xf32> to vector<16xf32>
          %mul3A_625 = arith.mulf %get3A_624, %broadcast_in_dim3A_556 : vector<16xf32>
          %swap3A_626 = arith.index_cast %add3A_560 : i32 to index
          %swap3A_627 = arith.constant 96 : index
          %swap3A_628 = tpu.vector_load %arg14[%swap3A_626, %swap3A_627] {strides = array<i32>} : memref<80x128xf32, #tpu.memory_space<vmem>>, vector<1x16xf32>,
          %swap3A_629 = vector.shape_cast %swap3A_628 : vector<1x16xf32> to vector<16xf32>
          %swap3A_630 = vector.shape_cast %mul3A_625 : vector<16xf32> to vector<1x16xf32>
          tpu.vector_store %arg14[%swap3A_626, %swap3A_627], %swap3A_630 {strides = array<i32>} : memref<80x128xf32, #tpu.memory_space<vmem>>, vector<1x16xf32>,
          %get3A_631 = arith.index_cast %add3A_560 : i32 to index
          %get3A_632 = arith.constant 112 : index
          %get3A_633 = tpu.vector_load %arg14[%get3A_631, %get3A_632] {strides = array<i32>} : memref<80x128xf32, #tpu.memory_space<vmem>>, vector<1x16xf32>,
          %get3A_634 = vector.shape_cast %get3A_633 : vector<1x16xf32> to vector<16xf32>
          %mul3A_635 = arith.mulf %get3A_634, %broadcast_in_dim3A_556 : vector<16xf32>
          %swap3A_636 = arith.index_cast %add3A_560 : i32 to index
          %swap3A_637 = arith.constant 112 : index
          %swap3A_638 = tpu.vector_load %arg14[%swap3A_636, %swap3A_637] {strides = array<i32>} : memref<80x128xf32, #tpu.memory_space<vmem>>, vector<1x16xf32>,
          %swap3A_639 = vector.shape_cast %swap3A_638 : vector<1x16xf32> to vector<16xf32>
          %swap3A_640 = vector.shape_cast %mul3A_635 : vector<16xf32> to vector<1x16xf32>
          tpu.vector_store %arg14[%swap3A_636, %swap3A_637], %swap3A_640 {strides = array<i32>} : memref<80x128xf32, #tpu.memory_space<vmem>>, vector<1x16xf32>,
          %slice3A_641 = vector.extract_strided_slice %get3A_468 {offsets = [2], sizes = [1], strides = [1]} : vector<16xf32> to vector<1xf32>
          %squeeze3A_642 = vector.extract %slice3A_641[0] : f32 from vector<1xf32>
          %broadcast_in_dim3A_643 = vector.broadcast %squeeze3A_642 : f32 to vector<16xf32>
          %mul3A_644 = arith.constant 16 : i32
          %mul3A_645 = arith.muli %scan3A_464, %mul3A_644 : i32
          %add3A_646 = arith.constant 2 : i32
          %add3A_647 = arith.addi %mul3A_645, %add3A_646 : i32
          %get3A_648 = arith.index_cast %add3A_647 : i32 to index
          %get3A_649 = arith.constant 0 : index
          %get3A_650 = tpu.vector_load %arg14[%get3A_648, %get3A_649] {strides = array<i32>} : memref<80x128xf32, #tpu.memory_space<vmem>>, vector<1x16xf32>,
          %get3A_651 = vector.shape_cast %get3A_650 : vector<1x16xf32> to vector<16xf32>
          %mul3A_652 = arith.mulf %get3A_651, %broadcast_in_dim3A_643 : vector<16xf32>
          %swap3A_653 = arith.index_cast %add3A_647 : i32 to index
          %swap3A_654 = arith.constant 0 : index
          %swap3A_655 = tpu.vector_load %arg14[%swap3A_653, %swap3A_654] {strides = array<i32>} : memref<80x128xf32, #tpu.memory_space<vmem>>, vector<1x16xf32>,
          %swap3A_656 = vector.shape_cast %swap3A_655 : vector<1x16xf32> to vector<16xf32>
          %swap3A_657 = vector.shape_cast %mul3A_652 : vector<16xf32> to vector<1x16xf32>
          tpu.vector_store %arg14[%swap3A_653, %swap3A_654], %swap3A_657 {strides = array<i32>} : memref<80x128xf32, #tpu.memory_space<vmem>>, vector<1x16xf32>,
          %get3A_658 = arith.index_cast %add3A_647 : i32 to index
          %get3A_659 = arith.constant 16 : index
          %get3A_660 = tpu.vector_load %arg14[%get3A_658, %get3A_659] {strides = array<i32>} : memref<80x128xf32, #tpu.memory_space<vmem>>, vector<1x16xf32>,
          %get3A_661 = vector.shape_cast %get3A_660 : vector<1x16xf32> to vector<16xf32>
          %mul3A_662 = arith.mulf %get3A_661, %broadcast_in_dim3A_643 : vector<16xf32>
          %swap3A_663 = arith.index_cast %add3A_647 : i32 to index
          %swap3A_664 = arith.constant 16 : index
          %swap3A_665 = tpu.vector_load %arg14[%swap3A_663, %swap3A_664] {strides = array<i32>} : memref<80x128xf32, #tpu.memory_space<vmem>>, vector<1x16xf32>,
          %swap3A_666 = vector.shape_cast %swap3A_665 : vector<1x16xf32> to vector<16xf32>
          %swap3A_667 = vector.shape_cast %mul3A_662 : vector<16xf32> to vector<1x16xf32>
          tpu.vector_store %arg14[%swap3A_663, %swap3A_664], %swap3A_667 {strides = array<i32>} : memref<80x128xf32, #tpu.memory_space<vmem>>, vector<1x16xf32>,
          %get3A_668 = arith.index_cast %add3A_647 : i32 to index
          %get3A_669 = arith.constant 32 : index
          %get3A_670 = tpu.vector_load %arg14[%get3A_668, %get3A_669] {strides = array<i32>} : memref<80x128xf32, #tpu.memory_space<vmem>>, vector<1x16xf32>,
          %get3A_671 = vector.shape_cast %get3A_670 : vector<1x16xf32> to vector<16xf32>
          %mul3A_672 = arith.mulf %get3A_671, %broadcast_in_dim3A_643 : vector<16xf32>
          %swap3A_673 = arith.index_cast %add3A_647 : i32 to index
          %swap3A_674 = arith.constant 32 : index
          %swap3A_675 = tpu.vector_load %arg14[%swap3A_673, %swap3A_674] {strides = array<i32>} : memref<80x128xf32, #tpu.memory_space<vmem>>, vector<1x16xf32>,
          %swap3A_676 = vector.shape_cast %swap3A_675 : vector<1x16xf32> to vector<16xf32>
          %swap3A_677 = vector.shape_cast %mul3A_672 : vector<16xf32> to vector<1x16xf32>
          tpu.vector_store %arg14[%swap3A_673, %swap3A_674], %swap3A_677 {strides = array<i32>} : memref<80x128xf32, #tpu.memory_space<vmem>>, vector<1x16xf32>,
          %get3A_678 = arith.index_cast %add3A_647 : i32 to index
          %get3A_679 = arith.constant 48 : index
          %get3A_680 = tpu.vector_load %arg14[%get3A_678, %get3A_679] {strides = array<i32>} : memref<80x128xf32, #tpu.memory_space<vmem>>, vector<1x16xf32>,
          %get3A_681 = vector.shape_cast %get3A_680 : vector<1x16xf32> to vector<16xf32>
          %mul3A_682 = arith.mulf %get3A_681, %broadcast_in_dim3A_643 : vector<16xf32>
          %swap3A_683 = arith.index_cast %add3A_647 : i32 to index
          %swap3A_684 = arith.constant 48 : index
          %swap3A_685 = tpu.vector_load %arg14[%swap3A_683, %swap3A_684] {strides = array<i32>} : memref<80x128xf32, #tpu.memory_space<vmem>>, vector<1x16xf32>,
          %swap3A_686 = vector.shape_cast %swap3A_685 : vector<1x16xf32> to vector<16xf32>
          %swap3A_687 = vector.shape_cast %mul3A_682 : vector<16xf32> to vector<1x16xf32>
          tpu.vector_store %arg14[%swap3A_683, %swap3A_684], %swap3A_687 {strides = array<i32>} : memref<80x128xf32, #tpu.memory_space<vmem>>, vector<1x16xf32>,
          %get3A_688 = arith.index_cast %add3A_647 : i32 to index
          %get3A_689 = arith.constant 64 : index
          %get3A_690 = tpu.vector_load %arg14[%get3A_688, %get3A_689] {strides = array<i32>} : memref<80x128xf32, #tpu.memory_space<vmem>>, vector<1x16xf32>,
          %get3A_691 = vector.shape_cast %get3A_690 : vector<1x16xf32> to vector<16xf32>
          %mul3A_692 = arith.mulf %get3A_691, %broadcast_in_dim3A_643 : vector<16xf32>
          %swap3A_693 = arith.index_cast %add3A_647 : i32 to index
          %swap3A_694 = arith.constant 64 : index
          %swap3A_695 = tpu.vector_load %arg14[%swap3A_693, %swap3A_694] {strides = array<i32>} : memref<80x128xf32, #tpu.memory_space<vmem>>, vector<1x16xf32>,
          %swap3A_696 = vector.shape_cast %swap3A_695 : vector<1x16xf32> to vector<16xf32>
          %swap3A_697 = vector.shape_cast %mul3A_692 : vector<16xf32> to vector<1x16xf32>
          tpu.vector_store %arg14[%swap3A_693, %swap3A_694], %swap3A_697 {strides = array<i32>} : memref<80x128xf32, #tpu.memory_space<vmem>>, vector<1x16xf32>,
          %get3A_698 = arith.index_cast %add3A_647 : i32 to index
          %get3A_699 = arith.constant 80 : index
          %get3A_700 = tpu.vector_load %arg14[%get3A_698, %get3A_699] {strides = array<i32>} : memref<80x128xf32, #tpu.memory_space<vmem>>, vector<1x16xf32>,
          %get3A_701 = vector.shape_cast %get3A_700 : vector<1x16xf32> to vector<16xf32>
          %mul3A_702 = arith.mulf %get3A_701, %broadcast_in_dim3A_643 : vector<16xf32>
          %swap3A_703 = arith.index_cast %add3A_647 : i32 to index
          %swap3A_704 = arith.constant 80 : index
          %swap3A_705 = tpu.vector_load %arg14[%swap3A_703, %swap3A_704] {strides = array<i32>} : memref<80x128xf32, #tpu.memory_space<vmem>>, vector<1x16xf32>,
          %swap3A_706 = vector.shape_cast %swap3A_705 : vector<1x16xf32> to vector<16xf32>
          %swap3A_707 = vector.shape_cast %mul3A_702 : vector<16xf32> to vector<1x16xf32>
          tpu.vector_store %arg14[%swap3A_703, %swap3A_704], %swap3A_707 {strides = array<i32>} : memref<80x128xf32, #tpu.memory_space<vmem>>, vector<1x16xf32>,
          %get3A_708 = arith.index_cast %add3A_647 : i32 to index
          %get3A_709 = arith.constant 96 : index
          %get3A_710 = tpu.vector_load %arg14[%get3A_708, %get3A_709] {strides = array<i32>} : memref<80x128xf32, #tpu.memory_space<vmem>>, vector<1x16xf32>,
          %get3A_711 = vector.shape_cast %get3A_710 : vector<1x16xf32> to vector<16xf32>
          %mul3A_712 = arith.mulf %get3A_711, %broadcast_in_dim3A_643 : vector<16xf32>
          %swap3A_713 = arith.index_cast %add3A_647 : i32 to index
          %swap3A_714 = arith.constant 96 : index
          %swap3A_715 = tpu.vector_load %arg14[%swap3A_713, %swap3A_714] {strides = array<i32>} : memref<80x128xf32, #tpu.memory_space<vmem>>, vector<1x16xf32>,
          %swap3A_716 = vector.shape_cast %swap3A_715 : vector<1x16xf32> to vector<16xf32>
          %swap3A_717 = vector.shape_cast %mul3A_712 : vector<16xf32> to vector<1x16xf32>
          tpu.vector_store %arg14[%swap3A_713, %swap3A_714], %swap3A_717 {strides = array<i32>} : memref<80x128xf32, #tpu.memory_space<vmem>>, vector<1x16xf32>,
          %get3A_718 = arith.index_cast %add3A_647 : i32 to index
          %get3A_719 = arith.constant 112 : index
          %get3A_720 = tpu.vector_load %arg14[%get3A_718, %get3A_719] {strides = array<i32>} : memref<80x128xf32, #tpu.memory_space<vmem>>, vector<1x16xf32>,
          %get3A_721 = vector.shape_cast %get3A_720 : vector<1x16xf32> to vector<16xf32>
          %mul3A_722 = arith.mulf %get3A_721, %broadcast_in_dim3A_643 : vector<16xf32>
          %swap3A_723 = arith.index_cast %add3A_647 : i32 to index
          %swap3A_724 = arith.constant 112 : index
          %swap3A_725 = tpu.vector_load %arg14[%swap3A_723, %swap3A_724] {strides = array<i32>} : memref<80x128xf32, #tpu.memory_space<vmem>>, vector<1x16xf32>,
          %swap3A_726 = vector.shape_cast %swap3A_725 : vector<1x16xf32> to vector<16xf32>
          %swap3A_727 = vector.shape_cast %mul3A_722 : vector<16xf32> to vector<1x16xf32>
          tpu.vector_store %arg14[%swap3A_723, %swap3A_724], %swap3A_727 {strides = array<i32>} : memref<80x128xf32, #tpu.memory_space<vmem>>, vector<1x16xf32>,
          %slice3A_728 = vector.extract_strided_slice %get3A_468 {offsets = [3], sizes = [1], strides = [1]} : vector<16xf32> to vector<1xf32>
          %squeeze3A_729 = vector.extract %slice3A_728[0] : f32 from vector<1xf32>
          %broadcast_in_dim3A_730 = vector.broadcast %squeeze3A_729 : f32 to vector<16xf32>
          %mul3A_731 = arith.constant 16 : i32
          %mul3A_732 = arith.muli %scan3A_464, %mul3A_731 : i32
          %add3A_733 = arith.constant 3 : i32
          %add3A_734 = arith.addi %mul3A_732, %add3A_733 : i32
          %get3A_735 = arith.index_cast %add3A_734 : i32 to index
          %get3A_736 = arith.constant 0 : index
          %get3A_737 = tpu.vector_load %arg14[%get3A_735, %get3A_736] {strides = array<i32>} : memref<80x128xf32, #tpu.memory_space<vmem>>, vector<1x16xf32>,
          %get3A_738 = vector.shape_cast %get3A_737 : vector<1x16xf32> to vector<16xf32>
          %mul3A_739 = arith.mulf %get3A_738, %broadcast_in_dim3A_730 : vector<16xf32>
          %swap3A_740 = arith.index_cast %add3A_734 : i32 to index
          %swap3A_741 = arith.constant 0 : index
          %swap3A_742 = tpu.vector_load %arg14[%swap3A_740, %swap3A_741] {strides = array<i32>} : memref<80x128xf32, #tpu.memory_space<vmem>>, vector<1x16xf32>,
          %swap3A_743 = vector.shape_cast %swap3A_742 : vector<1x16xf32> to vector<16xf32>
          %swap3A_744 = vector.shape_cast %mul3A_739 : vector<16xf32> to vector<1x16xf32>
          tpu.vector_store %arg14[%swap3A_740, %swap3A_741], %swap3A_744 {strides = array<i32>} : memref<80x128xf32, #tpu.memory_space<vmem>>, vector<1x16xf32>,
          %get3A_745 = arith.index_cast %add3A_734 : i32 to index
          %get3A_746 = arith.constant 16 : index
          %get3A_747 = tpu.vector_load %arg14[%get3A_745, %get3A_746] {strides = array<i32>} : memref<80x128xf32, #tpu.memory_space<vmem>>, vector<1x16xf32>,
          %get3A_748 = vector.shape_cast %get3A_747 : vector<1x16xf32> to vector<16xf32>
          %mul3A_749 = arith.mulf %get3A_748, %broadcast_in_dim3A_730 : vector<16xf32>
          %swap3A_750 = arith.index_cast %add3A_734 : i32 to index
          %swap3A_751 = arith.constant 16 : index
          %swap3A_752 = tpu.vector_load %arg14[%swap3A_750, %swap3A_751] {strides = array<i32>} : memref<80x128xf32, #tpu.memory_space<vmem>>, vector<1x16xf32>,
          %swap3A_753 = vector.shape_cast %swap3A_752 : vector<1x16xf32> to vector<16xf32>
          %swap3A_754 = vector.shape_cast %mul3A_749 : vector<16xf32> to vector<1x16xf32>
          tpu.vector_store %arg14[%swap3A_750, %swap3A_751], %swap3A_754 {strides = array<i32>} : memref<80x128xf32, #tpu.memory_space<vmem>>, vector<1x16xf32>,
          %get3A_755 = arith.index_cast %add3A_734 : i32 to index
          %get3A_756 = arith.constant 32 : index
          %get3A_757 = tpu.vector_load %arg14[%get3A_755, %get3A_756] {strides = array<i32>} : memref<80x128xf32, #tpu.memory_space<vmem>>, vector<1x16xf32>,
          %get3A_758 = vector.shape_cast %get3A_757 : vector<1x16xf32> to vector<16xf32>
          %mul3A_759 = arith.mulf %get3A_758, %broadcast_in_dim3A_730 : vector<16xf32>
          %swap3A_760 = arith.index_cast %add3A_734 : i32 to index
          %swap3A_761 = arith.constant 32 : index
          %swap3A_762 = tpu.vector_load %arg14[%swap3A_760, %swap3A_761] {strides = array<i32>} : memref<80x128xf32, #tpu.memory_space<vmem>>, vector<1x16xf32>,
          %swap3A_763 = vector.shape_cast %swap3A_762 : vector<1x16xf32> to vector<16xf32>
          %swap3A_764 = vector.shape_cast %mul3A_759 : vector<16xf32> to vector<1x16xf32>
          tpu.vector_store %arg14[%swap3A_760, %swap3A_761], %swap3A_764 {strides = array<i32>} : memref<80x128xf32, #tpu.memory_space<vmem>>, vector<1x16xf32>,
          %get3A_765 = arith.index_cast %add3A_734 : i32 to index
          %get3A_766 = arith.constant 48 : index
          %get3A_767 = tpu.vector_load %arg14[%get3A_765, %get3A_766] {strides = array<i32>} : memref<80x128xf32, #tpu.memory_space<vmem>>, vector<1x16xf32>,
          %get3A_768 = vector.shape_cast %get3A_767 : vector<1x16xf32> to vector<16xf32>
          %mul3A_769 = arith.mulf %get3A_768, %broadcast_in_dim3A_730 : vector<16xf32>
          %swap3A_770 = arith.index_cast %add3A_734 : i32 to index
          %swap3A_771 = arith.constant 48 : index
          %swap3A_772 = tpu.vector_load %arg14[%swap3A_770, %swap3A_771] {strides = array<i32>} : memref<80x128xf32, #tpu.memory_space<vmem>>, vector<1x16xf32>,
          %swap3A_773 = vector.shape_cast %swap3A_772 : vector<1x16xf32> to vector<16xf32>
          %swap3A_774 = vector.shape_cast %mul3A_769 : vector<16xf32> to vector<1x16xf32>
          tpu.vector_store %arg14[%swap3A_770, %swap3A_771], %swap3A_774 {strides = array<i32>} : memref<80x128xf32, #tpu.memory_space<vmem>>, vector<1x16xf32>,
          %get3A_775 = arith.index_cast %add3A_734 : i32 to index
          %get3A_776 = arith.constant 64 : index
          %get3A_777 = tpu.vector_load %arg14[%get3A_775, %get3A_776] {strides = array<i32>} : memref<80x128xf32, #tpu.memory_space<vmem>>, vector<1x16xf32>,
          %get3A_778 = vector.shape_cast %get3A_777 : vector<1x16xf32> to vector<16xf32>
          %mul3A_779 = arith.mulf %get3A_778, %broadcast_in_dim3A_730 : vector<16xf32>
          %swap3A_780 = arith.index_cast %add3A_734 : i32 to index
          %swap3A_781 = arith.constant 64 : index
          %swap3A_782 = tpu.vector_load %arg14[%swap3A_780, %swap3A_781] {strides = array<i32>} : memref<80x128xf32, #tpu.memory_space<vmem>>, vector<1x16xf32>,
          %swap3A_783 = vector.shape_cast %swap3A_782 : vector<1x16xf32> to vector<16xf32>
          %swap3A_784 = vector.shape_cast %mul3A_779 : vector<16xf32> to vector<1x16xf32>
          tpu.vector_store %arg14[%swap3A_780, %swap3A_781], %swap3A_784 {strides = array<i32>} : memref<80x128xf32, #tpu.memory_space<vmem>>, vector<1x16xf32>,
          %get3A_785 = arith.index_cast %add3A_734 : i32 to index
          %get3A_786 = arith.constant 80 : index
          %get3A_787 = tpu.vector_load %arg14[%get3A_785, %get3A_786] {strides = array<i32>} : memref<80x128xf32, #tpu.memory_space<vmem>>, vector<1x16xf32>,
          %get3A_788 = vector.shape_cast %get3A_787 : vector<1x16xf32> to vector<16xf32>
          %mul3A_789 = arith.mulf %get3A_788, %broadcast_in_dim3A_730 : vector<16xf32>
          %swap3A_790 = arith.index_cast %add3A_734 : i32 to index
          %swap3A_791 = arith.constant 80 : index
          %swap3A_792 = tpu.vector_load %arg14[%swap3A_790, %swap3A_791] {strides = array<i32>} : memref<80x128xf32, #tpu.memory_space<vmem>>, vector<1x16xf32>,
          %swap3A_793 = vector.shape_cast %swap3A_792 : vector<1x16xf32> to vector<16xf32>
          %swap3A_794 = vector.shape_cast %mul3A_789 : vector<16xf32> to vector<1x16xf32>
          tpu.vector_store %arg14[%swap3A_790, %swap3A_791], %swap3A_794 {strides = array<i32>} : memref<80x128xf32, #tpu.memory_space<vmem>>, vector<1x16xf32>,
          %get3A_795 = arith.index_cast %add3A_734 : i32 to index
          %get3A_796 = arith.constant 96 : index
          %get3A_797 = tpu.vector_load %arg14[%get3A_795, %get3A_796] {strides = array<i32>} : memref<80x128xf32, #tpu.memory_space<vmem>>, vector<1x16xf32>,
          %get3A_798 = vector.shape_cast %get3A_797 : vector<1x16xf32> to vector<16xf32>
          %mul3A_799 = arith.mulf %get3A_798, %broadcast_in_dim3A_730 : vector<16xf32>
          %swap3A_800 = arith.index_cast %add3A_734 : i32 to index
          %swap3A_801 = arith.constant 96 : index
          %swap3A_802 = tpu.vector_load %arg14[%swap3A_800, %swap3A_801] {strides = array<i32>} : memref<80x128xf32, #tpu.memory_space<vmem>>, vector<1x16xf32>,
          %swap3A_803 = vector.shape_cast %swap3A_802 : vector<1x16xf32> to vector<16xf32>
          %swap3A_804 = vector.shape_cast %mul3A_799 : vector<16xf32> to vector<1x16xf32>
          tpu.vector_store %arg14[%swap3A_800, %swap3A_801], %swap3A_804 {strides = array<i32>} : memref<80x128xf32, #tpu.memory_space<vmem>>, vector<1x16xf32>,
          %get3A_805 = arith.index_cast %add3A_734 : i32 to index
          %get3A_806 = arith.constant 112 : index
          %get3A_807 = tpu.vector_load %arg14[%get3A_805, %get3A_806] {strides = array<i32>} : memref<80x128xf32, #tpu.memory_space<vmem>>, vector<1x16xf32>,
          %get3A_808 = vector.shape_cast %get3A_807 : vector<1x16xf32> to vector<16xf32>
          %mul3A_809 = arith.mulf %get3A_808, %broadcast_in_dim3A_730 : vector<16xf32>
          %swap3A_810 = arith.index_cast %add3A_734 : i32 to index
          %swap3A_811 = arith.constant 112 : index
          %swap3A_812 = tpu.vector_load %arg14[%swap3A_810, %swap3A_811] {strides = array<i32>} : memref<80x128xf32, #tpu.memory_space<vmem>>, vector<1x16xf32>,
          %swap3A_813 = vector.shape_cast %swap3A_812 : vector<1x16xf32> to vector<16xf32>
          %swap3A_814 = vector.shape_cast %mul3A_809 : vector<16xf32> to vector<1x16xf32>
          tpu.vector_store %arg14[%swap3A_810, %swap3A_811], %swap3A_814 {strides = array<i32>} : memref<80x128xf32, #tpu.memory_space<vmem>>, vector<1x16xf32>,
          %slice3A_815 = vector.extract_strided_slice %get3A_468 {offsets = [4], sizes = [1], strides = [1]} : vector<16xf32> to vector<1xf32>
          %squeeze3A_816 = vector.extract %slice3A_815[0] : f32 from vector<1xf32>
          %broadcast_in_dim3A_817 = vector.broadcast %squeeze3A_816 : f32 to vector<16xf32>
          %mul3A_818 = arith.constant 16 : i32
          %mul3A_819 = arith.muli %scan3A_464, %mul3A_818 : i32
          %add3A_820 = arith.constant 4 : i32
          %add3A_821 = arith.addi %mul3A_819, %add3A_820 : i32
          %get3A_822 = arith.index_cast %add3A_821 : i32 to index
          %get3A_823 = arith.constant 0 : index
          %get3A_824 = tpu.vector_load %arg14[%get3A_822, %get3A_823] {strides = array<i32>} : memref<80x128xf32, #tpu.memory_space<vmem>>, vector<1x16xf32>,
          %get3A_825 = vector.shape_cast %get3A_824 : vector<1x16xf32> to vector<16xf32>
          %mul3A_826 = arith.mulf %get3A_825, %broadcast_in_dim3A_817 : vector<16xf32>
          %swap3A_827 = arith.index_cast %add3A_821 : i32 to index
          %swap3A_828 = arith.constant 0 : index
          %swap3A_829 = tpu.vector_load %arg14[%swap3A_827, %swap3A_828] {strides = array<i32>} : memref<80x128xf32, #tpu.memory_space<vmem>>, vector<1x16xf32>,
          %swap3A_830 = vector.shape_cast %swap3A_829 : vector<1x16xf32> to vector<16xf32>
          %swap3A_831 = vector.shape_cast %mul3A_826 : vector<16xf32> to vector<1x16xf32>
          tpu.vector_store %arg14[%swap3A_827, %swap3A_828], %swap3A_831 {strides = array<i32>} : memref<80x128xf32, #tpu.memory_space<vmem>>, vector<1x16xf32>,
          %get3A_832 = arith.index_cast %add3A_821 : i32 to index
          %get3A_833 = arith.constant 16 : index
          %get3A_834 = tpu.vector_load %arg14[%get3A_832, %get3A_833] {strides = array<i32>} : memref<80x128xf32, #tpu.memory_space<vmem>>, vector<1x16xf32>,
          %get3A_835 = vector.shape_cast %get3A_834 : vector<1x16xf32> to vector<16xf32>
          %mul3A_836 = arith.mulf %get3A_835, %broadcast_in_dim3A_817 : vector<16xf32>
          %swap3A_837 = arith.index_cast %add3A_821 : i32 to index
          %swap3A_838 = arith.constant 16 : index
          %swap3A_839 = tpu.vector_load %arg14[%swap3A_837, %swap3A_838] {strides = array<i32>} : memref<80x128xf32, #tpu.memory_space<vmem>>, vector<1x16xf32>,
          %swap3A_840 = vector.shape_cast %swap3A_839 : vector<1x16xf32> to vector<16xf32>
          %swap3A_841 = vector.shape_cast %mul3A_836 : vector<16xf32> to vector<1x16xf32>
          tpu.vector_store %arg14[%swap3A_837, %swap3A_838], %swap3A_841 {strides = array<i32>} : memref<80x128xf32, #tpu.memory_space<vmem>>, vector<1x16xf32>,
          %get3A_842 = arith.index_cast %add3A_821 : i32 to index
          %get3A_843 = arith.constant 32 : index
          %get3A_844 = tpu.vector_load %arg14[%get3A_842, %get3A_843] {strides = array<i32>} : memref<80x128xf32, #tpu.memory_space<vmem>>, vector<1x16xf32>,
          %get3A_845 = vector.shape_cast %get3A_844 : vector<1x16xf32> to vector<16xf32>
          %mul3A_846 = arith.mulf %get3A_845, %broadcast_in_dim3A_817 : vector<16xf32>
          %swap3A_847 = arith.index_cast %add3A_821 : i32 to index
          %swap3A_848 = arith.constant 32 : index
          %swap3A_849 = tpu.vector_load %arg14[%swap3A_847, %swap3A_848] {strides = array<i32>} : memref<80x128xf32, #tpu.memory_space<vmem>>, vector<1x16xf32>,
          %swap3A_850 = vector.shape_cast %swap3A_849 : vector<1x16xf32> to vector<16xf32>
          %swap3A_851 = vector.shape_cast %mul3A_846 : vector<16xf32> to vector<1x16xf32>
          tpu.vector_store %arg14[%swap3A_847, %swap3A_848], %swap3A_851 {strides = array<i32>} : memref<80x128xf32, #tpu.memory_space<vmem>>, vector<1x16xf32>,
          %get3A_852 = arith.index_cast %add3A_821 : i32 to index
          %get3A_853 = arith.constant 48 : index
          %get3A_854 = tpu.vector_load %arg14[%get3A_852, %get3A_853] {strides = array<i32>} : memref<80x128xf32, #tpu.memory_space<vmem>>, vector<1x16xf32>,
          %get3A_855 = vector.shape_cast %get3A_854 : vector<1x16xf32> to vector<16xf32>
          %mul3A_856 = arith.mulf %get3A_855, %broadcast_in_dim3A_817 : vector<16xf32>
          %swap3A_857 = arith.index_cast %add3A_821 : i32 to index
          %swap3A_858 = arith.constant 48 : index
          %swap3A_859 = tpu.vector_load %arg14[%swap3A_857, %swap3A_858] {strides = array<i32>} : memref<80x128xf32, #tpu.memory_space<vmem>>, vector<1x16xf32>,
          %swap3A_860 = vector.shape_cast %swap3A_859 : vector<1x16xf32> to vector<16xf32>
          %swap3A_861 = vector.shape_cast %mul3A_856 : vector<16xf32> to vector<1x16xf32>
          tpu.vector_store %arg14[%swap3A_857, %swap3A_858], %swap3A_861 {strides = array<i32>} : memref<80x128xf32, #tpu.memory_space<vmem>>, vector<1x16xf32>,
          %get3A_862 = arith.index_cast %add3A_821 : i32 to index
          %get3A_863 = arith.constant 64 : index
          %get3A_864 = tpu.vector_load %arg14[%get3A_862, %get3A_863] {strides = array<i32>} : memref<80x128xf32, #tpu.memory_space<vmem>>, vector<1x16xf32>,
          %get3A_865 = vector.shape_cast %get3A_864 : vector<1x16xf32> to vector<16xf32>
          %mul3A_866 = arith.mulf %get3A_865, %broadcast_in_dim3A_817 : vector<16xf32>
          %swap3A_867 = arith.index_cast %add3A_821 : i32 to index
          %swap3A_868 = arith.constant 64 : index
          %swap3A_869 = tpu.vector_load %arg14[%swap3A_867, %swap3A_868] {strides = array<i32>} : memref<80x128xf32, #tpu.memory_space<vmem>>, vector<1x16xf32>,
          %swap3A_870 = vector.shape_cast %swap3A_869 : vector<1x16xf32> to vector<16xf32>
          %swap3A_871 = vector.shape_cast %mul3A_866 : vector<16xf32> to vector<1x16xf32>
          tpu.vector_store %arg14[%swap3A_867, %swap3A_868], %swap3A_871 {strides = array<i32>} : memref<80x128xf32, #tpu.memory_space<vmem>>, vector<1x16xf32>,
          %get3A_872 = arith.index_cast %add3A_821 : i32 to index
          %get3A_873 = arith.constant 80 : index
          %get3A_874 = tpu.vector_load %arg14[%get3A_872, %get3A_873] {strides = array<i32>} : memref<80x128xf32, #tpu.memory_space<vmem>>, vector<1x16xf32>,
          %get3A_875 = vector.shape_cast %get3A_874 : vector<1x16xf32> to vector<16xf32>
          %mul3A_876 = arith.mulf %get3A_875, %broadcast_in_dim3A_817 : vector<16xf32>
          %swap3A_877 = arith.index_cast %add3A_821 : i32 to index
          %swap3A_878 = arith.constant 80 : index
          %swap3A_879 = tpu.vector_load %arg14[%swap3A_877, %swap3A_878] {strides = array<i32>} : memref<80x128xf32, #tpu.memory_space<vmem>>, vector<1x16xf32>,
          %swap3A_880 = vector.shape_cast %swap3A_879 : vector<1x16xf32> to vector<16xf32>
          %swap3A_881 = vector.shape_cast %mul3A_876 : vector<16xf32> to vector<1x16xf32>
          tpu.vector_store %arg14[%swap3A_877, %swap3A_878], %swap3A_881 {strides = array<i32>} : memref<80x128xf32, #tpu.memory_space<vmem>>, vector<1x16xf32>,
          %get3A_882 = arith.index_cast %add3A_821 : i32 to index
          %get3A_883 = arith.constant 96 : index
          %get3A_884 = tpu.vector_load %arg14[%get3A_882, %get3A_883] {strides = array<i32>} : memref<80x128xf32, #tpu.memory_space<vmem>>, vector<1x16xf32>,
          %get3A_885 = vector.shape_cast %get3A_884 : vector<1x16xf32> to vector<16xf32>
          %mul3A_886 = arith.mulf %get3A_885, %broadcast_in_dim3A_817 : vector<16xf32>
          %swap3A_887 = arith.index_cast %add3A_821 : i32 to index
          %swap3A_888 = arith.constant 96 : index
          %swap3A_889 = tpu.vector_load %arg14[%swap3A_887, %swap3A_888] {strides = array<i32>} : memref<80x128xf32, #tpu.memory_space<vmem>>, vector<1x16xf32>,
          %swap3A_890 = vector.shape_cast %swap3A_889 : vector<1x16xf32> to vector<16xf32>
          %swap3A_891 = vector.shape_cast %mul3A_886 : vector<16xf32> to vector<1x16xf32>
          tpu.vector_store %arg14[%swap3A_887, %swap3A_888], %swap3A_891 {strides = array<i32>} : memref<80x128xf32, #tpu.memory_space<vmem>>, vector<1x16xf32>,
          %get3A_892 = arith.index_cast %add3A_821 : i32 to index
          %get3A_893 = arith.constant 112 : index
          %get3A_894 = tpu.vector_load %arg14[%get3A_892, %get3A_893] {strides = array<i32>} : memref<80x128xf32, #tpu.memory_space<vmem>>, vector<1x16xf32>,
          %get3A_895 = vector.shape_cast %get3A_894 : vector<1x16xf32> to vector<16xf32>
          %mul3A_896 = arith.mulf %get3A_895, %broadcast_in_dim3A_817 : vector<16xf32>
          %swap3A_897 = arith.index_cast %add3A_821 : i32 to index
          %swap3A_898 = arith.constant 112 : index
          %swap3A_899 = tpu.vector_load %arg14[%swap3A_897, %swap3A_898] {strides = array<i32>} : memref<80x128xf32, #tpu.memory_space<vmem>>, vector<1x16xf32>,
          %swap3A_900 = vector.shape_cast %swap3A_899 : vector<1x16xf32> to vector<16xf32>
          %swap3A_901 = vector.shape_cast %mul3A_896 : vector<16xf32> to vector<1x16xf32>
          tpu.vector_store %arg14[%swap3A_897, %swap3A_898], %swap3A_901 {strides = array<i32>} : memref<80x128xf32, #tpu.memory_space<vmem>>, vector<1x16xf32>,
          %slice3A_902 = vector.extract_strided_slice %get3A_468 {offsets = [5], sizes = [1], strides = [1]} : vector<16xf32> to vector<1xf32>
          %squeeze3A_903 = vector.extract %slice3A_902[0] : f32 from vector<1xf32>
          %broadcast_in_dim3A_904 = vector.broadcast %squeeze3A_903 : f32 to vector<16xf32>
          %mul3A_905 = arith.constant 16 : i32
          %mul3A_906 = arith.muli %scan3A_464, %mul3A_905 : i32
          %add3A_907 = arith.constant 5 : i32
          %add3A_908 = arith.addi %mul3A_906, %add3A_907 : i32
          %get3A_909 = arith.index_cast %add3A_908 : i32 to index
          %get3A_910 = arith.constant 0 : index
          %get3A_911 = tpu.vector_load %arg14[%get3A_909, %get3A_910] {strides = array<i32>} : memref<80x128xf32, #tpu.memory_space<vmem>>, vector<1x16xf32>,
          %get3A_912 = vector.shape_cast %get3A_911 : vector<1x16xf32> to vector<16xf32>
          %mul3A_913 = arith.mulf %get3A_912, %broadcast_in_dim3A_904 : vector<16xf32>
          %swap3A_914 = arith.index_cast %add3A_908 : i32 to index
          %swap3A_915 = arith.constant 0 : index
          %swap3A_916 = tpu.vector_load %arg14[%swap3A_914, %swap3A_915] {strides = array<i32>} : memref<80x128xf32, #tpu.memory_space<vmem>>, vector<1x16xf32>,
          %swap3A_917 = vector.shape_cast %swap3A_916 : vector<1x16xf32> to vector<16xf32>
          %swap3A_918 = vector.shape_cast %mul3A_913 : vector<16xf32> to vector<1x16xf32>
          tpu.vector_store %arg14[%swap3A_914, %swap3A_915], %swap3A_918 {strides = array<i32>} : memref<80x128xf32, #tpu.memory_space<vmem>>, vector<1x16xf32>,
          %get3A_919 = arith.index_cast %add3A_908 : i32 to index
          %get3A_920 = arith.constant 16 : index
          %get3A_921 = tpu.vector_load %arg14[%get3A_919, %get3A_920] {strides = array<i32>} : memref<80x128xf32, #tpu.memory_space<vmem>>, vector<1x16xf32>,
          %get3A_922 = vector.shape_cast %get3A_921 : vector<1x16xf32> to vector<16xf32>
          %mul3A_923 = arith.mulf %get3A_922, %broadcast_in_dim3A_904 : vector<16xf32>
          %swap3A_924 = arith.index_cast %add3A_908 : i32 to index
          %swap3A_925 = arith.constant 16 : index
          %swap3A_926 = tpu.vector_load %arg14[%swap3A_924, %swap3A_925] {strides = array<i32>} : memref<80x128xf32, #tpu.memory_space<vmem>>, vector<1x16xf32>,
          %swap3A_927 = vector.shape_cast %swap3A_926 : vector<1x16xf32> to vector<16xf32>
          %swap3A_928 = vector.shape_cast %mul3A_923 : vector<16xf32> to vector<1x16xf32>
          tpu.vector_store %arg14[%swap3A_924, %swap3A_925], %swap3A_928 {strides = array<i32>} : memref<80x128xf32, #tpu.memory_space<vmem>>, vector<1x16xf32>,
          %get3A_929 = arith.index_cast %add3A_908 : i32 to index
          %get3A_930 = arith.constant 32 : index
          %get3A_931 = tpu.vector_load %arg14[%get3A_929, %get3A_930] {strides = array<i32>} : memref<80x128xf32, #tpu.memory_space<vmem>>, vector<1x16xf32>,
          %get3A_932 = vector.shape_cast %get3A_931 : vector<1x16xf32> to vector<16xf32>
          %mul3A_933 = arith.mulf %get3A_932, %broadcast_in_dim3A_904 : vector<16xf32>
          %swap3A_934 = arith.index_cast %add3A_908 : i32 to index
          %swap3A_935 = arith.constant 32 : index
          %swap3A_936 = tpu.vector_load %arg14[%swap3A_934, %swap3A_935] {strides = array<i32>} : memref<80x128xf32, #tpu.memory_space<vmem>>, vector<1x16xf32>,
          %swap3A_937 = vector.shape_cast %swap3A_936 : vector<1x16xf32> to vector<16xf32>
          %swap3A_938 = vector.shape_cast %mul3A_933 : vector<16xf32> to vector<1x16xf32>
          tpu.vector_store %arg14[%swap3A_934, %swap3A_935], %swap3A_938 {strides = array<i32>} : memref<80x128xf32, #tpu.memory_space<vmem>>, vector<1x16xf32>,
          %get3A_939 = arith.index_cast %add3A_908 : i32 to index
          %get3A_940 = arith.constant 48 : index
          %get3A_941 = tpu.vector_load %arg14[%get3A_939, %get3A_940] {strides = array<i32>} : memref<80x128xf32, #tpu.memory_space<vmem>>, vector<1x16xf32>,
          %get3A_942 = vector.shape_cast %get3A_941 : vector<1x16xf32> to vector<16xf32>
          %mul3A_943 = arith.mulf %get3A_942, %broadcast_in_dim3A_904 : vector<16xf32>
          %swap3A_944 = arith.index_cast %add3A_908 : i32 to index
          %swap3A_945 = arith.constant 48 : index
          %swap3A_946 = tpu.vector_load %arg14[%swap3A_944, %swap3A_945] {strides = array<i32>} : memref<80x128xf32, #tpu.memory_space<vmem>>, vector<1x16xf32>,
          %swap3A_947 = vector.shape_cast %swap3A_946 : vector<1x16xf32> to vector<16xf32>
          %swap3A_948 = vector.shape_cast %mul3A_943 : vector<16xf32> to vector<1x16xf32>
          tpu.vector_store %arg14[%swap3A_944, %swap3A_945], %swap3A_948 {strides = array<i32>} : memref<80x128xf32, #tpu.memory_space<vmem>>, vector<1x16xf32>,
          %get3A_949 = arith.index_cast %add3A_908 : i32 to index
          %get3A_950 = arith.constant 64 : index
          %get3A_951 = tpu.vector_load %arg14[%get3A_949, %get3A_950] {strides = array<i32>} : memref<80x128xf32, #tpu.memory_space<vmem>>, vector<1x16xf32>,
          %get3A_952 = vector.shape_cast %get3A_951 : vector<1x16xf32> to vector<16xf32>
          %mul3A_953 = arith.mulf %get3A_952, %broadcast_in_dim3A_904 : vector<16xf32>
          %swap3A_954 = arith.index_cast %add3A_908 : i32 to index
          %swap3A_955 = arith.constant 64 : index
          %swap3A_956 = tpu.vector_load %arg14[%swap3A_954, %swap3A_955] {strides = array<i32>} : memref<80x128xf32, #tpu.memory_space<vmem>>, vector<1x16xf32>,
          %swap3A_957 = vector.shape_cast %swap3A_956 : vector<1x16xf32> to vector<16xf32>
          %swap3A_958 = vector.shape_cast %mul3A_953 : vector<16xf32> to vector<1x16xf32>
          tpu.vector_store %arg14[%swap3A_954, %swap3A_955], %swap3A_958 {strides = array<i32>} : memref<80x128xf32, #tpu.memory_space<vmem>>, vector<1x16xf32>,
          %get3A_959 = arith.index_cast %add3A_908 : i32 to index
          %get3A_960 = arith.constant 80 : index
          %get3A_961 = tpu.vector_load %arg14[%get3A_959, %get3A_960] {strides = array<i32>} : memref<80x128xf32, #tpu.memory_space<vmem>>, vector<1x16xf32>,
          %get3A_962 = vector.shape_cast %get3A_961 : vector<1x16xf32> to vector<16xf32>
          %mul3A_963 = arith.mulf %get3A_962, %broadcast_in_dim3A_904 : vector<16xf32>
          %swap3A_964 = arith.index_cast %add3A_908 : i32 to index
          %swap3A_965 = arith.constant 80 : index
          %swap3A_966 = tpu.vector_load %arg14[%swap3A_964, %swap3A_965] {strides = array<i32>} : memref<80x128xf32, #tpu.memory_space<vmem>>, vector<1x16xf32>,
          %swap3A_967 = vector.shape_cast %swap3A_966 : vector<1x16xf32> to vector<16xf32>
          %swap3A_968 = vector.shape_cast %mul3A_963 : vector<16xf32> to vector<1x16xf32>
          tpu.vector_store %arg14[%swap3A_964, %swap3A_965], %swap3A_968 {strides = array<i32>} : memref<80x128xf32, #tpu.memory_space<vmem>>, vector<1x16xf32>,
          %get3A_969 = arith.index_cast %add3A_908 : i32 to index
          %get3A_970 = arith.constant 96 : index
          %get3A_971 = tpu.vector_load %arg14[%get3A_969, %get3A_970] {strides = array<i32>} : memref<80x128xf32, #tpu.memory_space<vmem>>, vector<1x16xf32>,
          %get3A_972 = vector.shape_cast %get3A_971 : vector<1x16xf32> to vector<16xf32>
          %mul3A_973 = arith.mulf %get3A_972, %broadcast_in_dim3A_904 : vector<16xf32>
          %swap3A_974 = arith.index_cast %add3A_908 : i32 to index
          %swap3A_975 = arith.constant 96 : index
          %swap3A_976 = tpu.vector_load %arg14[%swap3A_974, %swap3A_975] {strides = array<i32>} : memref<80x128xf32, #tpu.memory_space<vmem>>, vector<1x16xf32>,
          %swap3A_977 = vector.shape_cast %swap3A_976 : vector<1x16xf32> to vector<16xf32>
          %swap3A_978 = vector.shape_cast %mul3A_973 : vector<16xf32> to vector<1x16xf32>
          tpu.vector_store %arg14[%swap3A_974, %swap3A_975], %swap3A_978 {strides = array<i32>} : memref<80x128xf32, #tpu.memory_space<vmem>>, vector<1x16xf32>,
          %get3A_979 = arith.index_cast %add3A_908 : i32 to index
          %get3A_980 = arith.constant 112 : index
          %get3A_981 = tpu.vector_load %arg14[%get3A_979, %get3A_980] {strides = array<i32>} : memref<80x128xf32, #tpu.memory_space<vmem>>, vector<1x16xf32>,
          %get3A_982 = vector.shape_cast %get3A_981 : vector<1x16xf32> to vector<16xf32>
          %mul3A_983 = arith.mulf %get3A_982, %broadcast_in_dim3A_904 : vector<16xf32>
          %swap3A_984 = arith.index_cast %add3A_908 : i32 to index
          %swap3A_985 = arith.constant 112 : index
          %swap3A_986 = tpu.vector_load %arg14[%swap3A_984, %swap3A_985] {strides = array<i32>} : memref<80x128xf32, #tpu.memory_space<vmem>>, vector<1x16xf32>,
          %swap3A_987 = vector.shape_cast %swap3A_986 : vector<1x16xf32> to vector<16xf32>
          %swap3A_988 = vector.shape_cast %mul3A_983 : vector<16xf32> to vector<1x16xf32>
          tpu.vector_store %arg14[%swap3A_984, %swap3A_985], %swap3A_988 {strides = array<i32>} : memref<80x128xf32, #tpu.memory_space<vmem>>, vector<1x16xf32>,
          %slice3A_989 = vector.extract_strided_slice %get3A_468 {offsets = [6], sizes = [1], strides = [1]} : vector<16xf32> to vector<1xf32>
          %squeeze3A_990 = vector.extract %slice3A_989[0] : f32 from vector<1xf32>
          %broadcast_in_dim3A_991 = vector.broadcast %squeeze3A_990 : f32 to vector<16xf32>
          %mul3A_992 = arith.constant 16 : i32
          %mul3A_993 = arith.muli %scan3A_464, %mul3A_992 : i32
          %add3A_994 = arith.constant 6 : i32
          %add3A_995 = arith.addi %mul3A_993, %add3A_994 : i32
          %get3A_996 = arith.index_cast %add3A_995 : i32 to index
          %get3A_997 = arith.constant 0 : index
          %get3A_998 = tpu.vector_load %arg14[%get3A_996, %get3A_997] {strides = array<i32>} : memref<80x128xf32, #tpu.memory_space<vmem>>, vector<1x16xf32>,
          %get3A_999 = vector.shape_cast %get3A_998 : vector<1x16xf32> to vector<16xf32>
          %mul3A_1000 = arith.mulf %get3A_999, %broadcast_in_dim3A_991 : vector<16xf32>
          %swap3A_1001 = arith.index_cast %add3A_995 : i32 to index
          %swap3A_1002 = arith.constant 0 : index
          %swap3A_1003 = tpu.vector_load %arg14[%swap3A_1001, %swap3A_1002] {strides = array<i32>} : memref<80x128xf32, #tpu.memory_space<vmem>>, vector<1x16xf32>,
          %swap3A_1004 = vector.shape_cast %swap3A_1003 : vector<1x16xf32> to vector<16xf32>
          %swap3A_1005 = vector.shape_cast %mul3A_1000 : vector<16xf32> to vector<1x16xf32>
          tpu.vector_store %arg14[%swap3A_1001, %swap3A_1002], %swap3A_1005 {strides = array<i32>} : memref<80x128xf32, #tpu.memory_space<vmem>>, vector<1x16xf32>,
          %get3A_1006 = arith.index_cast %add3A_995 : i32 to index
          %get3A_1007 = arith.constant 16 : index
          %get3A_1008 = tpu.vector_load %arg14[%get3A_1006, %get3A_1007] {strides = array<i32>} : memref<80x128xf32, #tpu.memory_space<vmem>>, vector<1x16xf32>,
          %get3A_1009 = vector.shape_cast %get3A_1008 : vector<1x16xf32> to vector<16xf32>
          %mul3A_1010 = arith.mulf %get3A_1009, %broadcast_in_dim3A_991 : vector<16xf32>
          %swap3A_1011 = arith.index_cast %add3A_995 : i32 to index
          %swap3A_1012 = arith.constant 16 : index
          %swap3A_1013 = tpu.vector_load %arg14[%swap3A_1011, %swap3A_1012] {strides = array<i32>} : memref<80x128xf32, #tpu.memory_space<vmem>>, vector<1x16xf32>,
          %swap3A_1014 = vector.shape_cast %swap3A_1013 : vector<1x16xf32> to vector<16xf32>
          %swap3A_1015 = vector.shape_cast %mul3A_1010 : vector<16xf32> to vector<1x16xf32>
          tpu.vector_store %arg14[%swap3A_1011, %swap3A_1012], %swap3A_1015 {strides = array<i32>} : memref<80x128xf32, #tpu.memory_space<vmem>>, vector<1x16xf32>,
          %get3A_1016 = arith.index_cast %add3A_995 : i32 to index
          %get3A_1017 = arith.constant 32 : index
          %get3A_1018 = tpu.vector_load %arg14[%get3A_1016, %get3A_1017] {strides = array<i32>} : memref<80x128xf32, #tpu.memory_space<vmem>>, vector<1x16xf32>,
          %get3A_1019 = vector.shape_cast %get3A_1018 : vector<1x16xf32> to vector<16xf32>
          %mul3A_1020 = arith.mulf %get3A_1019, %broadcast_in_dim3A_991 : vector<16xf32>
          %swap3A_1021 = arith.index_cast %add3A_995 : i32 to index
          %swap3A_1022 = arith.constant 32 : index
          %swap3A_1023 = tpu.vector_load %arg14[%swap3A_1021, %swap3A_1022] {strides = array<i32>} : memref<80x128xf32, #tpu.memory_space<vmem>>, vector<1x16xf32>,
          %swap3A_1024 = vector.shape_cast %swap3A_1023 : vector<1x16xf32> to vector<16xf32>
          %swap3A_1025 = vector.shape_cast %mul3A_1020 : vector<16xf32> to vector<1x16xf32>
          tpu.vector_store %arg14[%swap3A_1021, %swap3A_1022], %swap3A_1025 {strides = array<i32>} : memref<80x128xf32, #tpu.memory_space<vmem>>, vector<1x16xf32>,
          %get3A_1026 = arith.index_cast %add3A_995 : i32 to index
          %get3A_1027 = arith.constant 48 : index
          %get3A_1028 = tpu.vector_load %arg14[%get3A_1026, %get3A_1027] {strides = array<i32>} : memref<80x128xf32, #tpu.memory_space<vmem>>, vector<1x16xf32>,
          %get3A_1029 = vector.shape_cast %get3A_1028 : vector<1x16xf32> to vector<16xf32>
          %mul3A_1030 = arith.mulf %get3A_1029, %broadcast_in_dim3A_991 : vector<16xf32>
          %swap3A_1031 = arith.index_cast %add3A_995 : i32 to index
          %swap3A_1032 = arith.constant 48 : index
          %swap3A_1033 = tpu.vector_load %arg14[%swap3A_1031, %swap3A_1032] {strides = array<i32>} : memref<80x128xf32, #tpu.memory_space<vmem>>, vector<1x16xf32>,
          %swap3A_1034 = vector.shape_cast %swap3A_1033 : vector<1x16xf32> to vector<16xf32>
          %swap3A_1035 = vector.shape_cast %mul3A_1030 : vector<16xf32> to vector<1x16xf32>
          tpu.vector_store %arg14[%swap3A_1031, %swap3A_1032], %swap3A_1035 {strides = array<i32>} : memref<80x128xf32, #tpu.memory_space<vmem>>, vector<1x16xf32>,
          %get3A_1036 = arith.index_cast %add3A_995 : i32 to index
          %get3A_1037 = arith.constant 64 : index
          %get3A_1038 = tpu.vector_load %arg14[%get3A_1036, %get3A_1037] {strides = array<i32>} : memref<80x128xf32, #tpu.memory_space<vmem>>, vector<1x16xf32>,
          %get3A_1039 = vector.shape_cast %get3A_1038 : vector<1x16xf32> to vector<16xf32>
          %mul3A_1040 = arith.mulf %get3A_1039, %broadcast_in_dim3A_991 : vector<16xf32>
          %swap3A_1041 = arith.index_cast %add3A_995 : i32 to index
          %swap3A_1042 = arith.constant 64 : index
          %swap3A_1043 = tpu.vector_load %arg14[%swap3A_1041, %swap3A_1042] {strides = array<i32>} : memref<80x128xf32, #tpu.memory_space<vmem>>, vector<1x16xf32>,
          %swap3A_1044 = vector.shape_cast %swap3A_1043 : vector<1x16xf32> to vector<16xf32>
          %swap3A_1045 = vector.shape_cast %mul3A_1040 : vector<16xf32> to vector<1x16xf32>
          tpu.vector_store %arg14[%swap3A_1041, %swap3A_1042], %swap3A_1045 {strides = array<i32>} : memref<80x128xf32, #tpu.memory_space<vmem>>, vector<1x16xf32>,
          %get3A_1046 = arith.index_cast %add3A_995 : i32 to index
          %get3A_1047 = arith.constant 80 : index
          %get3A_1048 = tpu.vector_load %arg14[%get3A_1046, %get3A_1047] {strides = array<i32>} : memref<80x128xf32, #tpu.memory_space<vmem>>, vector<1x16xf32>,
          %get3A_1049 = vector.shape_cast %get3A_1048 : vector<1x16xf32> to vector<16xf32>
          %mul3A_1050 = arith.mulf %get3A_1049, %broadcast_in_dim3A_991 : vector<16xf32>
          %swap3A_1051 = arith.index_cast %add3A_995 : i32 to index
          %swap3A_1052 = arith.constant 80 : index
          %swap3A_1053 = tpu.vector_load %arg14[%swap3A_1051, %swap3A_1052] {strides = array<i32>} : memref<80x128xf32, #tpu.memory_space<vmem>>, vector<1x16xf32>,
          %swap3A_1054 = vector.shape_cast %swap3A_1053 : vector<1x16xf32> to vector<16xf32>
          %swap3A_1055 = vector.shape_cast %mul3A_1050 : vector<16xf32> to vector<1x16xf32>
          tpu.vector_store %arg14[%swap3A_1051, %swap3A_1052], %swap3A_1055 {strides = array<i32>} : memref<80x128xf32, #tpu.memory_space<vmem>>, vector<1x16xf32>,
          %get3A_1056 = arith.index_cast %add3A_995 : i32 to index
          %get3A_1057 = arith.constant 96 : index
          %get3A_1058 = tpu.vector_load %arg14[%get3A_1056, %get3A_1057] {strides = array<i32>} : memref<80x128xf32, #tpu.memory_space<vmem>>, vector<1x16xf32>,
          %get3A_1059 = vector.shape_cast %get3A_1058 : vector<1x16xf32> to vector<16xf32>
          %mul3A_1060 = arith.mulf %get3A_1059, %broadcast_in_dim3A_991 : vector<16xf32>
          %swap3A_1061 = arith.index_cast %add3A_995 : i32 to index
          %swap3A_1062 = arith.constant 96 : index
          %swap3A_1063 = tpu.vector_load %arg14[%swap3A_1061, %swap3A_1062] {strides = array<i32>} : memref<80x128xf32, #tpu.memory_space<vmem>>, vector<1x16xf32>,
          %swap3A_1064 = vector.shape_cast %swap3A_1063 : vector<1x16xf32> to vector<16xf32>
          %swap3A_1065 = vector.shape_cast %mul3A_1060 : vector<16xf32> to vector<1x16xf32>
          tpu.vector_store %arg14[%swap3A_1061, %swap3A_1062], %swap3A_1065 {strides = array<i32>} : memref<80x128xf32, #tpu.memory_space<vmem>>, vector<1x16xf32>,
          %get3A_1066 = arith.index_cast %add3A_995 : i32 to index
          %get3A_1067 = arith.constant 112 : index
          %get3A_1068 = tpu.vector_load %arg14[%get3A_1066, %get3A_1067] {strides = array<i32>} : memref<80x128xf32, #tpu.memory_space<vmem>>, vector<1x16xf32>,
          %get3A_1069 = vector.shape_cast %get3A_1068 : vector<1x16xf32> to vector<16xf32>
          %mul3A_1070 = arith.mulf %get3A_1069, %broadcast_in_dim3A_991 : vector<16xf32>
          %swap3A_1071 = arith.index_cast %add3A_995 : i32 to index
          %swap3A_1072 = arith.constant 112 : index
          %swap3A_1073 = tpu.vector_load %arg14[%swap3A_1071, %swap3A_1072] {strides = array<i32>} : memref<80x128xf32, #tpu.memory_space<vmem>>, vector<1x16xf32>,
          %swap3A_1074 = vector.shape_cast %swap3A_1073 : vector<1x16xf32> to vector<16xf32>
          %swap3A_1075 = vector.shape_cast %mul3A_1070 : vector<16xf32> to vector<1x16xf32>
          tpu.vector_store %arg14[%swap3A_1071, %swap3A_1072], %swap3A_1075 {strides = array<i32>} : memref<80x128xf32, #tpu.memory_space<vmem>>, vector<1x16xf32>,
          %slice3A_1076 = vector.extract_strided_slice %get3A_468 {offsets = [7], sizes = [1], strides = [1]} : vector<16xf32> to vector<1xf32>
          %squeeze3A_1077 = vector.extract %slice3A_1076[0] : f32 from vector<1xf32>
          %broadcast_in_dim3A_1078 = vector.broadcast %squeeze3A_1077 : f32 to vector<16xf32>
          %mul3A_1079 = arith.constant 16 : i32
          %mul3A_1080 = arith.muli %scan3A_464, %mul3A_1079 : i32
          %add3A_1081 = arith.constant 7 : i32
          %add3A_1082 = arith.addi %mul3A_1080, %add3A_1081 : i32
          %get3A_1083 = arith.index_cast %add3A_1082 : i32 to index
          %get3A_1084 = arith.constant 0 : index
          %get3A_1085 = tpu.vector_load %arg14[%get3A_1083, %get3A_1084] {strides = array<i32>} : memref<80x128xf32, #tpu.memory_space<vmem>>, vector<1x16xf32>,
          %get3A_1086 = vector.shape_cast %get3A_1085 : vector<1x16xf32> to vector<16xf32>
          %mul3A_1087 = arith.mulf %get3A_1086, %broadcast_in_dim3A_1078 : vector<16xf32>
          %swap3A_1088 = arith.index_cast %add3A_1082 : i32 to index
          %swap3A_1089 = arith.constant 0 : index
          %swap3A_1090 = tpu.vector_load %arg14[%swap3A_1088, %swap3A_1089] {strides = array<i32>} : memref<80x128xf32, #tpu.memory_space<vmem>>, vector<1x16xf32>,
          %swap3A_1091 = vector.shape_cast %swap3A_1090 : vector<1x16xf32> to vector<16xf32>
          %swap3A_1092 = vector.shape_cast %mul3A_1087 : vector<16xf32> to vector<1x16xf32>
          tpu.vector_store %arg14[%swap3A_1088, %swap3A_1089], %swap3A_1092 {strides = array<i32>} : memref<80x128xf32, #tpu.memory_space<vmem>>, vector<1x16xf32>,
          %get3A_1093 = arith.index_cast %add3A_1082 : i32 to index
          %get3A_1094 = arith.constant 16 : index
          %get3A_1095 = tpu.vector_load %arg14[%get3A_1093, %get3A_1094] {strides = array<i32>} : memref<80x128xf32, #tpu.memory_space<vmem>>, vector<1x16xf32>,
          %get3A_1096 = vector.shape_cast %get3A_1095 : vector<1x16xf32> to vector<16xf32>
          %mul3A_1097 = arith.mulf %get3A_1096, %broadcast_in_dim3A_1078 : vector<16xf32>
          %swap3A_1098 = arith.index_cast %add3A_1082 : i32 to index
          %swap3A_1099 = arith.constant 16 : index
          %swap3A_1100 = tpu.vector_load %arg14[%swap3A_1098, %swap3A_1099] {strides = array<i32>} : memref<80x128xf32, #tpu.memory_space<vmem>>, vector<1x16xf32>,
          %swap3A_1101 = vector.shape_cast %swap3A_1100 : vector<1x16xf32> to vector<16xf32>
          %swap3A_1102 = vector.shape_cast %mul3A_1097 : vector<16xf32> to vector<1x16xf32>
          tpu.vector_store %arg14[%swap3A_1098, %swap3A_1099], %swap3A_1102 {strides = array<i32>} : memref<80x128xf32, #tpu.memory_space<vmem>>, vector<1x16xf32>,
          %get3A_1103 = arith.index_cast %add3A_1082 : i32 to index
          %get3A_1104 = arith.constant 32 : index
          %get3A_1105 = tpu.vector_load %arg14[%get3A_1103, %get3A_1104] {strides = array<i32>} : memref<80x128xf32, #tpu.memory_space<vmem>>, vector<1x16xf32>,
          %get3A_1106 = vector.shape_cast %get3A_1105 : vector<1x16xf32> to vector<16xf32>
          %mul3A_1107 = arith.mulf %get3A_1106, %broadcast_in_dim3A_1078 : vector<16xf32>
          %swap3A_1108 = arith.index_cast %add3A_1082 : i32 to index
          %swap3A_1109 = arith.constant 32 : index
          %swap3A_1110 = tpu.vector_load %arg14[%swap3A_1108, %swap3A_1109] {strides = array<i32>} : memref<80x128xf32, #tpu.memory_space<vmem>>, vector<1x16xf32>,
          %swap3A_1111 = vector.shape_cast %swap3A_1110 : vector<1x16xf32> to vector<16xf32>
          %swap3A_1112 = vector.shape_cast %mul3A_1107 : vector<16xf32> to vector<1x16xf32>
          tpu.vector_store %arg14[%swap3A_1108, %swap3A_1109], %swap3A_1112 {strides = array<i32>} : memref<80x128xf32, #tpu.memory_space<vmem>>, vector<1x16xf32>,
          %get3A_1113 = arith.index_cast %add3A_1082 : i32 to index
          %get3A_1114 = arith.constant 48 : index
          %get3A_1115 = tpu.vector_load %arg14[%get3A_1113, %get3A_1114] {strides = array<i32>} : memref<80x128xf32, #tpu.memory_space<vmem>>, vector<1x16xf32>,
          %get3A_1116 = vector.shape_cast %get3A_1115 : vector<1x16xf32> to vector<16xf32>
          %mul3A_1117 = arith.mulf %get3A_1116, %broadcast_in_dim3A_1078 : vector<16xf32>
          %swap3A_1118 = arith.index_cast %add3A_1082 : i32 to index
          %swap3A_1119 = arith.constant 48 : index
          %swap3A_1120 = tpu.vector_load %arg14[%swap3A_1118, %swap3A_1119] {strides = array<i32>} : memref<80x128xf32, #tpu.memory_space<vmem>>, vector<1x16xf32>,
          %swap3A_1121 = vector.shape_cast %swap3A_1120 : vector<1x16xf32> to vector<16xf32>
          %swap3A_1122 = vector.shape_cast %mul3A_1117 : vector<16xf32> to vector<1x16xf32>
          tpu.vector_store %arg14[%swap3A_1118, %swap3A_1119], %swap3A_1122 {strides = array<i32>} : memref<80x128xf32, #tpu.memory_space<vmem>>, vector<1x16xf32>,
          %get3A_1123 = arith.index_cast %add3A_1082 : i32 to index
          %get3A_1124 = arith.constant 64 : index
          %get3A_1125 = tpu.vector_load %arg14[%get3A_1123, %get3A_1124] {strides = array<i32>} : memref<80x128xf32, #tpu.memory_space<vmem>>, vector<1x16xf32>,
          %get3A_1126 = vector.shape_cast %get3A_1125 : vector<1x16xf32> to vector<16xf32>
          %mul3A_1127 = arith.mulf %get3A_1126, %broadcast_in_dim3A_1078 : vector<16xf32>
          %swap3A_1128 = arith.index_cast %add3A_1082 : i32 to index
          %swap3A_1129 = arith.constant 64 : index
          %swap3A_1130 = tpu.vector_load %arg14[%swap3A_1128, %swap3A_1129] {strides = array<i32>} : memref<80x128xf32, #tpu.memory_space<vmem>>, vector<1x16xf32>,
          %swap3A_1131 = vector.shape_cast %swap3A_1130 : vector<1x16xf32> to vector<16xf32>
          %swap3A_1132 = vector.shape_cast %mul3A_1127 : vector<16xf32> to vector<1x16xf32>
          tpu.vector_store %arg14[%swap3A_1128, %swap3A_1129], %swap3A_1132 {strides = array<i32>} : memref<80x128xf32, #tpu.memory_space<vmem>>, vector<1x16xf32>,
          %get3A_1133 = arith.index_cast %add3A_1082 : i32 to index
          %get3A_1134 = arith.constant 80 : index
          %get3A_1135 = tpu.vector_load %arg14[%get3A_1133, %get3A_1134] {strides = array<i32>} : memref<80x128xf32, #tpu.memory_space<vmem>>, vector<1x16xf32>,
          %get3A_1136 = vector.shape_cast %get3A_1135 : vector<1x16xf32> to vector<16xf32>
          %mul3A_1137 = arith.mulf %get3A_1136, %broadcast_in_dim3A_1078 : vector<16xf32>
          %swap3A_1138 = arith.index_cast %add3A_1082 : i32 to index
          %swap3A_1139 = arith.constant 80 : index
          %swap3A_1140 = tpu.vector_load %arg14[%swap3A_1138, %swap3A_1139] {strides = array<i32>} : memref<80x128xf32, #tpu.memory_space<vmem>>, vector<1x16xf32>,
          %swap3A_1141 = vector.shape_cast %swap3A_1140 : vector<1x16xf32> to vector<16xf32>
          %swap3A_1142 = vector.shape_cast %mul3A_1137 : vector<16xf32> to vector<1x16xf32>
          tpu.vector_store %arg14[%swap3A_1138, %swap3A_1139], %swap3A_1142 {strides = array<i32>} : memref<80x128xf32, #tpu.memory_space<vmem>>, vector<1x16xf32>,
          %get3A_1143 = arith.index_cast %add3A_1082 : i32 to index
          %get3A_1144 = arith.constant 96 : index
          %get3A_1145 = tpu.vector_load %arg14[%get3A_1143, %get3A_1144] {strides = array<i32>} : memref<80x128xf32, #tpu.memory_space<vmem>>, vector<1x16xf32>,
          %get3A_1146 = vector.shape_cast %get3A_1145 : vector<1x16xf32> to vector<16xf32>
          %mul3A_1147 = arith.mulf %get3A_1146, %broadcast_in_dim3A_1078 : vector<16xf32>
          %swap3A_1148 = arith.index_cast %add3A_1082 : i32 to index
          %swap3A_1149 = arith.constant 96 : index
          %swap3A_1150 = tpu.vector_load %arg14[%swap3A_1148, %swap3A_1149] {strides = array<i32>} : memref<80x128xf32, #tpu.memory_space<vmem>>, vector<1x16xf32>,
          %swap3A_1151 = vector.shape_cast %swap3A_1150 : vector<1x16xf32> to vector<16xf32>
          %swap3A_1152 = vector.shape_cast %mul3A_1147 : vector<16xf32> to vector<1x16xf32>
          tpu.vector_store %arg14[%swap3A_1148, %swap3A_1149], %swap3A_1152 {strides = array<i32>} : memref<80x128xf32, #tpu.memory_space<vmem>>, vector<1x16xf32>,
          %get3A_1153 = arith.index_cast %add3A_1082 : i32 to index
          %get3A_1154 = arith.constant 112 : index
          %get3A_1155 = tpu.vector_load %arg14[%get3A_1153, %get3A_1154] {strides = array<i32>} : memref<80x128xf32, #tpu.memory_space<vmem>>, vector<1x16xf32>,
          %get3A_1156 = vector.shape_cast %get3A_1155 : vector<1x16xf32> to vector<16xf32>
          %mul3A_1157 = arith.mulf %get3A_1156, %broadcast_in_dim3A_1078 : vector<16xf32>
          %swap3A_1158 = arith.index_cast %add3A_1082 : i32 to index
          %swap3A_1159 = arith.constant 112 : index
          %swap3A_1160 = tpu.vector_load %arg14[%swap3A_1158, %swap3A_1159] {strides = array<i32>} : memref<80x128xf32, #tpu.memory_space<vmem>>, vector<1x16xf32>,
          %swap3A_1161 = vector.shape_cast %swap3A_1160 : vector<1x16xf32> to vector<16xf32>
          %swap3A_1162 = vector.shape_cast %mul3A_1157 : vector<16xf32> to vector<1x16xf32>
          tpu.vector_store %arg14[%swap3A_1158, %swap3A_1159], %swap3A_1162 {strides = array<i32>} : memref<80x128xf32, #tpu.memory_space<vmem>>, vector<1x16xf32>,
          %slice3A_1163 = vector.extract_strided_slice %get3A_468 {offsets = [8], sizes = [1], strides = [1]} : vector<16xf32> to vector<1xf32>
          %squeeze3A_1164 = vector.extract %slice3A_1163[0] : f32 from vector<1xf32>
          %broadcast_in_dim3A_1165 = vector.broadcast %squeeze3A_1164 : f32 to vector<16xf32>
          %mul3A_1166 = arith.constant 16 : i32
          %mul3A_1167 = arith.muli %scan3A_464, %mul3A_1166 : i32
          %add3A_1168 = arith.constant 8 : i32
          %add3A_1169 = arith.addi %mul3A_1167, %add3A_1168 : i32
          %get3A_1170 = arith.index_cast %add3A_1169 : i32 to index
          %get3A_1171 = arith.constant 0 : index
          %get3A_1172 = tpu.vector_load %arg14[%get3A_1170, %get3A_1171] {strides = array<i32>} : memref<80x128xf32, #tpu.memory_space<vmem>>, vector<1x16xf32>,
          %get3A_1173 = vector.shape_cast %get3A_1172 : vector<1x16xf32> to vector<16xf32>
          %mul3A_1174 = arith.mulf %get3A_1173, %broadcast_in_dim3A_1165 : vector<16xf32>
          %swap3A_1175 = arith.index_cast %add3A_1169 : i32 to index
          %swap3A_1176 = arith.constant 0 : index
          %swap3A_1177 = tpu.vector_load %arg14[%swap3A_1175, %swap3A_1176] {strides = array<i32>} : memref<80x128xf32, #tpu.memory_space<vmem>>, vector<1x16xf32>,
          %swap3A_1178 = vector.shape_cast %swap3A_1177 : vector<1x16xf32> to vector<16xf32>
          %swap3A_1179 = vector.shape_cast %mul3A_1174 : vector<16xf32> to vector<1x16xf32>
          tpu.vector_store %arg14[%swap3A_1175, %swap3A_1176], %swap3A_1179 {strides = array<i32>} : memref<80x128xf32, #tpu.memory_space<vmem>>, vector<1x16xf32>,
          %get3A_1180 = arith.index_cast %add3A_1169 : i32 to index
          %get3A_1181 = arith.constant 16 : index
          %get3A_1182 = tpu.vector_load %arg14[%get3A_1180, %get3A_1181] {strides = array<i32>} : memref<80x128xf32, #tpu.memory_space<vmem>>, vector<1x16xf32>,
          %get3A_1183 = vector.shape_cast %get3A_1182 : vector<1x16xf32> to vector<16xf32>
          %mul3A_1184 = arith.mulf %get3A_1183, %broadcast_in_dim3A_1165 : vector<16xf32>
          %swap3A_1185 = arith.index_cast %add3A_1169 : i32 to index
          %swap3A_1186 = arith.constant 16 : index
          %swap3A_1187 = tpu.vector_load %arg14[%swap3A_1185, %swap3A_1186] {strides = array<i32>} : memref<80x128xf32, #tpu.memory_space<vmem>>, vector<1x16xf32>,
          %swap3A_1188 = vector.shape_cast %swap3A_1187 : vector<1x16xf32> to vector<16xf32>
          %swap3A_1189 = vector.shape_cast %mul3A_1184 : vector<16xf32> to vector<1x16xf32>
          tpu.vector_store %arg14[%swap3A_1185, %swap3A_1186], %swap3A_1189 {strides = array<i32>} : memref<80x128xf32, #tpu.memory_space<vmem>>, vector<1x16xf32>,
          %get3A_1190 = arith.index_cast %add3A_1169 : i32 to index
          %get3A_1191 = arith.constant 32 : index
          %get3A_1192 = tpu.vector_load %arg14[%get3A_1190, %get3A_1191] {strides = array<i32>} : memref<80x128xf32, #tpu.memory_space<vmem>>, vector<1x16xf32>,
          %get3A_1193 = vector.shape_cast %get3A_1192 : vector<1x16xf32> to vector<16xf32>
          %mul3A_1194 = arith.mulf %get3A_1193, %broadcast_in_dim3A_1165 : vector<16xf32>
          %swap3A_1195 = arith.index_cast %add3A_1169 : i32 to index
          %swap3A_1196 = arith.constant 32 : index
          %swap3A_1197 = tpu.vector_load %arg14[%swap3A_1195, %swap3A_1196] {strides = array<i32>} : memref<80x128xf32, #tpu.memory_space<vmem>>, vector<1x16xf32>,
          %swap3A_1198 = vector.shape_cast %swap3A_1197 : vector<1x16xf32> to vector<16xf32>
          %swap3A_1199 = vector.shape_cast %mul3A_1194 : vector<16xf32> to vector<1x16xf32>
          tpu.vector_store %arg14[%swap3A_1195, %swap3A_1196], %swap3A_1199 {strides = array<i32>} : memref<80x128xf32, #tpu.memory_space<vmem>>, vector<1x16xf32>,
          %get3A_1200 = arith.index_cast %add3A_1169 : i32 to index
          %get3A_1201 = arith.constant 48 : index
          %get3A_1202 = tpu.vector_load %arg14[%get3A_1200, %get3A_1201] {strides = array<i32>} : memref<80x128xf32, #tpu.memory_space<vmem>>, vector<1x16xf32>,
          %get3A_1203 = vector.shape_cast %get3A_1202 : vector<1x16xf32> to vector<16xf32>
          %mul3A_1204 = arith.mulf %get3A_1203, %broadcast_in_dim3A_1165 : vector<16xf32>
          %swap3A_1205 = arith.index_cast %add3A_1169 : i32 to index
          %swap3A_1206 = arith.constant 48 : index
          %swap3A_1207 = tpu.vector_load %arg14[%swap3A_1205, %swap3A_1206] {strides = array<i32>} : memref<80x128xf32, #tpu.memory_space<vmem>>, vector<1x16xf32>,
          %swap3A_1208 = vector.shape_cast %swap3A_1207 : vector<1x16xf32> to vector<16xf32>
          %swap3A_1209 = vector.shape_cast %mul3A_1204 : vector<16xf32> to vector<1x16xf32>
          tpu.vector_store %arg14[%swap3A_1205, %swap3A_1206], %swap3A_1209 {strides = array<i32>} : memref<80x128xf32, #tpu.memory_space<vmem>>, vector<1x16xf32>,
          %get3A_1210 = arith.index_cast %add3A_1169 : i32 to index
          %get3A_1211 = arith.constant 64 : index
          %get3A_1212 = tpu.vector_load %arg14[%get3A_1210, %get3A_1211] {strides = array<i32>} : memref<80x128xf32, #tpu.memory_space<vmem>>, vector<1x16xf32>,
          %get3A_1213 = vector.shape_cast %get3A_1212 : vector<1x16xf32> to vector<16xf32>
          %mul3A_1214 = arith.mulf %get3A_1213, %broadcast_in_dim3A_1165 : vector<16xf32>
          %swap3A_1215 = arith.index_cast %add3A_1169 : i32 to index
          %swap3A_1216 = arith.constant 64 : index
          %swap3A_1217 = tpu.vector_load %arg14[%swap3A_1215, %swap3A_1216] {strides = array<i32>} : memref<80x128xf32, #tpu.memory_space<vmem>>, vector<1x16xf32>,
          %swap3A_1218 = vector.shape_cast %swap3A_1217 : vector<1x16xf32> to vector<16xf32>
          %swap3A_1219 = vector.shape_cast %mul3A_1214 : vector<16xf32> to vector<1x16xf32>
          tpu.vector_store %arg14[%swap3A_1215, %swap3A_1216], %swap3A_1219 {strides = array<i32>} : memref<80x128xf32, #tpu.memory_space<vmem>>, vector<1x16xf32>,
          %get3A_1220 = arith.index_cast %add3A_1169 : i32 to index
          %get3A_1221 = arith.constant 80 : index
          %get3A_1222 = tpu.vector_load %arg14[%get3A_1220, %get3A_1221] {strides = array<i32>} : memref<80x128xf32, #tpu.memory_space<vmem>>, vector<1x16xf32>,
          %get3A_1223 = vector.shape_cast %get3A_1222 : vector<1x16xf32> to vector<16xf32>
          %mul3A_1224 = arith.mulf %get3A_1223, %broadcast_in_dim3A_1165 : vector<16xf32>
          %swap3A_1225 = arith.index_cast %add3A_1169 : i32 to index
          %swap3A_1226 = arith.constant 80 : index
          %swap3A_1227 = tpu.vector_load %arg14[%swap3A_1225, %swap3A_1226] {strides = array<i32>} : memref<80x128xf32, #tpu.memory_space<vmem>>, vector<1x16xf32>,
          %swap3A_1228 = vector.shape_cast %swap3A_1227 : vector<1x16xf32> to vector<16xf32>
          %swap3A_1229 = vector.shape_cast %mul3A_1224 : vector<16xf32> to vector<1x16xf32>
          tpu.vector_store %arg14[%swap3A_1225, %swap3A_1226], %swap3A_1229 {strides = array<i32>} : memref<80x128xf32, #tpu.memory_space<vmem>>, vector<1x16xf32>,
          %get3A_1230 = arith.index_cast %add3A_1169 : i32 to index
          %get3A_1231 = arith.constant 96 : index
          %get3A_1232 = tpu.vector_load %arg14[%get3A_1230, %get3A_1231] {strides = array<i32>} : memref<80x128xf32, #tpu.memory_space<vmem>>, vector<1x16xf32>,
          %get3A_1233 = vector.shape_cast %get3A_1232 : vector<1x16xf32> to vector<16xf32>
          %mul3A_1234 = arith.mulf %get3A_1233, %broadcast_in_dim3A_1165 : vector<16xf32>
          %swap3A_1235 = arith.index_cast %add3A_1169 : i32 to index
          %swap3A_1236 = arith.constant 96 : index
          %swap3A_1237 = tpu.vector_load %arg14[%swap3A_1235, %swap3A_1236] {strides = array<i32>} : memref<80x128xf32, #tpu.memory_space<vmem>>, vector<1x16xf32>,
          %swap3A_1238 = vector.shape_cast %swap3A_1237 : vector<1x16xf32> to vector<16xf32>
          %swap3A_1239 = vector.shape_cast %mul3A_1234 : vector<16xf32> to vector<1x16xf32>
          tpu.vector_store %arg14[%swap3A_1235, %swap3A_1236], %swap3A_1239 {strides = array<i32>} : memref<80x128xf32, #tpu.memory_space<vmem>>, vector<1x16xf32>,
          %get3A_1240 = arith.index_cast %add3A_1169 : i32 to index
          %get3A_1241 = arith.constant 112 : index
          %get3A_1242 = tpu.vector_load %arg14[%get3A_1240, %get3A_1241] {strides = array<i32>} : memref<80x128xf32, #tpu.memory_space<vmem>>, vector<1x16xf32>,
          %get3A_1243 = vector.shape_cast %get3A_1242 : vector<1x16xf32> to vector<16xf32>
          %mul3A_1244 = arith.mulf %get3A_1243, %broadcast_in_dim3A_1165 : vector<16xf32>
          %swap3A_1245 = arith.index_cast %add3A_1169 : i32 to index
          %swap3A_1246 = arith.constant 112 : index
          %swap3A_1247 = tpu.vector_load %arg14[%swap3A_1245, %swap3A_1246] {strides = array<i32>} : memref<80x128xf32, #tpu.memory_space<vmem>>, vector<1x16xf32>,
          %swap3A_1248 = vector.shape_cast %swap3A_1247 : vector<1x16xf32> to vector<16xf32>
          %swap3A_1249 = vector.shape_cast %mul3A_1244 : vector<16xf32> to vector<1x16xf32>
          tpu.vector_store %arg14[%swap3A_1245, %swap3A_1246], %swap3A_1249 {strides = array<i32>} : memref<80x128xf32, #tpu.memory_space<vmem>>, vector<1x16xf32>,
          %slice3A_1250 = vector.extract_strided_slice %get3A_468 {offsets = [9], sizes = [1], strides = [1]} : vector<16xf32> to vector<1xf32>
          %squeeze3A_1251 = vector.extract %slice3A_1250[0] : f32 from vector<1xf32>
          %broadcast_in_dim3A_1252 = vector.broadcast %squeeze3A_1251 : f32 to vector<16xf32>
          %mul3A_1253 = arith.constant 16 : i32
          %mul3A_1254 = arith.muli %scan3A_464, %mul3A_1253 : i32
          %add3A_1255 = arith.constant 9 : i32
          %add3A_1256 = arith.addi %mul3A_1254, %add3A_1255 : i32
          %get3A_1257 = arith.index_cast %add3A_1256 : i32 to index
          %get3A_1258 = arith.constant 0 : index
          %get3A_1259 = tpu.vector_load %arg14[%get3A_1257, %get3A_1258] {strides = array<i32>} : memref<80x128xf32, #tpu.memory_space<vmem>>, vector<1x16xf32>,
          %get3A_1260 = vector.shape_cast %get3A_1259 : vector<1x16xf32> to vector<16xf32>
          %mul3A_1261 = arith.mulf %get3A_1260, %broadcast_in_dim3A_1252 : vector<16xf32>
          %swap3A_1262 = arith.index_cast %add3A_1256 : i32 to index
          %swap3A_1263 = arith.constant 0 : index
          %swap3A_1264 = tpu.vector_load %arg14[%swap3A_1262, %swap3A_1263] {strides = array<i32>} : memref<80x128xf32, #tpu.memory_space<vmem>>, vector<1x16xf32>,
          %swap3A_1265 = vector.shape_cast %swap3A_1264 : vector<1x16xf32> to vector<16xf32>
          %swap3A_1266 = vector.shape_cast %mul3A_1261 : vector<16xf32> to vector<1x16xf32>
          tpu.vector_store %arg14[%swap3A_1262, %swap3A_1263], %swap3A_1266 {strides = array<i32>} : memref<80x128xf32, #tpu.memory_space<vmem>>, vector<1x16xf32>,
          %get3A_1267 = arith.index_cast %add3A_1256 : i32 to index
          %get3A_1268 = arith.constant 16 : index
          %get3A_1269 = tpu.vector_load %arg14[%get3A_1267, %get3A_1268] {strides = array<i32>} : memref<80x128xf32, #tpu.memory_space<vmem>>, vector<1x16xf32>,
          %get3A_1270 = vector.shape_cast %get3A_1269 : vector<1x16xf32> to vector<16xf32>
          %mul3A_1271 = arith.mulf %get3A_1270, %broadcast_in_dim3A_1252 : vector<16xf32>
          %swap3A_1272 = arith.index_cast %add3A_1256 : i32 to index
          %swap3A_1273 = arith.constant 16 : index
          %swap3A_1274 = tpu.vector_load %arg14[%swap3A_1272, %swap3A_1273] {strides = array<i32>} : memref<80x128xf32, #tpu.memory_space<vmem>>, vector<1x16xf32>,
          %swap3A_1275 = vector.shape_cast %swap3A_1274 : vector<1x16xf32> to vector<16xf32>
          %swap3A_1276 = vector.shape_cast %mul3A_1271 : vector<16xf32> to vector<1x16xf32>
          tpu.vector_store %arg14[%swap3A_1272, %swap3A_1273], %swap3A_1276 {strides = array<i32>} : memref<80x128xf32, #tpu.memory_space<vmem>>, vector<1x16xf32>,
          %get3A_1277 = arith.index_cast %add3A_1256 : i32 to index
          %get3A_1278 = arith.constant 32 : index
          %get3A_1279 = tpu.vector_load %arg14[%get3A_1277, %get3A_1278] {strides = array<i32>} : memref<80x128xf32, #tpu.memory_space<vmem>>, vector<1x16xf32>,
          %get3A_1280 = vector.shape_cast %get3A_1279 : vector<1x16xf32> to vector<16xf32>
          %mul3A_1281 = arith.mulf %get3A_1280, %broadcast_in_dim3A_1252 : vector<16xf32>
          %swap3A_1282 = arith.index_cast %add3A_1256 : i32 to index
          %swap3A_1283 = arith.constant 32 : index
          %swap3A_1284 = tpu.vector_load %arg14[%swap3A_1282, %swap3A_1283] {strides = array<i32>} : memref<80x128xf32, #tpu.memory_space<vmem>>, vector<1x16xf32>,
          %swap3A_1285 = vector.shape_cast %swap3A_1284 : vector<1x16xf32> to vector<16xf32>
          %swap3A_1286 = vector.shape_cast %mul3A_1281 : vector<16xf32> to vector<1x16xf32>
          tpu.vector_store %arg14[%swap3A_1282, %swap3A_1283], %swap3A_1286 {strides = array<i32>} : memref<80x128xf32, #tpu.memory_space<vmem>>, vector<1x16xf32>,
          %get3A_1287 = arith.index_cast %add3A_1256 : i32 to index
          %get3A_1288 = arith.constant 48 : index
          %get3A_1289 = tpu.vector_load %arg14[%get3A_1287, %get3A_1288] {strides = array<i32>} : memref<80x128xf32, #tpu.memory_space<vmem>>, vector<1x16xf32>,
          %get3A_1290 = vector.shape_cast %get3A_1289 : vector<1x16xf32> to vector<16xf32>
          %mul3A_1291 = arith.mulf %get3A_1290, %broadcast_in_dim3A_1252 : vector<16xf32>
          %swap3A_1292 = arith.index_cast %add3A_1256 : i32 to index
          %swap3A_1293 = arith.constant 48 : index
          %swap3A_1294 = tpu.vector_load %arg14[%swap3A_1292, %swap3A_1293] {strides = array<i32>} : memref<80x128xf32, #tpu.memory_space<vmem>>, vector<1x16xf32>,
          %swap3A_1295 = vector.shape_cast %swap3A_1294 : vector<1x16xf32> to vector<16xf32>
          %swap3A_1296 = vector.shape_cast %mul3A_1291 : vector<16xf32> to vector<1x16xf32>
          tpu.vector_store %arg14[%swap3A_1292, %swap3A_1293], %swap3A_1296 {strides = array<i32>} : memref<80x128xf32, #tpu.memory_space<vmem>>, vector<1x16xf32>,
          %get3A_1297 = arith.index_cast %add3A_1256 : i32 to index
          %get3A_1298 = arith.constant 64 : index
          %get3A_1299 = tpu.vector_load %arg14[%get3A_1297, %get3A_1298] {strides = array<i32>} : memref<80x128xf32, #tpu.memory_space<vmem>>, vector<1x16xf32>,
          %get3A_1300 = vector.shape_cast %get3A_1299 : vector<1x16xf32> to vector<16xf32>
          %mul3A_1301 = arith.mulf %get3A_1300, %broadcast_in_dim3A_1252 : vector<16xf32>
          %swap3A_1302 = arith.index_cast %add3A_1256 : i32 to index
          %swap3A_1303 = arith.constant 64 : index
          %swap3A_1304 = tpu.vector_load %arg14[%swap3A_1302, %swap3A_1303] {strides = array<i32>} : memref<80x128xf32, #tpu.memory_space<vmem>>, vector<1x16xf32>,
          %swap3A_1305 = vector.shape_cast %swap3A_1304 : vector<1x16xf32> to vector<16xf32>
          %swap3A_1306 = vector.shape_cast %mul3A_1301 : vector<16xf32> to vector<1x16xf32>
          tpu.vector_store %arg14[%swap3A_1302, %swap3A_1303], %swap3A_1306 {strides = array<i32>} : memref<80x128xf32, #tpu.memory_space<vmem>>, vector<1x16xf32>,
          %get3A_1307 = arith.index_cast %add3A_1256 : i32 to index
          %get3A_1308 = arith.constant 80 : index
          %get3A_1309 = tpu.vector_load %arg14[%get3A_1307, %get3A_1308] {strides = array<i32>} : memref<80x128xf32, #tpu.memory_space<vmem>>, vector<1x16xf32>,
          %get3A_1310 = vector.shape_cast %get3A_1309 : vector<1x16xf32> to vector<16xf32>
          %mul3A_1311 = arith.mulf %get3A_1310, %broadcast_in_dim3A_1252 : vector<16xf32>
          %swap3A_1312 = arith.index_cast %add3A_1256 : i32 to index
          %swap3A_1313 = arith.constant 80 : index
          %swap3A_1314 = tpu.vector_load %arg14[%swap3A_1312, %swap3A_1313] {strides = array<i32>} : memref<80x128xf32, #tpu.memory_space<vmem>>, vector<1x16xf32>,
          %swap3A_1315 = vector.shape_cast %swap3A_1314 : vector<1x16xf32> to vector<16xf32>
          %swap3A_1316 = vector.shape_cast %mul3A_1311 : vector<16xf32> to vector<1x16xf32>
          tpu.vector_store %arg14[%swap3A_1312, %swap3A_1313], %swap3A_1316 {strides = array<i32>} : memref<80x128xf32, #tpu.memory_space<vmem>>, vector<1x16xf32>,
          %get3A_1317 = arith.index_cast %add3A_1256 : i32 to index
          %get3A_1318 = arith.constant 96 : index
          %get3A_1319 = tpu.vector_load %arg14[%get3A_1317, %get3A_1318] {strides = array<i32>} : memref<80x128xf32, #tpu.memory_space<vmem>>, vector<1x16xf32>,
          %get3A_1320 = vector.shape_cast %get3A_1319 : vector<1x16xf32> to vector<16xf32>
          %mul3A_1321 = arith.mulf %get3A_1320, %broadcast_in_dim3A_1252 : vector<16xf32>
          %swap3A_1322 = arith.index_cast %add3A_1256 : i32 to index
          %swap3A_1323 = arith.constant 96 : index
          %swap3A_1324 = tpu.vector_load %arg14[%swap3A_1322, %swap3A_1323] {strides = array<i32>} : memref<80x128xf32, #tpu.memory_space<vmem>>, vector<1x16xf32>,
          %swap3A_1325 = vector.shape_cast %swap3A_1324 : vector<1x16xf32> to vector<16xf32>
          %swap3A_1326 = vector.shape_cast %mul3A_1321 : vector<16xf32> to vector<1x16xf32>
          tpu.vector_store %arg14[%swap3A_1322, %swap3A_1323], %swap3A_1326 {strides = array<i32>} : memref<80x128xf32, #tpu.memory_space<vmem>>, vector<1x16xf32>,
          %get3A_1327 = arith.index_cast %add3A_1256 : i32 to index
          %get3A_1328 = arith.constant 112 : index
          %get3A_1329 = tpu.vector_load %arg14[%get3A_1327, %get3A_1328] {strides = array<i32>} : memref<80x128xf32, #tpu.memory_space<vmem>>, vector<1x16xf32>,
          %get3A_1330 = vector.shape_cast %get3A_1329 : vector<1x16xf32> to vector<16xf32>
          %mul3A_1331 = arith.mulf %get3A_1330, %broadcast_in_dim3A_1252 : vector<16xf32>
          %swap3A_1332 = arith.index_cast %add3A_1256 : i32 to index
          %swap3A_1333 = arith.constant 112 : index
          %swap3A_1334 = tpu.vector_load %arg14[%swap3A_1332, %swap3A_1333] {strides = array<i32>} : memref<80x128xf32, #tpu.memory_space<vmem>>, vector<1x16xf32>,
          %swap3A_1335 = vector.shape_cast %swap3A_1334 : vector<1x16xf32> to vector<16xf32>
          %swap3A_1336 = vector.shape_cast %mul3A_1331 : vector<16xf32> to vector<1x16xf32>
          tpu.vector_store %arg14[%swap3A_1332, %swap3A_1333], %swap3A_1336 {strides = array<i32>} : memref<80x128xf32, #tpu.memory_space<vmem>>, vector<1x16xf32>,
          %slice3A_1337 = vector.extract_strided_slice %get3A_468 {offsets = [10], sizes = [1], strides = [1]} : vector<16xf32> to vector<1xf32>
          %squeeze3A_1338 = vector.extract %slice3A_1337[0] : f32 from vector<1xf32>
          %broadcast_in_dim3A_1339 = vector.broadcast %squeeze3A_1338 : f32 to vector<16xf32>
          %mul3A_1340 = arith.constant 16 : i32
          %mul3A_1341 = arith.muli %scan3A_464, %mul3A_1340 : i32
          %add3A_1342 = arith.constant 10 : i32
          %add3A_1343 = arith.addi %mul3A_1341, %add3A_1342 : i32
          %get3A_1344 = arith.index_cast %add3A_1343 : i32 to index
          %get3A_1345 = arith.constant 0 : index
          %get3A_1346 = tpu.vector_load %arg14[%get3A_1344, %get3A_1345] {strides = array<i32>} : memref<80x128xf32, #tpu.memory_space<vmem>>, vector<1x16xf32>,
          %get3A_1347 = vector.shape_cast %get3A_1346 : vector<1x16xf32> to vector<16xf32>
          %mul3A_1348 = arith.mulf %get3A_1347, %broadcast_in_dim3A_1339 : vector<16xf32>
          %swap3A_1349 = arith.index_cast %add3A_1343 : i32 to index
          %swap3A_1350 = arith.constant 0 : index
          %swap3A_1351 = tpu.vector_load %arg14[%swap3A_1349, %swap3A_1350] {strides = array<i32>} : memref<80x128xf32, #tpu.memory_space<vmem>>, vector<1x16xf32>,
          %swap3A_1352 = vector.shape_cast %swap3A_1351 : vector<1x16xf32> to vector<16xf32>
          %swap3A_1353 = vector.shape_cast %mul3A_1348 : vector<16xf32> to vector<1x16xf32>
          tpu.vector_store %arg14[%swap3A_1349, %swap3A_1350], %swap3A_1353 {strides = array<i32>} : memref<80x128xf32, #tpu.memory_space<vmem>>, vector<1x16xf32>,
          %get3A_1354 = arith.index_cast %add3A_1343 : i32 to index
          %get3A_1355 = arith.constant 16 : index
          %get3A_1356 = tpu.vector_load %arg14[%get3A_1354, %get3A_1355] {strides = array<i32>} : memref<80x128xf32, #tpu.memory_space<vmem>>, vector<1x16xf32>,
          %get3A_1357 = vector.shape_cast %get3A_1356 : vector<1x16xf32> to vector<16xf32>
          %mul3A_1358 = arith.mulf %get3A_1357, %broadcast_in_dim3A_1339 : vector<16xf32>
          %swap3A_1359 = arith.index_cast %add3A_1343 : i32 to index
          %swap3A_1360 = arith.constant 16 : index
          %swap3A_1361 = tpu.vector_load %arg14[%swap3A_1359, %swap3A_1360] {strides = array<i32>} : memref<80x128xf32, #tpu.memory_space<vmem>>, vector<1x16xf32>,
          %swap3A_1362 = vector.shape_cast %swap3A_1361 : vector<1x16xf32> to vector<16xf32>
          %swap3A_1363 = vector.shape_cast %mul3A_1358 : vector<16xf32> to vector<1x16xf32>
          tpu.vector_store %arg14[%swap3A_1359, %swap3A_1360], %swap3A_1363 {strides = array<i32>} : memref<80x128xf32, #tpu.memory_space<vmem>>, vector<1x16xf32>,
          %get3A_1364 = arith.index_cast %add3A_1343 : i32 to index
          %get3A_1365 = arith.constant 32 : index
          %get3A_1366 = tpu.vector_load %arg14[%get3A_1364, %get3A_1365] {strides = array<i32>} : memref<80x128xf32, #tpu.memory_space<vmem>>, vector<1x16xf32>,
          %get3A_1367 = vector.shape_cast %get3A_1366 : vector<1x16xf32> to vector<16xf32>
          %mul3A_1368 = arith.mulf %get3A_1367, %broadcast_in_dim3A_1339 : vector<16xf32>
          %swap3A_1369 = arith.index_cast %add3A_1343 : i32 to index
          %swap3A_1370 = arith.constant 32 : index
          %swap3A_1371 = tpu.vector_load %arg14[%swap3A_1369, %swap3A_1370] {strides = array<i32>} : memref<80x128xf32, #tpu.memory_space<vmem>>, vector<1x16xf32>,
          %swap3A_1372 = vector.shape_cast %swap3A_1371 : vector<1x16xf32> to vector<16xf32>
          %swap3A_1373 = vector.shape_cast %mul3A_1368 : vector<16xf32> to vector<1x16xf32>
          tpu.vector_store %arg14[%swap3A_1369, %swap3A_1370], %swap3A_1373 {strides = array<i32>} : memref<80x128xf32, #tpu.memory_space<vmem>>, vector<1x16xf32>,
          %get3A_1374 = arith.index_cast %add3A_1343 : i32 to index
          %get3A_1375 = arith.constant 48 : index
          %get3A_1376 = tpu.vector_load %arg14[%get3A_1374, %get3A_1375] {strides = array<i32>} : memref<80x128xf32, #tpu.memory_space<vmem>>, vector<1x16xf32>,
          %get3A_1377 = vector.shape_cast %get3A_1376 : vector<1x16xf32> to vector<16xf32>
          %mul3A_1378 = arith.mulf %get3A_1377, %broadcast_in_dim3A_1339 : vector<16xf32>
          %swap3A_1379 = arith.index_cast %add3A_1343 : i32 to index
          %swap3A_1380 = arith.constant 48 : index
          %swap3A_1381 = tpu.vector_load %arg14[%swap3A_1379, %swap3A_1380] {strides = array<i32>} : memref<80x128xf32, #tpu.memory_space<vmem>>, vector<1x16xf32>,
          %swap3A_1382 = vector.shape_cast %swap3A_1381 : vector<1x16xf32> to vector<16xf32>
          %swap3A_1383 = vector.shape_cast %mul3A_1378 : vector<16xf32> to vector<1x16xf32>
          tpu.vector_store %arg14[%swap3A_1379, %swap3A_1380], %swap3A_1383 {strides = array<i32>} : memref<80x128xf32, #tpu.memory_space<vmem>>, vector<1x16xf32>,
          %get3A_1384 = arith.index_cast %add3A_1343 : i32 to index
          %get3A_1385 = arith.constant 64 : index
          %get3A_1386 = tpu.vector_load %arg14[%get3A_1384, %get3A_1385] {strides = array<i32>} : memref<80x128xf32, #tpu.memory_space<vmem>>, vector<1x16xf32>,
          %get3A_1387 = vector.shape_cast %get3A_1386 : vector<1x16xf32> to vector<16xf32>
          %mul3A_1388 = arith.mulf %get3A_1387, %broadcast_in_dim3A_1339 : vector<16xf32>
          %swap3A_1389 = arith.index_cast %add3A_1343 : i32 to index
          %swap3A_1390 = arith.constant 64 : index
          %swap3A_1391 = tpu.vector_load %arg14[%swap3A_1389, %swap3A_1390] {strides = array<i32>} : memref<80x128xf32, #tpu.memory_space<vmem>>, vector<1x16xf32>,
          %swap3A_1392 = vector.shape_cast %swap3A_1391 : vector<1x16xf32> to vector<16xf32>
          %swap3A_1393 = vector.shape_cast %mul3A_1388 : vector<16xf32> to vector<1x16xf32>
          tpu.vector_store %arg14[%swap3A_1389, %swap3A_1390], %swap3A_1393 {strides = array<i32>} : memref<80x128xf32, #tpu.memory_space<vmem>>, vector<1x16xf32>,
          %get3A_1394 = arith.index_cast %add3A_1343 : i32 to index
          %get3A_1395 = arith.constant 80 : index
          %get3A_1396 = tpu.vector_load %arg14[%get3A_1394, %get3A_1395] {strides = array<i32>} : memref<80x128xf32, #tpu.memory_space<vmem>>, vector<1x16xf32>,
          %get3A_1397 = vector.shape_cast %get3A_1396 : vector<1x16xf32> to vector<16xf32>
          %mul3A_1398 = arith.mulf %get3A_1397, %broadcast_in_dim3A_1339 : vector<16xf32>
          %swap3A_1399 = arith.index_cast %add3A_1343 : i32 to index
          %swap3A_1400 = arith.constant 80 : index
          %swap3A_1401 = tpu.vector_load %arg14[%swap3A_1399, %swap3A_1400] {strides = array<i32>} : memref<80x128xf32, #tpu.memory_space<vmem>>, vector<1x16xf32>,
          %swap3A_1402 = vector.shape_cast %swap3A_1401 : vector<1x16xf32> to vector<16xf32>
          %swap3A_1403 = vector.shape_cast %mul3A_1398 : vector<16xf32> to vector<1x16xf32>
          tpu.vector_store %arg14[%swap3A_1399, %swap3A_1400], %swap3A_1403 {strides = array<i32>} : memref<80x128xf32, #tpu.memory_space<vmem>>, vector<1x16xf32>,
          %get3A_1404 = arith.index_cast %add3A_1343 : i32 to index
          %get3A_1405 = arith.constant 96 : index
          %get3A_1406 = tpu.vector_load %arg14[%get3A_1404, %get3A_1405] {strides = array<i32>} : memref<80x128xf32, #tpu.memory_space<vmem>>, vector<1x16xf32>,
          %get3A_1407 = vector.shape_cast %get3A_1406 : vector<1x16xf32> to vector<16xf32>
          %mul3A_1408 = arith.mulf %get3A_1407, %broadcast_in_dim3A_1339 : vector<16xf32>
          %swap3A_1409 = arith.index_cast %add3A_1343 : i32 to index
          %swap3A_1410 = arith.constant 96 : index
          %swap3A_1411 = tpu.vector_load %arg14[%swap3A_1409, %swap3A_1410] {strides = array<i32>} : memref<80x128xf32, #tpu.memory_space<vmem>>, vector<1x16xf32>,
          %swap3A_1412 = vector.shape_cast %swap3A_1411 : vector<1x16xf32> to vector<16xf32>
          %swap3A_1413 = vector.shape_cast %mul3A_1408 : vector<16xf32> to vector<1x16xf32>
          tpu.vector_store %arg14[%swap3A_1409, %swap3A_1410], %swap3A_1413 {strides = array<i32>} : memref<80x128xf32, #tpu.memory_space<vmem>>, vector<1x16xf32>,
          %get3A_1414 = arith.index_cast %add3A_1343 : i32 to index
          %get3A_1415 = arith.constant 112 : index
          %get3A_1416 = tpu.vector_load %arg14[%get3A_1414, %get3A_1415] {strides = array<i32>} : memref<80x128xf32, #tpu.memory_space<vmem>>, vector<1x16xf32>,
          %get3A_1417 = vector.shape_cast %get3A_1416 : vector<1x16xf32> to vector<16xf32>
          %mul3A_1418 = arith.mulf %get3A_1417, %broadcast_in_dim3A_1339 : vector<16xf32>
          %swap3A_1419 = arith.index_cast %add3A_1343 : i32 to index
          %swap3A_1420 = arith.constant 112 : index
          %swap3A_1421 = tpu.vector_load %arg14[%swap3A_1419, %swap3A_1420] {strides = array<i32>} : memref<80x128xf32, #tpu.memory_space<vmem>>, vector<1x16xf32>,
          %swap3A_1422 = vector.shape_cast %swap3A_1421 : vector<1x16xf32> to vector<16xf32>
          %swap3A_1423 = vector.shape_cast %mul3A_1418 : vector<16xf32> to vector<1x16xf32>
          tpu.vector_store %arg14[%swap3A_1419, %swap3A_1420], %swap3A_1423 {strides = array<i32>} : memref<80x128xf32, #tpu.memory_space<vmem>>, vector<1x16xf32>,
          %slice3A_1424 = vector.extract_strided_slice %get3A_468 {offsets = [11], sizes = [1], strides = [1]} : vector<16xf32> to vector<1xf32>
          %squeeze3A_1425 = vector.extract %slice3A_1424[0] : f32 from vector<1xf32>
          %broadcast_in_dim3A_1426 = vector.broadcast %squeeze3A_1425 : f32 to vector<16xf32>
          %mul3A_1427 = arith.constant 16 : i32
          %mul3A_1428 = arith.muli %scan3A_464, %mul3A_1427 : i32
          %add3A_1429 = arith.constant 11 : i32
          %add3A_1430 = arith.addi %mul3A_1428, %add3A_1429 : i32
          %get3A_1431 = arith.index_cast %add3A_1430 : i32 to index
          %get3A_1432 = arith.constant 0 : index
          %get3A_1433 = tpu.vector_load %arg14[%get3A_1431, %get3A_1432] {strides = array<i32>} : memref<80x128xf32, #tpu.memory_space<vmem>>, vector<1x16xf32>,
          %get3A_1434 = vector.shape_cast %get3A_1433 : vector<1x16xf32> to vector<16xf32>
          %mul3A_1435 = arith.mulf %get3A_1434, %broadcast_in_dim3A_1426 : vector<16xf32>
          %swap3A_1436 = arith.index_cast %add3A_1430 : i32 to index
          %swap3A_1437 = arith.constant 0 : index
          %swap3A_1438 = tpu.vector_load %arg14[%swap3A_1436, %swap3A_1437] {strides = array<i32>} : memref<80x128xf32, #tpu.memory_space<vmem>>, vector<1x16xf32>,
          %swap3A_1439 = vector.shape_cast %swap3A_1438 : vector<1x16xf32> to vector<16xf32>
          %swap3A_1440 = vector.shape_cast %mul3A_1435 : vector<16xf32> to vector<1x16xf32>
          tpu.vector_store %arg14[%swap3A_1436, %swap3A_1437], %swap3A_1440 {strides = array<i32>} : memref<80x128xf32, #tpu.memory_space<vmem>>, vector<1x16xf32>,
          %get3A_1441 = arith.index_cast %add3A_1430 : i32 to index
          %get3A_1442 = arith.constant 16 : index
          %get3A_1443 = tpu.vector_load %arg14[%get3A_1441, %get3A_1442] {strides = array<i32>} : memref<80x128xf32, #tpu.memory_space<vmem>>, vector<1x16xf32>,
          %get3A_1444 = vector.shape_cast %get3A_1443 : vector<1x16xf32> to vector<16xf32>
          %mul3A_1445 = arith.mulf %get3A_1444, %broadcast_in_dim3A_1426 : vector<16xf32>
          %swap3A_1446 = arith.index_cast %add3A_1430 : i32 to index
          %swap3A_1447 = arith.constant 16 : index
          %swap3A_1448 = tpu.vector_load %arg14[%swap3A_1446, %swap3A_1447] {strides = array<i32>} : memref<80x128xf32, #tpu.memory_space<vmem>>, vector<1x16xf32>,
          %swap3A_1449 = vector.shape_cast %swap3A_1448 : vector<1x16xf32> to vector<16xf32>
          %swap3A_1450 = vector.shape_cast %mul3A_1445 : vector<16xf32> to vector<1x16xf32>
          tpu.vector_store %arg14[%swap3A_1446, %swap3A_1447], %swap3A_1450 {strides = array<i32>} : memref<80x128xf32, #tpu.memory_space<vmem>>, vector<1x16xf32>,
          %get3A_1451 = arith.index_cast %add3A_1430 : i32 to index
          %get3A_1452 = arith.constant 32 : index
          %get3A_1453 = tpu.vector_load %arg14[%get3A_1451, %get3A_1452] {strides = array<i32>} : memref<80x128xf32, #tpu.memory_space<vmem>>, vector<1x16xf32>,
          %get3A_1454 = vector.shape_cast %get3A_1453 : vector<1x16xf32> to vector<16xf32>
          %mul3A_1455 = arith.mulf %get3A_1454, %broadcast_in_dim3A_1426 : vector<16xf32>
          %swap3A_1456 = arith.index_cast %add3A_1430 : i32 to index
          %swap3A_1457 = arith.constant 32 : index
          %swap3A_1458 = tpu.vector_load %arg14[%swap3A_1456, %swap3A_1457] {strides = array<i32>} : memref<80x128xf32, #tpu.memory_space<vmem>>, vector<1x16xf32>,
          %swap3A_1459 = vector.shape_cast %swap3A_1458 : vector<1x16xf32> to vector<16xf32>
          %swap3A_1460 = vector.shape_cast %mul3A_1455 : vector<16xf32> to vector<1x16xf32>
          tpu.vector_store %arg14[%swap3A_1456, %swap3A_1457], %swap3A_1460 {strides = array<i32>} : memref<80x128xf32, #tpu.memory_space<vmem>>, vector<1x16xf32>,
          %get3A_1461 = arith.index_cast %add3A_1430 : i32 to index
          %get3A_1462 = arith.constant 48 : index
          %get3A_1463 = tpu.vector_load %arg14[%get3A_1461, %get3A_1462] {strides = array<i32>} : memref<80x128xf32, #tpu.memory_space<vmem>>, vector<1x16xf32>,
          %get3A_1464 = vector.shape_cast %get3A_1463 : vector<1x16xf32> to vector<16xf32>
          %mul3A_1465 = arith.mulf %get3A_1464, %broadcast_in_dim3A_1426 : vector<16xf32>
          %swap3A_1466 = arith.index_cast %add3A_1430 : i32 to index
          %swap3A_1467 = arith.constant 48 : index
          %swap3A_1468 = tpu.vector_load %arg14[%swap3A_1466, %swap3A_1467] {strides = array<i32>} : memref<80x128xf32, #tpu.memory_space<vmem>>, vector<1x16xf32>,
          %swap3A_1469 = vector.shape_cast %swap3A_1468 : vector<1x16xf32> to vector<16xf32>
          %swap3A_1470 = vector.shape_cast %mul3A_1465 : vector<16xf32> to vector<1x16xf32>
          tpu.vector_store %arg14[%swap3A_1466, %swap3A_1467], %swap3A_1470 {strides = array<i32>} : memref<80x128xf32, #tpu.memory_space<vmem>>, vector<1x16xf32>,
          %get3A_1471 = arith.index_cast %add3A_1430 : i32 to index
          %get3A_1472 = arith.constant 64 : index
          %get3A_1473 = tpu.vector_load %arg14[%get3A_1471, %get3A_1472] {strides = array<i32>} : memref<80x128xf32, #tpu.memory_space<vmem>>, vector<1x16xf32>,
          %get3A_1474 = vector.shape_cast %get3A_1473 : vector<1x16xf32> to vector<16xf32>
          %mul3A_1475 = arith.mulf %get3A_1474, %broadcast_in_dim3A_1426 : vector<16xf32>
          %swap3A_1476 = arith.index_cast %add3A_1430 : i32 to index
          %swap3A_1477 = arith.constant 64 : index
          %swap3A_1478 = tpu.vector_load %arg14[%swap3A_1476, %swap3A_1477] {strides = array<i32>} : memref<80x128xf32, #tpu.memory_space<vmem>>, vector<1x16xf32>,
          %swap3A_1479 = vector.shape_cast %swap3A_1478 : vector<1x16xf32> to vector<16xf32>
          %swap3A_1480 = vector.shape_cast %mul3A_1475 : vector<16xf32> to vector<1x16xf32>
          tpu.vector_store %arg14[%swap3A_1476, %swap3A_1477], %swap3A_1480 {strides = array<i32>} : memref<80x128xf32, #tpu.memory_space<vmem>>, vector<1x16xf32>,
          %get3A_1481 = arith.index_cast %add3A_1430 : i32 to index
          %get3A_1482 = arith.constant 80 : index
          %get3A_1483 = tpu.vector_load %arg14[%get3A_1481, %get3A_1482] {strides = array<i32>} : memref<80x128xf32, #tpu.memory_space<vmem>>, vector<1x16xf32>,
          %get3A_1484 = vector.shape_cast %get3A_1483 : vector<1x16xf32> to vector<16xf32>
          %mul3A_1485 = arith.mulf %get3A_1484, %broadcast_in_dim3A_1426 : vector<16xf32>
          %swap3A_1486 = arith.index_cast %add3A_1430 : i32 to index
          %swap3A_1487 = arith.constant 80 : index
          %swap3A_1488 = tpu.vector_load %arg14[%swap3A_1486, %swap3A_1487] {strides = array<i32>} : memref<80x128xf32, #tpu.memory_space<vmem>>, vector<1x16xf32>,
          %swap3A_1489 = vector.shape_cast %swap3A_1488 : vector<1x16xf32> to vector<16xf32>
          %swap3A_1490 = vector.shape_cast %mul3A_1485 : vector<16xf32> to vector<1x16xf32>
          tpu.vector_store %arg14[%swap3A_1486, %swap3A_1487], %swap3A_1490 {strides = array<i32>} : memref<80x128xf32, #tpu.memory_space<vmem>>, vector<1x16xf32>,
          %get3A_1491 = arith.index_cast %add3A_1430 : i32 to index
          %get3A_1492 = arith.constant 96 : index
          %get3A_1493 = tpu.vector_load %arg14[%get3A_1491, %get3A_1492] {strides = array<i32>} : memref<80x128xf32, #tpu.memory_space<vmem>>, vector<1x16xf32>,
          %get3A_1494 = vector.shape_cast %get3A_1493 : vector<1x16xf32> to vector<16xf32>
          %mul3A_1495 = arith.mulf %get3A_1494, %broadcast_in_dim3A_1426 : vector<16xf32>
          %swap3A_1496 = arith.index_cast %add3A_1430 : i32 to index
          %swap3A_1497 = arith.constant 96 : index
          %swap3A_1498 = tpu.vector_load %arg14[%swap3A_1496, %swap3A_1497] {strides = array<i32>} : memref<80x128xf32, #tpu.memory_space<vmem>>, vector<1x16xf32>,
          %swap3A_1499 = vector.shape_cast %swap3A_1498 : vector<1x16xf32> to vector<16xf32>
          %swap3A_1500 = vector.shape_cast %mul3A_1495 : vector<16xf32> to vector<1x16xf32>
          tpu.vector_store %arg14[%swap3A_1496, %swap3A_1497], %swap3A_1500 {strides = array<i32>} : memref<80x128xf32, #tpu.memory_space<vmem>>, vector<1x16xf32>,
          %get3A_1501 = arith.index_cast %add3A_1430 : i32 to index
          %get3A_1502 = arith.constant 112 : index
          %get3A_1503 = tpu.vector_load %arg14[%get3A_1501, %get3A_1502] {strides = array<i32>} : memref<80x128xf32, #tpu.memory_space<vmem>>, vector<1x16xf32>,
          %get3A_1504 = vector.shape_cast %get3A_1503 : vector<1x16xf32> to vector<16xf32>
          %mul3A_1505 = arith.mulf %get3A_1504, %broadcast_in_dim3A_1426 : vector<16xf32>
          %swap3A_1506 = arith.index_cast %add3A_1430 : i32 to index
          %swap3A_1507 = arith.constant 112 : index
          %swap3A_1508 = tpu.vector_load %arg14[%swap3A_1506, %swap3A_1507] {strides = array<i32>} : memref<80x128xf32, #tpu.memory_space<vmem>>, vector<1x16xf32>,
          %swap3A_1509 = vector.shape_cast %swap3A_1508 : vector<1x16xf32> to vector<16xf32>
          %swap3A_1510 = vector.shape_cast %mul3A_1505 : vector<16xf32> to vector<1x16xf32>
          tpu.vector_store %arg14[%swap3A_1506, %swap3A_1507], %swap3A_1510 {strides = array<i32>} : memref<80x128xf32, #tpu.memory_space<vmem>>, vector<1x16xf32>,
          %slice3A_1511 = vector.extract_strided_slice %get3A_468 {offsets = [12], sizes = [1], strides = [1]} : vector<16xf32> to vector<1xf32>
          %squeeze3A_1512 = vector.extract %slice3A_1511[0] : f32 from vector<1xf32>
          %broadcast_in_dim3A_1513 = vector.broadcast %squeeze3A_1512 : f32 to vector<16xf32>
          %mul3A_1514 = arith.constant 16 : i32
          %mul3A_1515 = arith.muli %scan3A_464, %mul3A_1514 : i32
          %add3A_1516 = arith.constant 12 : i32
          %add3A_1517 = arith.addi %mul3A_1515, %add3A_1516 : i32
          %get3A_1518 = arith.index_cast %add3A_1517 : i32 to index
          %get3A_1519 = arith.constant 0 : index
          %get3A_1520 = tpu.vector_load %arg14[%get3A_1518, %get3A_1519] {strides = array<i32>} : memref<80x128xf32, #tpu.memory_space<vmem>>, vector<1x16xf32>,
          %get3A_1521 = vector.shape_cast %get3A_1520 : vector<1x16xf32> to vector<16xf32>
          %mul3A_1522 = arith.mulf %get3A_1521, %broadcast_in_dim3A_1513 : vector<16xf32>
          %swap3A_1523 = arith.index_cast %add3A_1517 : i32 to index
          %swap3A_1524 = arith.constant 0 : index
          %swap3A_1525 = tpu.vector_load %arg14[%swap3A_1523, %swap3A_1524] {strides = array<i32>} : memref<80x128xf32, #tpu.memory_space<vmem>>, vector<1x16xf32>,
          %swap3A_1526 = vector.shape_cast %swap3A_1525 : vector<1x16xf32> to vector<16xf32>
          %swap3A_1527 = vector.shape_cast %mul3A_1522 : vector<16xf32> to vector<1x16xf32>
          tpu.vector_store %arg14[%swap3A_1523, %swap3A_1524], %swap3A_1527 {strides = array<i32>} : memref<80x128xf32, #tpu.memory_space<vmem>>, vector<1x16xf32>,
          %get3A_1528 = arith.index_cast %add3A_1517 : i32 to index
          %get3A_1529 = arith.constant 16 : index
          %get3A_1530 = tpu.vector_load %arg14[%get3A_1528, %get3A_1529] {strides = array<i32>} : memref<80x128xf32, #tpu.memory_space<vmem>>, vector<1x16xf32>,
          %get3A_1531 = vector.shape_cast %get3A_1530 : vector<1x16xf32> to vector<16xf32>
          %mul3A_1532 = arith.mulf %get3A_1531, %broadcast_in_dim3A_1513 : vector<16xf32>
          %swap3A_1533 = arith.index_cast %add3A_1517 : i32 to index
          %swap3A_1534 = arith.constant 16 : index
          %swap3A_1535 = tpu.vector_load %arg14[%swap3A_1533, %swap3A_1534] {strides = array<i32>} : memref<80x128xf32, #tpu.memory_space<vmem>>, vector<1x16xf32>,
          %swap3A_1536 = vector.shape_cast %swap3A_1535 : vector<1x16xf32> to vector<16xf32>
          %swap3A_1537 = vector.shape_cast %mul3A_1532 : vector<16xf32> to vector<1x16xf32>
          tpu.vector_store %arg14[%swap3A_1533, %swap3A_1534], %swap3A_1537 {strides = array<i32>} : memref<80x128xf32, #tpu.memory_space<vmem>>, vector<1x16xf32>,
          %get3A_1538 = arith.index_cast %add3A_1517 : i32 to index
          %get3A_1539 = arith.constant 32 : index
          %get3A_1540 = tpu.vector_load %arg14[%get3A_1538, %get3A_1539] {strides = array<i32>} : memref<80x128xf32, #tpu.memory_space<vmem>>, vector<1x16xf32>,
          %get3A_1541 = vector.shape_cast %get3A_1540 : vector<1x16xf32> to vector<16xf32>
          %mul3A_1542 = arith.mulf %get3A_1541, %broadcast_in_dim3A_1513 : vector<16xf32>
          %swap3A_1543 = arith.index_cast %add3A_1517 : i32 to index
          %swap3A_1544 = arith.constant 32 : index
          %swap3A_1545 = tpu.vector_load %arg14[%swap3A_1543, %swap3A_1544] {strides = array<i32>} : memref<80x128xf32, #tpu.memory_space<vmem>>, vector<1x16xf32>,
          %swap3A_1546 = vector.shape_cast %swap3A_1545 : vector<1x16xf32> to vector<16xf32>
          %swap3A_1547 = vector.shape_cast %mul3A_1542 : vector<16xf32> to vector<1x16xf32>
          tpu.vector_store %arg14[%swap3A_1543, %swap3A_1544], %swap3A_1547 {strides = array<i32>} : memref<80x128xf32, #tpu.memory_space<vmem>>, vector<1x16xf32>,
          %get3A_1548 = arith.index_cast %add3A_1517 : i32 to index
          %get3A_1549 = arith.constant 48 : index
          %get3A_1550 = tpu.vector_load %arg14[%get3A_1548, %get3A_1549] {strides = array<i32>} : memref<80x128xf32, #tpu.memory_space<vmem>>, vector<1x16xf32>,
          %get3A_1551 = vector.shape_cast %get3A_1550 : vector<1x16xf32> to vector<16xf32>
          %mul3A_1552 = arith.mulf %get3A_1551, %broadcast_in_dim3A_1513 : vector<16xf32>
          %swap3A_1553 = arith.index_cast %add3A_1517 : i32 to index
          %swap3A_1554 = arith.constant 48 : index
          %swap3A_1555 = tpu.vector_load %arg14[%swap3A_1553, %swap3A_1554] {strides = array<i32>} : memref<80x128xf32, #tpu.memory_space<vmem>>, vector<1x16xf32>,
          %swap3A_1556 = vector.shape_cast %swap3A_1555 : vector<1x16xf32> to vector<16xf32>
          %swap3A_1557 = vector.shape_cast %mul3A_1552 : vector<16xf32> to vector<1x16xf32>
          tpu.vector_store %arg14[%swap3A_1553, %swap3A_1554], %swap3A_1557 {strides = array<i32>} : memref<80x128xf32, #tpu.memory_space<vmem>>, vector<1x16xf32>,
          %get3A_1558 = arith.index_cast %add3A_1517 : i32 to index
          %get3A_1559 = arith.constant 64 : index
          %get3A_1560 = tpu.vector_load %arg14[%get3A_1558, %get3A_1559] {strides = array<i32>} : memref<80x128xf32, #tpu.memory_space<vmem>>, vector<1x16xf32>,
          %get3A_1561 = vector.shape_cast %get3A_1560 : vector<1x16xf32> to vector<16xf32>
          %mul3A_1562 = arith.mulf %get3A_1561, %broadcast_in_dim3A_1513 : vector<16xf32>
          %swap3A_1563 = arith.index_cast %add3A_1517 : i32 to index
          %swap3A_1564 = arith.constant 64 : index
          %swap3A_1565 = tpu.vector_load %arg14[%swap3A_1563, %swap3A_1564] {strides = array<i32>} : memref<80x128xf32, #tpu.memory_space<vmem>>, vector<1x16xf32>,
          %swap3A_1566 = vector.shape_cast %swap3A_1565 : vector<1x16xf32> to vector<16xf32>
          %swap3A_1567 = vector.shape_cast %mul3A_1562 : vector<16xf32> to vector<1x16xf32>
          tpu.vector_store %arg14[%swap3A_1563, %swap3A_1564], %swap3A_1567 {strides = array<i32>} : memref<80x128xf32, #tpu.memory_space<vmem>>, vector<1x16xf32>,
          %get3A_1568 = arith.index_cast %add3A_1517 : i32 to index
          %get3A_1569 = arith.constant 80 : index
          %get3A_1570 = tpu.vector_load %arg14[%get3A_1568, %get3A_1569] {strides = array<i32>} : memref<80x128xf32, #tpu.memory_space<vmem>>, vector<1x16xf32>,
          %get3A_1571 = vector.shape_cast %get3A_1570 : vector<1x16xf32> to vector<16xf32>
          %mul3A_1572 = arith.mulf %get3A_1571, %broadcast_in_dim3A_1513 : vector<16xf32>
          %swap3A_1573 = arith.index_cast %add3A_1517 : i32 to index
          %swap3A_1574 = arith.constant 80 : index
          %swap3A_1575 = tpu.vector_load %arg14[%swap3A_1573, %swap3A_1574] {strides = array<i32>} : memref<80x128xf32, #tpu.memory_space<vmem>>, vector<1x16xf32>,
          %swap3A_1576 = vector.shape_cast %swap3A_1575 : vector<1x16xf32> to vector<16xf32>
          %swap3A_1577 = vector.shape_cast %mul3A_1572 : vector<16xf32> to vector<1x16xf32>
          tpu.vector_store %arg14[%swap3A_1573, %swap3A_1574], %swap3A_1577 {strides = array<i32>} : memref<80x128xf32, #tpu.memory_space<vmem>>, vector<1x16xf32>,
          %get3A_1578 = arith.index_cast %add3A_1517 : i32 to index
          %get3A_1579 = arith.constant 96 : index
          %get3A_1580 = tpu.vector_load %arg14[%get3A_1578, %get3A_1579] {strides = array<i32>} : memref<80x128xf32, #tpu.memory_space<vmem>>, vector<1x16xf32>,
          %get3A_1581 = vector.shape_cast %get3A_1580 : vector<1x16xf32> to vector<16xf32>
          %mul3A_1582 = arith.mulf %get3A_1581, %broadcast_in_dim3A_1513 : vector<16xf32>
          %swap3A_1583 = arith.index_cast %add3A_1517 : i32 to index
          %swap3A_1584 = arith.constant 96 : index
          %swap3A_1585 = tpu.vector_load %arg14[%swap3A_1583, %swap3A_1584] {strides = array<i32>} : memref<80x128xf32, #tpu.memory_space<vmem>>, vector<1x16xf32>,
          %swap3A_1586 = vector.shape_cast %swap3A_1585 : vector<1x16xf32> to vector<16xf32>
          %swap3A_1587 = vector.shape_cast %mul3A_1582 : vector<16xf32> to vector<1x16xf32>
          tpu.vector_store %arg14[%swap3A_1583, %swap3A_1584], %swap3A_1587 {strides = array<i32>} : memref<80x128xf32, #tpu.memory_space<vmem>>, vector<1x16xf32>,
          %get3A_1588 = arith.index_cast %add3A_1517 : i32 to index
          %get3A_1589 = arith.constant 112 : index
          %get3A_1590 = tpu.vector_load %arg14[%get3A_1588, %get3A_1589] {strides = array<i32>} : memref<80x128xf32, #tpu.memory_space<vmem>>, vector<1x16xf32>,
          %get3A_1591 = vector.shape_cast %get3A_1590 : vector<1x16xf32> to vector<16xf32>
          %mul3A_1592 = arith.mulf %get3A_1591, %broadcast_in_dim3A_1513 : vector<16xf32>
          %swap3A_1593 = arith.index_cast %add3A_1517 : i32 to index
          %swap3A_1594 = arith.constant 112 : index
          %swap3A_1595 = tpu.vector_load %arg14[%swap3A_1593, %swap3A_1594] {strides = array<i32>} : memref<80x128xf32, #tpu.memory_space<vmem>>, vector<1x16xf32>,
          %swap3A_1596 = vector.shape_cast %swap3A_1595 : vector<1x16xf32> to vector<16xf32>
          %swap3A_1597 = vector.shape_cast %mul3A_1592 : vector<16xf32> to vector<1x16xf32>
          tpu.vector_store %arg14[%swap3A_1593, %swap3A_1594], %swap3A_1597 {strides = array<i32>} : memref<80x128xf32, #tpu.memory_space<vmem>>, vector<1x16xf32>,
          %slice3A_1598 = vector.extract_strided_slice %get3A_468 {offsets = [13], sizes = [1], strides = [1]} : vector<16xf32> to vector<1xf32>
          %squeeze3A_1599 = vector.extract %slice3A_1598[0] : f32 from vector<1xf32>
          %broadcast_in_dim3A_1600 = vector.broadcast %squeeze3A_1599 : f32 to vector<16xf32>
          %mul3A_1601 = arith.constant 16 : i32
          %mul3A_1602 = arith.muli %scan3A_464, %mul3A_1601 : i32
          %add3A_1603 = arith.constant 13 : i32
          %add3A_1604 = arith.addi %mul3A_1602, %add3A_1603 : i32
          %get3A_1605 = arith.index_cast %add3A_1604 : i32 to index
          %get3A_1606 = arith.constant 0 : index
          %get3A_1607 = tpu.vector_load %arg14[%get3A_1605, %get3A_1606] {strides = array<i32>} : memref<80x128xf32, #tpu.memory_space<vmem>>, vector<1x16xf32>,
          %get3A_1608 = vector.shape_cast %get3A_1607 : vector<1x16xf32> to vector<16xf32>
          %mul3A_1609 = arith.mulf %get3A_1608, %broadcast_in_dim3A_1600 : vector<16xf32>
          %swap3A_1610 = arith.index_cast %add3A_1604 : i32 to index
          %swap3A_1611 = arith.constant 0 : index
          %swap3A_1612 = tpu.vector_load %arg14[%swap3A_1610, %swap3A_1611] {strides = array<i32>} : memref<80x128xf32, #tpu.memory_space<vmem>>, vector<1x16xf32>,
          %swap3A_1613 = vector.shape_cast %swap3A_1612 : vector<1x16xf32> to vector<16xf32>
          %swap3A_1614 = vector.shape_cast %mul3A_1609 : vector<16xf32> to vector<1x16xf32>
          tpu.vector_store %arg14[%swap3A_1610, %swap3A_1611], %swap3A_1614 {strides = array<i32>} : memref<80x128xf32, #tpu.memory_space<vmem>>, vector<1x16xf32>,
          %get3A_1615 = arith.index_cast %add3A_1604 : i32 to index
          %get3A_1616 = arith.constant 16 : index
          %get3A_1617 = tpu.vector_load %arg14[%get3A_1615, %get3A_1616] {strides = array<i32>} : memref<80x128xf32, #tpu.memory_space<vmem>>, vector<1x16xf32>,
          %get3A_1618 = vector.shape_cast %get3A_1617 : vector<1x16xf32> to vector<16xf32>
          %mul3A_1619 = arith.mulf %get3A_1618, %broadcast_in_dim3A_1600 : vector<16xf32>
          %swap3A_1620 = arith.index_cast %add3A_1604 : i32 to index
          %swap3A_1621 = arith.constant 16 : index
          %swap3A_1622 = tpu.vector_load %arg14[%swap3A_1620, %swap3A_1621] {strides = array<i32>} : memref<80x128xf32, #tpu.memory_space<vmem>>, vector<1x16xf32>,
          %swap3A_1623 = vector.shape_cast %swap3A_1622 : vector<1x16xf32> to vector<16xf32>
          %swap3A_1624 = vector.shape_cast %mul3A_1619 : vector<16xf32> to vector<1x16xf32>
          tpu.vector_store %arg14[%swap3A_1620, %swap3A_1621], %swap3A_1624 {strides = array<i32>} : memref<80x128xf32, #tpu.memory_space<vmem>>, vector<1x16xf32>,
          %get3A_1625 = arith.index_cast %add3A_1604 : i32 to index
          %get3A_1626 = arith.constant 32 : index
          %get3A_1627 = tpu.vector_load %arg14[%get3A_1625, %get3A_1626] {strides = array<i32>} : memref<80x128xf32, #tpu.memory_space<vmem>>, vector<1x16xf32>,
          %get3A_1628 = vector.shape_cast %get3A_1627 : vector<1x16xf32> to vector<16xf32>
          %mul3A_1629 = arith.mulf %get3A_1628, %broadcast_in_dim3A_1600 : vector<16xf32>
          %swap3A_1630 = arith.index_cast %add3A_1604 : i32 to index
          %swap3A_1631 = arith.constant 32 : index
          %swap3A_1632 = tpu.vector_load %arg14[%swap3A_1630, %swap3A_1631] {strides = array<i32>} : memref<80x128xf32, #tpu.memory_space<vmem>>, vector<1x16xf32>,
          %swap3A_1633 = vector.shape_cast %swap3A_1632 : vector<1x16xf32> to vector<16xf32>
          %swap3A_1634 = vector.shape_cast %mul3A_1629 : vector<16xf32> to vector<1x16xf32>
          tpu.vector_store %arg14[%swap3A_1630, %swap3A_1631], %swap3A_1634 {strides = array<i32>} : memref<80x128xf32, #tpu.memory_space<vmem>>, vector<1x16xf32>,
          %get3A_1635 = arith.index_cast %add3A_1604 : i32 to index
          %get3A_1636 = arith.constant 48 : index
          %get3A_1637 = tpu.vector_load %arg14[%get3A_1635, %get3A_1636] {strides = array<i32>} : memref<80x128xf32, #tpu.memory_space<vmem>>, vector<1x16xf32>,
          %get3A_1638 = vector.shape_cast %get3A_1637 : vector<1x16xf32> to vector<16xf32>
          %mul3A_1639 = arith.mulf %get3A_1638, %broadcast_in_dim3A_1600 : vector<16xf32>
          %swap3A_1640 = arith.index_cast %add3A_1604 : i32 to index
          %swap3A_1641 = arith.constant 48 : index
          %swap3A_1642 = tpu.vector_load %arg14[%swap3A_1640, %swap3A_1641] {strides = array<i32>} : memref<80x128xf32, #tpu.memory_space<vmem>>, vector<1x16xf32>,
          %swap3A_1643 = vector.shape_cast %swap3A_1642 : vector<1x16xf32> to vector<16xf32>
          %swap3A_1644 = vector.shape_cast %mul3A_1639 : vector<16xf32> to vector<1x16xf32>
          tpu.vector_store %arg14[%swap3A_1640, %swap3A_1641], %swap3A_1644 {strides = array<i32>} : memref<80x128xf32, #tpu.memory_space<vmem>>, vector<1x16xf32>,
          %get3A_1645 = arith.index_cast %add3A_1604 : i32 to index
          %get3A_1646 = arith.constant 64 : index
          %get3A_1647 = tpu.vector_load %arg14[%get3A_1645, %get3A_1646] {strides = array<i32>} : memref<80x128xf32, #tpu.memory_space<vmem>>, vector<1x16xf32>,
          %get3A_1648 = vector.shape_cast %get3A_1647 : vector<1x16xf32> to vector<16xf32>
          %mul3A_1649 = arith.mulf %get3A_1648, %broadcast_in_dim3A_1600 : vector<16xf32>
          %swap3A_1650 = arith.index_cast %add3A_1604 : i32 to index
          %swap3A_1651 = arith.constant 64 : index
          %swap3A_1652 = tpu.vector_load %arg14[%swap3A_1650, %swap3A_1651] {strides = array<i32>} : memref<80x128xf32, #tpu.memory_space<vmem>>, vector<1x16xf32>,
          %swap3A_1653 = vector.shape_cast %swap3A_1652 : vector<1x16xf32> to vector<16xf32>
          %swap3A_1654 = vector.shape_cast %mul3A_1649 : vector<16xf32> to vector<1x16xf32>
          tpu.vector_store %arg14[%swap3A_1650, %swap3A_1651], %swap3A_1654 {strides = array<i32>} : memref<80x128xf32, #tpu.memory_space<vmem>>, vector<1x16xf32>,
          %get3A_1655 = arith.index_cast %add3A_1604 : i32 to index
          %get3A_1656 = arith.constant 80 : index
          %get3A_1657 = tpu.vector_load %arg14[%get3A_1655, %get3A_1656] {strides = array<i32>} : memref<80x128xf32, #tpu.memory_space<vmem>>, vector<1x16xf32>,
          %get3A_1658 = vector.shape_cast %get3A_1657 : vector<1x16xf32> to vector<16xf32>
          %mul3A_1659 = arith.mulf %get3A_1658, %broadcast_in_dim3A_1600 : vector<16xf32>
          %swap3A_1660 = arith.index_cast %add3A_1604 : i32 to index
          %swap3A_1661 = arith.constant 80 : index
          %swap3A_1662 = tpu.vector_load %arg14[%swap3A_1660, %swap3A_1661] {strides = array<i32>} : memref<80x128xf32, #tpu.memory_space<vmem>>, vector<1x16xf32>,
          %swap3A_1663 = vector.shape_cast %swap3A_1662 : vector<1x16xf32> to vector<16xf32>
          %swap3A_1664 = vector.shape_cast %mul3A_1659 : vector<16xf32> to vector<1x16xf32>
          tpu.vector_store %arg14[%swap3A_1660, %swap3A_1661], %swap3A_1664 {strides = array<i32>} : memref<80x128xf32, #tpu.memory_space<vmem>>, vector<1x16xf32>,
          %get3A_1665 = arith.index_cast %add3A_1604 : i32 to index
          %get3A_1666 = arith.constant 96 : index
          %get3A_1667 = tpu.vector_load %arg14[%get3A_1665, %get3A_1666] {strides = array<i32>} : memref<80x128xf32, #tpu.memory_space<vmem>>, vector<1x16xf32>,
          %get3A_1668 = vector.shape_cast %get3A_1667 : vector<1x16xf32> to vector<16xf32>
          %mul3A_1669 = arith.mulf %get3A_1668, %broadcast_in_dim3A_1600 : vector<16xf32>
          %swap3A_1670 = arith.index_cast %add3A_1604 : i32 to index
          %swap3A_1671 = arith.constant 96 : index
          %swap3A_1672 = tpu.vector_load %arg14[%swap3A_1670, %swap3A_1671] {strides = array<i32>} : memref<80x128xf32, #tpu.memory_space<vmem>>, vector<1x16xf32>,
          %swap3A_1673 = vector.shape_cast %swap3A_1672 : vector<1x16xf32> to vector<16xf32>
          %swap3A_1674 = vector.shape_cast %mul3A_1669 : vector<16xf32> to vector<1x16xf32>
          tpu.vector_store %arg14[%swap3A_1670, %swap3A_1671], %swap3A_1674 {strides = array<i32>} : memref<80x128xf32, #tpu.memory_space<vmem>>, vector<1x16xf32>,
          %get3A_1675 = arith.index_cast %add3A_1604 : i32 to index
          %get3A_1676 = arith.constant 112 : index
          %get3A_1677 = tpu.vector_load %arg14[%get3A_1675, %get3A_1676] {strides = array<i32>} : memref<80x128xf32, #tpu.memory_space<vmem>>, vector<1x16xf32>,
          %get3A_1678 = vector.shape_cast %get3A_1677 : vector<1x16xf32> to vector<16xf32>
          %mul3A_1679 = arith.mulf %get3A_1678, %broadcast_in_dim3A_1600 : vector<16xf32>
          %swap3A_1680 = arith.index_cast %add3A_1604 : i32 to index
          %swap3A_1681 = arith.constant 112 : index
          %swap3A_1682 = tpu.vector_load %arg14[%swap3A_1680, %swap3A_1681] {strides = array<i32>} : memref<80x128xf32, #tpu.memory_space<vmem>>, vector<1x16xf32>,
          %swap3A_1683 = vector.shape_cast %swap3A_1682 : vector<1x16xf32> to vector<16xf32>
          %swap3A_1684 = vector.shape_cast %mul3A_1679 : vector<16xf32> to vector<1x16xf32>
          tpu.vector_store %arg14[%swap3A_1680, %swap3A_1681], %swap3A_1684 {strides = array<i32>} : memref<80x128xf32, #tpu.memory_space<vmem>>, vector<1x16xf32>,
          %slice3A_1685 = vector.extract_strided_slice %get3A_468 {offsets = [14], sizes = [1], strides = [1]} : vector<16xf32> to vector<1xf32>
          %squeeze3A_1686 = vector.extract %slice3A_1685[0] : f32 from vector<1xf32>
          %broadcast_in_dim3A_1687 = vector.broadcast %squeeze3A_1686 : f32 to vector<16xf32>
          %mul3A_1688 = arith.constant 16 : i32
          %mul3A_1689 = arith.muli %scan3A_464, %mul3A_1688 : i32
          %add3A_1690 = arith.constant 14 : i32
          %add3A_1691 = arith.addi %mul3A_1689, %add3A_1690 : i32
          %get3A_1692 = arith.index_cast %add3A_1691 : i32 to index
          %get3A_1693 = arith.constant 0 : index
          %get3A_1694 = tpu.vector_load %arg14[%get3A_1692, %get3A_1693] {strides = array<i32>} : memref<80x128xf32, #tpu.memory_space<vmem>>, vector<1x16xf32>,
          %get3A_1695 = vector.shape_cast %get3A_1694 : vector<1x16xf32> to vector<16xf32>
          %mul3A_1696 = arith.mulf %get3A_1695, %broadcast_in_dim3A_1687 : vector<16xf32>
          %swap3A_1697 = arith.index_cast %add3A_1691 : i32 to index
          %swap3A_1698 = arith.constant 0 : index
          %swap3A_1699 = tpu.vector_load %arg14[%swap3A_1697, %swap3A_1698] {strides = array<i32>} : memref<80x128xf32, #tpu.memory_space<vmem>>, vector<1x16xf32>,
          %swap3A_1700 = vector.shape_cast %swap3A_1699 : vector<1x16xf32> to vector<16xf32>
          %swap3A_1701 = vector.shape_cast %mul3A_1696 : vector<16xf32> to vector<1x16xf32>
          tpu.vector_store %arg14[%swap3A_1697, %swap3A_1698], %swap3A_1701 {strides = array<i32>} : memref<80x128xf32, #tpu.memory_space<vmem>>, vector<1x16xf32>,
          %get3A_1702 = arith.index_cast %add3A_1691 : i32 to index
          %get3A_1703 = arith.constant 16 : index
          %get3A_1704 = tpu.vector_load %arg14[%get3A_1702, %get3A_1703] {strides = array<i32>} : memref<80x128xf32, #tpu.memory_space<vmem>>, vector<1x16xf32>,
          %get3A_1705 = vector.shape_cast %get3A_1704 : vector<1x16xf32> to vector<16xf32>
          %mul3A_1706 = arith.mulf %get3A_1705, %broadcast_in_dim3A_1687 : vector<16xf32>
          %swap3A_1707 = arith.index_cast %add3A_1691 : i32 to index
          %swap3A_1708 = arith.constant 16 : index
          %swap3A_1709 = tpu.vector_load %arg14[%swap3A_1707, %swap3A_1708] {strides = array<i32>} : memref<80x128xf32, #tpu.memory_space<vmem>>, vector<1x16xf32>,
          %swap3A_1710 = vector.shape_cast %swap3A_1709 : vector<1x16xf32> to vector<16xf32>
          %swap3A_1711 = vector.shape_cast %mul3A_1706 : vector<16xf32> to vector<1x16xf32>
          tpu.vector_store %arg14[%swap3A_1707, %swap3A_1708], %swap3A_1711 {strides = array<i32>} : memref<80x128xf32, #tpu.memory_space<vmem>>, vector<1x16xf32>,
          %get3A_1712 = arith.index_cast %add3A_1691 : i32 to index
          %get3A_1713 = arith.constant 32 : index
          %get3A_1714 = tpu.vector_load %arg14[%get3A_1712, %get3A_1713] {strides = array<i32>} : memref<80x128xf32, #tpu.memory_space<vmem>>, vector<1x16xf32>,
          %get3A_1715 = vector.shape_cast %get3A_1714 : vector<1x16xf32> to vector<16xf32>
          %mul3A_1716 = arith.mulf %get3A_1715, %broadcast_in_dim3A_1687 : vector<16xf32>
          %swap3A_1717 = arith.index_cast %add3A_1691 : i32 to index
          %swap3A_1718 = arith.constant 32 : index
          %swap3A_1719 = tpu.vector_load %arg14[%swap3A_1717, %swap3A_1718] {strides = array<i32>} : memref<80x128xf32, #tpu.memory_space<vmem>>, vector<1x16xf32>,
          %swap3A_1720 = vector.shape_cast %swap3A_1719 : vector<1x16xf32> to vector<16xf32>
          %swap3A_1721 = vector.shape_cast %mul3A_1716 : vector<16xf32> to vector<1x16xf32>
          tpu.vector_store %arg14[%swap3A_1717, %swap3A_1718], %swap3A_1721 {strides = array<i32>} : memref<80x128xf32, #tpu.memory_space<vmem>>, vector<1x16xf32>,
          %get3A_1722 = arith.index_cast %add3A_1691 : i32 to index
          %get3A_1723 = arith.constant 48 : index
          %get3A_1724 = tpu.vector_load %arg14[%get3A_1722, %get3A_1723] {strides = array<i32>} : memref<80x128xf32, #tpu.memory_space<vmem>>, vector<1x16xf32>,
          %get3A_1725 = vector.shape_cast %get3A_1724 : vector<1x16xf32> to vector<16xf32>
          %mul3A_1726 = arith.mulf %get3A_1725, %broadcast_in_dim3A_1687 : vector<16xf32>
          %swap3A_1727 = arith.index_cast %add3A_1691 : i32 to index
          %swap3A_1728 = arith.constant 48 : index
          %swap3A_1729 = tpu.vector_load %arg14[%swap3A_1727, %swap3A_1728] {strides = array<i32>} : memref<80x128xf32, #tpu.memory_space<vmem>>, vector<1x16xf32>,
          %swap3A_1730 = vector.shape_cast %swap3A_1729 : vector<1x16xf32> to vector<16xf32>
          %swap3A_1731 = vector.shape_cast %mul3A_1726 : vector<16xf32> to vector<1x16xf32>
          tpu.vector_store %arg14[%swap3A_1727, %swap3A_1728], %swap3A_1731 {strides = array<i32>} : memref<80x128xf32, #tpu.memory_space<vmem>>, vector<1x16xf32>,
          %get3A_1732 = arith.index_cast %add3A_1691 : i32 to index
          %get3A_1733 = arith.constant 64 : index
          %get3A_1734 = tpu.vector_load %arg14[%get3A_1732, %get3A_1733] {strides = array<i32>} : memref<80x128xf32, #tpu.memory_space<vmem>>, vector<1x16xf32>,
          %get3A_1735 = vector.shape_cast %get3A_1734 : vector<1x16xf32> to vector<16xf32>
          %mul3A_1736 = arith.mulf %get3A_1735, %broadcast_in_dim3A_1687 : vector<16xf32>
          %swap3A_1737 = arith.index_cast %add3A_1691 : i32 to index
          %swap3A_1738 = arith.constant 64 : index
          %swap3A_1739 = tpu.vector_load %arg14[%swap3A_1737, %swap3A_1738] {strides = array<i32>} : memref<80x128xf32, #tpu.memory_space<vmem>>, vector<1x16xf32>,
          %swap3A_1740 = vector.shape_cast %swap3A_1739 : vector<1x16xf32> to vector<16xf32>
          %swap3A_1741 = vector.shape_cast %mul3A_1736 : vector<16xf32> to vector<1x16xf32>
          tpu.vector_store %arg14[%swap3A_1737, %swap3A_1738], %swap3A_1741 {strides = array<i32>} : memref<80x128xf32, #tpu.memory_space<vmem>>, vector<1x16xf32>,
          %get3A_1742 = arith.index_cast %add3A_1691 : i32 to index
          %get3A_1743 = arith.constant 80 : index
          %get3A_1744 = tpu.vector_load %arg14[%get3A_1742, %get3A_1743] {strides = array<i32>} : memref<80x128xf32, #tpu.memory_space<vmem>>, vector<1x16xf32>,
          %get3A_1745 = vector.shape_cast %get3A_1744 : vector<1x16xf32> to vector<16xf32>
          %mul3A_1746 = arith.mulf %get3A_1745, %broadcast_in_dim3A_1687 : vector<16xf32>
          %swap3A_1747 = arith.index_cast %add3A_1691 : i32 to index
          %swap3A_1748 = arith.constant 80 : index
          %swap3A_1749 = tpu.vector_load %arg14[%swap3A_1747, %swap3A_1748] {strides = array<i32>} : memref<80x128xf32, #tpu.memory_space<vmem>>, vector<1x16xf32>,
          %swap3A_1750 = vector.shape_cast %swap3A_1749 : vector<1x16xf32> to vector<16xf32>
          %swap3A_1751 = vector.shape_cast %mul3A_1746 : vector<16xf32> to vector<1x16xf32>
          tpu.vector_store %arg14[%swap3A_1747, %swap3A_1748], %swap3A_1751 {strides = array<i32>} : memref<80x128xf32, #tpu.memory_space<vmem>>, vector<1x16xf32>,
          %get3A_1752 = arith.index_cast %add3A_1691 : i32 to index
          %get3A_1753 = arith.constant 96 : index
          %get3A_1754 = tpu.vector_load %arg14[%get3A_1752, %get3A_1753] {strides = array<i32>} : memref<80x128xf32, #tpu.memory_space<vmem>>, vector<1x16xf32>,
          %get3A_1755 = vector.shape_cast %get3A_1754 : vector<1x16xf32> to vector<16xf32>
          %mul3A_1756 = arith.mulf %get3A_1755, %broadcast_in_dim3A_1687 : vector<16xf32>
          %swap3A_1757 = arith.index_cast %add3A_1691 : i32 to index
          %swap3A_1758 = arith.constant 96 : index
          %swap3A_1759 = tpu.vector_load %arg14[%swap3A_1757, %swap3A_1758] {strides = array<i32>} : memref<80x128xf32, #tpu.memory_space<vmem>>, vector<1x16xf32>,
          %swap3A_1760 = vector.shape_cast %swap3A_1759 : vector<1x16xf32> to vector<16xf32>
          %swap3A_1761 = vector.shape_cast %mul3A_1756 : vector<16xf32> to vector<1x16xf32>
          tpu.vector_store %arg14[%swap3A_1757, %swap3A_1758], %swap3A_1761 {strides = array<i32>} : memref<80x128xf32, #tpu.memory_space<vmem>>, vector<1x16xf32>,
          %get3A_1762 = arith.index_cast %add3A_1691 : i32 to index
          %get3A_1763 = arith.constant 112 : index
          %get3A_1764 = tpu.vector_load %arg14[%get3A_1762, %get3A_1763] {strides = array<i32>} : memref<80x128xf32, #tpu.memory_space<vmem>>, vector<1x16xf32>,
          %get3A_1765 = vector.shape_cast %get3A_1764 : vector<1x16xf32> to vector<16xf32>
          %mul3A_1766 = arith.mulf %get3A_1765, %broadcast_in_dim3A_1687 : vector<16xf32>
          %swap3A_1767 = arith.index_cast %add3A_1691 : i32 to index
          %swap3A_1768 = arith.constant 112 : index
          %swap3A_1769 = tpu.vector_load %arg14[%swap3A_1767, %swap3A_1768] {strides = array<i32>} : memref<80x128xf32, #tpu.memory_space<vmem>>, vector<1x16xf32>,
          %swap3A_1770 = vector.shape_cast %swap3A_1769 : vector<1x16xf32> to vector<16xf32>
          %swap3A_1771 = vector.shape_cast %mul3A_1766 : vector<16xf32> to vector<1x16xf32>
          tpu.vector_store %arg14[%swap3A_1767, %swap3A_1768], %swap3A_1771 {strides = array<i32>} : memref<80x128xf32, #tpu.memory_space<vmem>>, vector<1x16xf32>,
          %slice3A_1772 = vector.extract_strided_slice %get3A_468 {offsets = [15], sizes = [1], strides = [1]} : vector<16xf32> to vector<1xf32>
          %squeeze3A_1773 = vector.extract %slice3A_1772[0] : f32 from vector<1xf32>
          %broadcast_in_dim3A_1774 = vector.broadcast %squeeze3A_1773 : f32 to vector<16xf32>
          %mul3A_1775 = arith.constant 16 : i32
          %mul3A_1776 = arith.muli %scan3A_464, %mul3A_1775 : i32
          %add3A_1777 = arith.constant 15 : i32
          %add3A_1778 = arith.addi %mul3A_1776, %add3A_1777 : i32
          %get3A_1779 = arith.index_cast %add3A_1778 : i32 to index
          %get3A_1780 = arith.constant 0 : index
          %get3A_1781 = tpu.vector_load %arg14[%get3A_1779, %get3A_1780] {strides = array<i32>} : memref<80x128xf32, #tpu.memory_space<vmem>>, vector<1x16xf32>,
          %get3A_1782 = vector.shape_cast %get3A_1781 : vector<1x16xf32> to vector<16xf32>
          %mul3A_1783 = arith.mulf %get3A_1782, %broadcast_in_dim3A_1774 : vector<16xf32>
          %swap3A_1784 = arith.index_cast %add3A_1778 : i32 to index
          %swap3A_1785 = arith.constant 0 : index
          %swap3A_1786 = tpu.vector_load %arg14[%swap3A_1784, %swap3A_1785] {strides = array<i32>} : memref<80x128xf32, #tpu.memory_space<vmem>>, vector<1x16xf32>,
          %swap3A_1787 = vector.shape_cast %swap3A_1786 : vector<1x16xf32> to vector<16xf32>
          %swap3A_1788 = vector.shape_cast %mul3A_1783 : vector<16xf32> to vector<1x16xf32>
          tpu.vector_store %arg14[%swap3A_1784, %swap3A_1785], %swap3A_1788 {strides = array<i32>} : memref<80x128xf32, #tpu.memory_space<vmem>>, vector<1x16xf32>,
          %get3A_1789 = arith.index_cast %add3A_1778 : i32 to index
          %get3A_1790 = arith.constant 16 : index
          %get3A_1791 = tpu.vector_load %arg14[%get3A_1789, %get3A_1790] {strides = array<i32>} : memref<80x128xf32, #tpu.memory_space<vmem>>, vector<1x16xf32>,
          %get3A_1792 = vector.shape_cast %get3A_1791 : vector<1x16xf32> to vector<16xf32>
          %mul3A_1793 = arith.mulf %get3A_1792, %broadcast_in_dim3A_1774 : vector<16xf32>
          %swap3A_1794 = arith.index_cast %add3A_1778 : i32 to index
          %swap3A_1795 = arith.constant 16 : index
          %swap3A_1796 = tpu.vector_load %arg14[%swap3A_1794, %swap3A_1795] {strides = array<i32>} : memref<80x128xf32, #tpu.memory_space<vmem>>, vector<1x16xf32>,
          %swap3A_1797 = vector.shape_cast %swap3A_1796 : vector<1x16xf32> to vector<16xf32>
          %swap3A_1798 = vector.shape_cast %mul3A_1793 : vector<16xf32> to vector<1x16xf32>
          tpu.vector_store %arg14[%swap3A_1794, %swap3A_1795], %swap3A_1798 {strides = array<i32>} : memref<80x128xf32, #tpu.memory_space<vmem>>, vector<1x16xf32>,
          %get3A_1799 = arith.index_cast %add3A_1778 : i32 to index
          %get3A_1800 = arith.constant 32 : index
          %get3A_1801 = tpu.vector_load %arg14[%get3A_1799, %get3A_1800] {strides = array<i32>} : memref<80x128xf32, #tpu.memory_space<vmem>>, vector<1x16xf32>,
          %get3A_1802 = vector.shape_cast %get3A_1801 : vector<1x16xf32> to vector<16xf32>
          %mul3A_1803 = arith.mulf %get3A_1802, %broadcast_in_dim3A_1774 : vector<16xf32>
          %swap3A_1804 = arith.index_cast %add3A_1778 : i32 to index
          %swap3A_1805 = arith.constant 32 : index
          %swap3A_1806 = tpu.vector_load %arg14[%swap3A_1804, %swap3A_1805] {strides = array<i32>} : memref<80x128xf32, #tpu.memory_space<vmem>>, vector<1x16xf32>,
          %swap3A_1807 = vector.shape_cast %swap3A_1806 : vector<1x16xf32> to vector<16xf32>
          %swap3A_1808 = vector.shape_cast %mul3A_1803 : vector<16xf32> to vector<1x16xf32>
          tpu.vector_store %arg14[%swap3A_1804, %swap3A_1805], %swap3A_1808 {strides = array<i32>} : memref<80x128xf32, #tpu.memory_space<vmem>>, vector<1x16xf32>,
          %get3A_1809 = arith.index_cast %add3A_1778 : i32 to index
          %get3A_1810 = arith.constant 48 : index
          %get3A_1811 = tpu.vector_load %arg14[%get3A_1809, %get3A_1810] {strides = array<i32>} : memref<80x128xf32, #tpu.memory_space<vmem>>, vector<1x16xf32>,
          %get3A_1812 = vector.shape_cast %get3A_1811 : vector<1x16xf32> to vector<16xf32>
          %mul3A_1813 = arith.mulf %get3A_1812, %broadcast_in_dim3A_1774 : vector<16xf32>
          %swap3A_1814 = arith.index_cast %add3A_1778 : i32 to index
          %swap3A_1815 = arith.constant 48 : index
          %swap3A_1816 = tpu.vector_load %arg14[%swap3A_1814, %swap3A_1815] {strides = array<i32>} : memref<80x128xf32, #tpu.memory_space<vmem>>, vector<1x16xf32>,
          %swap3A_1817 = vector.shape_cast %swap3A_1816 : vector<1x16xf32> to vector<16xf32>
          %swap3A_1818 = vector.shape_cast %mul3A_1813 : vector<16xf32> to vector<1x16xf32>
          tpu.vector_store %arg14[%swap3A_1814, %swap3A_1815], %swap3A_1818 {strides = array<i32>} : memref<80x128xf32, #tpu.memory_space<vmem>>, vector<1x16xf32>,
          %get3A_1819 = arith.index_cast %add3A_1778 : i32 to index
          %get3A_1820 = arith.constant 64 : index
          %get3A_1821 = tpu.vector_load %arg14[%get3A_1819, %get3A_1820] {strides = array<i32>} : memref<80x128xf32, #tpu.memory_space<vmem>>, vector<1x16xf32>,
          %get3A_1822 = vector.shape_cast %get3A_1821 : vector<1x16xf32> to vector<16xf32>
          %mul3A_1823 = arith.mulf %get3A_1822, %broadcast_in_dim3A_1774 : vector<16xf32>
          %swap3A_1824 = arith.index_cast %add3A_1778 : i32 to index
          %swap3A_1825 = arith.constant 64 : index
          %swap3A_1826 = tpu.vector_load %arg14[%swap3A_1824, %swap3A_1825] {strides = array<i32>} : memref<80x128xf32, #tpu.memory_space<vmem>>, vector<1x16xf32>,
          %swap3A_1827 = vector.shape_cast %swap3A_1826 : vector<1x16xf32> to vector<16xf32>
          %swap3A_1828 = vector.shape_cast %mul3A_1823 : vector<16xf32> to vector<1x16xf32>
          tpu.vector_store %arg14[%swap3A_1824, %swap3A_1825], %swap3A_1828 {strides = array<i32>} : memref<80x128xf32, #tpu.memory_space<vmem>>, vector<1x16xf32>,
          %get3A_1829 = arith.index_cast %add3A_1778 : i32 to index
          %get3A_1830 = arith.constant 80 : index
          %get3A_1831 = tpu.vector_load %arg14[%get3A_1829, %get3A_1830] {strides = array<i32>} : memref<80x128xf32, #tpu.memory_space<vmem>>, vector<1x16xf32>,
          %get3A_1832 = vector.shape_cast %get3A_1831 : vector<1x16xf32> to vector<16xf32>
          %mul3A_1833 = arith.mulf %get3A_1832, %broadcast_in_dim3A_1774 : vector<16xf32>
          %swap3A_1834 = arith.index_cast %add3A_1778 : i32 to index
          %swap3A_1835 = arith.constant 80 : index
          %swap3A_1836 = tpu.vector_load %arg14[%swap3A_1834, %swap3A_1835] {strides = array<i32>} : memref<80x128xf32, #tpu.memory_space<vmem>>, vector<1x16xf32>,
          %swap3A_1837 = vector.shape_cast %swap3A_1836 : vector<1x16xf32> to vector<16xf32>
          %swap3A_1838 = vector.shape_cast %mul3A_1833 : vector<16xf32> to vector<1x16xf32>
          tpu.vector_store %arg14[%swap3A_1834, %swap3A_1835], %swap3A_1838 {strides = array<i32>} : memref<80x128xf32, #tpu.memory_space<vmem>>, vector<1x16xf32>,
          %get3A_1839 = arith.index_cast %add3A_1778 : i32 to index
          %get3A_1840 = arith.constant 96 : index
          %get3A_1841 = tpu.vector_load %arg14[%get3A_1839, %get3A_1840] {strides = array<i32>} : memref<80x128xf32, #tpu.memory_space<vmem>>, vector<1x16xf32>,
          %get3A_1842 = vector.shape_cast %get3A_1841 : vector<1x16xf32> to vector<16xf32>
          %mul3A_1843 = arith.mulf %get3A_1842, %broadcast_in_dim3A_1774 : vector<16xf32>
          %swap3A_1844 = arith.index_cast %add3A_1778 : i32 to index
          %swap3A_1845 = arith.constant 96 : index
          %swap3A_1846 = tpu.vector_load %arg14[%swap3A_1844, %swap3A_1845] {strides = array<i32>} : memref<80x128xf32, #tpu.memory_space<vmem>>, vector<1x16xf32>,
          %swap3A_1847 = vector.shape_cast %swap3A_1846 : vector<1x16xf32> to vector<16xf32>
          %swap3A_1848 = vector.shape_cast %mul3A_1843 : vector<16xf32> to vector<1x16xf32>
          tpu.vector_store %arg14[%swap3A_1844, %swap3A_1845], %swap3A_1848 {strides = array<i32>} : memref<80x128xf32, #tpu.memory_space<vmem>>, vector<1x16xf32>,
          %get3A_1849 = arith.index_cast %add3A_1778 : i32 to index
          %get3A_1850 = arith.constant 112 : index
          %get3A_1851 = tpu.vector_load %arg14[%get3A_1849, %get3A_1850] {strides = array<i32>} : memref<80x128xf32, #tpu.memory_space<vmem>>, vector<1x16xf32>,
          %get3A_1852 = vector.shape_cast %get3A_1851 : vector<1x16xf32> to vector<16xf32>
          %mul3A_1853 = arith.mulf %get3A_1852, %broadcast_in_dim3A_1774 : vector<16xf32>
          %swap3A_1854 = arith.index_cast %add3A_1778 : i32 to index
          %swap3A_1855 = arith.constant 112 : index
          %swap3A_1856 = tpu.vector_load %arg14[%swap3A_1854, %swap3A_1855] {strides = array<i32>} : memref<80x128xf32, #tpu.memory_space<vmem>>, vector<1x16xf32>,
          %swap3A_1857 = vector.shape_cast %swap3A_1856 : vector<1x16xf32> to vector<16xf32>
          %swap3A_1858 = vector.shape_cast %mul3A_1853 : vector<16xf32> to vector<1x16xf32>
          tpu.vector_store %arg14[%swap3A_1854, %swap3A_1855], %swap3A_1858 {strides = array<i32>} : memref<80x128xf32, #tpu.memory_space<vmem>>, vector<1x16xf32>,
        }
        %scan3A_456 = arith.constant 5 : i32
        "tpu.region"() ({
          %run_scoped3A = tpu.sem_alloc : memref<!tpu.dma_semaphore, #tpu.memory_space<semaphore_mem>>
          %dma_start3A_464 = arith.constant 0 : i32
          %dma_start3A_465 = arith.constant 0 : i32
          %dma_start3A_466 = tpu.memref_slice %arg15[%dma_start3A_464, %dma_start3A_465] : memref<10112x128xf32, #tpu.memory_space<vmem_shared>> -> memref<10112x128xf32, #tpu.memory_space<vmem_shared>>
          tpu.enqueue_indirect_dma source(%arg14 : memref<80x128xf32, #tpu.memory_space<vmem>>) target(%dma_start3A_466 : memref<10112x128xf32, #tpu.memory_space<vmem_shared>>) offsets(%arg10 : memref<80xi32, #tpu.memory_space<vmem>>) semaphore(%run_scoped3A : memref<!tpu.dma_semaphore, #tpu.memory_space<semaphore_mem>>) {add = true}
          %dma_wait3A_467 = arith.constant 0 : i32
          %dma_wait3A_468 = arith.constant 0 : i32
          %dma_wait3A_469 = tpu.memref_slice %arg15[%dma_wait3A_467, %dma_wait3A_468] : memref<10112x128xf32, #tpu.memory_space<vmem_shared>> -> memref<10112x128xf32, #tpu.memory_space<vmem_shared>>
          tpu.wait_indirect_dma semaphore(%run_scoped3A : memref<!tpu.dma_semaphore, #tpu.memory_space<semaphore_mem>>) src(%arg14 : memref<80x128xf32, #tpu.memory_space<vmem>>) dst(%dma_wait3A_469 : memref<10112x128xf32, #tpu.memory_space<vmem_shared>>)
          tpu.yield
        }) : () -> ()
        %add3A_457 = arith.constant 2 : i32
        %add3A_458 = arith.addi %scan3A_412, %add3A_457 : i32
        %lt3A_459 = arith.constant 125 : i32
        %lt3A_460 = arith.cmpi slt, %add3A_458, %lt3A_459 : i32
        %convert_element_type3A_461 = arith.extui %lt3A_460 : i1 to i32
        %cond3A_462 = arith.constant 0 : i32
        %cond3A_463 = arith.cmpi ne, %convert_element_type3A_461, %cond3A_462 : i32
        scf.if %cond3A_463 {
          %add3A_464 = arith.constant 2 : i32
          %add3A_465 = arith.addi %scan3A_412, %add3A_464 : i32
          %mul3A_466 = arith.constant 80 : i32
          %mul3A_467 = arith.muli %add3A_465, %mul3A_466 : i32
          %add3A_468 = arith.addi %mul3A_393, %mul3A_467 : i32
          "tpu.region"() ({
            %run_scoped3A = tpu.sem_alloc : memref<!tpu.dma_semaphore, #tpu.memory_space<semaphore_mem>>
            %dma_start3A_472 = tpu.memref_slice %arg3[%add3A_468] : memref<320000xi32, #tpu.memory_space<hbm>> -> memref<80xi32, #tpu.memory_space<hbm>>
            %dma_start3A_473 = tpu.memref_slice %arg3[%add3A_468] : memref<320000xi32, #tpu.memory_space<hbm>> -> memref<80xi32, #tpu.memory_space<hbm>>
            tpu.enqueue_dma source(%dma_start3A_473 : memref<80xi32, #tpu.memory_space<hbm>>) target(%arg8 : memref<80xi32, #tpu.memory_space<vmem>>) target_semaphore(%run_scoped3A : memref<!tpu.dma_semaphore, #tpu.memory_space<semaphore_mem>>)
            %dma_wait3A_474 = tpu.memref_slice %arg3[%add3A_468] : memref<320000xi32, #tpu.memory_space<hbm>> -> memref<80xi32, #tpu.memory_space<hbm>>
            %dma_wait3A_475 = tpu.memref_slice %arg3[%add3A_468] : memref<320000xi32, #tpu.memory_space<hbm>> -> memref<80xi32, #tpu.memory_space<hbm>>
            tpu.wait_dma2 semaphore(%run_scoped3A : memref<!tpu.dma_semaphore, #tpu.memory_space<semaphore_mem>>) src(%dma_wait3A_475 : memref<80xi32, #tpu.memory_space<hbm>>) dst(%arg8 : memref<80xi32, #tpu.memory_space<vmem>>)
            tpu.yield
          }) : () -> ()
          "tpu.region"() ({
            %run_scoped3A = tpu.sem_alloc : memref<!tpu.dma_semaphore, #tpu.memory_space<semaphore_mem>>
            %dma_start3A_472 = tpu.memref_slice %arg4[%add3A_468] : memref<320000xi32, #tpu.memory_space<hbm>> -> memref<80xi32, #tpu.memory_space<hbm>>
            %dma_start3A_473 = tpu.memref_slice %arg4[%add3A_468] : memref<320000xi32, #tpu.memory_space<hbm>> -> memref<80xi32, #tpu.memory_space<hbm>>
            tpu.enqueue_dma source(%dma_start3A_473 : memref<80xi32, #tpu.memory_space<hbm>>) target(%arg10 : memref<80xi32, #tpu.memory_space<vmem>>) target_semaphore(%run_scoped3A : memref<!tpu.dma_semaphore, #tpu.memory_space<semaphore_mem>>)
            %dma_wait3A_474 = tpu.memref_slice %arg4[%add3A_468] : memref<320000xi32, #tpu.memory_space<hbm>> -> memref<80xi32, #tpu.memory_space<hbm>>
            %dma_wait3A_475 = tpu.memref_slice %arg4[%add3A_468] : memref<320000xi32, #tpu.memory_space<hbm>> -> memref<80xi32, #tpu.memory_space<hbm>>
            tpu.wait_dma2 semaphore(%run_scoped3A : memref<!tpu.dma_semaphore, #tpu.memory_space<semaphore_mem>>) src(%dma_wait3A_475 : memref<80xi32, #tpu.memory_space<hbm>>) dst(%arg10 : memref<80xi32, #tpu.memory_space<vmem>>)
            tpu.yield
          }) : () -> ()
          "tpu.region"() ({
            %run_scoped3A = tpu.sem_alloc : memref<!tpu.dma_semaphore, #tpu.memory_space<semaphore_mem>>
            %dma_start3A_472 = tpu.memref_slice %arg5[%add3A_468] : memref<320000xf32, #tpu.memory_space<hbm>> -> memref<80xf32, #tpu.memory_space<hbm>>
            %dma_start3A_473 = tpu.memref_slice %arg5[%add3A_468] : memref<320000xf32, #tpu.memory_space<hbm>> -> memref<80xf32, #tpu.memory_space<hbm>>
            tpu.enqueue_dma source(%dma_start3A_473 : memref<80xf32, #tpu.memory_space<hbm>>) target(%arg12 : memref<80xf32, #tpu.memory_space<vmem>>) target_semaphore(%run_scoped3A : memref<!tpu.dma_semaphore, #tpu.memory_space<semaphore_mem>>)
            %dma_wait3A_474 = tpu.memref_slice %arg5[%add3A_468] : memref<320000xf32, #tpu.memory_space<hbm>> -> memref<80xf32, #tpu.memory_space<hbm>>
            %dma_wait3A_475 = tpu.memref_slice %arg5[%add3A_468] : memref<320000xf32, #tpu.memory_space<hbm>> -> memref<80xf32, #tpu.memory_space<hbm>>
            tpu.wait_dma2 semaphore(%run_scoped3A : memref<!tpu.dma_semaphore, #tpu.memory_space<semaphore_mem>>) src(%dma_wait3A_475 : memref<80xf32, #tpu.memory_space<hbm>>) dst(%arg12 : memref<80xf32, #tpu.memory_space<vmem>>)
            tpu.yield
          }) : () -> ()
          %dma_start3A_469 = arith.constant 0 : i32
          %dma_start3A_470 = arith.constant 0 : i32
          %dma_start3A_471 = tpu.memref_slice %arg2[%dma_start3A_469, %dma_start3A_470] : memref<10000x128xf32, #tpu.memory_space<hbm>> -> memref<10000x128xf32, #tpu.memory_space<hbm>>
          tpu.enqueue_indirect_dma source(%dma_start3A_471 : memref<10000x128xf32, #tpu.memory_space<hbm>>) target(%arg14 : memref<80x128xf32, #tpu.memory_space<vmem>>) offsets(%arg8 : memref<80xi32, #tpu.memory_space<vmem>>) semaphore(%arg17 : memref<!tpu.dma_semaphore, #tpu.memory_space<semaphore_mem>>)
        } else {
        }
      } else {
      }
    }
    %scan3A_408 = arith.constant 125 : i32
    %barrier3A_409 = arith.constant 0 : index
    tpu.barrier barrier_id(%barrier3A_409)
    %mul3A_410 = arith.constant 632 : i32
    %mul3A_411 = arith.muli %arg1, %mul3A_410 : i32
    "tpu.region"() ({
      %run_scoped3A = tpu.sem_alloc : memref<!tpu.dma_semaphore, #tpu.memory_space<semaphore_mem>>
      %dma_start3A_412 = arith.constant 0 : i32
      %dma_start3A_413 = tpu.memref_slice %arg6[%arg0, %mul3A_411, %dma_start3A_412] : memref<2x10112x128xf32, #tpu.memory_space<hbm>> -> memref<1x632x128xf32, #tpu.memory_space<hbm>>
      %dma_start3A_414 = tpu.memref_squeeze %dma_start3A_413 : memref<1x632x128xf32, #tpu.memory_space<hbm>> -> memref<632x128xf32, #tpu.memory_space<hbm>>
      %dma_start3A_415 = arith.constant 0 : i32
      %dma_start3A_416 = tpu.memref_slice %arg15[%mul3A_411, %dma_start3A_415] : memref<10112x128xf32, #tpu.memory_space<vmem_shared>> -> memref<632x128xf32, #tpu.memory_space<vmem_shared>>
      tpu.enqueue_dma source(%dma_start3A_416 : memref<632x128xf32, #tpu.memory_space<vmem_shared>>) target(%dma_start3A_414 : memref<632x128xf32, #tpu.memory_space<hbm>>) target_semaphore(%run_scoped3A : memref<!tpu.dma_semaphore, #tpu.memory_space<semaphore_mem>>)
      %dma_wait3A = arith.constant 0 : i32
      %dma_wait3A_417 = tpu.memref_slice %arg6[%arg0, %mul3A_411, %dma_wait3A] : memref<2x10112x128xf32, #tpu.memory_space<hbm>> -> memref<1x632x128xf32, #tpu.memory_space<hbm>>
      %dma_wait3A_418 = tpu.memref_squeeze %dma_wait3A_417 : memref<1x632x128xf32, #tpu.memory_space<hbm>> -> memref<632x128xf32, #tpu.memory_space<hbm>>
      %dma_wait3A_419 = arith.constant 0 : i32
      %dma_wait3A_420 = tpu.memref_slice %arg15[%mul3A_411, %dma_wait3A_419] : memref<10112x128xf32, #tpu.memory_space<vmem_shared>> -> memref<632x128xf32, #tpu.memory_space<vmem_shared>>
      tpu.wait_dma2 semaphore(%run_scoped3A : memref<!tpu.dma_semaphore, #tpu.memory_space<semaphore_mem>>) src(%dma_wait3A_420 : memref<632x128xf32, #tpu.memory_space<vmem_shared>>) dst(%dma_wait3A_418 : memref<632x128xf32, #tpu.memory_space<hbm>>)
      tpu.yield
    }) : () -> ()
    return
  }
}

</mosaic_0001>

<sc_bundles>
// kernel: _sc_spmm.3.cloned.1.call-start
scs
__scs_entry_jumppad:
0x0: {  	(pc) =	sbr.rel $0x88, $3  }
0x1: {  	(tag) =	ssettag $0x0;
	lr =	simm.s32 $0x1  }
0x2: {  	[smem:$0x3F9D] =	sst lr;
	_ =	strace $0xD0000000  }
0x3: {  	_ = 	snop  }
0x4: {  	_ = 	snop  }
0x5: {  	_ = 	snop  }
0x6: {  	_ = 	snop  }
0x7: {  	_ = 	snop  }
__scs_overlays_trampoline_lowered:
0x8: {  	[smem:$0x3FAC] =	sst s0  }
0x9: {  	[smem:$0x3FAD] =	sst s1  }
0xa: {  	[smem:$0x3FAE] =	sst s2  }
0xb: {  	[smem:$0x3FAF] =	sst s3  }
0xc: {  	[smem:$0x3FB0] =	sst s4  }
0xd: {  	[smem:$0x3FB1] =	sst s5  }
0xe: {  	[smem:$0x3FB2] =	sst s6  }
0xf: {  	[smem:$0x3FB3] =	sst s7  }
0x10: {  	[smem:$0x3FB4] =	sst s8  }
0x11: {  	[smem:$0x3FB5] =	sst s9;
	s0 =	simm.s32 @!p0 $0x0  }
0x12: {  	s1 =	sld [smem:$0x3F9B];
	s0 =	simm.s32 @p0 $0x1  }
0x13: {  	[smem:$0x3FB6] =	sst s0;
	s0 =	simm.s32 @!p1 $0x0  }
0x14: {  	s2 =	sld [smem:$0x3F9A];
	s0 =	simm.s32 @p1 $0x1  }
0x15: {  	[smem:$0x3FB7] =	sst s0;
	s0 =	simm.s32 @!p2 $0x0  }
0x16: {  	s3 =	sld [smem:$0x3FDB];
	s0 =	simm.s32 @p2 $0x1  }
0x17: {  	s4 =	simm.s32 $0x1BF5;
	[smem:$0x3FB9] =	sst s0  }
0x18: {  	s0 =	sld [smem:$0x3F9C];
	_ =	swait.ge [sflag:s4], $0x0  }
0x19: {  	s7 =	sld [smem:$0x3F9D]  }
0x1a: {  	s8 =	sadd.s32 $0xFFFFE003, lr  }
0x1b: {  	s9 =	sadd.s32 $0xFFFFFEF7, lr;
	s5 =	simm.s32 $0xFFFFFFFF;
	p2 =	slt.u32 s8, $0xFFFFF086  }
0x1c: {  	p1 =	slt.u32 s9, $0xF7A;
	s5 =	simm.s32 @!p2 $0x0  }
0x1d: {  	s5 =	simm.s32 @p1 $0x1;
	p0 =	seq.s32 s7, s2  }
0x1e: {  	s7 =	smul.u32 @!p0 $0xF7A, s2;
	p2 =	seq.s32 @!p0 s5, $0x0  }
0x1f: {  	s9 =	smul.u32 $0xF7A, s1;
	s8 =	simm.s32 @!p0 $0x1BF5;
	p2 =	por !p2, p0  }
0x20: {  	[sflag:s8] =	ssyncset.s32 @!p0 $0xFFFFF086;
	s6 =	sadd.s32 @!p0 s3, s7;
	s7 =	simm.s32 @!p0 $0x108  }
0x21: {  	s3 =	sadd.s32 s3, s9;
	s6 =	sadd.s32 @!p0 $0x88, s6;
	s7 =	simm.s32 @p2 $0x1082  }
0x22: {  	[simem:s7], [sflag:s8] =	dma.local @!p0 [hbm:s6], $0xF7A  }
0x23: {  	s9 =	sor.u32 $0xD0000000, s2;
	s6 =	simm.s32 $0x108;
	_ =	swait.ge @!p0 [sflag:s8], $0x0  }
0x24: {  	s3 =	sadd.s32 $0x88, s3;
	s6 =	simm.s32 @!p1 $0x1082;
	[sflag:s4] =	ssyncset.s32 $0xFFFFF086  }
0x25: {  	[simem:s6], [sflag:s4] =	dma.local [hbm:s3], $0xF7A  }
0x26: {  	[smem:$0x3F9D] =	sst s1;
	(tag) =	ssettag s2;
	_ =	strace s9  }
0x27: {  	s1 =	sld [smem:$0x3FAD]  }
0x28: {  	s2 =	sld [smem:$0x3FAE]  }
0x29: {  	s4 =	sld [smem:$0x3FB0]  }
0x2a: {  	p0 =	seq.s32 s5, $0x0;
	s5 =	sld [smem:$0x3FB1]  }
0x2b: {  	s6 =	sld [smem:$0x3FB2]  }
0x2c: {  	s7 =	sld [smem:$0x3FB3]  }
0x2d: {  	s3 =	simm.s32 $0x108;
	s8 =	sld [smem:$0x3FB4]  }
0x2e: {  	s3 =	simm.s32 @!p0 $0x1082;
	s9 =	sld [smem:$0x3FB5]  }
0x2f: {  	lr =	sadd.s32 s0, s3;
	s0 =	sld [smem:$0x3FAC]  }
0x30: {  	s3 =	sld [smem:$0x3FAF]  }
0x31: {  	[smem:$0x3FB8] =	sst s10  }
0x32: {  	s10 =	sld [smem:$0x3FB6];
	_ =	sdelay $0x3  }
0x33: {  	p0 =	seq.s32 s10, $0x1;
	s10 =	sld [smem:$0x3FB8];
	_ =	sdelay $0x3  }
0x34: {  	[smem:$0x3FB8] =	sst s10  }
0x35: {  	s10 =	sld [smem:$0x3FB7];
	_ =	sdelay $0x3  }
0x36: {  	p1 =	seq.s32 s10, $0x1;
	s10 =	sld [smem:$0x3FB8];
	_ =	sdelay $0x3  }
0x37: {  	[smem:$0x3FB8] =	sst s10  }
0x38: {  	s10 =	sld [smem:$0x3FB9]  }
0x39: {  	_ = 	snop;
	(pc) =	sbr.ind lr, $3  }
0x3a: {  	_ = 	snop  }
0x3b: {  	_ = 	snop  }
0x3c: {  	p2 =	seq.s32 s10, $0x1;
	s10 =	sld [smem:$0x3FB8]  }
0x3d: {  	_ =	shalt  }
0x3e: {  	_ =	shalt  }
0x3f: {  	_ =	shalt  }
0x40: {  	_ =	shalt  }
0x41: {  	_ =	shalt  }
0x42: {  	_ =	shalt  }
0x43: {  	_ =	shalt  }
0x44: {  	_ =	shalt  }
0x45: {  	_ =	shalt  }
0x46: {  	_ =	shalt  }
0x47: {  	_ =	shalt  }
0x48: {  	_ =	shalt  }
0x49: {  	_ =	shalt  }
0x4a: {  	_ =	shalt  }
0x4b: {  	_ =	shalt  }
0x4c: {  	_ =	shalt  }
0x4d: {  	_ =	shalt  }
0x4e: {  	_ =	shalt  }
0x4f: {  	_ =	shalt  }
0x50: {  	_ =	shalt  }
0x51: {  	_ =	shalt  }
0x52: {  	_ =	shalt  }
0x53: {  	_ =	shalt  }
0x54: {  	_ =	shalt  }
0x55: {  	_ =	shalt  }
0x56: {  	_ =	shalt  }
0x57: {  	_ =	shalt  }
0x58: {  	_ =	shalt  }
0x59: {  	_ =	shalt  }
0x5a: {  	_ =	shalt  }
0x5b: {  	_ =	shalt  }
0x5c: {  	_ =	shalt  }
0x5d: {  	_ =	shalt  }
0x5e: {  	_ =	shalt  }
0x5f: {  	_ =	shalt  }
0x60: {  	_ =	shalt  }
0x61: {  	_ =	shalt  }
0x62: {  	_ =	shalt  }
0x63: {  	_ =	shalt  }
0x64: {  	_ =	shalt  }
0x65: {  	_ =	shalt  }
0x66: {  	_ =	shalt  }
0x67: {  	_ =	shalt  }
0x68: {  	_ =	shalt  }
0x69: {  	_ =	shalt  }
0x6a: {  	_ =	shalt  }
0x6b: {  	_ =	shalt  }
0x6c: {  	_ =	shalt  }
0x6d: {  	_ =	shalt  }
0x6e: {  	_ =	shalt  }
0x6f: {  	_ =	shalt  }
0x70: {  	_ =	shalt  }
0x71: {  	_ =	shalt  }
0x72: {  	_ =	shalt  }
0x73: {  	_ =	shalt  }
0x74: {  	_ =	shalt  }
0x75: {  	_ =	shalt  }
0x76: {  	_ =	shalt  }
0x77: {  	_ =	shalt  }
0x78: {  	_ =	shalt  }
0x79: {  	_ =	shalt  }
0x7a: {  	_ =	shalt  }
0x7b: {  	_ =	shalt  }
0x7c: {  	_ =	shalt  }
0x7d: {  	_ =	shalt  }
0x7e: {  	_ =	shalt  }
0x7f: {  	_ =	shalt  }
0x80: {  	_ =	shalt  }
0x81: {  	_ =	shalt  }
0x82: {  	_ =	shalt  }
0x83: {  	_ =	shalt  }
0x84: {  	_ =	shalt  }
0x85: {  	_ =	shalt  }
0x86: {  	_ =	shalt  }
0x87: {  	_ =	shalt  }
.Lfunc_end0:
.L_simem_size_0:
called_computation_lowered:
.L_overlay_start_0:
0x88: {  	s2 =	sld [smem:$0x3FD9]  }
0x89: {  	s3 =	sld [smem:$0x3FFE];
	_ =	sdelay $0x1  }
0x8a: {  	s1 =	srdreg.scid  }
0x8b: {  	s0 =	sand.u32 $0x1, s1  }
0x8c: {  	s18 =	sshll.u32 s0, $0xA;
	s2 =	sadd.s32 s3, s2  }
0x8d: {  	s2 =	sadd.s32 s2, s18  }
0x8e: {  	[smem:$0x3FC4] =	sst s2  }
0x8f: {  	_ = 	snop  }
0x90: {  	s2 =	sld [smem:$0x3FC9]  }
0x91: {  	s19 =	sld [smem:$0x3FC8]  }
0x92: {  	s4 =	sld [smem:$0x3FC7]  }
0x93: {  	s5 =	sld [smem:$0x3FC6]  }
0x94: {  	s6 =	sld [smem:$0x3FD0];
	(tm) =	ssettm $0x1  }
0x95: {  	s7 =	sld [smem:$0x3FFB];
	_ =	sdelay $0x3  }
0x96: {  	_ =	strace s7  }
0x97: {  	s7 =	sld [smem:$0x3FFC];
	_ =	sdelay $0x3  }
0x98: {  	_ =	strace s7  }
0x99: {  	s7 =	sld [smem:$0x3FFD];
	_ =	sdelay $0x3  }
0x9a: {  	_ =	strace s7  }
0x9b: {  	_ =	strace $0x8FFFFFFF  }
0x9c: {  	s20 =	sld [smem:$0x3FDB];
	_ =	sdelay $0x1  }
0x9d: {  	s8 =	simm.s32 $_scs_section_size  }
0x9e: {  	s9 =	simm.s32 $_size__tile_overlayer_lowered;
	s10 =	simm.s32 $_tile_overlayer_lowered  }
0x9f: {  	s23 =	simm.s32 $0x1BFF;
	s22 =	sshll.u32 s10, $0x1;
	s7 =	sadd.s32 s8, s20  }
0xa0: {  	s11 =	simm.s32 $0x0;
	s21 =	sshll.u32 s9, $0x1;
	s9 =	sadd.s32 s22, s7  }
0xa1: {  	[timem:s11], [sflag:s23] =	dma.local [hbm:s9], s21  }
0xa2: {  	_ =	swait.ge [sflag:s23], s21  }
0xa3: {  	s8 =	ssub.s32 $0x0, s21;
	[sflag:s23] =	ssyncset.done $0x0  }
0xa4: {  	[sflag:s23] =	ssyncadd.s32 s8;
	_ =	sdelay $0x1  }
0xa5: {  	s24 =	simm.s32 $0x1B8B  }
0xa6: {  	_ =	swait.ge [sflag:s24], $0x1  }
0xa7: {  	[sflag:s24] =	ssyncset.done $0x0  }
0xa8: {  	s25 =	simm.s32 $0x1B8E;
	[sflag:s24] =	ssyncadd.s32 $0xFFFFFFFF  }
0xa9: {  	s26 =	simm.s32 $execute0_lowered;
	[smem:$0x3FD2] =	sst s25  }
0xaa: {  	s8 =	sshll.u32 s26, $0x1;
	_ =	strace $0x80000046;
	[dreg:$0x1] =	wrdreg $0xFFFFFFFF  }
0xab: {  	s28 =	simm.s32 $_size_execute0_lowered;
	s7 =	sadd.s32 s7, s8;
	[dreg:$0x0] =	wrdreg $0x0  }
0xac: {  	s8 =	sshll.u32 s28, $0x1;
	[dreg:$0x2] =	wrdreg s7  }
0xad: {  	[dreg:$0x3] =	wrdreg s8  }
0xae: {  	[dreg:$0x4] =	wrdreg $0xC0  }
0xaf: {  	_ =	task [dreg:s11], $0x5FFFF  }
0xb0: {  	[dreg:$0x1] =	wrdreg $0xFFFFFFFF  }
0xb1: {  	[dreg:$0x0] =	wrdreg $0x60  }
0xb2: {  	[dreg:$0x2] =	wrdreg s2  }
0xb3: {  	[dreg:$0x3] =	wrdreg s19  }
0xb4: {  	[dreg:$0x4] =	wrdreg s4  }
0xb5: {  	[dreg:$0x5] =	wrdreg s5  }
0xb6: {  	[dreg:$0x6] =	wrdreg s6  }
0xb7: {  	[dreg:$0x7] =	wrdreg $0x53000  }
0xb8: {  	[dreg:$0x8] =	wrdreg $0x9  }
0xb9: {  	_ =	task.clear_ibuf [dreg:s11], $0x9FFFF;
	_ =	strace $0x90000046  }
0xba: {  	s29 =	simm.s32 $0x9;
	_ =	strace $0x80000048  }
0xbb: {  	_ =	swait.ge [sflag:s29], $0x1  }
0xbc: {  	[sflag:s29] =	ssyncadd.s32 $0xFFFFFFFF  }
0xbd: {  	_ =	strace $0x90000048  }
0xbe: {  	_ =	sfence  }
0xbf: {  	s30 =	sld [smem:$0x0];
	_ =	sdelay $0x2  }
0xc0: {  	s31 =	sshll.u32 s1, $0xD;
	s1 =	sshrl.u32 s1, $0x2  }
0xc1: {  	s3 =	sand.u32 $0x4000, s31;
	s1 =	sadd.s32 s1, s30  }
0xc2: {  	s0 =	sor.u32 s3, s0;
	s1 =	sshll.u32 s1, $0x11  }
0xc3: {  	s0 =	sor.u32 s1, s0  }
0xc4: {  	s0 =	sadd.s32 $0x8F2B, s0  }
0xc5: {  	[sflag:s0] =	ssyncadd.remote.s32 $0x1  }
0xc6: {  	_ =	sfence.sel $0xFFFF  }
0xc7: {  	[dreg:$0x0] =	wrdreg $0xFFFFFFFF;
	(pc) =	sbr.abs _section_cstart, $3  }
0xc8: {  	[dreg:$0x1] =	wrdreg $0xFFFFFFFF  }
0xc9: {  	_ =	task.clear_ibuf [dreg:s11], $0x2FFFF;
	_ =	strace $0x9FFFFFFF  }
0xca: {  	(tm) =	ssettm $0x7FFFFFFF  }
0xcb: {  	_ =	shalt  }
tec
execute0_lowered:
.L_overlay_start_1:
0x0: {  	(tag) =	ssettag $0x1  }
0x1: {  	s0 =	rddreg [dreg:$0x0]  }
0x2: {  	s2 =	rddreg [dreg:$0x1]  }
0x3: {  	s3 =	rddreg [dreg:$0x2]  }
0x4: {  	s4 =	rddreg [dreg:$0x3]  }
0x5: {  	s1 =	rddreg [dreg:$0x4]  }
0x6: {  	s5 =	rddreg [dreg:$0x5];
	s6 =	srdreg.scid;
	s7 =	simm.s32 $0x0  }
0x7: {  	s25 =	stileid.u32;
	s19 =	simm.s32 $0x3;
	s20 =	simm.s32 $0x100  }
0x8: {  	s22 =	simm.s32 $0x50;
	s23 =	simm.s32 $0x80;
	s24 =	simm.s32 $0x180  }
0x9: {  	s28 =	simm.s32 $0x2;
	s29 =	simm.s32 $0x1;
	s11 =	smul.u32 $0x4F000, s25  }
0xa: {  	s8 =	sand.u32 $0x1, s6;
	[smem:$0x7FF] =	sst s7;
	s14 =	smul.u32 $0x13C00, s25  }
0xb: {  	s9 =	sshll.u32 s8, $0x4;
	s10 =	ssub.s32 $0x2, s8;
	_ =	strace $0x80000047  }
0xc: {  	s26 =	smul.u32 $0x13C000, s8;
	s9 =	sor.u32 s25, s9;
	s12 =	sshrl.u32 s10, $0x1  }
0xd: {  	s30 =	sshrl.u32 s11, $0x2;
	s15 =	smul.u32 $0x2710, s9;
	s17 =	ssub.s32 s10, s12  }
0xe: {  	s8 =	sadd.s32 s30, s5;
	s14 =	sadd.s32 s14, s26;
	s26 =	simm.s32 $0x2B00  }
.Ltmp0:
0xf: {  	s18 =	sshrl.u32 s14, $0x3;
	s13 =	sshrl.u32 s15, $0x3;
	(pc) =	sbr.rel .LBB2_1-.Ltmp0, $4  }
0x10: {  	s17 =	smax.u32 s17, $0x1;
	s15 =	sadd.s32 $0xA0, s15;
	s31 =	sadd.s32 s2, s13  }
0x11: {  	s10 =	sadd.s32 s3, s13;
	s11 =	sadd.s32 s4, s13;
	s16 =	sadd.s32 $0xA, s13  }
0x12: {  	[dreg:$0x7] =	wrdreg s31;
	s12 =	sadd.s32 s2, s16;
	s13 =	sadd.s32 s3, s16  }
0x13: {  	v0 =	vimm.f32 $0.0e+00;
	s14 =	sadd.s32 s4, s16;
	s16 =	sadd.s32 s1, s18;
	s18 =	simm.s32 $0x300  }
.LBB2_12:
0x14: {  	s1 =	stileid.u32;
	s7 =	sadd.s32 $0x1, s7  }
0x15: {  	[bflag:$0x0] =	sbarrier.arrive $0xFFFF;
	s1 =	sshll.u32 s1, $0x6;
	p0 =	sne.s32 s7, s17  }
.Ltmp1:
0x16: {  	s6 =	sshrl.u32 s8, $0x3;
	s1 =	sor.u32 $0x1C03, s1;
	(pc) =	sbr.rel @!p0 .LBB2_13-.Ltmp1, $4  }
0x17: {  	[hbm:s16], [sflag:s1] =	dma.local [spmem:s6], $0x2780  }
0x18: {  	_ =	swait.ge [sflag:s19], $0x2780  }
0x19: {  	[sflag:s19] =	ssyncset.done $0x0  }
0x1a: {  	[sflag:s19] =	ssyncadd.s32 $0xFFFFD880  }
.LBB2_1:
0x1b: {  	[tilespmem:$0x300] =	vst v0  }
0x1c: {  	[tilespmem:$0x310] =	vst v0  }
0x1d: {  	[tilespmem:$0x320] =	vst v0  }
0x1e: {  	[tilespmem:$0x330] =	vst v0  }
0x1f: {  	[tilespmem:$0x340] =	vst v0  }
0x20: {  	[tilespmem:$0x350] =	vst v0  }
0x21: {  	[tilespmem:$0x360] =	vst v0  }
0x22: {  	[tilespmem:$0x370] =	vst v0  }
0x23: {  	[tilespmem:$0x380] =	vst v0  }
0x24: {  	[tilespmem:$0x390] =	vst v0  }
0x25: {  	[tilespmem:$0x3A0] =	vst v0  }
0x26: {  	[tilespmem:$0x3B0] =	vst v0  }
0x27: {  	[tilespmem:$0x3C0] =	vst v0  }
0x28: {  	[tilespmem:$0x3D0] =	vst v0  }
0x29: {  	[tilespmem:$0x3E0] =	vst v0  }
0x2a: {  	[tilespmem:$0x3F0] =	vst v0  }
0x2b: {  	[tilespmem:$0x400] =	vst v0  }
0x2c: {  	[tilespmem:$0x410] =	vst v0  }
0x2d: {  	[tilespmem:$0x420] =	vst v0  }
0x2e: {  	[tilespmem:$0x430] =	vst v0  }
0x2f: {  	[tilespmem:$0x440] =	vst v0  }
0x30: {  	[tilespmem:$0x450] =	vst v0  }
0x31: {  	[tilespmem:$0x460] =	vst v0  }
0x32: {  	[tilespmem:$0x470] =	vst v0  }
0x33: {  	[tilespmem:$0x480] =	vst v0  }
0x34: {  	[tilespmem:$0x490] =	vst v0  }
0x35: {  	[tilespmem:$0x4A0] =	vst v0  }
0x36: {  	[tilespmem:$0x4B0] =	vst v0  }
0x37: {  	[tilespmem:$0x4C0] =	vst v0  }
0x38: {  	[tilespmem:$0x4D0] =	vst v0  }
0x39: {  	[tilespmem:$0x4E0] =	vst v0  }
0x3a: {  	[tilespmem:$0x4F0] =	vst v0  }
0x3b: {  	[tilespmem:$0x500] =	vst v0  }
0x3c: {  	[tilespmem:$0x510] =	vst v0  }
0x3d: {  	[tilespmem:$0x520] =	vst v0  }
0x3e: {  	[tilespmem:$0x530] =	vst v0  }
0x3f: {  	[tilespmem:$0x540] =	vst v0  }
0x40: {  	[tilespmem:$0x550] =	vst v0  }
0x41: {  	[tilespmem:$0x560] =	vst v0  }
0x42: {  	[tilespmem:$0x570] =	vst v0  }
0x43: {  	[tilespmem:$0x580] =	vst v0  }
0x44: {  	[tilespmem:$0x590] =	vst v0  }
0x45: {  	[tilespmem:$0x5A0] =	vst v0  }
0x46: {  	[tilespmem:$0x5B0] =	vst v0  }
0x47: {  	[tilespmem:$0x5C0] =	vst v0  }
0x48: {  	[tilespmem:$0x5D0] =	vst v0  }
0x49: {  	[tilespmem:$0x5E0] =	vst v0  }
0x4a: {  	[tilespmem:$0x5F0] =	vst v0  }
0x4b: {  	[tilespmem:$0x600] =	vst v0  }
0x4c: {  	[tilespmem:$0x610] =	vst v0  }
0x4d: {  	[tilespmem:$0x620] =	vst v0  }
0x4e: {  	[tilespmem:$0x630] =	vst v0  }
0x4f: {  	[tilespmem:$0x640] =	vst v0  }
0x50: {  	[tilespmem:$0x650] =	vst v0  }
0x51: {  	[tilespmem:$0x660] =	vst v0  }
0x52: {  	[tilespmem:$0x670] =	vst v0  }
0x53: {  	[tilespmem:$0x680] =	vst v0  }
0x54: {  	[tilespmem:$0x690] =	vst v0  }
0x55: {  	[tilespmem:$0x6A0] =	vst v0  }
0x56: {  	[tilespmem:$0x6B0] =	vst v0  }
0x57: {  	[tilespmem:$0x6C0] =	vst v0  }
0x58: {  	[tilespmem:$0x6D0] =	vst v0  }
0x59: {  	[tilespmem:$0x6E0] =	vst v0  }
0x5a: {  	[tilespmem:$0x6F0] =	vst v0;
	s1 =	sadd.s32 $0x0, s8  }
0x5b: {  	[spmem:s1] =	stream.linear.scatter [tilespmem:s18], [sflag:$0x3], $0x400, $0x38;
	[tilespmem:$0x18F00] =	vst v63  }
0x5c: {  	s1 =	simm.s32 $0x1000;
	_ =	swait.ge [sflag:s19], $0x400  }
.LBB2_2:
0x5d: {  	s21 =	sshra.s32 s1, $0x2;
	[sflag:s19] =	ssyncset.done $0x0;
	p0 =	sne.s32 s1, $0x4E000  }
.Ltmp2:
0x5e: {  	s21 =	sadd.s32 s21, s8;
	[sflag:s19] =	ssyncadd.s32 $0xFFFFFC00;
	(pc) =	sbr.rel @p0 .LBB2_2-.Ltmp2, $3  }
0x5f: {  	[spmem:s21] =	stream.linear.scatter [tilespmem:s18], [sflag:$0x3], $0x400, $0x38;
	[tilespmem:$0x18F00] =	vst v63  }
0x60: {  	s1 =	sadd.s32 $0x1000, s1;
	_ =	sdelay $0x1  }
0x61: {  	_ =	swait.ge [sflag:s19], $0x400  }
0x62: {  	[sflag:s19] =	ssyncset.done $0x0  }
0x63: {  	[sflag:s19] =	ssyncadd.s32 $0xFFFFFC00  }
0x64: {  	[bflag:$0x0] =	sbarrier.arrive $0xFFFF  }
0x65: {  	s30 =	simm.s32 $0x0;
	s1 =	rddreg [dreg:$0x7]  }
0x66: {  	[tilespmem:s30], [sflag:$0x3] =	stream.linear.gather [hbm4b:s1+s30], $0x50, $0x38;
	[tilespmem:$0x18F00] =	vst v63  }
0x67: {  	_ =	swait.ge [sflag:s19], $0x50  }
0x68: {  	[sflag:s19] =	ssyncset.done $0x0  }
0x69: {  	[sflag:s19] =	ssyncadd.s32 $0xFFFFFFB0  }
0x6a: {  	[tilespmem:s20], [sflag:$0x3] =	stream.linear.gather [hbm4b:s10+s30], $0x50, $0x38;
	[tilespmem:$0x18F00] =	vst v63  }
0x6b: {  	_ =	swait.ge [sflag:s19], $0x50  }
0x6c: {  	[sflag:s19] =	ssyncset.done $0x0  }
0x6d: {  	s25 =	simm.s32 $0x200;
	[sflag:s19] =	ssyncadd.s32 $0xFFFFFFB0  }
0x6e: {  	[tilespmem:s25], [sflag:$0x3] =	stream.linear.gather [hbm4b:s11+s30], $0x50, $0x38;
	[tilespmem:$0x18F00] =	vst v63  }
0x6f: {  	_ =	swait.ge [sflag:s19], $0x50  }
0x70: {  	[sflag:s19] =	ssyncset.done $0x0  }
0x71: {  	[sflag:s19] =	ssyncadd.s32 $0xFFFFFFB0  }
0x72: {  	[tilespmem:s18], [sflag:$0x1] =	stream.indirect.gather [hbm4b:s0+s22], $0x80, s30, s22, $0xb8;
	[tilespmem:$0x18F00] =	vst v63  }
0x73: {  	_ = 	snop  }
0x74: {  	[tilespmem:s23], [sflag:$0x3] =	stream.linear.gather [hbm4b:s12+s30], $0x50, $0x38;
	[tilespmem:$0x18F00] =	vst v63  }
0x75: {  	_ =	swait.ge [sflag:s19], $0x50  }
0x76: {  	[sflag:s19] =	ssyncset.done $0x0  }
0x77: {  	[sflag:s19] =	ssyncadd.s32 $0xFFFFFFB0  }
0x78: {  	[tilespmem:s24], [sflag:$0x3] =	stream.linear.gather [hbm4b:s13+s30], $0x50, $0x38;
	[tilespmem:$0x18F00] =	vst v63  }
0x79: {  	_ =	swait.ge [sflag:s19], $0x50  }
0x7a: {  	[sflag:s19] =	ssyncset.done $0x0  }
0x7b: {  	s31 =	simm.s32 $0x280;
	[sflag:s19] =	ssyncadd.s32 $0xFFFFFFB0  }
0x7c: {  	[tilespmem:s31], [sflag:$0x3] =	stream.linear.gather [hbm4b:s14+s30], $0x50, $0x38;
	[tilespmem:$0x18F00] =	vst v63  }
.Ltmp3:
0x7d: {  	_ = 	snop;
	(pc) =	sbr.rel .LBB2_4-.Ltmp3, $4  }
0x7e: {  	_ =	swait.ge [sflag:s19], $0x50  }
0x7f: {  	[sflag:s19] =	ssyncset.done $0x0  }
0x80: {  	[sflag:s19] =	ssyncadd.s32 $0xFFFFFFB0  }
0x81: {  	[tilespmem:s26], [sflag:$0x2] =	stream.indirect.gather [hbm4b:s0+s22], $0x80, s23, s22, $0xb8;
	[tilespmem:$0x18F00] =	vst v63  }
.LBB2_11:
0x82: {  	s30 =	sadd.s32 $0x1, s30  }
0x83: {  	p0 =	sne.s32 s30, $0x7D  }
.Ltmp4:
0x84: {  	_ = 	snop;
	(pc) =	sbr.rel @!p0 .LBB2_12-.Ltmp4, $1  }
0x85: {  	_ =	sdelay $0x3  }
.LBB2_4:
0x86: {  	s31 =	sand.u32 $0x1, s30  }
0x87: {  	p0 =	seq.s32 s31, $0x1  }
.Ltmp5:
0x88: {  	_ = 	snop;
	(pc) =	sbr.rel @p0 .LBB2_8-.Ltmp5, $1  }
0x89: {  	_ =	sdelay $0x3  }
0x8a: {  	_ =	swait.ge [sflag:s29], $0x2800  }
0x8b: {  	[sflag:s29] =	ssyncset.done $0x0  }
0x8c: {  	s1 =	simm.s32 $0x0;
	[sflag:s29] =	ssyncadd.s32 $0xFFFFD800  }
.LBB2_6:
0x8d: {  	s21 =	sshll.u32 s1, $0x4  }
0x8e: {  	s21 =	sand.u32 $0x3FFFFFF0, s21  }
0x8f: {  	s25 =	sshll.u32 s1, $0xB;
	v1 =	vld [tilespmem:s21+$0x200]  }
0x90: {  	s21 =	sand.u32 $0x3FFFF800, s25  }
0x91: {  	v2 =	vld [tilespmem:s21+$0x300]  }
0x92: {  	v3 =	vld [tilespmem:s21+$0x310]  }
0x93: {  	v4 =	vld [tilespmem:s21+$0x320]  }
0x94: {  	v6 =	vld [tilespmem:s21+$0x330];
	v5 =	vbroadcast v1, $0x0  }
0x95: {  	v7 =	vld [tilespmem:s21+$0x340]  }
0x96: {  	v8 =	vld [tilespmem:s21+$0x350];
	v2 =	vmul.f32 v5, v2  }
0x97: {  	v9 =	vld [tilespmem:s21+$0x360];
	v3 =	vmul.f32 v3, v5  }
0x98: {  	v34 =	vld [tilespmem:s21+$0x370];
	[tilespmem:s21+$0x300] =	vst v2;
	v2 =	vmul.f32 v4, v5  }
0x99: {  	v35 =	vld [tilespmem:s21+$0x380];
	[tilespmem:s21+$0x310] =	vst v3;
	v3 =	vmul.f32 v6, v5  }
0x9a: {  	v36 =	vld [tilespmem:s21+$0x390];
	[tilespmem:s21+$0x320] =	vst v2;
	v2 =	vmul.f32 v7, v5  }
0x9b: {  	v37 =	vld [tilespmem:s21+$0x3A0];
	[tilespmem:s21+$0x330] =	vst v3;
	v3 =	vmul.f32 v8, v5  }
0x9c: {  	v10 =	vld [tilespmem:s21+$0x3B0];
	v38 =	vbroadcast v1, $0x1;
	[tilespmem:s21+$0x340] =	vst v2;
	v2 =	vmul.f32 v9, v5  }
0x9d: {  	v39 =	vld [tilespmem:s21+$0x3C0];
	[tilespmem:s21+$0x350] =	vst v3;
	v3 =	vmul.f32 v34, v5  }
0x9e: {  	v40 =	vld [tilespmem:s21+$0x3D0];
	[tilespmem:s21+$0x360] =	vst v2;
	v2 =	vmul.f32 v35, v38  }
0x9f: {  	v41 =	vld [tilespmem:s21+$0x3E0];
	[tilespmem:s21+$0x370] =	vst v3;
	v3 =	vmul.f32 v36, v38  }
0xa0: {  	v42 =	vld [tilespmem:s21+$0x3F0];
	[tilespmem:s21+$0x380] =	vst v2;
	v2 =	vmul.f32 v37, v38  }
0xa1: {  	v43 =	vld [tilespmem:s21+$0x400];
	[tilespmem:s21+$0x390] =	vst v3;
	v3 =	vmul.f32 v10, v38  }
0xa2: {  	v44 =	vld [tilespmem:s21+$0x410];
	[tilespmem:s21+$0x3A0] =	vst v2;
	v2 =	vmul.f32 v39, v38  }
0xa3: {  	v45 =	vld [tilespmem:s21+$0x420];
	[tilespmem:s21+$0x3B0] =	vst v3;
	v3 =	vmul.f32 v40, v38  }
0xa4: {  	v47 =	vld [tilespmem:s21+$0x430];
	v46 =	vbroadcast v1, $0x2;
	[tilespmem:s21+$0x3C0] =	vst v2;
	v2 =	vmul.f32 v41, v38  }
0xa5: {  	v48 =	vld [tilespmem:s21+$0x440];
	[tilespmem:s21+$0x3D0] =	vst v3;
	v3 =	vmul.f32 v42, v38  }
0xa6: {  	v49 =	vld [tilespmem:s21+$0x450];
	[tilespmem:s21+$0x3E0] =	vst v2;
	v2 =	vmul.f32 v43, v46  }
0xa7: {  	v50 =	vld [tilespmem:s21+$0x460];
	[tilespmem:s21+$0x3F0] =	vst v3;
	v3 =	vmul.f32 v44, v46  }
0xa8: {  	v51 =	vld [tilespmem:s21+$0x470];
	[tilespmem:s21+$0x400] =	vst v2;
	v2 =	vmul.f32 v45, v46  }
0xa9: {  	v52 =	vld [tilespmem:s21+$0x480];
	[tilespmem:s21+$0x410] =	vst v3;
	v3 =	vmul.f32 v47, v46  }
0xaa: {  	v53 =	vld [tilespmem:s21+$0x490];
	[tilespmem:s21+$0x420] =	vst v2;
	v2 =	vmul.f32 v48, v46  }
0xab: {  	v54 =	vld [tilespmem:s21+$0x4A0];
	[tilespmem:s21+$0x430] =	vst v3;
	v3 =	vmul.f32 v49, v46  }
0xac: {  	v56 =	vld [tilespmem:s21+$0x4B0];
	v55 =	vbroadcast v1, $0x3;
	[tilespmem:s21+$0x440] =	vst v2;
	v2 =	vmul.f32 v50, v46  }
0xad: {  	v57 =	vld [tilespmem:s21+$0x4C0];
	[tilespmem:s21+$0x450] =	vst v3;
	v3 =	vmul.f32 v51, v46  }
0xae: {  	v58 =	vld [tilespmem:s21+$0x4D0];
	[tilespmem:s21+$0x460] =	vst v2;
	v2 =	vmul.f32 v52, v55  }
0xaf: {  	v59 =	vld [tilespmem:s21+$0x4E0];
	[tilespmem:s21+$0x470] =	vst v3;
	v3 =	vmul.f32 v53, v55  }
0xb0: {  	v60 =	vld [tilespmem:s21+$0x4F0];
	[tilespmem:s21+$0x480] =	vst v2;
	v2 =	vmul.f32 v54, v55  }
0xb1: {  	v61 =	vld [tilespmem:s21+$0x500];
	[tilespmem:s21+$0x490] =	vst v3;
	v3 =	vmul.f32 v56, v55  }
0xb2: {  	v62 =	vld [tilespmem:s21+$0x510];
	[tilespmem:s21+$0x4A0] =	vst v2;
	v2 =	vmul.f32 v57, v55  }
0xb3: {  	v63 =	vld [tilespmem:s21+$0x520];
	[tilespmem:s21+$0x4B0] =	vst v3;
	v3 =	vmul.f32 v58, v55  }
0xb4: {  	v13 =	vld [tilespmem:s21+$0x530];
	v12 =	vbroadcast v1, $0x4;
	[tilespmem:s21+$0x4C0] =	vst v2;
	v2 =	vmul.f32 v59, v55  }
0xb5: {  	v14 =	vld [tilespmem:s21+$0x540];
	[tilespmem:s21+$0x4D0] =	vst v3;
	v3 =	vmul.f32 v60, v55  }
0xb6: {  	v15 =	vld [tilespmem:s21+$0x550];
	[tilespmem:s21+$0x4E0] =	vst v2;
	v2 =	vmul.f32 v61, v12  }
0xb7: {  	v16 =	vld [tilespmem:s21+$0x560];
	[tilespmem:s21+$0x4F0] =	vst v3;
	v3 =	vmul.f32 v62, v12  }
0xb8: {  	v17 =	vld [tilespmem:s21+$0x570];
	[tilespmem:s21+$0x500] =	vst v2;
	v2 =	vmul.f32 v63, v12  }
0xb9: {  	v18 =	vld [tilespmem:s21+$0x580];
	[tilespmem:s21+$0x510] =	vst v3;
	v3 =	vmul.f32 v13, v12  }
0xba: {  	v19 =	vld [tilespmem:s21+$0x590];
	[tilespmem:s21+$0x520] =	vst v2;
	v2 =	vmul.f32 v14, v12  }
0xbb: {  	v20 =	vld [tilespmem:s21+$0x5A0];
	[tilespmem:s21+$0x530] =	vst v3;
	v3 =	vmul.f32 v15, v12  }
0xbc: {  	v22 =	vld [tilespmem:s21+$0x5B0];
	v21 =	vbroadcast v1, $0x5;
	[tilespmem:s21+$0x540] =	vst v2;
	v2 =	vmul.f32 v16, v12  }
0xbd: {  	v23 =	vld [tilespmem:s21+$0x5C0];
	[tilespmem:s21+$0x550] =	vst v3;
	v3 =	vmul.f32 v17, v12  }
0xbe: {  	v24 =	vld [tilespmem:s21+$0x5D0];
	[tilespmem:s21+$0x560] =	vst v2;
	v2 =	vmul.f32 v18, v21  }
0xbf: {  	v25 =	vld [tilespmem:s21+$0x5E0];
	[tilespmem:s21+$0x570] =	vst v3;
	v3 =	vmul.f32 v19, v21  }
0xc0: {  	v26 =	vld [tilespmem:s21+$0x5F0];
	[tilespmem:s21+$0x580] =	vst v2;
	v2 =	vmul.f32 v20, v21  }
0xc1: {  	v27 =	vld [tilespmem:s21+$0x600];
	[tilespmem:s21+$0x590] =	vst v3;
	v3 =	vmul.f32 v22, v21  }
0xc2: {  	v28 =	vld [tilespmem:s21+$0x610];
	[tilespmem:s21+$0x5A0] =	vst v2;
	v2 =	vmul.f32 v23, v21  }
0xc3: {  	v29 =	vld [tilespmem:s21+$0x620];
	[tilespmem:s21+$0x5B0] =	vst v3;
	v3 =	vmul.f32 v24, v21  }
0xc4: {  	v31 =	vld [tilespmem:s21+$0x630];
	v30 =	vbroadcast v1, $0x6;
	[tilespmem:s21+$0x5C0] =	vst v2;
	v2 =	vmul.f32 v25, v21  }
0xc5: {  	v32 =	vld [tilespmem:s21+$0x640];
	[tilespmem:s21+$0x5D0] =	vst v3;
	v3 =	vmul.f32 v26, v21  }
0xc6: {  	v33 =	vld [tilespmem:s21+$0x650];
	[tilespmem:s21+$0x5E0] =	vst v2;
	v2 =	vmul.f32 v27, v30  }
0xc7: {  	v34 =	vld [tilespmem:s21+$0x660];
	[tilespmem:s21+$0x5F0] =	vst v3;
	v3 =	vmul.f32 v28, v30  }
0xc8: {  	v35 =	vld [tilespmem:s21+$0x670];
	[tilespmem:s21+$0x600] =	vst v2;
	v2 =	vmul.f32 v29, v30  }
0xc9: {  	v36 =	vld [tilespmem:s21+$0x680];
	[tilespmem:s21+$0x610] =	vst v3;
	v3 =	vmul.f32 v31, v30  }
0xca: {  	v37 =	vld [tilespmem:s21+$0x690];
	[tilespmem:s21+$0x620] =	vst v2;
	v2 =	vmul.f32 v32, v30  }
0xcb: {  	v38 =	vld [tilespmem:s21+$0x6A0];
	[tilespmem:s21+$0x630] =	vst v3;
	v3 =	vmul.f32 v33, v30  }
0xcc: {  	v39 =	vbroadcast v1, $0x7;
	v40 =	vld [tilespmem:s21+$0x6B0];
	[tilespmem:s21+$0x640] =	vst v2;
	v2 =	vmul.f32 v34, v30  }
0xcd: {  	v41 =	vld [tilespmem:s21+$0x6C0];
	[tilespmem:s21+$0x650] =	vst v3;
	v3 =	vmul.f32 v35, v30  }
0xce: {  	v42 =	vld [tilespmem:s21+$0x6D0];
	[tilespmem:s21+$0x660] =	vst v2;
	v2 =	vmul.f32 v36, v39  }
0xcf: {  	v43 =	vld [tilespmem:s21+$0x6E0];
	[tilespmem:s21+$0x670] =	vst v3;
	v3 =	vmul.f32 v37, v39  }
0xd0: {  	v44 =	vld [tilespmem:s21+$0x6F0];
	[tilespmem:s21+$0x680] =	vst v2;
	v2 =	vmul.f32 v38, v39  }
0xd1: {  	v45 =	vld [tilespmem:s21+$0x700];
	[tilespmem:s21+$0x690] =	vst v3;
	v3 =	vmul.f32 v40, v39  }
0xd2: {  	v46 =	vld [tilespmem:s21+$0x710];
	[tilespmem:s21+$0x6A0] =	vst v2;
	v2 =	vmul.f32 v41, v39  }
0xd3: {  	v47 =	vld [tilespmem:s21+$0x720];
	[tilespmem:s21+$0x6B0] =	vst v3;
	v3 =	vmul.f32 v42, v39  }
0xd4: {  	v48 =	vbroadcast v1, $0x8;
	v49 =	vld [tilespmem:s21+$0x730];
	[tilespmem:s21+$0x6C0] =	vst v2;
	v2 =	vmul.f32 v43, v39  }
0xd5: {  	v50 =	vld [tilespmem:s21+$0x740];
	[tilespmem:s21+$0x6D0] =	vst v3;
	v3 =	vmul.f32 v44, v39  }
0xd6: {  	v51 =	vld [tilespmem:s21+$0x750];
	[tilespmem:s21+$0x6E0] =	vst v2;
	v2 =	vmul.f32 v45, v48  }
0xd7: {  	v52 =	vld [tilespmem:s21+$0x760];
	[tilespmem:s21+$0x6F0] =	vst v3;
	v3 =	vmul.f32 v46, v48  }
0xd8: {  	v53 =	vld [tilespmem:s21+$0x770];
	[tilespmem:s21+$0x700] =	vst v2;
	v2 =	vmul.f32 v47, v48  }
0xd9: {  	v54 =	vld [tilespmem:s21+$0x780];
	[tilespmem:s21+$0x710] =	vst v3;
	v3 =	vmul.f32 v49, v48  }
0xda: {  	v55 =	vld [tilespmem:s21+$0x790];
	[tilespmem:s21+$0x720] =	vst v2;
	v2 =	vmul.f32 v50, v48  }
0xdb: {  	v56 =	vld [tilespmem:s21+$0x7A0];
	[tilespmem:s21+$0x730] =	vst v3;
	v3 =	vmul.f32 v51, v48  }
0xdc: {  	v57 =	vbroadcast v1, $0x9;
	v58 =	vld [tilespmem:s21+$0x7B0];
	[tilespmem:s21+$0x740] =	vst v2;
	v2 =	vmul.f32 v52, v48  }
0xdd: {  	v59 =	vld [tilespmem:s21+$0x7C0];
	[tilespmem:s21+$0x750] =	vst v3;
	v3 =	vmul.f32 v53, v48  }
0xde: {  	v60 =	vld [tilespmem:s21+$0x7D0];
	[tilespmem:s21+$0x760] =	vst v2;
	v2 =	vmul.f32 v54, v57  }
0xdf: {  	v61 =	vld [tilespmem:s21+$0x7E0];
	[tilespmem:s21+$0x770] =	vst v3;
	v3 =	vmul.f32 v55, v57  }
0xe0: {  	v62 =	vld [tilespmem:s21+$0x7F0];
	[tilespmem:s21+$0x780] =	vst v2;
	v2 =	vmul.f32 v56, v57  }
0xe1: {  	v63 =	vld [tilespmem:s21+$0x800];
	[tilespmem:s21+$0x790] =	vst v3;
	v3 =	vmul.f32 v58, v57  }
0xe2: {  	v12 =	vld [tilespmem:s21+$0x810];
	[tilespmem:s21+$0x7A0] =	vst v2;
	v2 =	vmul.f32 v59, v57  }
0xe3: {  	v13 =	vld [tilespmem:s21+$0x820];
	[tilespmem:s21+$0x7B0] =	vst v3;
	v3 =	vmul.f32 v60, v57  }
0xe4: {  	v14 =	vbroadcast v1, $0xA;
	v15 =	vld [tilespmem:s21+$0x830];
	[tilespmem:s21+$0x7C0] =	vst v2;
	v2 =	vmul.f32 v61, v57  }
0xe5: {  	v16 =	vld [tilespmem:s21+$0x840];
	[tilespmem:s21+$0x7D0] =	vst v3;
	v3 =	vmul.f32 v62, v57  }
0xe6: {  	v17 =	vld [tilespmem:s21+$0x850];
	[tilespmem:s21+$0x7E0] =	vst v2;
	v2 =	vmul.f32 v63, v14  }
0xe7: {  	v18 =	vld [tilespmem:s21+$0x860];
	[tilespmem:s21+$0x7F0] =	vst v3;
	v3 =	vmul.f32 v12, v14  }
0xe8: {  	v19 =	vld [tilespmem:s21+$0x870];
	[tilespmem:s21+$0x800] =	vst v2;
	v2 =	vmul.f32 v13, v14  }
0xe9: {  	v20 =	vld [tilespmem:s21+$0x880];
	[tilespmem:s21+$0x810] =	vst v3;
	v3 =	vmul.f32 v15, v14  }
0xea: {  	v21 =	vld [tilespmem:s21+$0x890];
	[tilespmem:s21+$0x820] =	vst v2;
	v2 =	vmul.f32 v16, v14  }
0xeb: {  	v22 =	vld [tilespmem:s21+$0x8A0];
	[tilespmem:s21+$0x830] =	vst v3;
	v3 =	vmul.f32 v17, v14  }
0xec: {  	v23 =	vbroadcast v1, $0xB;
	v24 =	vld [tilespmem:s21+$0x8B0];
	[tilespmem:s21+$0x840] =	vst v2;
	v2 =	vmul.f32 v18, v14  }
0xed: {  	v25 =	vld [tilespmem:s21+$0x8C0];
	[tilespmem:s21+$0x850] =	vst v3;
	v3 =	vmul.f32 v19, v14  }
0xee: {  	v26 =	vld [tilespmem:s21+$0x8D0];
	[tilespmem:s21+$0x860] =	vst v2;
	v2 =	vmul.f32 v20, v23  }
0xef: {  	v27 =	vld [tilespmem:s21+$0x8E0];
	[tilespmem:s21+$0x870] =	vst v3;
	v3 =	vmul.f32 v21, v23  }
0xf0: {  	v28 =	vld [tilespmem:s21+$0x8F0];
	[tilespmem:s21+$0x880] =	vst v2;
	v2 =	vmul.f32 v22, v23  }
0xf1: {  	v29 =	vld [tilespmem:s21+$0x900];
	[tilespmem:s21+$0x890] =	vst v3;
	v3 =	vmul.f32 v24, v23  }
0xf2: {  	v30 =	vld [tilespmem:s21+$0x910];
	[tilespmem:s21+$0x8A0] =	vst v2;
	v2 =	vmul.f32 v25, v23  }
0xf3: {  	v31 =	vld [tilespmem:s21+$0x920];
	[tilespmem:s21+$0x8B0] =	vst v3;
	v3 =	vmul.f32 v26, v23  }
0xf4: {  	v32 =	vbroadcast v1, $0xC;
	v33 =	vld [tilespmem:s21+$0x930];
	[tilespmem:s21+$0x8C0] =	vst v2;
	v2 =	vmul.f32 v27, v23  }
0xf5: {  	v34 =	vld [tilespmem:s21+$0x940];
	[tilespmem:s21+$0x8D0] =	vst v3;
	v3 =	vmul.f32 v28, v23  }
0xf6: {  	v35 =	vld [tilespmem:s21+$0x950];
	[tilespmem:s21+$0x8E0] =	vst v2;
	v2 =	vmul.f32 v29, v32  }
0xf7: {  	v36 =	vld [tilespmem:s21+$0x960];
	[tilespmem:s21+$0x8F0] =	vst v3;
	v3 =	vmul.f32 v30, v32  }
0xf8: {  	v37 =	vld [tilespmem:s21+$0x970];
	[tilespmem:s21+$0x900] =	vst v2;
	v2 =	vmul.f32 v31, v32  }
0xf9: {  	v38 =	vld [tilespmem:s21+$0x980];
	[tilespmem:s21+$0x910] =	vst v3;
	v3 =	vmul.f32 v33, v32  }
0xfa: {  	v39 =	vld [tilespmem:s21+$0x990];
	[tilespmem:s21+$0x920] =	vst v2;
	v2 =	vmul.f32 v34, v32  }
0xfb: {  	v40 =	vld [tilespmem:s21+$0x9A0];
	[tilespmem:s21+$0x930] =	vst v3;
	v3 =	vmul.f32 v35, v32  }
0xfc: {  	v41 =	vbroadcast v1, $0xD;
	v42 =	vld [tilespmem:s21+$0x9B0];
	[tilespmem:s21+$0x940] =	vst v2;
	v2 =	vmul.f32 v36, v32  }
0xfd: {  	v43 =	vld [tilespmem:s21+$0x9C0];
	[tilespmem:s21+$0x950] =	vst v3;
	v3 =	vmul.f32 v37, v32  }
0xfe: {  	v44 =	vld [tilespmem:s21+$0x9D0];
	[tilespmem:s21+$0x960] =	vst v2;
	v2 =	vmul.f32 v38, v41  }
0xff: {  	v45 =	vld [tilespmem:s21+$0x9E0];
	[tilespmem:s21+$0x970] =	vst v3;
	v3 =	vmul.f32 v39, v41  }
0x100: {  	v46 =	vld [tilespmem:s21+$0x9F0];
	[tilespmem:s21+$0x980] =	vst v2;
	v2 =	vmul.f32 v40, v41  }
0x101: {  	v47 =	vld [tilespmem:s21+$0xA00];
	[tilespmem:s21+$0x990] =	vst v3;
	v3 =	vmul.f32 v42, v41  }
0x102: {  	v48 =	vld [tilespmem:s21+$0xA10];
	[tilespmem:s21+$0x9A0] =	vst v2;
	v2 =	vmul.f32 v43, v41  }
0x103: {  	v49 =	vld [tilespmem:s21+$0xA20];
	[tilespmem:s21+$0x9B0] =	vst v3;
	v3 =	vmul.f32 v44, v41  }
0x104: {  	v50 =	vbroadcast v1, $0xE;
	v51 =	vld [tilespmem:s21+$0xA30];
	[tilespmem:s21+$0x9C0] =	vst v2;
	v2 =	vmul.f32 v45, v41  }
0x105: {  	v52 =	vld [tilespmem:s21+$0xA40];
	[tilespmem:s21+$0x9D0] =	vst v3;
	v3 =	vmul.f32 v46, v41  }
0x106: {  	v53 =	vld [tilespmem:s21+$0xA50];
	[tilespmem:s21+$0x9E0] =	vst v2;
	v2 =	vmul.f32 v47, v50  }
0x107: {  	v54 =	vld [tilespmem:s21+$0xA60];
	[tilespmem:s21+$0x9F0] =	vst v3;
	v3 =	vmul.f32 v48, v50  }
0x108: {  	v55 =	vld [tilespmem:s21+$0xA70];
	[tilespmem:s21+$0xA00] =	vst v2;
	v2 =	vmul.f32 v49, v50  }
0x109: {  	v56 =	vld [tilespmem:s21+$0xA80];
	[tilespmem:s21+$0xA10] =	vst v3;
	v3 =	vmul.f32 v51, v50  }
0x10a: {  	v57 =	vld [tilespmem:s21+$0xA90];
	[tilespmem:s21+$0xA20] =	vst v2;
	v2 =	vmul.f32 v52, v50  }
0x10b: {  	v58 =	vld [tilespmem:s21+$0xAA0];
	[tilespmem:s21+$0xA30] =	vst v3;
	v3 =	vmul.f32 v53, v50  }
0x10c: {  	v1 =	vbroadcast v1, $0xF;
	v59 =	vld [tilespmem:s21+$0xAB0];
	[tilespmem:s21+$0xA40] =	vst v2;
	v2 =	vmul.f32 v54, v50  }
0x10d: {  	v60 =	vld [tilespmem:s21+$0xAC0];
	[tilespmem:s21+$0xA50] =	vst v3;
	v3 =	vmul.f32 v55, v50  }
0x10e: {  	v61 =	vld [tilespmem:s21+$0xAD0];
	[tilespmem:s21+$0xA60] =	vst v2;
	v2 =	vmul.f32 v56, v1  }
0x10f: {  	v62 =	vld [tilespmem:s21+$0xAE0];
	[tilespmem:s21+$0xA70] =	vst v3;
	v3 =	vmul.f32 v57, v1  }
0x110: {  	v63 =	vld [tilespmem:s21+$0xAF0];
	[tilespmem:s21+$0xA80] =	vst v2;
	v2 =	vmul.f32 v58, v1  }
0x111: {  	[tilespmem:s21+$0xA90] =	vst v3;
	v3 =	vmul.f32 v59, v1  }
0x112: {  	p0 =	sne.s32 s1, $0x4;
	[tilespmem:s21+$0xAA0] =	vst v2;
	v2 =	vmul.f32 v60, v1  }
.Ltmp6:
0x113: {  	[tilespmem:s21+$0xAB0] =	vst v3;
	v3 =	vmul.f32 v61, v1;
	(pc) =	sbr.rel @p0 .LBB2_6-.Ltmp6, $4  }
0x114: {  	[tilespmem:s21+$0xAC0] =	vst v2;
	v2 =	vmul.f32 v62, v1  }
0x115: {  	[tilespmem:s21+$0xAD0] =	vst v3;
	v1 =	vmul.f32 v63, v1  }
0x116: {  	[tilespmem:s21+$0xAE0] =	vst v2  }
0x117: {  	s1 =	sadd.s32 $0x1, s1;
	[tilespmem:s21+$0xAF0] =	vst v1  }
0x118: {  	p0 =	sgt.u32 s30, $0x7A  }
0x119: {  	s1 =	smul.u32 @!p0 $0x50, s30  }
0x11a: {  	[spmem:s5] =	stream.indirect.scatter.add.f32 [tilespmem:s18], [sflag:$0x3], $0x80, s20, s22, $0xb8;
	[tilespmem:$0x18F00] =	vst v63  }
0x11b: {  	_ =	swait.ge [sflag:s19], $0x2800;
	s1 =	sadd.s32 @!p0 s1, s15  }
0x11c: {  	[sflag:s19] =	ssyncset.done $0x0;
	s1 =	sshrl.u32 @!p0 s1, $0x3  }
0x11d: {  	s25 =	simm.s32 @!p0 $0x0;
	[sflag:s19] =	ssyncadd.s32 $0xFFFFD800;
	s21 =	sadd.s32 @!p0 s2, s1  }
0x11e: {  	[tilespmem:s25], [sflag:$0x3] =	stream.linear.gather @!p0 [hbm4b:s21+s25], $0x50, $0x38;
	[tilespmem:$0x18F00] =	vst v63  }
0x11f: {  	s21 =	simm.s32 @!p0 $0x3  }
0x120: {  	_ =	swait.ge @!p0 [sflag:s21], $0x50  }
0x121: {  	[sflag:s21] =	ssyncset.done @!p0 $0x0  }
0x122: {  	s9 =	simm.s32 @!p0 $0x100;
	s6 =	sadd.s32 @!p0 s3, s1;
	[sflag:s21] =	ssyncadd.s32 @!p0 $0xFFFFFFB0  }
0x123: {  	[tilespmem:s9], [sflag:$0x3] =	stream.linear.gather @!p0 [hbm4b:s6+s25], $0x50, $0x38;
	[tilespmem:$0x18F00] =	vst v63  }
0x124: {  	_ =	swait.ge @!p0 [sflag:s21], $0x50  }
0x125: {  	[sflag:s21] =	ssyncset.done @!p0 $0x0  }
0x126: {  	s1 =	sadd.s32 @!p0 s4, s1;
	s6 =	simm.s32 @!p0 $0x200;
	[sflag:s21] =	ssyncadd.s32 @!p0 $0xFFFFFFB0  }
0x127: {  	[tilespmem:s6], [sflag:$0x3] =	stream.linear.gather @!p0 [hbm4b:s1+s25], $0x50, $0x38;
	[tilespmem:$0x18F00] =	vst v63  }
0x128: {  	_ =	swait.ge @!p0 [sflag:s21], $0x50  }
0x129: {  	[sflag:s21] =	ssyncset.done @!p0 $0x0  }
0x12a: {  	s1 =	simm.s32 @!p0 $0x50;
	s6 =	simm.s32 @!p0 $0x300;
	[sflag:s21] =	ssyncadd.s32 @!p0 $0xFFFFFFB0  }
0x12b: {  	[tilespmem:s6], [sflag:$0x1] =	stream.indirect.gather @!p0 [hbm4b:s0+s1], $0x80, s25, s1, $0xb8;
	[tilespmem:$0x18F00] =	vst v63  }
0x12c: {  	p0 =	seq.s32 s31, $0x0  }
.Ltmp7:
0x12d: {  	_ = 	snop;
	(pc) =	sbr.rel @p0 .LBB2_11-.Ltmp7, $1  }
0x12e: {  	_ =	sdelay $0x3  }
.LBB2_8:
0x12f: {  	_ =	swait.ge [sflag:s28], $0x2800  }
0x130: {  	[sflag:s28] =	ssyncset.done $0x0  }
0x131: {  	s1 =	simm.s32 $0x0;
	[sflag:s28] =	ssyncadd.s32 $0xFFFFD800  }
.LBB2_9:
0x132: {  	s6 =	sshll.u32 s1, $0x4  }
0x133: {  	s6 =	sand.u32 $0x3FFFFFF0, s6  }
0x134: {  	s31 =	sshll.u32 s1, $0xB;
	v1 =	vld [tilespmem:s6+$0x280]  }
0x135: {  	s21 =	sand.u32 $0x3FFFF800, s31  }
0x136: {  	v2 =	vld [tilespmem:s21+$0x2B00]  }
0x137: {  	v3 =	vld [tilespmem:s21+$0x2B10]  }
0x138: {  	v4 =	vld [tilespmem:s21+$0x2B20]  }
0x139: {  	v6 =	vld [tilespmem:s21+$0x2B30];
	v5 =	vbroadcast v1, $0x0  }
0x13a: {  	v7 =	vld [tilespmem:s21+$0x2B40]  }
0x13b: {  	v8 =	vld [tilespmem:s21+$0x2B50];
	v2 =	vmul.f32 v5, v2  }
0x13c: {  	v9 =	vld [tilespmem:s21+$0x2B60];
	v3 =	vmul.f32 v3, v5  }
0x13d: {  	v34 =	vld [tilespmem:s21+$0x2B70];
	[tilespmem:s21+$0x2B00] =	vst v2;
	v2 =	vmul.f32 v4, v5  }
0x13e: {  	v35 =	vld [tilespmem:s21+$0x2B80];
	[tilespmem:s21+$0x2B10] =	vst v3;
	v3 =	vmul.f32 v6, v5  }
0x13f: {  	v36 =	vld [tilespmem:s21+$0x2B90];
	[tilespmem:s21+$0x2B20] =	vst v2;
	v2 =	vmul.f32 v7, v5  }
0x140: {  	v37 =	vld [tilespmem:s21+$0x2BA0];
	[tilespmem:s21+$0x2B30] =	vst v3;
	v3 =	vmul.f32 v8, v5  }
0x141: {  	v10 =	vld [tilespmem:s21+$0x2BB0];
	v38 =	vbroadcast v1, $0x1;
	[tilespmem:s21+$0x2B40] =	vst v2;
	v2 =	vmul.f32 v9, v5  }
0x142: {  	v39 =	vld [tilespmem:s21+$0x2BC0];
	[tilespmem:s21+$0x2B50] =	vst v3;
	v3 =	vmul.f32 v34, v5  }
0x143: {  	v40 =	vld [tilespmem:s21+$0x2BD0];
	[tilespmem:s21+$0x2B60] =	vst v2;
	v2 =	vmul.f32 v35, v38  }
0x144: {  	v41 =	vld [tilespmem:s21+$0x2BE0];
	[tilespmem:s21+$0x2B70] =	vst v3;
	v3 =	vmul.f32 v36, v38  }
0x145: {  	v42 =	vld [tilespmem:s21+$0x2BF0];
	[tilespmem:s21+$0x2B80] =	vst v2;
	v2 =	vmul.f32 v37, v38  }
0x146: {  	v43 =	vld [tilespmem:s21+$0x2C00];
	[tilespmem:s21+$0x2B90] =	vst v3;
	v3 =	vmul.f32 v10, v38  }
0x147: {  	v44 =	vld [tilespmem:s21+$0x2C10];
	[tilespmem:s21+$0x2BA0] =	vst v2;
	v2 =	vmul.f32 v39, v38  }
0x148: {  	v45 =	vld [tilespmem:s21+$0x2C20];
	[tilespmem:s21+$0x2BB0] =	vst v3;
	v3 =	vmul.f32 v40, v38  }
0x149: {  	v47 =	vld [tilespmem:s21+$0x2C30];
	v46 =	vbroadcast v1, $0x2;
	[tilespmem:s21+$0x2BC0] =	vst v2;
	v2 =	vmul.f32 v41, v38  }
0x14a: {  	v48 =	vld [tilespmem:s21+$0x2C40];
	[tilespmem:s21+$0x2BD0] =	vst v3;
	v3 =	vmul.f32 v42, v38  }
0x14b: {  	v49 =	vld [tilespmem:s21+$0x2C50];
	[tilespmem:s21+$0x2BE0] =	vst v2;
	v2 =	vmul.f32 v43, v46  }
0x14c: {  	v50 =	vld [tilespmem:s21+$0x2C60];
	[tilespmem:s21+$0x2BF0] =	vst v3;
	v3 =	vmul.f32 v44, v46  }
0x14d: {  	v51 =	vld [tilespmem:s21+$0x2C70];
	[tilespmem:s21+$0x2C00] =	vst v2;
	v2 =	vmul.f32 v45, v46  }
0x14e: {  	v52 =	vld [tilespmem:s21+$0x2C80];
	[tilespmem:s21+$0x2C10] =	vst v3;
	v3 =	vmul.f32 v47, v46  }
0x14f: {  	v53 =	vld [tilespmem:s21+$0x2C90];
	[tilespmem:s21+$0x2C20] =	vst v2;
	v2 =	vmul.f32 v48, v46  }
0x150: {  	v54 =	vld [tilespmem:s21+$0x2CA0];
	[tilespmem:s21+$0x2C30] =	vst v3;
	v3 =	vmul.f32 v49, v46  }
0x151: {  	v56 =	vld [tilespmem:s21+$0x2CB0];
	v55 =	vbroadcast v1, $0x3;
	[tilespmem:s21+$0x2C40] =	vst v2;
	v2 =	vmul.f32 v50, v46  }
0x152: {  	v57 =	vld [tilespmem:s21+$0x2CC0];
	[tilespmem:s21+$0x2C50] =	vst v3;
	v3 =	vmul.f32 v51, v46  }
0x153: {  	v58 =	vld [tilespmem:s21+$0x2CD0];
	[tilespmem:s21+$0x2C60] =	vst v2;
	v2 =	vmul.f32 v52, v55  }
0x154: {  	v59 =	vld [tilespmem:s21+$0x2CE0];
	[tilespmem:s21+$0x2C70] =	vst v3;
	v3 =	vmul.f32 v53, v55  }
0x155: {  	v60 =	vld [tilespmem:s21+$0x2CF0];
	[tilespmem:s21+$0x2C80] =	vst v2;
	v2 =	vmul.f32 v54, v55  }
0x156: {  	v61 =	vld [tilespmem:s21+$0x2D00];
	[tilespmem:s21+$0x2C90] =	vst v3;
	v3 =	vmul.f32 v56, v55  }
0x157: {  	v62 =	vld [tilespmem:s21+$0x2D10];
	[tilespmem:s21+$0x2CA0] =	vst v2;
	v2 =	vmul.f32 v57, v55  }
0x158: {  	v63 =	vld [tilespmem:s21+$0x2D20];
	[tilespmem:s21+$0x2CB0] =	vst v3;
	v3 =	vmul.f32 v58, v55  }
0x159: {  	v13 =	vld [tilespmem:s21+$0x2D30];
	v12 =	vbroadcast v1, $0x4;
	[tilespmem:s21+$0x2CC0] =	vst v2;
	v2 =	vmul.f32 v59, v55  }
0x15a: {  	v14 =	vld [tilespmem:s21+$0x2D40];
	[tilespmem:s21+$0x2CD0] =	vst v3;
	v3 =	vmul.f32 v60, v55  }
0x15b: {  	v15 =	vld [tilespmem:s21+$0x2D50];
	[tilespmem:s21+$0x2CE0] =	vst v2;
	v2 =	vmul.f32 v61, v12  }
0x15c: {  	v16 =	vld [tilespmem:s21+$0x2D60];
	[tilespmem:s21+$0x2CF0] =	vst v3;
	v3 =	vmul.f32 v62, v12  }
0x15d: {  	v17 =	vld [tilespmem:s21+$0x2D70];
	[tilespmem:s21+$0x2D00] =	vst v2;
	v2 =	vmul.f32 v63, v12  }
0x15e: {  	v18 =	vld [tilespmem:s21+$0x2D80];
	[tilespmem:s21+$0x2D10] =	vst v3;
	v3 =	vmul.f32 v13, v12  }
0x15f: {  	v19 =	vld [tilespmem:s21+$0x2D90];
	[tilespmem:s21+$0x2D20] =	vst v2;
	v2 =	vmul.f32 v14, v12  }
0x160: {  	v20 =	vld [tilespmem:s21+$0x2DA0];
	[tilespmem:s21+$0x2D30] =	vst v3;
	v3 =	vmul.f32 v15, v12  }
0x161: {  	v22 =	vld [tilespmem:s21+$0x2DB0];
	v21 =	vbroadcast v1, $0x5;
	[tilespmem:s21+$0x2D40] =	vst v2;
	v2 =	vmul.f32 v16, v12  }
0x162: {  	v23 =	vld [tilespmem:s21+$0x2DC0];
	[tilespmem:s21+$0x2D50] =	vst v3;
	v3 =	vmul.f32 v17, v12  }
0x163: {  	v24 =	vld [tilespmem:s21+$0x2DD0];
	[tilespmem:s21+$0x2D60] =	vst v2;
	v2 =	vmul.f32 v18, v21  }
0x164: {  	v25 =	vld [tilespmem:s21+$0x2DE0];
	[tilespmem:s21+$0x2D70] =	vst v3;
	v3 =	vmul.f32 v19, v21  }
0x165: {  	v26 =	vld [tilespmem:s21+$0x2DF0];
	[tilespmem:s21+$0x2D80] =	vst v2;
	v2 =	vmul.f32 v20, v21  }
0x166: {  	v27 =	vld [tilespmem:s21+$0x2E00];
	[tilespmem:s21+$0x2D90] =	vst v3;
	v3 =	vmul.f32 v22, v21  }
0x167: {  	v28 =	vld [tilespmem:s21+$0x2E10];
	[tilespmem:s21+$0x2DA0] =	vst v2;
	v2 =	vmul.f32 v23, v21  }
0x168: {  	v29 =	vld [tilespmem:s21+$0x2E20];
	[tilespmem:s21+$0x2DB0] =	vst v3;
	v3 =	vmul.f32 v24, v21  }
0x169: {  	v31 =	vld [tilespmem:s21+$0x2E30];
	v30 =	vbroadcast v1, $0x6;
	[tilespmem:s21+$0x2DC0] =	vst v2;
	v2 =	vmul.f32 v25, v21  }
0x16a: {  	v32 =	vld [tilespmem:s21+$0x2E40];
	[tilespmem:s21+$0x2DD0] =	vst v3;
	v3 =	vmul.f32 v26, v21  }
0x16b: {  	v33 =	vld [tilespmem:s21+$0x2E50];
	[tilespmem:s21+$0x2DE0] =	vst v2;
	v2 =	vmul.f32 v27, v30  }
0x16c: {  	v34 =	vld [tilespmem:s21+$0x2E60];
	[tilespmem:s21+$0x2DF0] =	vst v3;
	v3 =	vmul.f32 v28, v30  }
0x16d: {  	v35 =	vld [tilespmem:s21+$0x2E70];
	[tilespmem:s21+$0x2E00] =	vst v2;
	v2 =	vmul.f32 v29, v30  }
0x16e: {  	v36 =	vld [tilespmem:s21+$0x2E80];
	[tilespmem:s21+$0x2E10] =	vst v3;
	v3 =	vmul.f32 v31, v30  }
0x16f: {  	v37 =	vld [tilespmem:s21+$0x2E90];
	[tilespmem:s21+$0x2E20] =	vst v2;
	v2 =	vmul.f32 v32, v30  }
0x170: {  	v38 =	vld [tilespmem:s21+$0x2EA0];
	[tilespmem:s21+$0x2E30] =	vst v3;
	v3 =	vmul.f32 v33, v30  }
0x171: {  	v39 =	vbroadcast v1, $0x7;
	v40 =	vld [tilespmem:s21+$0x2EB0];
	[tilespmem:s21+$0x2E40] =	vst v2;
	v2 =	vmul.f32 v34, v30  }
0x172: {  	v41 =	vld [tilespmem:s21+$0x2EC0];
	[tilespmem:s21+$0x2E50] =	vst v3;
	v3 =	vmul.f32 v35, v30  }
0x173: {  	v42 =	vld [tilespmem:s21+$0x2ED0];
	[tilespmem:s21+$0x2E60] =	vst v2;
	v2 =	vmul.f32 v36, v39  }
0x174: {  	v43 =	vld [tilespmem:s21+$0x2EE0];
	[tilespmem:s21+$0x2E70] =	vst v3;
	v3 =	vmul.f32 v37, v39  }
0x175: {  	v44 =	vld [tilespmem:s21+$0x2EF0];
	[tilespmem:s21+$0x2E80] =	vst v2;
	v2 =	vmul.f32 v38, v39  }
0x176: {  	v45 =	vld [tilespmem:s21+$0x2F00];
	[tilespmem:s21+$0x2E90] =	vst v3;
	v3 =	vmul.f32 v40, v39  }
0x177: {  	v46 =	vld [tilespmem:s21+$0x2F10];
	[tilespmem:s21+$0x2EA0] =	vst v2;
	v2 =	vmul.f32 v41, v39  }
0x178: {  	v47 =	vld [tilespmem:s21+$0x2F20];
	[tilespmem:s21+$0x2EB0] =	vst v3;
	v3 =	vmul.f32 v42, v39  }
0x179: {  	v48 =	vbroadcast v1, $0x8;
	v49 =	vld [tilespmem:s21+$0x2F30];
	[tilespmem:s21+$0x2EC0] =	vst v2;
	v2 =	vmul.f32 v43, v39  }
0x17a: {  	v50 =	vld [tilespmem:s21+$0x2F40];
	[tilespmem:s21+$0x2ED0] =	vst v3;
	v3 =	vmul.f32 v44, v39  }
0x17b: {  	v51 =	vld [tilespmem:s21+$0x2F50];
	[tilespmem:s21+$0x2EE0] =	vst v2;
	v2 =	vmul.f32 v45, v48  }
0x17c: {  	v52 =	vld [tilespmem:s21+$0x2F60];
	[tilespmem:s21+$0x2EF0] =	vst v3;
	v3 =	vmul.f32 v46, v48  }
0x17d: {  	v53 =	vld [tilespmem:s21+$0x2F70];
	[tilespmem:s21+$0x2F00] =	vst v2;
	v2 =	vmul.f32 v47, v48  }
0x17e: {  	v54 =	vld [tilespmem:s21+$0x2F80];
	[tilespmem:s21+$0x2F10] =	vst v3;
	v3 =	vmul.f32 v49, v48  }
0x17f: {  	v55 =	vld [tilespmem:s21+$0x2F90];
	[tilespmem:s21+$0x2F20] =	vst v2;
	v2 =	vmul.f32 v50, v48  }
0x180: {  	v56 =	vld [tilespmem:s21+$0x2FA0];
	[tilespmem:s21+$0x2F30] =	vst v3;
	v3 =	vmul.f32 v51, v48  }
0x181: {  	v57 =	vbroadcast v1, $0x9;
	v58 =	vld [tilespmem:s21+$0x2FB0];
	[tilespmem:s21+$0x2F40] =	vst v2;
	v2 =	vmul.f32 v52, v48  }
0x182: {  	v59 =	vld [tilespmem:s21+$0x2FC0];
	[tilespmem:s21+$0x2F50] =	vst v3;
	v3 =	vmul.f32 v53, v48  }
0x183: {  	v60 =	vld [tilespmem:s21+$0x2FD0];
	[tilespmem:s21+$0x2F60] =	vst v2;
	v2 =	vmul.f32 v54, v57  }
0x184: {  	v61 =	vld [tilespmem:s21+$0x2FE0];
	[tilespmem:s21+$0x2F70] =	vst v3;
	v3 =	vmul.f32 v55, v57  }
0x185: {  	v62 =	vld [tilespmem:s21+$0x2FF0];
	[tilespmem:s21+$0x2F80] =	vst v2;
	v2 =	vmul.f32 v56, v57  }
0x186: {  	v63 =	vld [tilespmem:s21+$0x3000];
	[tilespmem:s21+$0x2F90] =	vst v3;
	v3 =	vmul.f32 v58, v57  }
0x187: {  	v12 =	vld [tilespmem:s21+$0x3010];
	[tilespmem:s21+$0x2FA0] =	vst v2;
	v2 =	vmul.f32 v59, v57  }
0x188: {  	v13 =	vld [tilespmem:s21+$0x3020];
	[tilespmem:s21+$0x2FB0] =	vst v3;
	v3 =	vmul.f32 v60, v57  }
0x189: {  	v14 =	vbroadcast v1, $0xA;
	v15 =	vld [tilespmem:s21+$0x3030];
	[tilespmem:s21+$0x2FC0] =	vst v2;
	v2 =	vmul.f32 v61, v57  }
0x18a: {  	v16 =	vld [tilespmem:s21+$0x3040];
	[tilespmem:s21+$0x2FD0] =	vst v3;
	v3 =	vmul.f32 v62, v57  }
0x18b: {  	v17 =	vld [tilespmem:s21+$0x3050];
	[tilespmem:s21+$0x2FE0] =	vst v2;
	v2 =	vmul.f32 v63, v14  }
0x18c: {  	v18 =	vld [tilespmem:s21+$0x3060];
	[tilespmem:s21+$0x2FF0] =	vst v3;
	v3 =	vmul.f32 v12, v14  }
0x18d: {  	v19 =	vld [tilespmem:s21+$0x3070];
	[tilespmem:s21+$0x3000] =	vst v2;
	v2 =	vmul.f32 v13, v14  }
0x18e: {  	v20 =	vld [tilespmem:s21+$0x3080];
	[tilespmem:s21+$0x3010] =	vst v3;
	v3 =	vmul.f32 v15, v14  }
0x18f: {  	v21 =	vld [tilespmem:s21+$0x3090];
	[tilespmem:s21+$0x3020] =	vst v2;
	v2 =	vmul.f32 v16, v14  }
0x190: {  	v22 =	vld [tilespmem:s21+$0x30A0];
	[tilespmem:s21+$0x3030] =	vst v3;
	v3 =	vmul.f32 v17, v14  }
0x191: {  	v23 =	vbroadcast v1, $0xB;
	v24 =	vld [tilespmem:s21+$0x30B0];
	[tilespmem:s21+$0x3040] =	vst v2;
	v2 =	vmul.f32 v18, v14  }
0x192: {  	v25 =	vld [tilespmem:s21+$0x30C0];
	[tilespmem:s21+$0x3050] =	vst v3;
	v3 =	vmul.f32 v19, v14  }
0x193: {  	v26 =	vld [tilespmem:s21+$0x30D0];
	[tilespmem:s21+$0x3060] =	vst v2;
	v2 =	vmul.f32 v20, v23  }
0x194: {  	v27 =	vld [tilespmem:s21+$0x30E0];
	[tilespmem:s21+$0x3070] =	vst v3;
	v3 =	vmul.f32 v21, v23  }
0x195: {  	v28 =	vld [tilespmem:s21+$0x30F0];
	[tilespmem:s21+$0x3080] =	vst v2;
	v2 =	vmul.f32 v22, v23  }
0x196: {  	v29 =	vld [tilespmem:s21+$0x3100];
	[tilespmem:s21+$0x3090] =	vst v3;
	v3 =	vmul.f32 v24, v23  }
0x197: {  	v30 =	vld [tilespmem:s21+$0x3110];
	[tilespmem:s21+$0x30A0] =	vst v2;
	v2 =	vmul.f32 v25, v23  }
0x198: {  	v31 =	vld [tilespmem:s21+$0x3120];
	[tilespmem:s21+$0x30B0] =	vst v3;
	v3 =	vmul.f32 v26, v23  }
0x199: {  	v32 =	vbroadcast v1, $0xC;
	v33 =	vld [tilespmem:s21+$0x3130];
	[tilespmem:s21+$0x30C0] =	vst v2;
	v2 =	vmul.f32 v27, v23  }
0x19a: {  	v34 =	vld [tilespmem:s21+$0x3140];
	[tilespmem:s21+$0x30D0] =	vst v3;
	v3 =	vmul.f32 v28, v23  }
0x19b: {  	v35 =	vld [tilespmem:s21+$0x3150];
	[tilespmem:s21+$0x30E0] =	vst v2;
	v2 =	vmul.f32 v29, v32  }
0x19c: {  	v36 =	vld [tilespmem:s21+$0x3160];
	[tilespmem:s21+$0x30F0] =	vst v3;
	v3 =	vmul.f32 v30, v32  }
0x19d: {  	v37 =	vld [tilespmem:s21+$0x3170];
	[tilespmem:s21+$0x3100] =	vst v2;
	v2 =	vmul.f32 v31, v32  }
0x19e: {  	v38 =	vld [tilespmem:s21+$0x3180];
	[tilespmem:s21+$0x3110] =	vst v3;
	v3 =	vmul.f32 v33, v32  }
0x19f: {  	v39 =	vld [tilespmem:s21+$0x3190];
	[tilespmem:s21+$0x3120] =	vst v2;
	v2 =	vmul.f32 v34, v32  }
0x1a0: {  	v40 =	vld [tilespmem:s21+$0x31A0];
	[tilespmem:s21+$0x3130] =	vst v3;
	v3 =	vmul.f32 v35, v32  }
0x1a1: {  	v41 =	vbroadcast v1, $0xD;
	v42 =	vld [tilespmem:s21+$0x31B0];
	[tilespmem:s21+$0x3140] =	vst v2;
	v2 =	vmul.f32 v36, v32  }
0x1a2: {  	v43 =	vld [tilespmem:s21+$0x31C0];
	[tilespmem:s21+$0x3150] =	vst v3;
	v3 =	vmul.f32 v37, v32  }
0x1a3: {  	v44 =	vld [tilespmem:s21+$0x31D0];
	[tilespmem:s21+$0x3160] =	vst v2;
	v2 =	vmul.f32 v38, v41  }
0x1a4: {  	v45 =	vld [tilespmem:s21+$0x31E0];
	[tilespmem:s21+$0x3170] =	vst v3;
	v3 =	vmul.f32 v39, v41  }
0x1a5: {  	v46 =	vld [tilespmem:s21+$0x31F0];
	[tilespmem:s21+$0x3180] =	vst v2;
	v2 =	vmul.f32 v40, v41  }
0x1a6: {  	v47 =	vld [tilespmem:s21+$0x3200];
	[tilespmem:s21+$0x3190] =	vst v3;
	v3 =	vmul.f32 v42, v41  }
0x1a7: {  	v48 =	vld [tilespmem:s21+$0x3210];
	[tilespmem:s21+$0x31A0] =	vst v2;
	v2 =	vmul.f32 v43, v41  }
0x1a8: {  	v49 =	vld [tilespmem:s21+$0x3220];
	[tilespmem:s21+$0x31B0] =	vst v3;
	v3 =	vmul.f32 v44, v41  }
0x1a9: {  	v50 =	vbroadcast v1, $0xE;
	v51 =	vld [tilespmem:s21+$0x3230];
	[tilespmem:s21+$0x31C0] =	vst v2;
	v2 =	vmul.f32 v45, v41  }
0x1aa: {  	v52 =	vld [tilespmem:s21+$0x3240];
	[tilespmem:s21+$0x31D0] =	vst v3;
	v3 =	vmul.f32 v46, v41  }
0x1ab: {  	v53 =	vld [tilespmem:s21+$0x3250];
	[tilespmem:s21+$0x31E0] =	vst v2;
	v2 =	vmul.f32 v47, v50  }
0x1ac: {  	v54 =	vld [tilespmem:s21+$0x3260];
	[tilespmem:s21+$0x31F0] =	vst v3;
	v3 =	vmul.f32 v48, v50  }
0x1ad: {  	v55 =	vld [tilespmem:s21+$0x3270];
	[tilespmem:s21+$0x3200] =	vst v2;
	v2 =	vmul.f32 v49, v50  }
0x1ae: {  	v56 =	vld [tilespmem:s21+$0x3280];
	[tilespmem:s21+$0x3210] =	vst v3;
	v3 =	vmul.f32 v51, v50  }
0x1af: {  	v57 =	vld [tilespmem:s21+$0x3290];
	[tilespmem:s21+$0x3220] =	vst v2;
	v2 =	vmul.f32 v52, v50  }
0x1b0: {  	v58 =	vld [tilespmem:s21+$0x32A0];
	[tilespmem:s21+$0x3230] =	vst v3;
	v3 =	vmul.f32 v53, v50  }
0x1b1: {  	v1 =	vbroadcast v1, $0xF;
	v59 =	vld [tilespmem:s21+$0x32B0];
	[tilespmem:s21+$0x3240] =	vst v2;
	v2 =	vmul.f32 v54, v50  }
0x1b2: {  	v60 =	vld [tilespmem:s21+$0x32C0];
	[tilespmem:s21+$0x3250] =	vst v3;
	v3 =	vmul.f32 v55, v50  }
0x1b3: {  	v61 =	vld [tilespmem:s21+$0x32D0];
	[tilespmem:s21+$0x3260] =	vst v2;
	v2 =	vmul.f32 v56, v1  }
0x1b4: {  	v62 =	vld [tilespmem:s21+$0x32E0];
	[tilespmem:s21+$0x3270] =	vst v3;
	v3 =	vmul.f32 v57, v1  }
0x1b5: {  	v63 =	vld [tilespmem:s21+$0x32F0];
	[tilespmem:s21+$0x3280] =	vst v2;
	v2 =	vmul.f32 v58, v1  }
0x1b6: {  	[tilespmem:s21+$0x3290] =	vst v3;
	v3 =	vmul.f32 v59, v1  }
0x1b7: {  	p0 =	sne.s32 s1, $0x4;
	[tilespmem:s21+$0x32A0] =	vst v2;
	v2 =	vmul.f32 v60, v1  }
.Ltmp8:
0x1b8: {  	[tilespmem:s21+$0x32B0] =	vst v3;
	v3 =	vmul.f32 v61, v1;
	(pc) =	sbr.rel @p0 .LBB2_9-.Ltmp8, $4  }
0x1b9: {  	[tilespmem:s21+$0x32C0] =	vst v2;
	v2 =	vmul.f32 v62, v1  }
0x1ba: {  	[tilespmem:s21+$0x32D0] =	vst v3;
	v1 =	vmul.f32 v63, v1  }
0x1bb: {  	[tilespmem:s21+$0x32E0] =	vst v2  }
0x1bc: {  	s1 =	sadd.s32 $0x1, s1;
	[tilespmem:s21+$0x32F0] =	vst v1  }
0x1bd: {  	p0 =	sgt.u32 s30, $0x7A  }
0x1be: {  	s1 =	smul.u32 @!p0 $0x50, s30  }
0x1bf: {  	[spmem:s5] =	stream.indirect.scatter.add.f32 [tilespmem:s26], [sflag:$0x3], $0x80, s24, s22, $0xb8;
	[tilespmem:$0x18F00] =	vst v63  }
0x1c0: {  	_ =	swait.ge [sflag:s19], $0x2800;
	s1 =	sadd.s32 @!p0 s1, s15  }
0x1c1: {  	s9 =	simm.s32 @!p0 $0x0;
	[sflag:s19] =	ssyncset.done $0x0;
	s1 =	sshrl.u32 @!p0 s1, $0x3  }
0x1c2: {  	s21 =	simm.s32 @!p0 $0x80;
	[sflag:s19] =	ssyncadd.s32 $0xFFFFD800;
	s6 =	sadd.s32 @!p0 s2, s1  }
0x1c3: {  	[tilespmem:s21], [sflag:$0x3] =	stream.linear.gather @!p0 [hbm4b:s6+s9], $0x50, $0x38;
	[tilespmem:$0x18F00] =	vst v63  }
0x1c4: {  	s6 =	simm.s32 @!p0 $0x3  }
0x1c5: {  	_ =	swait.ge @!p0 [sflag:s6], $0x50  }
0x1c6: {  	[sflag:s6] =	ssyncset.done @!p0 $0x0  }
0x1c7: {  	s31 =	simm.s32 @!p0 $0x180;
	s25 =	sadd.s32 @!p0 s3, s1;
	[sflag:s6] =	ssyncadd.s32 @!p0 $0xFFFFFFB0  }
0x1c8: {  	[tilespmem:s31], [sflag:$0x3] =	stream.linear.gather @!p0 [hbm4b:s25+s9], $0x50, $0x38;
	[tilespmem:$0x18F00] =	vst v63  }
0x1c9: {  	_ =	swait.ge @!p0 [sflag:s6], $0x50  }
0x1ca: {  	[sflag:s6] =	ssyncset.done @!p0 $0x0  }
0x1cb: {  	s1 =	sadd.s32 @!p0 s4, s1;
	s25 =	simm.s32 @!p0 $0x280;
	[sflag:s6] =	ssyncadd.s32 @!p0 $0xFFFFFFB0  }
0x1cc: {  	[tilespmem:s25], [sflag:$0x3] =	stream.linear.gather @!p0 [hbm4b:s1+s9], $0x50, $0x38;
	[tilespmem:$0x18F00] =	vst v63  }
.Ltmp9:
0x1cd: {  	_ = 	snop;
	(pc) =	sbr.rel .LBB2_11-.Ltmp9, $4  }
0x1ce: {  	_ =	swait.ge @!p0 [sflag:s6], $0x50  }
0x1cf: {  	[sflag:s6] =	ssyncset.done @!p0 $0x0  }
0x1d0: {  	s1 =	simm.s32 @!p0 $0x50;
	[sflag:s6] =	ssyncadd.s32 @!p0 $0xFFFFFFB0;
	s6 =	simm.s32 @!p0 $0x2B00  }
0x1d1: {  	[tilespmem:s6], [sflag:$0x2] =	stream.indirect.gather @!p0 [hbm4b:s0+s1], $0x80, s21, s1, $0xb8;
	[tilespmem:$0x18F00] =	vst v63  }
.LBB2_13:
0x1d2: {  	_ =	sfence.sel $0x180000  }
0x1d3: {  	[bflag:$0x0] =	sbarrier.arrive $0xFFFF  }
0x1d4: {  	_ =	strace $0x90000047  }
0x1d5: {  	s0 =	stileid.u32;
	[bflag:$0x2] =	sbarrier.arrive $0xFFFF  }
0x1d6: {  	p0 =	sne.s32 s0, $0x0;
	s0 =	rddreg [dreg:$0x6]  }
0x1d7: {  	s0 =	sadd.s32 @!p0 $0x100000, s0  }
0x1d8: {  	[sflag:s0] =	ssyncadd.tile.s32 @!p0 $0x1;
	_ =	shalt  }
.Lfunc_end2:
_tile_overlayer_lowered:
.L_overlay_start_2:
0x1d9: {  	(tag) =	ssettag $0x2  }
0x1da: {  	s0 =	rddreg [dreg:$0x0];
	s2 =	stileid.u32  }
0x1db: {  	s1 =	rddreg [dreg:$0x1];
	p0 =	sne.s32 s2, $0x0  }
0x1dc: {  	s3 =	rddreg [dreg:$0x2];
	[bflag:$0x3] =	sbarrier.arrive $0xFFFF;
	s2 =	simm.s32 @!p0 $0x1C03  }
0x1dd: {  	[timem:s3], [sflag:s2] =	dma.local @!p0 [hbm:s0], s1  }
0x1de: {  	s0 =	simm.s32 @!p0 $0x3  }
0x1df: {  	_ =	swait.ge @!p0 [sflag:s0], s1  }
0x1e0: {  	s1 =	ssub.s32 @!p0 $0x0, s1;
	[sflag:s0] =	ssyncset.done @!p0 $0x0  }
0x1e1: {  	[sflag:s0] =	ssyncadd.s32 @!p0 s1  }
0x1e2: {  	[bflag:$0x3] =	sbarrier.arrive $0xFFFF  }
0x1e3: {  	_ =	shalt  }

</sc_bundles>
